<compile_context>
chip_gen: v7x
topology: tpu7x:2x2x1
jax: 0.10.2.dev20260603
libtpu: 0.0.44.dev20260713+nightly
codegen_flags: <defaults>
</compile_context>

<pallas_src>
import jax
import jax.numpy as jnp
from jax import lax
from jax.experimental import pallas as pl
from jax.experimental.pallas import tpu as pltpu
from jax.experimental.pallas import tpu_sc as plsc

N = 100000
D = 128
S = 16
B = 1024
H1 = 256
EMB = 128
C = 47
U = B * (S + 1)
NC, NS = 2, 16
NW = NC * NS
SPW = B // NW
GROUPS = 2 + SPW


def _splat(vec, lane):
    idx = jnp.full((16, 1), lane, jnp.int32)
    return lax.gather(
        vec, idx,
        lax.GatherDimensionNumbers(offset_dims=(), collapsed_slice_dims=(0,),
                                   start_index_map=(0,)),
        slice_sizes=(1,), mode=lax.GatherScatterMode.PROMISE_IN_BOUNDS)


def _sc_body(nodes_hbm, adjf_hbm, rf_hbm,
             self_out, mean_out,
             seeds_v, pos1_v, nbr1_v,
             idxpos0_v, idxpos1_v, nbids0_v, nbids1_v,
             selfbuf0_v, selfbuf1_v, stage0_v, stage1_v,
             meanbuf0_v, meanbuf1_v,
             sem_i, sem_sf, sem_w):
    idxpos_b = (idxpos0_v, idxpos1_v)
    nbids_b = (nbids0_v, nbids1_v)
    selfbuf_b = (selfbuf0_v, selfbuf1_v)
    stage_b = (stage0_v, stage1_v)
    meanbuf_b = (meanbuf0_v, meanbuf1_v)
    cid = lax.axis_index("c")
    sid = lax.axis_index("s")
    wid = sid * NC + cid
    iota = lax.iota(jnp.int32, 16)

    pltpu.sync_copy(nodes_hbm.at[pl.ds(wid * SPW, SPW)], seeds_v)
    for q in range(SPW):
        chunk = seeds_v[pl.ds((q // 16) * 16, 16)]
        pos1_v[pl.ds(q * 16, 16)] = _splat(chunk, q % 16) * S + iota
    for c in range(4):
        pltpu.sync_copy(adjf_hbm.at[pos1_v.at[pl.ds(c * 128, 128)]],
                        nbr1_v.at[pl.ds(c * 128, 128)])

    def uid_of(g):
        if isinstance(g, int) and g < 2:
            return seeds_v[pl.ds(g * 16, 16)]
        return nbr1_v[pl.ds((g - 2) * 16, 16)]

    def base_of(g):
        if isinstance(g, int):
            if g < 2:
                return wid * SPW + g * 16
            return B + wid * (SPW * S) + (g - 2) * 16
        return jnp.where(g < 2, wid * SPW + g * 16,
                         B + wid * (SPW * S) + (g - 2) * 16)

    def stage_ids(g, p):
        idxpos_v, nbids_v = idxpos_b[p], nbids_b[p]
        uidv = uid_of(g)
        for j in range(S):
            idxpos_v[pl.ds(j * 16, 16)] = uidv * S + j
        for c in range(2):
            pltpu.async_copy(adjf_hbm.at[idxpos_v.at[pl.ds(c * 128, 128)]],
                             nbids_v.at[pl.ds(c * 128, 128)], sem_i[p])

    def stage_feats(g, p, wait_writes):
        nbids_v, selfbuf_v, stage_v = nbids_b[p], selfbuf_b[p], stage_b[p]
        if wait_writes:
            pltpu.make_async_copy(stage_v.at[pl.ds(0, 32)],
                                  self_out.at[pl.ds(0, 32)], sem_w[p]).wait()
        pltpu.make_async_copy(adjf_hbm.at[pl.ds(0, 256)], nbids_v,
                              sem_i[p]).wait()
        uidv = uid_of(g)
        pltpu.async_copy(rf_hbm.at[uidv], selfbuf_v, sem_sf[p])
        for c in range(2):
            pltpu.async_copy(rf_hbm.at[nbids_v.at[pl.ds(c * 128, 128)]],
                             stage_v.at[pl.ds(c * 128, 128)], sem_sf[p])

    def stage_reduce(g, p):
        selfbuf_v, stage_v, meanbuf_v = selfbuf_b[p], stage_b[p], meanbuf_b[p]
        pltpu.make_async_copy(rf_hbm.at[pl.ds(0, 256)], stage_v,
                              sem_sf[p]).wait()
        pltpu.make_async_copy(rf_hbm.at[pl.ds(0, 16)], selfbuf_v,
                              sem_sf[p]).wait()

        def per_u(u, c2):
            for k in range(D // 16):
                acc = stage_v[u, pl.ds(k * 16, 16)]
                for j in range(1, S):
                    acc = acc + stage_v[j * 16 + u, pl.ds(k * 16, 16)]
                meanbuf_v[u, pl.ds(k * 16, 16)] = acc * (1.0 / S)
            return c2

        lax.fori_loop(0, 16, per_u, 0)
        base = base_of(g)
        pltpu.async_copy(selfbuf_v, self_out.at[pl.ds(base, 16)], sem_w[p])
        pltpu.async_copy(meanbuf_v, mean_out.at[pl.ds(base, 16)], sem_w[p])

    stage_ids(0, 0)
    stage_feats(0, 0, False)
    stage_ids(1, 1)
    stage_feats(1, 1, False)

    def it(t, carry):
        g0 = 2 * t
        stage_reduce(g0, 0)

        @pl.when(t < GROUPS // 2 - 1)
        def _():
            stage_ids(g0 + 2, 0)

        stage_reduce(g0 + 1, 1)

        @pl.when(t < GROUPS // 2 - 1)
        def _():
            stage_ids(g0 + 3, 1)
            stage_feats(g0 + 2, 0, True)
            stage_feats(g0 + 3, 1, True)

        return carry

    lax.fori_loop(0, GROUPS // 2, it, 0)
    for p in range(2):
        pltpu.make_async_copy(stage_b[p].at[pl.ds(0, 32)],
                              self_out.at[pl.ds(0, 32)], sem_w[p]).wait()


def _sc_gather(nodes, raw_features, adj):
    mesh = plsc.VectorSubcoreMesh(core_axis_name="c", subcore_axis_name="s",
                                  num_cores=NC, num_subcores=NS)
    fn = pl.kernel(
        _sc_body,
        out_type=[jax.ShapeDtypeStruct((U, D), jnp.float32),
                  jax.ShapeDtypeStruct((U, D), jnp.float32)],
        mesh=mesh,
        scratch_types=[
            pltpu.VMEM((SPW,), jnp.int32),
            pltpu.VMEM((SPW * S,), jnp.int32),
            pltpu.VMEM((SPW * S,), jnp.int32),
            pltpu.VMEM((256,), jnp.int32),
            pltpu.VMEM((256,), jnp.int32),
            pltpu.VMEM((256,), jnp.int32),
            pltpu.VMEM((256,), jnp.int32),
            pltpu.VMEM((16, D), jnp.float32),
            pltpu.VMEM((16, D), jnp.float32),
            pltpu.VMEM((256, D), jnp.float32),
            pltpu.VMEM((256, D), jnp.float32),
            pltpu.VMEM((16, D), jnp.float32),
            pltpu.VMEM((16, D), jnp.float32),
            [pltpu.SemaphoreType.DMA, pltpu.SemaphoreType.DMA],
            [pltpu.SemaphoreType.DMA, pltpu.SemaphoreType.DMA],
            [pltpu.SemaphoreType.DMA, pltpu.SemaphoreType.DMA],
        ],
    )
    adjf = adj.reshape(-1)
    return fn(nodes, adjf, raw_features)


_BLK = 1024
_NBLK = U // _BLK


def _tc_body(s_ref, m_ref, w1a_ref, w1b_ref, b1_ref,
             w2a_ref, w2b_ref, b2_ref, wc_ref, bc_ref,
             o_ref, h1s_s, hn_s):
    i = pl.program_id(0)
    bf = jnp.bfloat16

    @pl.when(i < _NBLK)
    def _():
        x = (jnp.dot(s_ref[...].astype(bf), w1a_ref[...].astype(bf),
                     preferred_element_type=jnp.float32)
             + jnp.dot(m_ref[...].astype(bf), w1b_ref[...].astype(bf),
                       preferred_element_type=jnp.float32)
             + b1_ref[...])
        x = jnp.maximum(x, 0.0)

        @pl.when(i == 0)
        def _():
            h1s_s[...] = x

        @pl.when(i > 0)
        def _():
            hn_s[pl.ds((i - 1) * 64, 64), :] = jnp.mean(
                x.reshape(64, S, H1), axis=1)

    @pl.when(i == _NBLK)
    def _():
        h2 = (jnp.dot(h1s_s[...].astype(bf), w2a_ref[...].astype(bf),
                      preferred_element_type=jnp.float32)
              + jnp.dot(hn_s[...].astype(bf), w2b_ref[...].astype(bf),
                        preferred_element_type=jnp.float32)
              + b2_ref[...])
        h2 = jnp.maximum(h2, 0.0)
        lg = (jnp.dot(h2.astype(bf), wc_ref[...].astype(bf),
                      preferred_element_type=jnp.float32) + bc_ref[...])
        mx = jnp.max(lg, axis=-1, keepdims=True)
        e = jnp.exp(lg - mx)
        o_ref[...] = lg - mx - jnp.log(jnp.sum(e, axis=-1, keepdims=True))


def _tc_part(self_feats, neigh_mean, W1, b1, W2, b2, Wc, bc):
    rowblk = lambda i: (jnp.minimum(i, _NBLK - 1), 0)
    full = lambda i: (0, 0)
    out = pl.pallas_call(
        _tc_body,
        grid=(_NBLK + 1,),
        in_specs=[
            pl.BlockSpec((_BLK, D), rowblk),
            pl.BlockSpec((_BLK, D), rowblk),
            pl.BlockSpec((D, H1), full),
            pl.BlockSpec((D, H1), full),
            pl.BlockSpec((1, H1), full),
            pl.BlockSpec((H1, EMB), full),
            pl.BlockSpec((H1, EMB), full),
            pl.BlockSpec((1, EMB), full),
            pl.BlockSpec((EMB, C), full),
            pl.BlockSpec((1, C), full),
        ],
        out_specs=pl.BlockSpec((B, C), full),
        out_shape=jax.ShapeDtypeStruct((B, C), jnp.float32),
        scratch_shapes=[pltpu.VMEM((B, H1), jnp.float32),
                        pltpu.VMEM((B, H1), jnp.float32)],
    )(self_feats, neigh_mean, W1[:D], W1[D:], b1.reshape(1, H1),
      W2[:H1], W2[H1:], b2.reshape(1, EMB), Wc, bc.reshape(1, C))
    return out


def kernel(nodes, raw_features, adj, W1, b1, W2, b2, Wc, bc):
    nodes = nodes.astype(jnp.int32)
    adj = adj.astype(jnp.int32)
    self_feats, neigh_mean = _sc_gather(nodes, raw_features, adj)
    return _tc_part(self_feats, neigh_mean, W1, b1, W2, b2, Wc, bc)

# --- scband reference (transcript-rebuilt; emitter-appended) ---
"""Pipeline reference for scband-graph-sage-2954937500232 (READ-ONLY COPY).

The authoritative reference and input builder live on the scoring server;
editing this copy changes nothing except your own understanding.
"""

import jax, jax.numpy as jnp
import numpy as np

N = 100000   # num_nodes
D = 128      # feat_dim
S = 16       # num_sample (fixed neighbor fanout)
B = 1024     # seed batch of nodes
H1 = 256     # sage_layer1 out_dim
EMB = 128    # embed_dim (sage_layer2 out_dim)
C = 47       # num_classes


def setup_inputs(seed: int = 0) -> dict:
    key = jax.random.key(seed)
    ks = jax.random.split(key, 10)
    nodes = jax.random.randint(ks[0], (B,), 0, N)
    adj = jax.random.randint(ks[1], (N, S), 0, N)  # fixed-fanout sampled adjacency (Sampler with num_sample=S)
    raw_features = jax.random.normal(ks[2], (N, D), dtype=jnp.float32)
    W1 = jax.random.normal(ks[3], (2 * D, H1), dtype=jnp.float32) * (1.0 / np.sqrt(2 * D))
    b1 = jnp.zeros((H1,), dtype=jnp.float32)
    W2 = jax.random.normal(ks[4], (2 * H1, EMB), dtype=jnp.float32) * (1.0 / np.sqrt(2 * H1))
    b2 = jnp.zeros((EMB,), dtype=jnp.float32)
    Wc = jax.random.normal(ks[5], (EMB, C), dtype=jnp.float32) * (1.0 / np.sqrt(EMB))
    bc = jnp.zeros((C,), dtype=jnp.float32)
    return {"nodes": nodes, "raw_features": raw_features, "adj": adj,
            "W1": W1, "b1": b1, "W2": W2, "b2": b2, "Wc": Wc, "bc": bc}


def reference(nodes, raw_features, adj, W1, b1, W2, b2, Wc, bc):
    # GraphSAGE 2-layer with fixed neighbor sampling (mean aggregator, concat self).
    Bn = nodes.shape[0]
    Sn = adj.shape[1]
    # layer-2 neighbor sampling for the seed nodes
    neigh1 = jnp.take(adj, nodes, axis=0)                      # [B, S]
    # layer-1 node set: seed nodes followed by their sampled neighbors
    U = jnp.concatenate([nodes, neigh1.reshape(-1)], axis=0)   # [B*(S+1)]
    # --- sage_layer1: feat_dim -> 256 ---
    self_feats = jnp.take(raw_features, U, axis=0)             # [U, D]
    neighU = jnp.take(adj, U, axis=0)                          # [U, S]
    neigh_feats = jnp.take(raw_features, neighU.reshape(-1), axis=0)
    neigh_feats = neigh_feats.reshape(U.shape[0], Sn, -1).mean(axis=1)  # [U, D]
    h1 = jax.nn.relu(jnp.concatenate([self_feats, neigh_feats], axis=1) @ W1 + b1)  # [U, H1]
    # --- sage_layer2: 256 -> embed_dim ---
    h1_self = h1[:Bn]                                          # [B, H1]
    h1_neigh = h1[Bn:].reshape(Bn, Sn, -1).mean(axis=1)        # [B, H1]
    h2 = jax.nn.relu(jnp.concatenate([h1_self, h1_neigh], axis=1) @ W2 + b2)  # [B, EMB]
    # --- classifier ---
    logits = h2 @ Wc + bc                                      # [B, C]
    return jax.nn.log_softmax(logits, axis=-1)

if __name__ == "__main__":
    import jax
    _d = setup_inputs()
    print(jax.jit(kernel)(*tuple(_d.values())))

</pallas_src>

<mosaic_0001>
#map = affine_map<(d0, d1) -> (0)>
#map1 = affine_map<(d0, d1) -> (0, 0)>
module attributes {stable_mosaic.version = 14 : i64} {
  func.func @_sc_body(%arg0: i32, %arg1: i32, %arg2: memref<1024xi32, #tpu.memory_space<hbm>>, %arg3: memref<1600000xi32, #tpu.memory_space<hbm>>, %arg4: memref<100000x128xf32, #tpu.memory_space<hbm>>, %arg5: memref<17408x128xf32, #tpu.memory_space<hbm>>, %arg6: memref<17408x128xf32, #tpu.memory_space<hbm>>, %arg7: memref<32xi32, #tpu.memory_space<vmem>>, %arg8: memref<512xi32, #tpu.memory_space<vmem>>, %arg9: memref<512xi32, #tpu.memory_space<vmem>>, %arg10: memref<256xi32, #tpu.memory_space<vmem>>, %arg11: memref<256xi32, #tpu.memory_space<vmem>>, %arg12: memref<256xi32, #tpu.memory_space<vmem>>, %arg13: memref<256xi32, #tpu.memory_space<vmem>>, %arg14: memref<16x128xf32, #tpu.memory_space<vmem>>, %arg15: memref<16x128xf32, #tpu.memory_space<vmem>>, %arg16: memref<256x128xf32, #tpu.memory_space<vmem>>, %arg17: memref<256x128xf32, #tpu.memory_space<vmem>>, %arg18: memref<16x128xf32, #tpu.memory_space<vmem>>, %arg19: memref<16x128xf32, #tpu.memory_space<vmem>>, %arg20: memref<!tpu.dma_semaphore, #tpu.memory_space<semaphore_mem>>, %arg21: memref<!tpu.dma_semaphore, #tpu.memory_space<semaphore_mem>>, %arg22: memref<!tpu.dma_semaphore, #tpu.memory_space<semaphore_mem>>, %arg23: memref<!tpu.dma_semaphore, #tpu.memory_space<semaphore_mem>>, %arg24: memref<!tpu.dma_semaphore, #tpu.memory_space<semaphore_mem>>, %arg25: memref<!tpu.dma_semaphore, #tpu.memory_space<semaphore_mem>>) attributes {dimension_semantics = [#tpu.dimension_semantics<core_parallel>, #tpu.dimension_semantics<subcore_parallel>], iteration_bounds = array<i64: 2, 16>, scalar_prefetch = 0 : i64, scratch_operands = 19 : i64, tpu.core_type = #tpu.core_type<sc_vector_subcore>, window_params = [{transform_indices = #map}, {transform_indices = #map}, {transform_indices = #map1}, {transform_indices = #map1}, {transform_indices = #map1}]} {
    %mul3A = arith.constant 2 : i32
    %mul3A_0 = arith.muli %arg1, %mul3A : i32
    %add3A = arith.addi %mul3A_0, %arg0 : i32
    %iota3A = tpu.iota {dimensions = array<i32: 0>} : vector<16xi32>
    %mul3A_1 = arith.constant 32 : i32
    %mul3A_2 = arith.muli %add3A, %mul3A_1 : i32
    "tpu.region"() ({
      %run_scoped3A = tpu.sem_alloc : memref<!tpu.dma_semaphore, #tpu.memory_space<semaphore_mem>>
      %dma_start3A_908 = tpu.memref_slice %arg2[%mul3A_2] : memref<1024xi32, #tpu.memory_space<hbm>> -> memref<32xi32, #tpu.memory_space<hbm>>
      %dma_start3A_909 = tpu.memref_slice %arg2[%mul3A_2] : memref<1024xi32, #tpu.memory_space<hbm>> -> memref<32xi32, #tpu.memory_space<hbm>>
      tpu.enqueue_dma source(%dma_start3A_909 : memref<32xi32, #tpu.memory_space<hbm>>) target(%arg7 : memref<32xi32, #tpu.memory_space<vmem>>) target_semaphore(%run_scoped3A : memref<!tpu.dma_semaphore, #tpu.memory_space<semaphore_mem>>)
      %dma_wait3A_910 = tpu.memref_slice %arg2[%mul3A_2] : memref<1024xi32, #tpu.memory_space<hbm>> -> memref<32xi32, #tpu.memory_space<hbm>>
      %dma_wait3A_911 = tpu.memref_slice %arg2[%mul3A_2] : memref<1024xi32, #tpu.memory_space<hbm>> -> memref<32xi32, #tpu.memory_space<hbm>>
      tpu.wait_dma2 semaphore(%run_scoped3A : memref<!tpu.dma_semaphore, #tpu.memory_space<semaphore_mem>>) src(%dma_wait3A_911 : memref<32xi32, #tpu.memory_space<hbm>>) dst(%arg7 : memref<32xi32, #tpu.memory_space<vmem>>)
      tpu.yield
    }) : () -> ()
    %get3A = arith.constant 0 : index
    %get3A_3 = tpu.vector_load %arg7[%get3A] {strides = array<i32>} : memref<32xi32, #tpu.memory_space<vmem>>, vector<16xi32>,
    %get3A_4 = vector.shape_cast %get3A_3 : vector<16xi32> to vector<16xi32>
    %broadcast_in_dim3A = arith.constant 0 : i32
    %broadcast_in_dim3A_5 = vector.broadcast %broadcast_in_dim3A : i32 to vector<16x1xi32>
    %gather3A = vector.shape_cast %broadcast_in_dim3A_5 : vector<16x1xi32> to vector<16xi32>
    %gather3A_6 = tpu.dynamic_gather %get3A_4[%gather3A] in [0] : vector<16xi32>, vector<16xi32> -> vector<16xi32>
    %mul3A_7 = arith.constant 16 : i32
    %mul3A_8 = vector.broadcast %mul3A_7 : i32 to vector<16xi32>
    %mul3A_9 = arith.muli %gather3A_6, %mul3A_8 : vector<16xi32>
    %add3A_10 = arith.addi %mul3A_9, %iota3A : vector<16xi32>
    %swap3A = arith.constant 0 : index
    %swap3A_11 = tpu.vector_load %arg8[%swap3A] {strides = array<i32>} : memref<512xi32, #tpu.memory_space<vmem>>, vector<16xi32>,
    %swap3A_12 = vector.shape_cast %swap3A_11 : vector<16xi32> to vector<16xi32>
    %swap3A_13 = vector.shape_cast %add3A_10 : vector<16xi32> to vector<16xi32>
    tpu.vector_store %arg8[%swap3A], %swap3A_13 {strides = array<i32>} : memref<512xi32, #tpu.memory_space<vmem>>, vector<16xi32>,
    %get3A_14 = arith.constant 0 : index
    %get3A_15 = tpu.vector_load %arg7[%get3A_14] {strides = array<i32>} : memref<32xi32, #tpu.memory_space<vmem>>, vector<16xi32>,
    %get3A_16 = vector.shape_cast %get3A_15 : vector<16xi32> to vector<16xi32>
    %broadcast_in_dim3A_17 = arith.constant 1 : i32
    %broadcast_in_dim3A_18 = vector.broadcast %broadcast_in_dim3A_17 : i32 to vector<16x1xi32>
    %gather3A_19 = vector.shape_cast %broadcast_in_dim3A_18 : vector<16x1xi32> to vector<16xi32>
    %gather3A_20 = tpu.dynamic_gather %get3A_16[%gather3A_19] in [0] : vector<16xi32>, vector<16xi32> -> vector<16xi32>
    %mul3A_21 = arith.constant 16 : i32
    %mul3A_22 = vector.broadcast %mul3A_21 : i32 to vector<16xi32>
    %mul3A_23 = arith.muli %gather3A_20, %mul3A_22 : vector<16xi32>
    %add3A_24 = arith.addi %mul3A_23, %iota3A : vector<16xi32>
    %swap3A_25 = arith.constant 16 : index
    %swap3A_26 = tpu.vector_load %arg8[%swap3A_25] {strides = array<i32>} : memref<512xi32, #tpu.memory_space<vmem>>, vector<16xi32>,
    %swap3A_27 = vector.shape_cast %swap3A_26 : vector<16xi32> to vector<16xi32>
    %swap3A_28 = vector.shape_cast %add3A_24 : vector<16xi32> to vector<16xi32>
    tpu.vector_store %arg8[%swap3A_25], %swap3A_28 {strides = array<i32>} : memref<512xi32, #tpu.memory_space<vmem>>, vector<16xi32>,
    %get3A_29 = arith.constant 0 : index
    %get3A_30 = tpu.vector_load %arg7[%get3A_29] {strides = array<i32>} : memref<32xi32, #tpu.memory_space<vmem>>, vector<16xi32>,
    %get3A_31 = vector.shape_cast %get3A_30 : vector<16xi32> to vector<16xi32>
    %broadcast_in_dim3A_32 = arith.constant 2 : i32
    %broadcast_in_dim3A_33 = vector.broadcast %broadcast_in_dim3A_32 : i32 to vector<16x1xi32>
    %gather3A_34 = vector.shape_cast %broadcast_in_dim3A_33 : vector<16x1xi32> to vector<16xi32>
    %gather3A_35 = tpu.dynamic_gather %get3A_31[%gather3A_34] in [0] : vector<16xi32>, vector<16xi32> -> vector<16xi32>
    %mul3A_36 = arith.constant 16 : i32
    %mul3A_37 = vector.broadcast %mul3A_36 : i32 to vector<16xi32>
    %mul3A_38 = arith.muli %gather3A_35, %mul3A_37 : vector<16xi32>
    %add3A_39 = arith.addi %mul3A_38, %iota3A : vector<16xi32>
    %swap3A_40 = arith.constant 32 : index
    %swap3A_41 = tpu.vector_load %arg8[%swap3A_40] {strides = array<i32>} : memref<512xi32, #tpu.memory_space<vmem>>, vector<16xi32>,
    %swap3A_42 = vector.shape_cast %swap3A_41 : vector<16xi32> to vector<16xi32>
    %swap3A_43 = vector.shape_cast %add3A_39 : vector<16xi32> to vector<16xi32>
    tpu.vector_store %arg8[%swap3A_40], %swap3A_43 {strides = array<i32>} : memref<512xi32, #tpu.memory_space<vmem>>, vector<16xi32>,
    %get3A_44 = arith.constant 0 : index
    %get3A_45 = tpu.vector_load %arg7[%get3A_44] {strides = array<i32>} : memref<32xi32, #tpu.memory_space<vmem>>, vector<16xi32>,
    %get3A_46 = vector.shape_cast %get3A_45 : vector<16xi32> to vector<16xi32>
    %broadcast_in_dim3A_47 = arith.constant 3 : i32
    %broadcast_in_dim3A_48 = vector.broadcast %broadcast_in_dim3A_47 : i32 to vector<16x1xi32>
    %gather3A_49 = vector.shape_cast %broadcast_in_dim3A_48 : vector<16x1xi32> to vector<16xi32>
    %gather3A_50 = tpu.dynamic_gather %get3A_46[%gather3A_49] in [0] : vector<16xi32>, vector<16xi32> -> vector<16xi32>
    %mul3A_51 = arith.constant 16 : i32
    %mul3A_52 = vector.broadcast %mul3A_51 : i32 to vector<16xi32>
    %mul3A_53 = arith.muli %gather3A_50, %mul3A_52 : vector<16xi32>
    %add3A_54 = arith.addi %mul3A_53, %iota3A : vector<16xi32>
    %swap3A_55 = arith.constant 48 : index
    %swap3A_56 = tpu.vector_load %arg8[%swap3A_55] {strides = array<i32>} : memref<512xi32, #tpu.memory_space<vmem>>, vector<16xi32>,
    %swap3A_57 = vector.shape_cast %swap3A_56 : vector<16xi32> to vector<16xi32>
    %swap3A_58 = vector.shape_cast %add3A_54 : vector<16xi32> to vector<16xi32>
    tpu.vector_store %arg8[%swap3A_55], %swap3A_58 {strides = array<i32>} : memref<512xi32, #tpu.memory_space<vmem>>, vector<16xi32>,
    %get3A_59 = arith.constant 0 : index
    %get3A_60 = tpu.vector_load %arg7[%get3A_59] {strides = array<i32>} : memref<32xi32, #tpu.memory_space<vmem>>, vector<16xi32>,
    %get3A_61 = vector.shape_cast %get3A_60 : vector<16xi32> to vector<16xi32>
    %broadcast_in_dim3A_62 = arith.constant 4 : i32
    %broadcast_in_dim3A_63 = vector.broadcast %broadcast_in_dim3A_62 : i32 to vector<16x1xi32>
    %gather3A_64 = vector.shape_cast %broadcast_in_dim3A_63 : vector<16x1xi32> to vector<16xi32>
    %gather3A_65 = tpu.dynamic_gather %get3A_61[%gather3A_64] in [0] : vector<16xi32>, vector<16xi32> -> vector<16xi32>
    %mul3A_66 = arith.constant 16 : i32
    %mul3A_67 = vector.broadcast %mul3A_66 : i32 to vector<16xi32>
    %mul3A_68 = arith.muli %gather3A_65, %mul3A_67 : vector<16xi32>
    %add3A_69 = arith.addi %mul3A_68, %iota3A : vector<16xi32>
    %swap3A_70 = arith.constant 64 : index
    %swap3A_71 = tpu.vector_load %arg8[%swap3A_70] {strides = array<i32>} : memref<512xi32, #tpu.memory_space<vmem>>, vector<16xi32>,
    %swap3A_72 = vector.shape_cast %swap3A_71 : vector<16xi32> to vector<16xi32>
    %swap3A_73 = vector.shape_cast %add3A_69 : vector<16xi32> to vector<16xi32>
    tpu.vector_store %arg8[%swap3A_70], %swap3A_73 {strides = array<i32>} : memref<512xi32, #tpu.memory_space<vmem>>, vector<16xi32>,
    %get3A_74 = arith.constant 0 : index
    %get3A_75 = tpu.vector_load %arg7[%get3A_74] {strides = array<i32>} : memref<32xi32, #tpu.memory_space<vmem>>, vector<16xi32>,
    %get3A_76 = vector.shape_cast %get3A_75 : vector<16xi32> to vector<16xi32>
    %broadcast_in_dim3A_77 = arith.constant 5 : i32
    %broadcast_in_dim3A_78 = vector.broadcast %broadcast_in_dim3A_77 : i32 to vector<16x1xi32>
    %gather3A_79 = vector.shape_cast %broadcast_in_dim3A_78 : vector<16x1xi32> to vector<16xi32>
    %gather3A_80 = tpu.dynamic_gather %get3A_76[%gather3A_79] in [0] : vector<16xi32>, vector<16xi32> -> vector<16xi32>
    %mul3A_81 = arith.constant 16 : i32
    %mul3A_82 = vector.broadcast %mul3A_81 : i32 to vector<16xi32>
    %mul3A_83 = arith.muli %gather3A_80, %mul3A_82 : vector<16xi32>
    %add3A_84 = arith.addi %mul3A_83, %iota3A : vector<16xi32>
    %swap3A_85 = arith.constant 80 : index
    %swap3A_86 = tpu.vector_load %arg8[%swap3A_85] {strides = array<i32>} : memref<512xi32, #tpu.memory_space<vmem>>, vector<16xi32>,
    %swap3A_87 = vector.shape_cast %swap3A_86 : vector<16xi32> to vector<16xi32>
    %swap3A_88 = vector.shape_cast %add3A_84 : vector<16xi32> to vector<16xi32>
    tpu.vector_store %arg8[%swap3A_85], %swap3A_88 {strides = array<i32>} : memref<512xi32, #tpu.memory_space<vmem>>, vector<16xi32>,
    %get3A_89 = arith.constant 0 : index
    %get3A_90 = tpu.vector_load %arg7[%get3A_89] {strides = array<i32>} : memref<32xi32, #tpu.memory_space<vmem>>, vector<16xi32>,
    %get3A_91 = vector.shape_cast %get3A_90 : vector<16xi32> to vector<16xi32>
    %broadcast_in_dim3A_92 = arith.constant 6 : i32
    %broadcast_in_dim3A_93 = vector.broadcast %broadcast_in_dim3A_92 : i32 to vector<16x1xi32>
    %gather3A_94 = vector.shape_cast %broadcast_in_dim3A_93 : vector<16x1xi32> to vector<16xi32>
    %gather3A_95 = tpu.dynamic_gather %get3A_91[%gather3A_94] in [0] : vector<16xi32>, vector<16xi32> -> vector<16xi32>
    %mul3A_96 = arith.constant 16 : i32
    %mul3A_97 = vector.broadcast %mul3A_96 : i32 to vector<16xi32>
    %mul3A_98 = arith.muli %gather3A_95, %mul3A_97 : vector<16xi32>
    %add3A_99 = arith.addi %mul3A_98, %iota3A : vector<16xi32>
    %swap3A_100 = arith.constant 96 : index
    %swap3A_101 = tpu.vector_load %arg8[%swap3A_100] {strides = array<i32>} : memref<512xi32, #tpu.memory_space<vmem>>, vector<16xi32>,
    %swap3A_102 = vector.shape_cast %swap3A_101 : vector<16xi32> to vector<16xi32>
    %swap3A_103 = vector.shape_cast %add3A_99 : vector<16xi32> to vector<16xi32>
    tpu.vector_store %arg8[%swap3A_100], %swap3A_103 {strides = array<i32>} : memref<512xi32, #tpu.memory_space<vmem>>, vector<16xi32>,
    %get3A_104 = arith.constant 0 : index
    %get3A_105 = tpu.vector_load %arg7[%get3A_104] {strides = array<i32>} : memref<32xi32, #tpu.memory_space<vmem>>, vector<16xi32>,
    %get3A_106 = vector.shape_cast %get3A_105 : vector<16xi32> to vector<16xi32>
    %broadcast_in_dim3A_107 = arith.constant 7 : i32
    %broadcast_in_dim3A_108 = vector.broadcast %broadcast_in_dim3A_107 : i32 to vector<16x1xi32>
    %gather3A_109 = vector.shape_cast %broadcast_in_dim3A_108 : vector<16x1xi32> to vector<16xi32>
    %gather3A_110 = tpu.dynamic_gather %get3A_106[%gather3A_109] in [0] : vector<16xi32>, vector<16xi32> -> vector<16xi32>
    %mul3A_111 = arith.constant 16 : i32
    %mul3A_112 = vector.broadcast %mul3A_111 : i32 to vector<16xi32>
    %mul3A_113 = arith.muli %gather3A_110, %mul3A_112 : vector<16xi32>
    %add3A_114 = arith.addi %mul3A_113, %iota3A : vector<16xi32>
    %swap3A_115 = arith.constant 112 : index
    %swap3A_116 = tpu.vector_load %arg8[%swap3A_115] {strides = array<i32>} : memref<512xi32, #tpu.memory_space<vmem>>, vector<16xi32>,
    %swap3A_117 = vector.shape_cast %swap3A_116 : vector<16xi32> to vector<16xi32>
    %swap3A_118 = vector.shape_cast %add3A_114 : vector<16xi32> to vector<16xi32>
    tpu.vector_store %arg8[%swap3A_115], %swap3A_118 {strides = array<i32>} : memref<512xi32, #tpu.memory_space<vmem>>, vector<16xi32>,
    %get3A_119 = arith.constant 0 : index
    %get3A_120 = tpu.vector_load %arg7[%get3A_119] {strides = array<i32>} : memref<32xi32, #tpu.memory_space<vmem>>, vector<16xi32>,
    %get3A_121 = vector.shape_cast %get3A_120 : vector<16xi32> to vector<16xi32>
    %broadcast_in_dim3A_122 = arith.constant 8 : i32
    %broadcast_in_dim3A_123 = vector.broadcast %broadcast_in_dim3A_122 : i32 to vector<16x1xi32>
    %gather3A_124 = vector.shape_cast %broadcast_in_dim3A_123 : vector<16x1xi32> to vector<16xi32>
    %gather3A_125 = tpu.dynamic_gather %get3A_121[%gather3A_124] in [0] : vector<16xi32>, vector<16xi32> -> vector<16xi32>
    %mul3A_126 = arith.constant 16 : i32
    %mul3A_127 = vector.broadcast %mul3A_126 : i32 to vector<16xi32>
    %mul3A_128 = arith.muli %gather3A_125, %mul3A_127 : vector<16xi32>
    %add3A_129 = arith.addi %mul3A_128, %iota3A : vector<16xi32>
    %swap3A_130 = arith.constant 128 : index
    %swap3A_131 = tpu.vector_load %arg8[%swap3A_130] {strides = array<i32>} : memref<512xi32, #tpu.memory_space<vmem>>, vector<16xi32>,
    %swap3A_132 = vector.shape_cast %swap3A_131 : vector<16xi32> to vector<16xi32>
    %swap3A_133 = vector.shape_cast %add3A_129 : vector<16xi32> to vector<16xi32>
    tpu.vector_store %arg8[%swap3A_130], %swap3A_133 {strides = array<i32>} : memref<512xi32, #tpu.memory_space<vmem>>, vector<16xi32>,
    %get3A_134 = arith.constant 0 : index
    %get3A_135 = tpu.vector_load %arg7[%get3A_134] {strides = array<i32>} : memref<32xi32, #tpu.memory_space<vmem>>, vector<16xi32>,
    %get3A_136 = vector.shape_cast %get3A_135 : vector<16xi32> to vector<16xi32>
    %broadcast_in_dim3A_137 = arith.constant 9 : i32
    %broadcast_in_dim3A_138 = vector.broadcast %broadcast_in_dim3A_137 : i32 to vector<16x1xi32>
    %gather3A_139 = vector.shape_cast %broadcast_in_dim3A_138 : vector<16x1xi32> to vector<16xi32>
    %gather3A_140 = tpu.dynamic_gather %get3A_136[%gather3A_139] in [0] : vector<16xi32>, vector<16xi32> -> vector<16xi32>
    %mul3A_141 = arith.constant 16 : i32
    %mul3A_142 = vector.broadcast %mul3A_141 : i32 to vector<16xi32>
    %mul3A_143 = arith.muli %gather3A_140, %mul3A_142 : vector<16xi32>
    %add3A_144 = arith.addi %mul3A_143, %iota3A : vector<16xi32>
    %swap3A_145 = arith.constant 144 : index
    %swap3A_146 = tpu.vector_load %arg8[%swap3A_145] {strides = array<i32>} : memref<512xi32, #tpu.memory_space<vmem>>, vector<16xi32>,
    %swap3A_147 = vector.shape_cast %swap3A_146 : vector<16xi32> to vector<16xi32>
    %swap3A_148 = vector.shape_cast %add3A_144 : vector<16xi32> to vector<16xi32>
    tpu.vector_store %arg8[%swap3A_145], %swap3A_148 {strides = array<i32>} : memref<512xi32, #tpu.memory_space<vmem>>, vector<16xi32>,
    %get3A_149 = arith.constant 0 : index
    %get3A_150 = tpu.vector_load %arg7[%get3A_149] {strides = array<i32>} : memref<32xi32, #tpu.memory_space<vmem>>, vector<16xi32>,
    %get3A_151 = vector.shape_cast %get3A_150 : vector<16xi32> to vector<16xi32>
    %broadcast_in_dim3A_152 = arith.constant 10 : i32
    %broadcast_in_dim3A_153 = vector.broadcast %broadcast_in_dim3A_152 : i32 to vector<16x1xi32>
    %gather3A_154 = vector.shape_cast %broadcast_in_dim3A_153 : vector<16x1xi32> to vector<16xi32>
    %gather3A_155 = tpu.dynamic_gather %get3A_151[%gather3A_154] in [0] : vector<16xi32>, vector<16xi32> -> vector<16xi32>
    %mul3A_156 = arith.constant 16 : i32
    %mul3A_157 = vector.broadcast %mul3A_156 : i32 to vector<16xi32>
    %mul3A_158 = arith.muli %gather3A_155, %mul3A_157 : vector<16xi32>
    %add3A_159 = arith.addi %mul3A_158, %iota3A : vector<16xi32>
    %swap3A_160 = arith.constant 160 : index
    %swap3A_161 = tpu.vector_load %arg8[%swap3A_160] {strides = array<i32>} : memref<512xi32, #tpu.memory_space<vmem>>, vector<16xi32>,
    %swap3A_162 = vector.shape_cast %swap3A_161 : vector<16xi32> to vector<16xi32>
    %swap3A_163 = vector.shape_cast %add3A_159 : vector<16xi32> to vector<16xi32>
    tpu.vector_store %arg8[%swap3A_160], %swap3A_163 {strides = array<i32>} : memref<512xi32, #tpu.memory_space<vmem>>, vector<16xi32>,
    %get3A_164 = arith.constant 0 : index
    %get3A_165 = tpu.vector_load %arg7[%get3A_164] {strides = array<i32>} : memref<32xi32, #tpu.memory_space<vmem>>, vector<16xi32>,
    %get3A_166 = vector.shape_cast %get3A_165 : vector<16xi32> to vector<16xi32>
    %broadcast_in_dim3A_167 = arith.constant 11 : i32
    %broadcast_in_dim3A_168 = vector.broadcast %broadcast_in_dim3A_167 : i32 to vector<16x1xi32>
    %gather3A_169 = vector.shape_cast %broadcast_in_dim3A_168 : vector<16x1xi32> to vector<16xi32>
    %gather3A_170 = tpu.dynamic_gather %get3A_166[%gather3A_169] in [0] : vector<16xi32>, vector<16xi32> -> vector<16xi32>
    %mul3A_171 = arith.constant 16 : i32
    %mul3A_172 = vector.broadcast %mul3A_171 : i32 to vector<16xi32>
    %mul3A_173 = arith.muli %gather3A_170, %mul3A_172 : vector<16xi32>
    %add3A_174 = arith.addi %mul3A_173, %iota3A : vector<16xi32>
    %swap3A_175 = arith.constant 176 : index
    %swap3A_176 = tpu.vector_load %arg8[%swap3A_175] {strides = array<i32>} : memref<512xi32, #tpu.memory_space<vmem>>, vector<16xi32>,
    %swap3A_177 = vector.shape_cast %swap3A_176 : vector<16xi32> to vector<16xi32>
    %swap3A_178 = vector.shape_cast %add3A_174 : vector<16xi32> to vector<16xi32>
    tpu.vector_store %arg8[%swap3A_175], %swap3A_178 {strides = array<i32>} : memref<512xi32, #tpu.memory_space<vmem>>, vector<16xi32>,
    %get3A_179 = arith.constant 0 : index
    %get3A_180 = tpu.vector_load %arg7[%get3A_179] {strides = array<i32>} : memref<32xi32, #tpu.memory_space<vmem>>, vector<16xi32>,
    %get3A_181 = vector.shape_cast %get3A_180 : vector<16xi32> to vector<16xi32>
    %broadcast_in_dim3A_182 = arith.constant 12 : i32
    %broadcast_in_dim3A_183 = vector.broadcast %broadcast_in_dim3A_182 : i32 to vector<16x1xi32>
    %gather3A_184 = vector.shape_cast %broadcast_in_dim3A_183 : vector<16x1xi32> to vector<16xi32>
    %gather3A_185 = tpu.dynamic_gather %get3A_181[%gather3A_184] in [0] : vector<16xi32>, vector<16xi32> -> vector<16xi32>
    %mul3A_186 = arith.constant 16 : i32
    %mul3A_187 = vector.broadcast %mul3A_186 : i32 to vector<16xi32>
    %mul3A_188 = arith.muli %gather3A_185, %mul3A_187 : vector<16xi32>
    %add3A_189 = arith.addi %mul3A_188, %iota3A : vector<16xi32>
    %swap3A_190 = arith.constant 192 : index
    %swap3A_191 = tpu.vector_load %arg8[%swap3A_190] {strides = array<i32>} : memref<512xi32, #tpu.memory_space<vmem>>, vector<16xi32>,
    %swap3A_192 = vector.shape_cast %swap3A_191 : vector<16xi32> to vector<16xi32>
    %swap3A_193 = vector.shape_cast %add3A_189 : vector<16xi32> to vector<16xi32>
    tpu.vector_store %arg8[%swap3A_190], %swap3A_193 {strides = array<i32>} : memref<512xi32, #tpu.memory_space<vmem>>, vector<16xi32>,
    %get3A_194 = arith.constant 0 : index
    %get3A_195 = tpu.vector_load %arg7[%get3A_194] {strides = array<i32>} : memref<32xi32, #tpu.memory_space<vmem>>, vector<16xi32>,
    %get3A_196 = vector.shape_cast %get3A_195 : vector<16xi32> to vector<16xi32>
    %broadcast_in_dim3A_197 = arith.constant 13 : i32
    %broadcast_in_dim3A_198 = vector.broadcast %broadcast_in_dim3A_197 : i32 to vector<16x1xi32>
    %gather3A_199 = vector.shape_cast %broadcast_in_dim3A_198 : vector<16x1xi32> to vector<16xi32>
    %gather3A_200 = tpu.dynamic_gather %get3A_196[%gather3A_199] in [0] : vector<16xi32>, vector<16xi32> -> vector<16xi32>
    %mul3A_201 = arith.constant 16 : i32
    %mul3A_202 = vector.broadcast %mul3A_201 : i32 to vector<16xi32>
    %mul3A_203 = arith.muli %gather3A_200, %mul3A_202 : vector<16xi32>
    %add3A_204 = arith.addi %mul3A_203, %iota3A : vector<16xi32>
    %swap3A_205 = arith.constant 208 : index
    %swap3A_206 = tpu.vector_load %arg8[%swap3A_205] {strides = array<i32>} : memref<512xi32, #tpu.memory_space<vmem>>, vector<16xi32>,
    %swap3A_207 = vector.shape_cast %swap3A_206 : vector<16xi32> to vector<16xi32>
    %swap3A_208 = vector.shape_cast %add3A_204 : vector<16xi32> to vector<16xi32>
    tpu.vector_store %arg8[%swap3A_205], %swap3A_208 {strides = array<i32>} : memref<512xi32, #tpu.memory_space<vmem>>, vector<16xi32>,
    %get3A_209 = arith.constant 0 : index
    %get3A_210 = tpu.vector_load %arg7[%get3A_209] {strides = array<i32>} : memref<32xi32, #tpu.memory_space<vmem>>, vector<16xi32>,
    %get3A_211 = vector.shape_cast %get3A_210 : vector<16xi32> to vector<16xi32>
    %broadcast_in_dim3A_212 = arith.constant 14 : i32
    %broadcast_in_dim3A_213 = vector.broadcast %broadcast_in_dim3A_212 : i32 to vector<16x1xi32>
    %gather3A_214 = vector.shape_cast %broadcast_in_dim3A_213 : vector<16x1xi32> to vector<16xi32>
    %gather3A_215 = tpu.dynamic_gather %get3A_211[%gather3A_214] in [0] : vector<16xi32>, vector<16xi32> -> vector<16xi32>
    %mul3A_216 = arith.constant 16 : i32
    %mul3A_217 = vector.broadcast %mul3A_216 : i32 to vector<16xi32>
    %mul3A_218 = arith.muli %gather3A_215, %mul3A_217 : vector<16xi32>
    %add3A_219 = arith.addi %mul3A_218, %iota3A : vector<16xi32>
    %swap3A_220 = arith.constant 224 : index
    %swap3A_221 = tpu.vector_load %arg8[%swap3A_220] {strides = array<i32>} : memref<512xi32, #tpu.memory_space<vmem>>, vector<16xi32>,
    %swap3A_222 = vector.shape_cast %swap3A_221 : vector<16xi32> to vector<16xi32>
    %swap3A_223 = vector.shape_cast %add3A_219 : vector<16xi32> to vector<16xi32>
    tpu.vector_store %arg8[%swap3A_220], %swap3A_223 {strides = array<i32>} : memref<512xi32, #tpu.memory_space<vmem>>, vector<16xi32>,
    %get3A_224 = arith.constant 0 : index
    %get3A_225 = tpu.vector_load %arg7[%get3A_224] {strides = array<i32>} : memref<32xi32, #tpu.memory_space<vmem>>, vector<16xi32>,
    %get3A_226 = vector.shape_cast %get3A_225 : vector<16xi32> to vector<16xi32>
    %broadcast_in_dim3A_227 = arith.constant 15 : i32
    %broadcast_in_dim3A_228 = vector.broadcast %broadcast_in_dim3A_227 : i32 to vector<16x1xi32>
    %gather3A_229 = vector.shape_cast %broadcast_in_dim3A_228 : vector<16x1xi32> to vector<16xi32>
    %gather3A_230 = tpu.dynamic_gather %get3A_226[%gather3A_229] in [0] : vector<16xi32>, vector<16xi32> -> vector<16xi32>
    %mul3A_231 = arith.constant 16 : i32
    %mul3A_232 = vector.broadcast %mul3A_231 : i32 to vector<16xi32>
    %mul3A_233 = arith.muli %gather3A_230, %mul3A_232 : vector<16xi32>
    %add3A_234 = arith.addi %mul3A_233, %iota3A : vector<16xi32>
    %swap3A_235 = arith.constant 240 : index
    %swap3A_236 = tpu.vector_load %arg8[%swap3A_235] {strides = array<i32>} : memref<512xi32, #tpu.memory_space<vmem>>, vector<16xi32>,
    %swap3A_237 = vector.shape_cast %swap3A_236 : vector<16xi32> to vector<16xi32>
    %swap3A_238 = vector.shape_cast %add3A_234 : vector<16xi32> to vector<16xi32>
    tpu.vector_store %arg8[%swap3A_235], %swap3A_238 {strides = array<i32>} : memref<512xi32, #tpu.memory_space<vmem>>, vector<16xi32>,
    %get3A_239 = arith.constant 16 : index
    %get3A_240 = tpu.vector_load %arg7[%get3A_239] {strides = array<i32>} : memref<32xi32, #tpu.memory_space<vmem>>, vector<16xi32>,
    %get3A_241 = vector.shape_cast %get3A_240 : vector<16xi32> to vector<16xi32>
    %broadcast_in_dim3A_242 = arith.constant 0 : i32
    %broadcast_in_dim3A_243 = vector.broadcast %broadcast_in_dim3A_242 : i32 to vector<16x1xi32>
    %gather3A_244 = vector.shape_cast %broadcast_in_dim3A_243 : vector<16x1xi32> to vector<16xi32>
    %gather3A_245 = tpu.dynamic_gather %get3A_241[%gather3A_244] in [0] : vector<16xi32>, vector<16xi32> -> vector<16xi32>
    %mul3A_246 = arith.constant 16 : i32
    %mul3A_247 = vector.broadcast %mul3A_246 : i32 to vector<16xi32>
    %mul3A_248 = arith.muli %gather3A_245, %mul3A_247 : vector<16xi32>
    %add3A_249 = arith.addi %mul3A_248, %iota3A : vector<16xi32>
    %swap3A_250 = arith.constant 256 : index
    %swap3A_251 = tpu.vector_load %arg8[%swap3A_250] {strides = array<i32>} : memref<512xi32, #tpu.memory_space<vmem>>, vector<16xi32>,
    %swap3A_252 = vector.shape_cast %swap3A_251 : vector<16xi32> to vector<16xi32>
    %swap3A_253 = vector.shape_cast %add3A_249 : vector<16xi32> to vector<16xi32>
    tpu.vector_store %arg8[%swap3A_250], %swap3A_253 {strides = array<i32>} : memref<512xi32, #tpu.memory_space<vmem>>, vector<16xi32>,
    %get3A_254 = arith.constant 16 : index
    %get3A_255 = tpu.vector_load %arg7[%get3A_254] {strides = array<i32>} : memref<32xi32, #tpu.memory_space<vmem>>, vector<16xi32>,
    %get3A_256 = vector.shape_cast %get3A_255 : vector<16xi32> to vector<16xi32>
    %broadcast_in_dim3A_257 = arith.constant 1 : i32
    %broadcast_in_dim3A_258 = vector.broadcast %broadcast_in_dim3A_257 : i32 to vector<16x1xi32>
    %gather3A_259 = vector.shape_cast %broadcast_in_dim3A_258 : vector<16x1xi32> to vector<16xi32>
    %gather3A_260 = tpu.dynamic_gather %get3A_256[%gather3A_259] in [0] : vector<16xi32>, vector<16xi32> -> vector<16xi32>
    %mul3A_261 = arith.constant 16 : i32
    %mul3A_262 = vector.broadcast %mul3A_261 : i32 to vector<16xi32>
    %mul3A_263 = arith.muli %gather3A_260, %mul3A_262 : vector<16xi32>
    %add3A_264 = arith.addi %mul3A_263, %iota3A : vector<16xi32>
    %swap3A_265 = arith.constant 272 : index
    %swap3A_266 = tpu.vector_load %arg8[%swap3A_265] {strides = array<i32>} : memref<512xi32, #tpu.memory_space<vmem>>, vector<16xi32>,
    %swap3A_267 = vector.shape_cast %swap3A_266 : vector<16xi32> to vector<16xi32>
    %swap3A_268 = vector.shape_cast %add3A_264 : vector<16xi32> to vector<16xi32>
    tpu.vector_store %arg8[%swap3A_265], %swap3A_268 {strides = array<i32>} : memref<512xi32, #tpu.memory_space<vmem>>, vector<16xi32>,
    %get3A_269 = arith.constant 16 : index
    %get3A_270 = tpu.vector_load %arg7[%get3A_269] {strides = array<i32>} : memref<32xi32, #tpu.memory_space<vmem>>, vector<16xi32>,
    %get3A_271 = vector.shape_cast %get3A_270 : vector<16xi32> to vector<16xi32>
    %broadcast_in_dim3A_272 = arith.constant 2 : i32
    %broadcast_in_dim3A_273 = vector.broadcast %broadcast_in_dim3A_272 : i32 to vector<16x1xi32>
    %gather3A_274 = vector.shape_cast %broadcast_in_dim3A_273 : vector<16x1xi32> to vector<16xi32>
    %gather3A_275 = tpu.dynamic_gather %get3A_271[%gather3A_274] in [0] : vector<16xi32>, vector<16xi32> -> vector<16xi32>
    %mul3A_276 = arith.constant 16 : i32
    %mul3A_277 = vector.broadcast %mul3A_276 : i32 to vector<16xi32>
    %mul3A_278 = arith.muli %gather3A_275, %mul3A_277 : vector<16xi32>
    %add3A_279 = arith.addi %mul3A_278, %iota3A : vector<16xi32>
    %swap3A_280 = arith.constant 288 : index
    %swap3A_281 = tpu.vector_load %arg8[%swap3A_280] {strides = array<i32>} : memref<512xi32, #tpu.memory_space<vmem>>, vector<16xi32>,
    %swap3A_282 = vector.shape_cast %swap3A_281 : vector<16xi32> to vector<16xi32>
    %swap3A_283 = vector.shape_cast %add3A_279 : vector<16xi32> to vector<16xi32>
    tpu.vector_store %arg8[%swap3A_280], %swap3A_283 {strides = array<i32>} : memref<512xi32, #tpu.memory_space<vmem>>, vector<16xi32>,
    %get3A_284 = arith.constant 16 : index
    %get3A_285 = tpu.vector_load %arg7[%get3A_284] {strides = array<i32>} : memref<32xi32, #tpu.memory_space<vmem>>, vector<16xi32>,
    %get3A_286 = vector.shape_cast %get3A_285 : vector<16xi32> to vector<16xi32>
    %broadcast_in_dim3A_287 = arith.constant 3 : i32
    %broadcast_in_dim3A_288 = vector.broadcast %broadcast_in_dim3A_287 : i32 to vector<16x1xi32>
    %gather3A_289 = vector.shape_cast %broadcast_in_dim3A_288 : vector<16x1xi32> to vector<16xi32>
    %gather3A_290 = tpu.dynamic_gather %get3A_286[%gather3A_289] in [0] : vector<16xi32>, vector<16xi32> -> vector<16xi32>
    %mul3A_291 = arith.constant 16 : i32
    %mul3A_292 = vector.broadcast %mul3A_291 : i32 to vector<16xi32>
    %mul3A_293 = arith.muli %gather3A_290, %mul3A_292 : vector<16xi32>
    %add3A_294 = arith.addi %mul3A_293, %iota3A : vector<16xi32>
    %swap3A_295 = arith.constant 304 : index
    %swap3A_296 = tpu.vector_load %arg8[%swap3A_295] {strides = array<i32>} : memref<512xi32, #tpu.memory_space<vmem>>, vector<16xi32>,
    %swap3A_297 = vector.shape_cast %swap3A_296 : vector<16xi32> to vector<16xi32>
    %swap3A_298 = vector.shape_cast %add3A_294 : vector<16xi32> to vector<16xi32>
    tpu.vector_store %arg8[%swap3A_295], %swap3A_298 {strides = array<i32>} : memref<512xi32, #tpu.memory_space<vmem>>, vector<16xi32>,
    %get3A_299 = arith.constant 16 : index
    %get3A_300 = tpu.vector_load %arg7[%get3A_299] {strides = array<i32>} : memref<32xi32, #tpu.memory_space<vmem>>, vector<16xi32>,
    %get3A_301 = vector.shape_cast %get3A_300 : vector<16xi32> to vector<16xi32>
    %broadcast_in_dim3A_302 = arith.constant 4 : i32
    %broadcast_in_dim3A_303 = vector.broadcast %broadcast_in_dim3A_302 : i32 to vector<16x1xi32>
    %gather3A_304 = vector.shape_cast %broadcast_in_dim3A_303 : vector<16x1xi32> to vector<16xi32>
    %gather3A_305 = tpu.dynamic_gather %get3A_301[%gather3A_304] in [0] : vector<16xi32>, vector<16xi32> -> vector<16xi32>
    %mul3A_306 = arith.constant 16 : i32
    %mul3A_307 = vector.broadcast %mul3A_306 : i32 to vector<16xi32>
    %mul3A_308 = arith.muli %gather3A_305, %mul3A_307 : vector<16xi32>
    %add3A_309 = arith.addi %mul3A_308, %iota3A : vector<16xi32>
    %swap3A_310 = arith.constant 320 : index
    %swap3A_311 = tpu.vector_load %arg8[%swap3A_310] {strides = array<i32>} : memref<512xi32, #tpu.memory_space<vmem>>, vector<16xi32>,
    %swap3A_312 = vector.shape_cast %swap3A_311 : vector<16xi32> to vector<16xi32>
    %swap3A_313 = vector.shape_cast %add3A_309 : vector<16xi32> to vector<16xi32>
    tpu.vector_store %arg8[%swap3A_310], %swap3A_313 {strides = array<i32>} : memref<512xi32, #tpu.memory_space<vmem>>, vector<16xi32>,
    %get3A_314 = arith.constant 16 : index
    %get3A_315 = tpu.vector_load %arg7[%get3A_314] {strides = array<i32>} : memref<32xi32, #tpu.memory_space<vmem>>, vector<16xi32>,
    %get3A_316 = vector.shape_cast %get3A_315 : vector<16xi32> to vector<16xi32>
    %broadcast_in_dim3A_317 = arith.constant 5 : i32
    %broadcast_in_dim3A_318 = vector.broadcast %broadcast_in_dim3A_317 : i32 to vector<16x1xi32>
    %gather3A_319 = vector.shape_cast %broadcast_in_dim3A_318 : vector<16x1xi32> to vector<16xi32>
    %gather3A_320 = tpu.dynamic_gather %get3A_316[%gather3A_319] in [0] : vector<16xi32>, vector<16xi32> -> vector<16xi32>
    %mul3A_321 = arith.constant 16 : i32
    %mul3A_322 = vector.broadcast %mul3A_321 : i32 to vector<16xi32>
    %mul3A_323 = arith.muli %gather3A_320, %mul3A_322 : vector<16xi32>
    %add3A_324 = arith.addi %mul3A_323, %iota3A : vector<16xi32>
    %swap3A_325 = arith.constant 336 : index
    %swap3A_326 = tpu.vector_load %arg8[%swap3A_325] {strides = array<i32>} : memref<512xi32, #tpu.memory_space<vmem>>, vector<16xi32>,
    %swap3A_327 = vector.shape_cast %swap3A_326 : vector<16xi32> to vector<16xi32>
    %swap3A_328 = vector.shape_cast %add3A_324 : vector<16xi32> to vector<16xi32>
    tpu.vector_store %arg8[%swap3A_325], %swap3A_328 {strides = array<i32>} : memref<512xi32, #tpu.memory_space<vmem>>, vector<16xi32>,
    %get3A_329 = arith.constant 16 : index
    %get3A_330 = tpu.vector_load %arg7[%get3A_329] {strides = array<i32>} : memref<32xi32, #tpu.memory_space<vmem>>, vector<16xi32>,
    %get3A_331 = vector.shape_cast %get3A_330 : vector<16xi32> to vector<16xi32>
    %broadcast_in_dim3A_332 = arith.constant 6 : i32
    %broadcast_in_dim3A_333 = vector.broadcast %broadcast_in_dim3A_332 : i32 to vector<16x1xi32>
    %gather3A_334 = vector.shape_cast %broadcast_in_dim3A_333 : vector<16x1xi32> to vector<16xi32>
    %gather3A_335 = tpu.dynamic_gather %get3A_331[%gather3A_334] in [0] : vector<16xi32>, vector<16xi32> -> vector<16xi32>
    %mul3A_336 = arith.constant 16 : i32
    %mul3A_337 = vector.broadcast %mul3A_336 : i32 to vector<16xi32>
    %mul3A_338 = arith.muli %gather3A_335, %mul3A_337 : vector<16xi32>
    %add3A_339 = arith.addi %mul3A_338, %iota3A : vector<16xi32>
    %swap3A_340 = arith.constant 352 : index
    %swap3A_341 = tpu.vector_load %arg8[%swap3A_340] {strides = array<i32>} : memref<512xi32, #tpu.memory_space<vmem>>, vector<16xi32>,
    %swap3A_342 = vector.shape_cast %swap3A_341 : vector<16xi32> to vector<16xi32>
    %swap3A_343 = vector.shape_cast %add3A_339 : vector<16xi32> to vector<16xi32>
    tpu.vector_store %arg8[%swap3A_340], %swap3A_343 {strides = array<i32>} : memref<512xi32, #tpu.memory_space<vmem>>, vector<16xi32>,
    %get3A_344 = arith.constant 16 : index
    %get3A_345 = tpu.vector_load %arg7[%get3A_344] {strides = array<i32>} : memref<32xi32, #tpu.memory_space<vmem>>, vector<16xi32>,
    %get3A_346 = vector.shape_cast %get3A_345 : vector<16xi32> to vector<16xi32>
    %broadcast_in_dim3A_347 = arith.constant 7 : i32
    %broadcast_in_dim3A_348 = vector.broadcast %broadcast_in_dim3A_347 : i32 to vector<16x1xi32>
    %gather3A_349 = vector.shape_cast %broadcast_in_dim3A_348 : vector<16x1xi32> to vector<16xi32>
    %gather3A_350 = tpu.dynamic_gather %get3A_346[%gather3A_349] in [0] : vector<16xi32>, vector<16xi32> -> vector<16xi32>
    %mul3A_351 = arith.constant 16 : i32
    %mul3A_352 = vector.broadcast %mul3A_351 : i32 to vector<16xi32>
    %mul3A_353 = arith.muli %gather3A_350, %mul3A_352 : vector<16xi32>
    %add3A_354 = arith.addi %mul3A_353, %iota3A : vector<16xi32>
    %swap3A_355 = arith.constant 368 : index
    %swap3A_356 = tpu.vector_load %arg8[%swap3A_355] {strides = array<i32>} : memref<512xi32, #tpu.memory_space<vmem>>, vector<16xi32>,
    %swap3A_357 = vector.shape_cast %swap3A_356 : vector<16xi32> to vector<16xi32>
    %swap3A_358 = vector.shape_cast %add3A_354 : vector<16xi32> to vector<16xi32>
    tpu.vector_store %arg8[%swap3A_355], %swap3A_358 {strides = array<i32>} : memref<512xi32, #tpu.memory_space<vmem>>, vector<16xi32>,
    %get3A_359 = arith.constant 16 : index
    %get3A_360 = tpu.vector_load %arg7[%get3A_359] {strides = array<i32>} : memref<32xi32, #tpu.memory_space<vmem>>, vector<16xi32>,
    %get3A_361 = vector.shape_cast %get3A_360 : vector<16xi32> to vector<16xi32>
    %broadcast_in_dim3A_362 = arith.constant 8 : i32
    %broadcast_in_dim3A_363 = vector.broadcast %broadcast_in_dim3A_362 : i32 to vector<16x1xi32>
    %gather3A_364 = vector.shape_cast %broadcast_in_dim3A_363 : vector<16x1xi32> to vector<16xi32>
    %gather3A_365 = tpu.dynamic_gather %get3A_361[%gather3A_364] in [0] : vector<16xi32>, vector<16xi32> -> vector<16xi32>
    %mul3A_366 = arith.constant 16 : i32
    %mul3A_367 = vector.broadcast %mul3A_366 : i32 to vector<16xi32>
    %mul3A_368 = arith.muli %gather3A_365, %mul3A_367 : vector<16xi32>
    %add3A_369 = arith.addi %mul3A_368, %iota3A : vector<16xi32>
    %swap3A_370 = arith.constant 384 : index
    %swap3A_371 = tpu.vector_load %arg8[%swap3A_370] {strides = array<i32>} : memref<512xi32, #tpu.memory_space<vmem>>, vector<16xi32>,
    %swap3A_372 = vector.shape_cast %swap3A_371 : vector<16xi32> to vector<16xi32>
    %swap3A_373 = vector.shape_cast %add3A_369 : vector<16xi32> to vector<16xi32>
    tpu.vector_store %arg8[%swap3A_370], %swap3A_373 {strides = array<i32>} : memref<512xi32, #tpu.memory_space<vmem>>, vector<16xi32>,
    %get3A_374 = arith.constant 16 : index
    %get3A_375 = tpu.vector_load %arg7[%get3A_374] {strides = array<i32>} : memref<32xi32, #tpu.memory_space<vmem>>, vector<16xi32>,
    %get3A_376 = vector.shape_cast %get3A_375 : vector<16xi32> to vector<16xi32>
    %broadcast_in_dim3A_377 = arith.constant 9 : i32
    %broadcast_in_dim3A_378 = vector.broadcast %broadcast_in_dim3A_377 : i32 to vector<16x1xi32>
    %gather3A_379 = vector.shape_cast %broadcast_in_dim3A_378 : vector<16x1xi32> to vector<16xi32>
    %gather3A_380 = tpu.dynamic_gather %get3A_376[%gather3A_379] in [0] : vector<16xi32>, vector<16xi32> -> vector<16xi32>
    %mul3A_381 = arith.constant 16 : i32
    %mul3A_382 = vector.broadcast %mul3A_381 : i32 to vector<16xi32>
    %mul3A_383 = arith.muli %gather3A_380, %mul3A_382 : vector<16xi32>
    %add3A_384 = arith.addi %mul3A_383, %iota3A : vector<16xi32>
    %swap3A_385 = arith.constant 400 : index
    %swap3A_386 = tpu.vector_load %arg8[%swap3A_385] {strides = array<i32>} : memref<512xi32, #tpu.memory_space<vmem>>, vector<16xi32>,
    %swap3A_387 = vector.shape_cast %swap3A_386 : vector<16xi32> to vector<16xi32>
    %swap3A_388 = vector.shape_cast %add3A_384 : vector<16xi32> to vector<16xi32>
    tpu.vector_store %arg8[%swap3A_385], %swap3A_388 {strides = array<i32>} : memref<512xi32, #tpu.memory_space<vmem>>, vector<16xi32>,
    %get3A_389 = arith.constant 16 : index
    %get3A_390 = tpu.vector_load %arg7[%get3A_389] {strides = array<i32>} : memref<32xi32, #tpu.memory_space<vmem>>, vector<16xi32>,
    %get3A_391 = vector.shape_cast %get3A_390 : vector<16xi32> to vector<16xi32>
    %broadcast_in_dim3A_392 = arith.constant 10 : i32
    %broadcast_in_dim3A_393 = vector.broadcast %broadcast_in_dim3A_392 : i32 to vector<16x1xi32>
    %gather3A_394 = vector.shape_cast %broadcast_in_dim3A_393 : vector<16x1xi32> to vector<16xi32>
    %gather3A_395 = tpu.dynamic_gather %get3A_391[%gather3A_394] in [0] : vector<16xi32>, vector<16xi32> -> vector<16xi32>
    %mul3A_396 = arith.constant 16 : i32
    %mul3A_397 = vector.broadcast %mul3A_396 : i32 to vector<16xi32>
    %mul3A_398 = arith.muli %gather3A_395, %mul3A_397 : vector<16xi32>
    %add3A_399 = arith.addi %mul3A_398, %iota3A : vector<16xi32>
    %swap3A_400 = arith.constant 416 : index
    %swap3A_401 = tpu.vector_load %arg8[%swap3A_400] {strides = array<i32>} : memref<512xi32, #tpu.memory_space<vmem>>, vector<16xi32>,
    %swap3A_402 = vector.shape_cast %swap3A_401 : vector<16xi32> to vector<16xi32>
    %swap3A_403 = vector.shape_cast %add3A_399 : vector<16xi32> to vector<16xi32>
    tpu.vector_store %arg8[%swap3A_400], %swap3A_403 {strides = array<i32>} : memref<512xi32, #tpu.memory_space<vmem>>, vector<16xi32>,
    %get3A_404 = arith.constant 16 : index
    %get3A_405 = tpu.vector_load %arg7[%get3A_404] {strides = array<i32>} : memref<32xi32, #tpu.memory_space<vmem>>, vector<16xi32>,
    %get3A_406 = vector.shape_cast %get3A_405 : vector<16xi32> to vector<16xi32>
    %broadcast_in_dim3A_407 = arith.constant 11 : i32
    %broadcast_in_dim3A_408 = vector.broadcast %broadcast_in_dim3A_407 : i32 to vector<16x1xi32>
    %gather3A_409 = vector.shape_cast %broadcast_in_dim3A_408 : vector<16x1xi32> to vector<16xi32>
    %gather3A_410 = tpu.dynamic_gather %get3A_406[%gather3A_409] in [0] : vector<16xi32>, vector<16xi32> -> vector<16xi32>
    %mul3A_411 = arith.constant 16 : i32
    %mul3A_412 = vector.broadcast %mul3A_411 : i32 to vector<16xi32>
    %mul3A_413 = arith.muli %gather3A_410, %mul3A_412 : vector<16xi32>
    %add3A_414 = arith.addi %mul3A_413, %iota3A : vector<16xi32>
    %swap3A_415 = arith.constant 432 : index
    %swap3A_416 = tpu.vector_load %arg8[%swap3A_415] {strides = array<i32>} : memref<512xi32, #tpu.memory_space<vmem>>, vector<16xi32>,
    %swap3A_417 = vector.shape_cast %swap3A_416 : vector<16xi32> to vector<16xi32>
    %swap3A_418 = vector.shape_cast %add3A_414 : vector<16xi32> to vector<16xi32>
    tpu.vector_store %arg8[%swap3A_415], %swap3A_418 {strides = array<i32>} : memref<512xi32, #tpu.memory_space<vmem>>, vector<16xi32>,
    %get3A_419 = arith.constant 16 : index
    %get3A_420 = tpu.vector_load %arg7[%get3A_419] {strides = array<i32>} : memref<32xi32, #tpu.memory_space<vmem>>, vector<16xi32>,
    %get3A_421 = vector.shape_cast %get3A_420 : vector<16xi32> to vector<16xi32>
    %broadcast_in_dim3A_422 = arith.constant 12 : i32
    %broadcast_in_dim3A_423 = vector.broadcast %broadcast_in_dim3A_422 : i32 to vector<16x1xi32>
    %gather3A_424 = vector.shape_cast %broadcast_in_dim3A_423 : vector<16x1xi32> to vector<16xi32>
    %gather3A_425 = tpu.dynamic_gather %get3A_421[%gather3A_424] in [0] : vector<16xi32>, vector<16xi32> -> vector<16xi32>
    %mul3A_426 = arith.constant 16 : i32
    %mul3A_427 = vector.broadcast %mul3A_426 : i32 to vector<16xi32>
    %mul3A_428 = arith.muli %gather3A_425, %mul3A_427 : vector<16xi32>
    %add3A_429 = arith.addi %mul3A_428, %iota3A : vector<16xi32>
    %swap3A_430 = arith.constant 448 : index
    %swap3A_431 = tpu.vector_load %arg8[%swap3A_430] {strides = array<i32>} : memref<512xi32, #tpu.memory_space<vmem>>, vector<16xi32>,
    %swap3A_432 = vector.shape_cast %swap3A_431 : vector<16xi32> to vector<16xi32>
    %swap3A_433 = vector.shape_cast %add3A_429 : vector<16xi32> to vector<16xi32>
    tpu.vector_store %arg8[%swap3A_430], %swap3A_433 {strides = array<i32>} : memref<512xi32, #tpu.memory_space<vmem>>, vector<16xi32>,
    %get3A_434 = arith.constant 16 : index
    %get3A_435 = tpu.vector_load %arg7[%get3A_434] {strides = array<i32>} : memref<32xi32, #tpu.memory_space<vmem>>, vector<16xi32>,
    %get3A_436 = vector.shape_cast %get3A_435 : vector<16xi32> to vector<16xi32>
    %broadcast_in_dim3A_437 = arith.constant 13 : i32
    %broadcast_in_dim3A_438 = vector.broadcast %broadcast_in_dim3A_437 : i32 to vector<16x1xi32>
    %gather3A_439 = vector.shape_cast %broadcast_in_dim3A_438 : vector<16x1xi32> to vector<16xi32>
    %gather3A_440 = tpu.dynamic_gather %get3A_436[%gather3A_439] in [0] : vector<16xi32>, vector<16xi32> -> vector<16xi32>
    %mul3A_441 = arith.constant 16 : i32
    %mul3A_442 = vector.broadcast %mul3A_441 : i32 to vector<16xi32>
    %mul3A_443 = arith.muli %gather3A_440, %mul3A_442 : vector<16xi32>
    %add3A_444 = arith.addi %mul3A_443, %iota3A : vector<16xi32>
    %swap3A_445 = arith.constant 464 : index
    %swap3A_446 = tpu.vector_load %arg8[%swap3A_445] {strides = array<i32>} : memref<512xi32, #tpu.memory_space<vmem>>, vector<16xi32>,
    %swap3A_447 = vector.shape_cast %swap3A_446 : vector<16xi32> to vector<16xi32>
    %swap3A_448 = vector.shape_cast %add3A_444 : vector<16xi32> to vector<16xi32>
    tpu.vector_store %arg8[%swap3A_445], %swap3A_448 {strides = array<i32>} : memref<512xi32, #tpu.memory_space<vmem>>, vector<16xi32>,
    %get3A_449 = arith.constant 16 : index
    %get3A_450 = tpu.vector_load %arg7[%get3A_449] {strides = array<i32>} : memref<32xi32, #tpu.memory_space<vmem>>, vector<16xi32>,
    %get3A_451 = vector.shape_cast %get3A_450 : vector<16xi32> to vector<16xi32>
    %broadcast_in_dim3A_452 = arith.constant 14 : i32
    %broadcast_in_dim3A_453 = vector.broadcast %broadcast_in_dim3A_452 : i32 to vector<16x1xi32>
    %gather3A_454 = vector.shape_cast %broadcast_in_dim3A_453 : vector<16x1xi32> to vector<16xi32>
    %gather3A_455 = tpu.dynamic_gather %get3A_451[%gather3A_454] in [0] : vector<16xi32>, vector<16xi32> -> vector<16xi32>
    %mul3A_456 = arith.constant 16 : i32
    %mul3A_457 = vector.broadcast %mul3A_456 : i32 to vector<16xi32>
    %mul3A_458 = arith.muli %gather3A_455, %mul3A_457 : vector<16xi32>
    %add3A_459 = arith.addi %mul3A_458, %iota3A : vector<16xi32>
    %swap3A_460 = arith.constant 480 : index
    %swap3A_461 = tpu.vector_load %arg8[%swap3A_460] {strides = array<i32>} : memref<512xi32, #tpu.memory_space<vmem>>, vector<16xi32>,
    %swap3A_462 = vector.shape_cast %swap3A_461 : vector<16xi32> to vector<16xi32>
    %swap3A_463 = vector.shape_cast %add3A_459 : vector<16xi32> to vector<16xi32>
    tpu.vector_store %arg8[%swap3A_460], %swap3A_463 {strides = array<i32>} : memref<512xi32, #tpu.memory_space<vmem>>, vector<16xi32>,
    %get3A_464 = arith.constant 16 : index
    %get3A_465 = tpu.vector_load %arg7[%get3A_464] {strides = array<i32>} : memref<32xi32, #tpu.memory_space<vmem>>, vector<16xi32>,
    %get3A_466 = vector.shape_cast %get3A_465 : vector<16xi32> to vector<16xi32>
    %broadcast_in_dim3A_467 = arith.constant 15 : i32
    %broadcast_in_dim3A_468 = vector.broadcast %broadcast_in_dim3A_467 : i32 to vector<16x1xi32>
    %gather3A_469 = vector.shape_cast %broadcast_in_dim3A_468 : vector<16x1xi32> to vector<16xi32>
    %gather3A_470 = tpu.dynamic_gather %get3A_466[%gather3A_469] in [0] : vector<16xi32>, vector<16xi32> -> vector<16xi32>
    %mul3A_471 = arith.constant 16 : i32
    %mul3A_472 = vector.broadcast %mul3A_471 : i32 to vector<16xi32>
    %mul3A_473 = arith.muli %gather3A_470, %mul3A_472 : vector<16xi32>
    %add3A_474 = arith.addi %mul3A_473, %iota3A : vector<16xi32>
    %swap3A_475 = arith.constant 496 : index
    %swap3A_476 = tpu.vector_load %arg8[%swap3A_475] {strides = array<i32>} : memref<512xi32, #tpu.memory_space<vmem>>, vector<16xi32>,
    %swap3A_477 = vector.shape_cast %swap3A_476 : vector<16xi32> to vector<16xi32>
    %swap3A_478 = vector.shape_cast %add3A_474 : vector<16xi32> to vector<16xi32>
    tpu.vector_store %arg8[%swap3A_475], %swap3A_478 {strides = array<i32>} : memref<512xi32, #tpu.memory_space<vmem>>, vector<16xi32>,
    "tpu.region"() ({
      %run_scoped3A = tpu.sem_alloc : memref<!tpu.dma_semaphore, #tpu.memory_space<semaphore_mem>>
      %dma_start3A_908 = arith.constant 0 : i32
      %dma_start3A_909 = tpu.memref_slice %arg9[%dma_start3A_908] : memref<512xi32, #tpu.memory_space<vmem>> -> memref<128xi32, #tpu.memory_space<vmem>>
      %dma_start3A_910 = arith.constant 0 : i32
      %dma_start3A_911 = tpu.memref_slice %arg8[%dma_start3A_910] : memref<512xi32, #tpu.memory_space<vmem>> -> memref<128xi32, #tpu.memory_space<vmem>>
      %dma_start3A_912 = arith.constant 0 : i32
      %dma_start3A_913 = tpu.memref_slice %arg3[%dma_start3A_912] : memref<1600000xi32, #tpu.memory_space<hbm>> -> memref<1600000xi32, #tpu.memory_space<hbm>>
      tpu.enqueue_indirect_dma source(%dma_start3A_913 : memref<1600000xi32, #tpu.memory_space<hbm>>) target(%dma_start3A_909 : memref<128xi32, #tpu.memory_space<vmem>>) offsets(%dma_start3A_911 : memref<128xi32, #tpu.memory_space<vmem>>) semaphore(%run_scoped3A : memref<!tpu.dma_semaphore, #tpu.memory_space<semaphore_mem>>)
      %dma_wait3A_914 = arith.constant 0 : i32
      %dma_wait3A_915 = tpu.memref_slice %arg9[%dma_wait3A_914] : memref<512xi32, #tpu.memory_space<vmem>> -> memref<128xi32, #tpu.memory_space<vmem>>
      %dma_wait3A_916 = arith.constant 0 : i32
      %dma_wait3A_917 = tpu.memref_slice %arg8[%dma_wait3A_916] : memref<512xi32, #tpu.memory_space<vmem>> -> memref<128xi32, #tpu.memory_space<vmem>>
      %dma_wait3A_918 = arith.constant 0 : i32
      %dma_wait3A_919 = tpu.memref_slice %arg3[%dma_wait3A_918] : memref<1600000xi32, #tpu.memory_space<hbm>> -> memref<1600000xi32, #tpu.memory_space<hbm>>
      tpu.wait_indirect_dma semaphore(%run_scoped3A : memref<!tpu.dma_semaphore, #tpu.memory_space<semaphore_mem>>) src(%dma_wait3A_919 : memref<1600000xi32, #tpu.memory_space<hbm>>) dst(%dma_wait3A_915 : memref<128xi32, #tpu.memory_space<vmem>>)
      tpu.yield
    }) : () -> ()
    "tpu.region"() ({
      %run_scoped3A = tpu.sem_alloc : memref<!tpu.dma_semaphore, #tpu.memory_space<semaphore_mem>>
      %dma_start3A_908 = arith.constant 128 : i32
      %dma_start3A_909 = tpu.memref_slice %arg9[%dma_start3A_908] : memref<512xi32, #tpu.memory_space<vmem>> -> memref<128xi32, #tpu.memory_space<vmem>>
      %dma_start3A_910 = arith.constant 128 : i32
      %dma_start3A_911 = tpu.memref_slice %arg8[%dma_start3A_910] : memref<512xi32, #tpu.memory_space<vmem>> -> memref<128xi32, #tpu.memory_space<vmem>>
      %dma_start3A_912 = arith.constant 0 : i32
      %dma_start3A_913 = tpu.memref_slice %arg3[%dma_start3A_912] : memref<1600000xi32, #tpu.memory_space<hbm>> -> memref<1600000xi32, #tpu.memory_space<hbm>>
      tpu.enqueue_indirect_dma source(%dma_start3A_913 : memref<1600000xi32, #tpu.memory_space<hbm>>) target(%dma_start3A_909 : memref<128xi32, #tpu.memory_space<vmem>>) offsets(%dma_start3A_911 : memref<128xi32, #tpu.memory_space<vmem>>) semaphore(%run_scoped3A : memref<!tpu.dma_semaphore, #tpu.memory_space<semaphore_mem>>)
      %dma_wait3A_914 = arith.constant 128 : i32
      %dma_wait3A_915 = tpu.memref_slice %arg9[%dma_wait3A_914] : memref<512xi32, #tpu.memory_space<vmem>> -> memref<128xi32, #tpu.memory_space<vmem>>
      %dma_wait3A_916 = arith.constant 128 : i32
      %dma_wait3A_917 = tpu.memref_slice %arg8[%dma_wait3A_916] : memref<512xi32, #tpu.memory_space<vmem>> -> memref<128xi32, #tpu.memory_space<vmem>>
      %dma_wait3A_918 = arith.constant 0 : i32
      %dma_wait3A_919 = tpu.memref_slice %arg3[%dma_wait3A_918] : memref<1600000xi32, #tpu.memory_space<hbm>> -> memref<1600000xi32, #tpu.memory_space<hbm>>
      tpu.wait_indirect_dma semaphore(%run_scoped3A : memref<!tpu.dma_semaphore, #tpu.memory_space<semaphore_mem>>) src(%dma_wait3A_919 : memref<1600000xi32, #tpu.memory_space<hbm>>) dst(%dma_wait3A_915 : memref<128xi32, #tpu.memory_space<vmem>>)
      tpu.yield
    }) : () -> ()
    "tpu.region"() ({
      %run_scoped3A = tpu.sem_alloc : memref<!tpu.dma_semaphore, #tpu.memory_space<semaphore_mem>>
      %dma_start3A_908 = arith.constant 256 : i32
      %dma_start3A_909 = tpu.memref_slice %arg9[%dma_start3A_908] : memref<512xi32, #tpu.memory_space<vmem>> -> memref<128xi32, #tpu.memory_space<vmem>>
      %dma_start3A_910 = arith.constant 256 : i32
      %dma_start3A_911 = tpu.memref_slice %arg8[%dma_start3A_910] : memref<512xi32, #tpu.memory_space<vmem>> -> memref<128xi32, #tpu.memory_space<vmem>>
      %dma_start3A_912 = arith.constant 0 : i32
      %dma_start3A_913 = tpu.memref_slice %arg3[%dma_start3A_912] : memref<1600000xi32, #tpu.memory_space<hbm>> -> memref<1600000xi32, #tpu.memory_space<hbm>>
      tpu.enqueue_indirect_dma source(%dma_start3A_913 : memref<1600000xi32, #tpu.memory_space<hbm>>) target(%dma_start3A_909 : memref<128xi32, #tpu.memory_space<vmem>>) offsets(%dma_start3A_911 : memref<128xi32, #tpu.memory_space<vmem>>) semaphore(%run_scoped3A : memref<!tpu.dma_semaphore, #tpu.memory_space<semaphore_mem>>)
      %dma_wait3A_914 = arith.constant 256 : i32
      %dma_wait3A_915 = tpu.memref_slice %arg9[%dma_wait3A_914] : memref<512xi32, #tpu.memory_space<vmem>> -> memref<128xi32, #tpu.memory_space<vmem>>
      %dma_wait3A_916 = arith.constant 256 : i32
      %dma_wait3A_917 = tpu.memref_slice %arg8[%dma_wait3A_916] : memref<512xi32, #tpu.memory_space<vmem>> -> memref<128xi32, #tpu.memory_space<vmem>>
      %dma_wait3A_918 = arith.constant 0 : i32
      %dma_wait3A_919 = tpu.memref_slice %arg3[%dma_wait3A_918] : memref<1600000xi32, #tpu.memory_space<hbm>> -> memref<1600000xi32, #tpu.memory_space<hbm>>
      tpu.wait_indirect_dma semaphore(%run_scoped3A : memref<!tpu.dma_semaphore, #tpu.memory_space<semaphore_mem>>) src(%dma_wait3A_919 : memref<1600000xi32, #tpu.memory_space<hbm>>) dst(%dma_wait3A_915 : memref<128xi32, #tpu.memory_space<vmem>>)
      tpu.yield
    }) : () -> ()
    "tpu.region"() ({
      %run_scoped3A = tpu.sem_alloc : memref<!tpu.dma_semaphore, #tpu.memory_space<semaphore_mem>>
      %dma_start3A_908 = arith.constant 384 : i32
      %dma_start3A_909 = tpu.memref_slice %arg9[%dma_start3A_908] : memref<512xi32, #tpu.memory_space<vmem>> -> memref<128xi32, #tpu.memory_space<vmem>>
      %dma_start3A_910 = arith.constant 384 : i32
      %dma_start3A_911 = tpu.memref_slice %arg8[%dma_start3A_910] : memref<512xi32, #tpu.memory_space<vmem>> -> memref<128xi32, #tpu.memory_space<vmem>>
      %dma_start3A_912 = arith.constant 0 : i32
      %dma_start3A_913 = tpu.memref_slice %arg3[%dma_start3A_912] : memref<1600000xi32, #tpu.memory_space<hbm>> -> memref<1600000xi32, #tpu.memory_space<hbm>>
      tpu.enqueue_indirect_dma source(%dma_start3A_913 : memref<1600000xi32, #tpu.memory_space<hbm>>) target(%dma_start3A_909 : memref<128xi32, #tpu.memory_space<vmem>>) offsets(%dma_start3A_911 : memref<128xi32, #tpu.memory_space<vmem>>) semaphore(%run_scoped3A : memref<!tpu.dma_semaphore, #tpu.memory_space<semaphore_mem>>)
      %dma_wait3A_914 = arith.constant 384 : i32
      %dma_wait3A_915 = tpu.memref_slice %arg9[%dma_wait3A_914] : memref<512xi32, #tpu.memory_space<vmem>> -> memref<128xi32, #tpu.memory_space<vmem>>
      %dma_wait3A_916 = arith.constant 384 : i32
      %dma_wait3A_917 = tpu.memref_slice %arg8[%dma_wait3A_916] : memref<512xi32, #tpu.memory_space<vmem>> -> memref<128xi32, #tpu.memory_space<vmem>>
      %dma_wait3A_918 = arith.constant 0 : i32
      %dma_wait3A_919 = tpu.memref_slice %arg3[%dma_wait3A_918] : memref<1600000xi32, #tpu.memory_space<hbm>> -> memref<1600000xi32, #tpu.memory_space<hbm>>
      tpu.wait_indirect_dma semaphore(%run_scoped3A : memref<!tpu.dma_semaphore, #tpu.memory_space<semaphore_mem>>) src(%dma_wait3A_919 : memref<1600000xi32, #tpu.memory_space<hbm>>) dst(%dma_wait3A_915 : memref<128xi32, #tpu.memory_space<vmem>>)
      tpu.yield
    }) : () -> ()
    %get3A_479 = arith.constant 0 : index
    %get3A_480 = tpu.vector_load %arg7[%get3A_479] {strides = array<i32>} : memref<32xi32, #tpu.memory_space<vmem>>, vector<16xi32>,
    %get3A_481 = vector.shape_cast %get3A_480 : vector<16xi32> to vector<16xi32>
    %mul3A_482 = arith.constant 16 : i32
    %mul3A_483 = vector.broadcast %mul3A_482 : i32 to vector<16xi32>
    %mul3A_484 = arith.muli %get3A_481, %mul3A_483 : vector<16xi32>
    %add3A_485 = arith.constant 0 : i32
    %add3A_486 = vector.broadcast %add3A_485 : i32 to vector<16xi32>
    %add3A_487 = arith.addi %mul3A_484, %add3A_486 : vector<16xi32>
    %swap3A_488 = arith.constant 0 : index
    %swap3A_489 = tpu.vector_load %arg10[%swap3A_488] {strides = array<i32>} : memref<256xi32, #tpu.memory_space<vmem>>, vector<16xi32>,
    %swap3A_490 = vector.shape_cast %swap3A_489 : vector<16xi32> to vector<16xi32>
    %swap3A_491 = vector.shape_cast %add3A_487 : vector<16xi32> to vector<16xi32>
    tpu.vector_store %arg10[%swap3A_488], %swap3A_491 {strides = array<i32>} : memref<256xi32, #tpu.memory_space<vmem>>, vector<16xi32>,
    %mul3A_492 = arith.constant 16 : i32
    %mul3A_493 = vector.broadcast %mul3A_492 : i32 to vector<16xi32>
    %mul3A_494 = arith.muli %get3A_481, %mul3A_493 : vector<16xi32>
    %add3A_495 = arith.constant 1 : i32
    %add3A_496 = vector.broadcast %add3A_495 : i32 to vector<16xi32>
    %add3A_497 = arith.addi %mul3A_494, %add3A_496 : vector<16xi32>
    %swap3A_498 = arith.constant 16 : index
    %swap3A_499 = tpu.vector_load %arg10[%swap3A_498] {strides = array<i32>} : memref<256xi32, #tpu.memory_space<vmem>>, vector<16xi32>,
    %swap3A_500 = vector.shape_cast %swap3A_499 : vector<16xi32> to vector<16xi32>
    %swap3A_501 = vector.shape_cast %add3A_497 : vector<16xi32> to vector<16xi32>
    tpu.vector_store %arg10[%swap3A_498], %swap3A_501 {strides = array<i32>} : memref<256xi32, #tpu.memory_space<vmem>>, vector<16xi32>,
    %mul3A_502 = arith.constant 16 : i32
    %mul3A_503 = vector.broadcast %mul3A_502 : i32 to vector<16xi32>
    %mul3A_504 = arith.muli %get3A_481, %mul3A_503 : vector<16xi32>
    %add3A_505 = arith.constant 2 : i32
    %add3A_506 = vector.broadcast %add3A_505 : i32 to vector<16xi32>
    %add3A_507 = arith.addi %mul3A_504, %add3A_506 : vector<16xi32>
    %swap3A_508 = arith.constant 32 : index
    %swap3A_509 = tpu.vector_load %arg10[%swap3A_508] {strides = array<i32>} : memref<256xi32, #tpu.memory_space<vmem>>, vector<16xi32>,
    %swap3A_510 = vector.shape_cast %swap3A_509 : vector<16xi32> to vector<16xi32>
    %swap3A_511 = vector.shape_cast %add3A_507 : vector<16xi32> to vector<16xi32>
    tpu.vector_store %arg10[%swap3A_508], %swap3A_511 {strides = array<i32>} : memref<256xi32, #tpu.memory_space<vmem>>, vector<16xi32>,
    %mul3A_512 = arith.constant 16 : i32
    %mul3A_513 = vector.broadcast %mul3A_512 : i32 to vector<16xi32>
    %mul3A_514 = arith.muli %get3A_481, %mul3A_513 : vector<16xi32>
    %add3A_515 = arith.constant 3 : i32
    %add3A_516 = vector.broadcast %add3A_515 : i32 to vector<16xi32>
    %add3A_517 = arith.addi %mul3A_514, %add3A_516 : vector<16xi32>
    %swap3A_518 = arith.constant 48 : index
    %swap3A_519 = tpu.vector_load %arg10[%swap3A_518] {strides = array<i32>} : memref<256xi32, #tpu.memory_space<vmem>>, vector<16xi32>,
    %swap3A_520 = vector.shape_cast %swap3A_519 : vector<16xi32> to vector<16xi32>
    %swap3A_521 = vector.shape_cast %add3A_517 : vector<16xi32> to vector<16xi32>
    tpu.vector_store %arg10[%swap3A_518], %swap3A_521 {strides = array<i32>} : memref<256xi32, #tpu.memory_space<vmem>>, vector<16xi32>,
    %mul3A_522 = arith.constant 16 : i32
    %mul3A_523 = vector.broadcast %mul3A_522 : i32 to vector<16xi32>
    %mul3A_524 = arith.muli %get3A_481, %mul3A_523 : vector<16xi32>
    %add3A_525 = arith.constant 4 : i32
    %add3A_526 = vector.broadcast %add3A_525 : i32 to vector<16xi32>
    %add3A_527 = arith.addi %mul3A_524, %add3A_526 : vector<16xi32>
    %swap3A_528 = arith.constant 64 : index
    %swap3A_529 = tpu.vector_load %arg10[%swap3A_528] {strides = array<i32>} : memref<256xi32, #tpu.memory_space<vmem>>, vector<16xi32>,
    %swap3A_530 = vector.shape_cast %swap3A_529 : vector<16xi32> to vector<16xi32>
    %swap3A_531 = vector.shape_cast %add3A_527 : vector<16xi32> to vector<16xi32>
    tpu.vector_store %arg10[%swap3A_528], %swap3A_531 {strides = array<i32>} : memref<256xi32, #tpu.memory_space<vmem>>, vector<16xi32>,
    %mul3A_532 = arith.constant 16 : i32
    %mul3A_533 = vector.broadcast %mul3A_532 : i32 to vector<16xi32>
    %mul3A_534 = arith.muli %get3A_481, %mul3A_533 : vector<16xi32>
    %add3A_535 = arith.constant 5 : i32
    %add3A_536 = vector.broadcast %add3A_535 : i32 to vector<16xi32>
    %add3A_537 = arith.addi %mul3A_534, %add3A_536 : vector<16xi32>
    %swap3A_538 = arith.constant 80 : index
    %swap3A_539 = tpu.vector_load %arg10[%swap3A_538] {strides = array<i32>} : memref<256xi32, #tpu.memory_space<vmem>>, vector<16xi32>,
    %swap3A_540 = vector.shape_cast %swap3A_539 : vector<16xi32> to vector<16xi32>
    %swap3A_541 = vector.shape_cast %add3A_537 : vector<16xi32> to vector<16xi32>
    tpu.vector_store %arg10[%swap3A_538], %swap3A_541 {strides = array<i32>} : memref<256xi32, #tpu.memory_space<vmem>>, vector<16xi32>,
    %mul3A_542 = arith.constant 16 : i32
    %mul3A_543 = vector.broadcast %mul3A_542 : i32 to vector<16xi32>
    %mul3A_544 = arith.muli %get3A_481, %mul3A_543 : vector<16xi32>
    %add3A_545 = arith.constant 6 : i32
    %add3A_546 = vector.broadcast %add3A_545 : i32 to vector<16xi32>
    %add3A_547 = arith.addi %mul3A_544, %add3A_546 : vector<16xi32>
    %swap3A_548 = arith.constant 96 : index
    %swap3A_549 = tpu.vector_load %arg10[%swap3A_548] {strides = array<i32>} : memref<256xi32, #tpu.memory_space<vmem>>, vector<16xi32>,
    %swap3A_550 = vector.shape_cast %swap3A_549 : vector<16xi32> to vector<16xi32>
    %swap3A_551 = vector.shape_cast %add3A_547 : vector<16xi32> to vector<16xi32>
    tpu.vector_store %arg10[%swap3A_548], %swap3A_551 {strides = array<i32>} : memref<256xi32, #tpu.memory_space<vmem>>, vector<16xi32>,
    %mul3A_552 = arith.constant 16 : i32
    %mul3A_553 = vector.broadcast %mul3A_552 : i32 to vector<16xi32>
    %mul3A_554 = arith.muli %get3A_481, %mul3A_553 : vector<16xi32>
    %add3A_555 = arith.constant 7 : i32
    %add3A_556 = vector.broadcast %add3A_555 : i32 to vector<16xi32>
    %add3A_557 = arith.addi %mul3A_554, %add3A_556 : vector<16xi32>
    %swap3A_558 = arith.constant 112 : index
    %swap3A_559 = tpu.vector_load %arg10[%swap3A_558] {strides = array<i32>} : memref<256xi32, #tpu.memory_space<vmem>>, vector<16xi32>,
    %swap3A_560 = vector.shape_cast %swap3A_559 : vector<16xi32> to vector<16xi32>
    %swap3A_561 = vector.shape_cast %add3A_557 : vector<16xi32> to vector<16xi32>
    tpu.vector_store %arg10[%swap3A_558], %swap3A_561 {strides = array<i32>} : memref<256xi32, #tpu.memory_space<vmem>>, vector<16xi32>,
    %mul3A_562 = arith.constant 16 : i32
    %mul3A_563 = vector.broadcast %mul3A_562 : i32 to vector<16xi32>
    %mul3A_564 = arith.muli %get3A_481, %mul3A_563 : vector<16xi32>
    %add3A_565 = arith.constant 8 : i32
    %add3A_566 = vector.broadcast %add3A_565 : i32 to vector<16xi32>
    %add3A_567 = arith.addi %mul3A_564, %add3A_566 : vector<16xi32>
    %swap3A_568 = arith.constant 128 : index
    %swap3A_569 = tpu.vector_load %arg10[%swap3A_568] {strides = array<i32>} : memref<256xi32, #tpu.memory_space<vmem>>, vector<16xi32>,
    %swap3A_570 = vector.shape_cast %swap3A_569 : vector<16xi32> to vector<16xi32>
    %swap3A_571 = vector.shape_cast %add3A_567 : vector<16xi32> to vector<16xi32>
    tpu.vector_store %arg10[%swap3A_568], %swap3A_571 {strides = array<i32>} : memref<256xi32, #tpu.memory_space<vmem>>, vector<16xi32>,
    %mul3A_572 = arith.constant 16 : i32
    %mul3A_573 = vector.broadcast %mul3A_572 : i32 to vector<16xi32>
    %mul3A_574 = arith.muli %get3A_481, %mul3A_573 : vector<16xi32>
    %add3A_575 = arith.constant 9 : i32
    %add3A_576 = vector.broadcast %add3A_575 : i32 to vector<16xi32>
    %add3A_577 = arith.addi %mul3A_574, %add3A_576 : vector<16xi32>
    %swap3A_578 = arith.constant 144 : index
    %swap3A_579 = tpu.vector_load %arg10[%swap3A_578] {strides = array<i32>} : memref<256xi32, #tpu.memory_space<vmem>>, vector<16xi32>,
    %swap3A_580 = vector.shape_cast %swap3A_579 : vector<16xi32> to vector<16xi32>
    %swap3A_581 = vector.shape_cast %add3A_577 : vector<16xi32> to vector<16xi32>
    tpu.vector_store %arg10[%swap3A_578], %swap3A_581 {strides = array<i32>} : memref<256xi32, #tpu.memory_space<vmem>>, vector<16xi32>,
    %mul3A_582 = arith.constant 16 : i32
    %mul3A_583 = vector.broadcast %mul3A_582 : i32 to vector<16xi32>
    %mul3A_584 = arith.muli %get3A_481, %mul3A_583 : vector<16xi32>
    %add3A_585 = arith.constant 10 : i32
    %add3A_586 = vector.broadcast %add3A_585 : i32 to vector<16xi32>
    %add3A_587 = arith.addi %mul3A_584, %add3A_586 : vector<16xi32>
    %swap3A_588 = arith.constant 160 : index
    %swap3A_589 = tpu.vector_load %arg10[%swap3A_588] {strides = array<i32>} : memref<256xi32, #tpu.memory_space<vmem>>, vector<16xi32>,
    %swap3A_590 = vector.shape_cast %swap3A_589 : vector<16xi32> to vector<16xi32>
    %swap3A_591 = vector.shape_cast %add3A_587 : vector<16xi32> to vector<16xi32>
    tpu.vector_store %arg10[%swap3A_588], %swap3A_591 {strides = array<i32>} : memref<256xi32, #tpu.memory_space<vmem>>, vector<16xi32>,
    %mul3A_592 = arith.constant 16 : i32
    %mul3A_593 = vector.broadcast %mul3A_592 : i32 to vector<16xi32>
    %mul3A_594 = arith.muli %get3A_481, %mul3A_593 : vector<16xi32>
    %add3A_595 = arith.constant 11 : i32
    %add3A_596 = vector.broadcast %add3A_595 : i32 to vector<16xi32>
    %add3A_597 = arith.addi %mul3A_594, %add3A_596 : vector<16xi32>
    %swap3A_598 = arith.constant 176 : index
    %swap3A_599 = tpu.vector_load %arg10[%swap3A_598] {strides = array<i32>} : memref<256xi32, #tpu.memory_space<vmem>>, vector<16xi32>,
    %swap3A_600 = vector.shape_cast %swap3A_599 : vector<16xi32> to vector<16xi32>
    %swap3A_601 = vector.shape_cast %add3A_597 : vector<16xi32> to vector<16xi32>
    tpu.vector_store %arg10[%swap3A_598], %swap3A_601 {strides = array<i32>} : memref<256xi32, #tpu.memory_space<vmem>>, vector<16xi32>,
    %mul3A_602 = arith.constant 16 : i32
    %mul3A_603 = vector.broadcast %mul3A_602 : i32 to vector<16xi32>
    %mul3A_604 = arith.muli %get3A_481, %mul3A_603 : vector<16xi32>
    %add3A_605 = arith.constant 12 : i32
    %add3A_606 = vector.broadcast %add3A_605 : i32 to vector<16xi32>
    %add3A_607 = arith.addi %mul3A_604, %add3A_606 : vector<16xi32>
    %swap3A_608 = arith.constant 192 : index
    %swap3A_609 = tpu.vector_load %arg10[%swap3A_608] {strides = array<i32>} : memref<256xi32, #tpu.memory_space<vmem>>, vector<16xi32>,
    %swap3A_610 = vector.shape_cast %swap3A_609 : vector<16xi32> to vector<16xi32>
    %swap3A_611 = vector.shape_cast %add3A_607 : vector<16xi32> to vector<16xi32>
    tpu.vector_store %arg10[%swap3A_608], %swap3A_611 {strides = array<i32>} : memref<256xi32, #tpu.memory_space<vmem>>, vector<16xi32>,
    %mul3A_612 = arith.constant 16 : i32
    %mul3A_613 = vector.broadcast %mul3A_612 : i32 to vector<16xi32>
    %mul3A_614 = arith.muli %get3A_481, %mul3A_613 : vector<16xi32>
    %add3A_615 = arith.constant 13 : i32
    %add3A_616 = vector.broadcast %add3A_615 : i32 to vector<16xi32>
    %add3A_617 = arith.addi %mul3A_614, %add3A_616 : vector<16xi32>
    %swap3A_618 = arith.constant 208 : index
    %swap3A_619 = tpu.vector_load %arg10[%swap3A_618] {strides = array<i32>} : memref<256xi32, #tpu.memory_space<vmem>>, vector<16xi32>,
    %swap3A_620 = vector.shape_cast %swap3A_619 : vector<16xi32> to vector<16xi32>
    %swap3A_621 = vector.shape_cast %add3A_617 : vector<16xi32> to vector<16xi32>
    tpu.vector_store %arg10[%swap3A_618], %swap3A_621 {strides = array<i32>} : memref<256xi32, #tpu.memory_space<vmem>>, vector<16xi32>,
    %mul3A_622 = arith.constant 16 : i32
    %mul3A_623 = vector.broadcast %mul3A_622 : i32 to vector<16xi32>
    %mul3A_624 = arith.muli %get3A_481, %mul3A_623 : vector<16xi32>
    %add3A_625 = arith.constant 14 : i32
    %add3A_626 = vector.broadcast %add3A_625 : i32 to vector<16xi32>
    %add3A_627 = arith.addi %mul3A_624, %add3A_626 : vector<16xi32>
    %swap3A_628 = arith.constant 224 : index
    %swap3A_629 = tpu.vector_load %arg10[%swap3A_628] {strides = array<i32>} : memref<256xi32, #tpu.memory_space<vmem>>, vector<16xi32>,
    %swap3A_630 = vector.shape_cast %swap3A_629 : vector<16xi32> to vector<16xi32>
    %swap3A_631 = vector.shape_cast %add3A_627 : vector<16xi32> to vector<16xi32>
    tpu.vector_store %arg10[%swap3A_628], %swap3A_631 {strides = array<i32>} : memref<256xi32, #tpu.memory_space<vmem>>, vector<16xi32>,
    %mul3A_632 = arith.constant 16 : i32
    %mul3A_633 = vector.broadcast %mul3A_632 : i32 to vector<16xi32>
    %mul3A_634 = arith.muli %get3A_481, %mul3A_633 : vector<16xi32>
    %add3A_635 = arith.constant 15 : i32
    %add3A_636 = vector.broadcast %add3A_635 : i32 to vector<16xi32>
    %add3A_637 = arith.addi %mul3A_634, %add3A_636 : vector<16xi32>
    %swap3A_638 = arith.constant 240 : index
    %swap3A_639 = tpu.vector_load %arg10[%swap3A_638] {strides = array<i32>} : memref<256xi32, #tpu.memory_space<vmem>>, vector<16xi32>,
    %swap3A_640 = vector.shape_cast %swap3A_639 : vector<16xi32> to vector<16xi32>
    %swap3A_641 = vector.shape_cast %add3A_637 : vector<16xi32> to vector<16xi32>
    tpu.vector_store %arg10[%swap3A_638], %swap3A_641 {strides = array<i32>} : memref<256xi32, #tpu.memory_space<vmem>>, vector<16xi32>,
    %dma_start3A = arith.constant 0 : i32
    %dma_start3A_642 = tpu.memref_slice %arg12[%dma_start3A] : memref<256xi32, #tpu.memory_space<vmem>> -> memref<128xi32, #tpu.memory_space<vmem>>
    %dma_start3A_643 = arith.constant 0 : i32
    %dma_start3A_644 = tpu.memref_slice %arg10[%dma_start3A_643] : memref<256xi32, #tpu.memory_space<vmem>> -> memref<128xi32, #tpu.memory_space<vmem>>
    %dma_start3A_645 = arith.constant 0 : i32
    %dma_start3A_646 = tpu.memref_slice %arg3[%dma_start3A_645] : memref<1600000xi32, #tpu.memory_space<hbm>> -> memref<1600000xi32, #tpu.memory_space<hbm>>
    tpu.enqueue_indirect_dma source(%dma_start3A_646 : memref<1600000xi32, #tpu.memory_space<hbm>>) target(%dma_start3A_642 : memref<128xi32, #tpu.memory_space<vmem>>) offsets(%dma_start3A_644 : memref<128xi32, #tpu.memory_space<vmem>>) semaphore(%arg20 : memref<!tpu.dma_semaphore, #tpu.memory_space<semaphore_mem>>)
    %dma_start3A_647 = arith.constant 128 : i32
    %dma_start3A_648 = tpu.memref_slice %arg12[%dma_start3A_647] : memref<256xi32, #tpu.memory_space<vmem>> -> memref<128xi32, #tpu.memory_space<vmem>>
    %dma_start3A_649 = arith.constant 128 : i32
    %dma_start3A_650 = tpu.memref_slice %arg10[%dma_start3A_649] : memref<256xi32, #tpu.memory_space<vmem>> -> memref<128xi32, #tpu.memory_space<vmem>>
    %dma_start3A_651 = arith.constant 0 : i32
    %dma_start3A_652 = tpu.memref_slice %arg3[%dma_start3A_651] : memref<1600000xi32, #tpu.memory_space<hbm>> -> memref<1600000xi32, #tpu.memory_space<hbm>>
    tpu.enqueue_indirect_dma source(%dma_start3A_652 : memref<1600000xi32, #tpu.memory_space<hbm>>) target(%dma_start3A_648 : memref<128xi32, #tpu.memory_space<vmem>>) offsets(%dma_start3A_650 : memref<128xi32, #tpu.memory_space<vmem>>) semaphore(%arg20 : memref<!tpu.dma_semaphore, #tpu.memory_space<semaphore_mem>>)
    %dma_wait3A = arith.constant 0 : i32
    %dma_wait3A_653 = tpu.memref_slice %arg3[%dma_wait3A] : memref<1600000xi32, #tpu.memory_space<hbm>> -> memref<256xi32, #tpu.memory_space<hbm>>
    %dma_wait3A_654 = arith.constant 0 : i32
    %dma_wait3A_655 = tpu.memref_slice %arg3[%dma_wait3A_654] : memref<1600000xi32, #tpu.memory_space<hbm>> -> memref<256xi32, #tpu.memory_space<hbm>>
    tpu.wait_dma2 semaphore(%arg20 : memref<!tpu.dma_semaphore, #tpu.memory_space<semaphore_mem>>) src(%dma_wait3A_655 : memref<256xi32, #tpu.memory_space<hbm>>) dst(%arg12 : memref<256xi32, #tpu.memory_space<vmem>>)
    %get3A_656 = arith.constant 0 : index
    %get3A_657 = tpu.vector_load %arg7[%get3A_656] {strides = array<i32>} : memref<32xi32, #tpu.memory_space<vmem>>, vector<16xi32>,
    %get3A_658 = vector.shape_cast %get3A_657 : vector<16xi32> to vector<16xi32>
    %dma_start3A_659 = arith.constant 0 : i32
    %dma_start3A_660 = arith.constant 0 : i32
    %dma_start3A_661 = tpu.memref_slice %arg4[%dma_start3A_659, %dma_start3A_660] : memref<100000x128xf32, #tpu.memory_space<hbm>> -> memref<100000x128xf32, #tpu.memory_space<hbm>>
    tpu.enqueue_indirect_dma source(%dma_start3A_661 : memref<100000x128xf32, #tpu.memory_space<hbm>>) target(%arg14 : memref<16x128xf32, #tpu.memory_space<vmem>>) offsets(%get3A_658 : vector<16xi32>) semaphore(%arg22 : memref<!tpu.dma_semaphore, #tpu.memory_space<semaphore_mem>>)
    %dma_start3A_662 = arith.constant 0 : i32
    %dma_start3A_663 = arith.constant 0 : i32
    %dma_start3A_664 = tpu.memref_slice %arg16[%dma_start3A_662, %dma_start3A_663] : memref<256x128xf32, #tpu.memory_space<vmem>> -> memref<128x128xf32, #tpu.memory_space<vmem>>
    %dma_start3A_665 = arith.constant 0 : i32
    %dma_start3A_666 = tpu.memref_slice %arg12[%dma_start3A_665] : memref<256xi32, #tpu.memory_space<vmem>> -> memref<128xi32, #tpu.memory_space<vmem>>
    %dma_start3A_667 = arith.constant 0 : i32
    %dma_start3A_668 = arith.constant 0 : i32
    %dma_start3A_669 = tpu.memref_slice %arg4[%dma_start3A_667, %dma_start3A_668] : memref<100000x128xf32, #tpu.memory_space<hbm>> -> memref<100000x128xf32, #tpu.memory_space<hbm>>
    tpu.enqueue_indirect_dma source(%dma_start3A_669 : memref<100000x128xf32, #tpu.memory_space<hbm>>) target(%dma_start3A_664 : memref<128x128xf32, #tpu.memory_space<vmem>>) offsets(%dma_start3A_666 : memref<128xi32, #tpu.memory_space<vmem>>) semaphore(%arg22 : memref<!tpu.dma_semaphore, #tpu.memory_space<semaphore_mem>>)
    %dma_start3A_670 = arith.constant 128 : i32
    %dma_start3A_671 = arith.constant 0 : i32
    %dma_start3A_672 = tpu.memref_slice %arg16[%dma_start3A_670, %dma_start3A_671] : memref<256x128xf32, #tpu.memory_space<vmem>> -> memref<128x128xf32, #tpu.memory_space<vmem>>
    %dma_start3A_673 = arith.constant 128 : i32
    %dma_start3A_674 = tpu.memref_slice %arg12[%dma_start3A_673] : memref<256xi32, #tpu.memory_space<vmem>> -> memref<128xi32, #tpu.memory_space<vmem>>
    %dma_start3A_675 = arith.constant 0 : i32
    %dma_start3A_676 = arith.constant 0 : i32
    %dma_start3A_677 = tpu.memref_slice %arg4[%dma_start3A_675, %dma_start3A_676] : memref<100000x128xf32, #tpu.memory_space<hbm>> -> memref<100000x128xf32, #tpu.memory_space<hbm>>
    tpu.enqueue_indirect_dma source(%dma_start3A_677 : memref<100000x128xf32, #tpu.memory_space<hbm>>) target(%dma_start3A_672 : memref<128x128xf32, #tpu.memory_space<vmem>>) offsets(%dma_start3A_674 : memref<128xi32, #tpu.memory_space<vmem>>) semaphore(%arg22 : memref<!tpu.dma_semaphore, #tpu.memory_space<semaphore_mem>>)
    %get3A_678 = arith.constant 16 : index
    %get3A_679 = tpu.vector_load %arg7[%get3A_678] {strides = array<i32>} : memref<32xi32, #tpu.memory_space<vmem>>, vector<16xi32>,
    %get3A_680 = vector.shape_cast %get3A_679 : vector<16xi32> to vector<16xi32>
    %mul3A_681 = arith.constant 16 : i32
    %mul3A_682 = vector.broadcast %mul3A_681 : i32 to vector<16xi32>
    %mul3A_683 = arith.muli %get3A_680, %mul3A_682 : vector<16xi32>
    %add3A_684 = arith.constant 0 : i32
    %add3A_685 = vector.broadcast %add3A_684 : i32 to vector<16xi32>
    %add3A_686 = arith.addi %mul3A_683, %add3A_685 : vector<16xi32>
    %swap3A_687 = arith.constant 0 : index
    %swap3A_688 = tpu.vector_load %arg11[%swap3A_687] {strides = array<i32>} : memref<256xi32, #tpu.memory_space<vmem>>, vector<16xi32>,
    %swap3A_689 = vector.shape_cast %swap3A_688 : vector<16xi32> to vector<16xi32>
    %swap3A_690 = vector.shape_cast %add3A_686 : vector<16xi32> to vector<16xi32>
    tpu.vector_store %arg11[%swap3A_687], %swap3A_690 {strides = array<i32>} : memref<256xi32, #tpu.memory_space<vmem>>, vector<16xi32>,
    %mul3A_691 = arith.constant 16 : i32
    %mul3A_692 = vector.broadcast %mul3A_691 : i32 to vector<16xi32>
    %mul3A_693 = arith.muli %get3A_680, %mul3A_692 : vector<16xi32>
    %add3A_694 = arith.constant 1 : i32
    %add3A_695 = vector.broadcast %add3A_694 : i32 to vector<16xi32>
    %add3A_696 = arith.addi %mul3A_693, %add3A_695 : vector<16xi32>
    %swap3A_697 = arith.constant 16 : index
    %swap3A_698 = tpu.vector_load %arg11[%swap3A_697] {strides = array<i32>} : memref<256xi32, #tpu.memory_space<vmem>>, vector<16xi32>,
    %swap3A_699 = vector.shape_cast %swap3A_698 : vector<16xi32> to vector<16xi32>
    %swap3A_700 = vector.shape_cast %add3A_696 : vector<16xi32> to vector<16xi32>
    tpu.vector_store %arg11[%swap3A_697], %swap3A_700 {strides = array<i32>} : memref<256xi32, #tpu.memory_space<vmem>>, vector<16xi32>,
    %mul3A_701 = arith.constant 16 : i32
    %mul3A_702 = vector.broadcast %mul3A_701 : i32 to vector<16xi32>
    %mul3A_703 = arith.muli %get3A_680, %mul3A_702 : vector<16xi32>
    %add3A_704 = arith.constant 2 : i32
    %add3A_705 = vector.broadcast %add3A_704 : i32 to vector<16xi32>
    %add3A_706 = arith.addi %mul3A_703, %add3A_705 : vector<16xi32>
    %swap3A_707 = arith.constant 32 : index
    %swap3A_708 = tpu.vector_load %arg11[%swap3A_707] {strides = array<i32>} : memref<256xi32, #tpu.memory_space<vmem>>, vector<16xi32>,
    %swap3A_709 = vector.shape_cast %swap3A_708 : vector<16xi32> to vector<16xi32>
    %swap3A_710 = vector.shape_cast %add3A_706 : vector<16xi32> to vector<16xi32>
    tpu.vector_store %arg11[%swap3A_707], %swap3A_710 {strides = array<i32>} : memref<256xi32, #tpu.memory_space<vmem>>, vector<16xi32>,
    %mul3A_711 = arith.constant 16 : i32
    %mul3A_712 = vector.broadcast %mul3A_711 : i32 to vector<16xi32>
    %mul3A_713 = arith.muli %get3A_680, %mul3A_712 : vector<16xi32>
    %add3A_714 = arith.constant 3 : i32
    %add3A_715 = vector.broadcast %add3A_714 : i32 to vector<16xi32>
    %add3A_716 = arith.addi %mul3A_713, %add3A_715 : vector<16xi32>
    %swap3A_717 = arith.constant 48 : index
    %swap3A_718 = tpu.vector_load %arg11[%swap3A_717] {strides = array<i32>} : memref<256xi32, #tpu.memory_space<vmem>>, vector<16xi32>,
    %swap3A_719 = vector.shape_cast %swap3A_718 : vector<16xi32> to vector<16xi32>
    %swap3A_720 = vector.shape_cast %add3A_716 : vector<16xi32> to vector<16xi32>
    tpu.vector_store %arg11[%swap3A_717], %swap3A_720 {strides = array<i32>} : memref<256xi32, #tpu.memory_space<vmem>>, vector<16xi32>,
    %mul3A_721 = arith.constant 16 : i32
    %mul3A_722 = vector.broadcast %mul3A_721 : i32 to vector<16xi32>
    %mul3A_723 = arith.muli %get3A_680, %mul3A_722 : vector<16xi32>
    %add3A_724 = arith.constant 4 : i32
    %add3A_725 = vector.broadcast %add3A_724 : i32 to vector<16xi32>
    %add3A_726 = arith.addi %mul3A_723, %add3A_725 : vector<16xi32>
    %swap3A_727 = arith.constant 64 : index
    %swap3A_728 = tpu.vector_load %arg11[%swap3A_727] {strides = array<i32>} : memref<256xi32, #tpu.memory_space<vmem>>, vector<16xi32>,
    %swap3A_729 = vector.shape_cast %swap3A_728 : vector<16xi32> to vector<16xi32>
    %swap3A_730 = vector.shape_cast %add3A_726 : vector<16xi32> to vector<16xi32>
    tpu.vector_store %arg11[%swap3A_727], %swap3A_730 {strides = array<i32>} : memref<256xi32, #tpu.memory_space<vmem>>, vector<16xi32>,
    %mul3A_731 = arith.constant 16 : i32
    %mul3A_732 = vector.broadcast %mul3A_731 : i32 to vector<16xi32>
    %mul3A_733 = arith.muli %get3A_680, %mul3A_732 : vector<16xi32>
    %add3A_734 = arith.constant 5 : i32
    %add3A_735 = vector.broadcast %add3A_734 : i32 to vector<16xi32>
    %add3A_736 = arith.addi %mul3A_733, %add3A_735 : vector<16xi32>
    %swap3A_737 = arith.constant 80 : index
    %swap3A_738 = tpu.vector_load %arg11[%swap3A_737] {strides = array<i32>} : memref<256xi32, #tpu.memory_space<vmem>>, vector<16xi32>,
    %swap3A_739 = vector.shape_cast %swap3A_738 : vector<16xi32> to vector<16xi32>
    %swap3A_740 = vector.shape_cast %add3A_736 : vector<16xi32> to vector<16xi32>
    tpu.vector_store %arg11[%swap3A_737], %swap3A_740 {strides = array<i32>} : memref<256xi32, #tpu.memory_space<vmem>>, vector<16xi32>,
    %mul3A_741 = arith.constant 16 : i32
    %mul3A_742 = vector.broadcast %mul3A_741 : i32 to vector<16xi32>
    %mul3A_743 = arith.muli %get3A_680, %mul3A_742 : vector<16xi32>
    %add3A_744 = arith.constant 6 : i32
    %add3A_745 = vector.broadcast %add3A_744 : i32 to vector<16xi32>
    %add3A_746 = arith.addi %mul3A_743, %add3A_745 : vector<16xi32>
    %swap3A_747 = arith.constant 96 : index
    %swap3A_748 = tpu.vector_load %arg11[%swap3A_747] {strides = array<i32>} : memref<256xi32, #tpu.memory_space<vmem>>, vector<16xi32>,
    %swap3A_749 = vector.shape_cast %swap3A_748 : vector<16xi32> to vector<16xi32>
    %swap3A_750 = vector.shape_cast %add3A_746 : vector<16xi32> to vector<16xi32>
    tpu.vector_store %arg11[%swap3A_747], %swap3A_750 {strides = array<i32>} : memref<256xi32, #tpu.memory_space<vmem>>, vector<16xi32>,
    %mul3A_751 = arith.constant 16 : i32
    %mul3A_752 = vector.broadcast %mul3A_751 : i32 to vector<16xi32>
    %mul3A_753 = arith.muli %get3A_680, %mul3A_752 : vector<16xi32>
    %add3A_754 = arith.constant 7 : i32
    %add3A_755 = vector.broadcast %add3A_754 : i32 to vector<16xi32>
    %add3A_756 = arith.addi %mul3A_753, %add3A_755 : vector<16xi32>
    %swap3A_757 = arith.constant 112 : index
    %swap3A_758 = tpu.vector_load %arg11[%swap3A_757] {strides = array<i32>} : memref<256xi32, #tpu.memory_space<vmem>>, vector<16xi32>,
    %swap3A_759 = vector.shape_cast %swap3A_758 : vector<16xi32> to vector<16xi32>
    %swap3A_760 = vector.shape_cast %add3A_756 : vector<16xi32> to vector<16xi32>
    tpu.vector_store %arg11[%swap3A_757], %swap3A_760 {strides = array<i32>} : memref<256xi32, #tpu.memory_space<vmem>>, vector<16xi32>,
    %mul3A_761 = arith.constant 16 : i32
    %mul3A_762 = vector.broadcast %mul3A_761 : i32 to vector<16xi32>
    %mul3A_763 = arith.muli %get3A_680, %mul3A_762 : vector<16xi32>
    %add3A_764 = arith.constant 8 : i32
    %add3A_765 = vector.broadcast %add3A_764 : i32 to vector<16xi32>
    %add3A_766 = arith.addi %mul3A_763, %add3A_765 : vector<16xi32>
    %swap3A_767 = arith.constant 128 : index
    %swap3A_768 = tpu.vector_load %arg11[%swap3A_767] {strides = array<i32>} : memref<256xi32, #tpu.memory_space<vmem>>, vector<16xi32>,
    %swap3A_769 = vector.shape_cast %swap3A_768 : vector<16xi32> to vector<16xi32>
    %swap3A_770 = vector.shape_cast %add3A_766 : vector<16xi32> to vector<16xi32>
    tpu.vector_store %arg11[%swap3A_767], %swap3A_770 {strides = array<i32>} : memref<256xi32, #tpu.memory_space<vmem>>, vector<16xi32>,
    %mul3A_771 = arith.constant 16 : i32
    %mul3A_772 = vector.broadcast %mul3A_771 : i32 to vector<16xi32>
    %mul3A_773 = arith.muli %get3A_680, %mul3A_772 : vector<16xi32>
    %add3A_774 = arith.constant 9 : i32
    %add3A_775 = vector.broadcast %add3A_774 : i32 to vector<16xi32>
    %add3A_776 = arith.addi %mul3A_773, %add3A_775 : vector<16xi32>
    %swap3A_777 = arith.constant 144 : index
    %swap3A_778 = tpu.vector_load %arg11[%swap3A_777] {strides = array<i32>} : memref<256xi32, #tpu.memory_space<vmem>>, vector<16xi32>,
    %swap3A_779 = vector.shape_cast %swap3A_778 : vector<16xi32> to vector<16xi32>
    %swap3A_780 = vector.shape_cast %add3A_776 : vector<16xi32> to vector<16xi32>
    tpu.vector_store %arg11[%swap3A_777], %swap3A_780 {strides = array<i32>} : memref<256xi32, #tpu.memory_space<vmem>>, vector<16xi32>,
    %mul3A_781 = arith.constant 16 : i32
    %mul3A_782 = vector.broadcast %mul3A_781 : i32 to vector<16xi32>
    %mul3A_783 = arith.muli %get3A_680, %mul3A_782 : vector<16xi32>
    %add3A_784 = arith.constant 10 : i32
    %add3A_785 = vector.broadcast %add3A_784 : i32 to vector<16xi32>
    %add3A_786 = arith.addi %mul3A_783, %add3A_785 : vector<16xi32>
    %swap3A_787 = arith.constant 160 : index
    %swap3A_788 = tpu.vector_load %arg11[%swap3A_787] {strides = array<i32>} : memref<256xi32, #tpu.memory_space<vmem>>, vector<16xi32>,
    %swap3A_789 = vector.shape_cast %swap3A_788 : vector<16xi32> to vector<16xi32>
    %swap3A_790 = vector.shape_cast %add3A_786 : vector<16xi32> to vector<16xi32>
    tpu.vector_store %arg11[%swap3A_787], %swap3A_790 {strides = array<i32>} : memref<256xi32, #tpu.memory_space<vmem>>, vector<16xi32>,
    %mul3A_791 = arith.constant 16 : i32
    %mul3A_792 = vector.broadcast %mul3A_791 : i32 to vector<16xi32>
    %mul3A_793 = arith.muli %get3A_680, %mul3A_792 : vector<16xi32>
    %add3A_794 = arith.constant 11 : i32
    %add3A_795 = vector.broadcast %add3A_794 : i32 to vector<16xi32>
    %add3A_796 = arith.addi %mul3A_793, %add3A_795 : vector<16xi32>
    %swap3A_797 = arith.constant 176 : index
    %swap3A_798 = tpu.vector_load %arg11[%swap3A_797] {strides = array<i32>} : memref<256xi32, #tpu.memory_space<vmem>>, vector<16xi32>,
    %swap3A_799 = vector.shape_cast %swap3A_798 : vector<16xi32> to vector<16xi32>
    %swap3A_800 = vector.shape_cast %add3A_796 : vector<16xi32> to vector<16xi32>
    tpu.vector_store %arg11[%swap3A_797], %swap3A_800 {strides = array<i32>} : memref<256xi32, #tpu.memory_space<vmem>>, vector<16xi32>,
    %mul3A_801 = arith.constant 16 : i32
    %mul3A_802 = vector.broadcast %mul3A_801 : i32 to vector<16xi32>
    %mul3A_803 = arith.muli %get3A_680, %mul3A_802 : vector<16xi32>
    %add3A_804 = arith.constant 12 : i32
    %add3A_805 = vector.broadcast %add3A_804 : i32 to vector<16xi32>
    %add3A_806 = arith.addi %mul3A_803, %add3A_805 : vector<16xi32>
    %swap3A_807 = arith.constant 192 : index
    %swap3A_808 = tpu.vector_load %arg11[%swap3A_807] {strides = array<i32>} : memref<256xi32, #tpu.memory_space<vmem>>, vector<16xi32>,
    %swap3A_809 = vector.shape_cast %swap3A_808 : vector<16xi32> to vector<16xi32>
    %swap3A_810 = vector.shape_cast %add3A_806 : vector<16xi32> to vector<16xi32>
    tpu.vector_store %arg11[%swap3A_807], %swap3A_810 {strides = array<i32>} : memref<256xi32, #tpu.memory_space<vmem>>, vector<16xi32>,
    %mul3A_811 = arith.constant 16 : i32
    %mul3A_812 = vector.broadcast %mul3A_811 : i32 to vector<16xi32>
    %mul3A_813 = arith.muli %get3A_680, %mul3A_812 : vector<16xi32>
    %add3A_814 = arith.constant 13 : i32
    %add3A_815 = vector.broadcast %add3A_814 : i32 to vector<16xi32>
    %add3A_816 = arith.addi %mul3A_813, %add3A_815 : vector<16xi32>
    %swap3A_817 = arith.constant 208 : index
    %swap3A_818 = tpu.vector_load %arg11[%swap3A_817] {strides = array<i32>} : memref<256xi32, #tpu.memory_space<vmem>>, vector<16xi32>,
    %swap3A_819 = vector.shape_cast %swap3A_818 : vector<16xi32> to vector<16xi32>
    %swap3A_820 = vector.shape_cast %add3A_816 : vector<16xi32> to vector<16xi32>
    tpu.vector_store %arg11[%swap3A_817], %swap3A_820 {strides = array<i32>} : memref<256xi32, #tpu.memory_space<vmem>>, vector<16xi32>,
    %mul3A_821 = arith.constant 16 : i32
    %mul3A_822 = vector.broadcast %mul3A_821 : i32 to vector<16xi32>
    %mul3A_823 = arith.muli %get3A_680, %mul3A_822 : vector<16xi32>
    %add3A_824 = arith.constant 14 : i32
    %add3A_825 = vector.broadcast %add3A_824 : i32 to vector<16xi32>
    %add3A_826 = arith.addi %mul3A_823, %add3A_825 : vector<16xi32>
    %swap3A_827 = arith.constant 224 : index
    %swap3A_828 = tpu.vector_load %arg11[%swap3A_827] {strides = array<i32>} : memref<256xi32, #tpu.memory_space<vmem>>, vector<16xi32>,
    %swap3A_829 = vector.shape_cast %swap3A_828 : vector<16xi32> to vector<16xi32>
    %swap3A_830 = vector.shape_cast %add3A_826 : vector<16xi32> to vector<16xi32>
    tpu.vector_store %arg11[%swap3A_827], %swap3A_830 {strides = array<i32>} : memref<256xi32, #tpu.memory_space<vmem>>, vector<16xi32>,
    %mul3A_831 = arith.constant 16 : i32
    %mul3A_832 = vector.broadcast %mul3A_831 : i32 to vector<16xi32>
    %mul3A_833 = arith.muli %get3A_680, %mul3A_832 : vector<16xi32>
    %add3A_834 = arith.constant 15 : i32
    %add3A_835 = vector.broadcast %add3A_834 : i32 to vector<16xi32>
    %add3A_836 = arith.addi %mul3A_833, %add3A_835 : vector<16xi32>
    %swap3A_837 = arith.constant 240 : index
    %swap3A_838 = tpu.vector_load %arg11[%swap3A_837] {strides = array<i32>} : memref<256xi32, #tpu.memory_space<vmem>>, vector<16xi32>,
    %swap3A_839 = vector.shape_cast %swap3A_838 : vector<16xi32> to vector<16xi32>
    %swap3A_840 = vector.shape_cast %add3A_836 : vector<16xi32> to vector<16xi32>
    tpu.vector_store %arg11[%swap3A_837], %swap3A_840 {strides = array<i32>} : memref<256xi32, #tpu.memory_space<vmem>>, vector<16xi32>,
    %dma_start3A_841 = arith.constant 0 : i32
    %dma_start3A_842 = tpu.memref_slice %arg13[%dma_start3A_841] : memref<256xi32, #tpu.memory_space<vmem>> -> memref<128xi32, #tpu.memory_space<vmem>>
    %dma_start3A_843 = arith.constant 0 : i32
    %dma_start3A_844 = tpu.memref_slice %arg11[%dma_start3A_843] : memref<256xi32, #tpu.memory_space<vmem>> -> memref<128xi32, #tpu.memory_space<vmem>>
    %dma_start3A_845 = arith.constant 0 : i32
    %dma_start3A_846 = tpu.memref_slice %arg3[%dma_start3A_845] : memref<1600000xi32, #tpu.memory_space<hbm>> -> memref<1600000xi32, #tpu.memory_space<hbm>>
    tpu.enqueue_indirect_dma source(%dma_start3A_846 : memref<1600000xi32, #tpu.memory_space<hbm>>) target(%dma_start3A_842 : memref<128xi32, #tpu.memory_space<vmem>>) offsets(%dma_start3A_844 : memref<128xi32, #tpu.memory_space<vmem>>) semaphore(%arg21 : memref<!tpu.dma_semaphore, #tpu.memory_space<semaphore_mem>>)
    %dma_start3A_847 = arith.constant 128 : i32
    %dma_start3A_848 = tpu.memref_slice %arg13[%dma_start3A_847] : memref<256xi32, #tpu.memory_space<vmem>> -> memref<128xi32, #tpu.memory_space<vmem>>
    %dma_start3A_849 = arith.constant 128 : i32
    %dma_start3A_850 = tpu.memref_slice %arg11[%dma_start3A_849] : memref<256xi32, #tpu.memory_space<vmem>> -> memref<128xi32, #tpu.memory_space<vmem>>
    %dma_start3A_851 = arith.constant 0 : i32
    %dma_start3A_852 = tpu.memref_slice %arg3[%dma_start3A_851] : memref<1600000xi32, #tpu.memory_space<hbm>> -> memref<1600000xi32, #tpu.memory_space<hbm>>
    tpu.enqueue_indirect_dma source(%dma_start3A_852 : memref<1600000xi32, #tpu.memory_space<hbm>>) target(%dma_start3A_848 : memref<128xi32, #tpu.memory_space<vmem>>) offsets(%dma_start3A_850 : memref<128xi32, #tpu.memory_space<vmem>>) semaphore(%arg21 : memref<!tpu.dma_semaphore, #tpu.memory_space<semaphore_mem>>)
    %dma_wait3A_853 = arith.constant 0 : i32
    %dma_wait3A_854 = tpu.memref_slice %arg3[%dma_wait3A_853] : memref<1600000xi32, #tpu.memory_space<hbm>> -> memref<256xi32, #tpu.memory_space<hbm>>
    %dma_wait3A_855 = arith.constant 0 : i32
    %dma_wait3A_856 = tpu.memref_slice %arg3[%dma_wait3A_855] : memref<1600000xi32, #tpu.memory_space<hbm>> -> memref<256xi32, #tpu.memory_space<hbm>>
    tpu.wait_dma2 semaphore(%arg21 : memref<!tpu.dma_semaphore, #tpu.memory_space<semaphore_mem>>) src(%dma_wait3A_856 : memref<256xi32, #tpu.memory_space<hbm>>) dst(%arg13 : memref<256xi32, #tpu.memory_space<vmem>>)
    %get3A_857 = arith.constant 16 : index
    %get3A_858 = tpu.vector_load %arg7[%get3A_857] {strides = array<i32>} : memref<32xi32, #tpu.memory_space<vmem>>, vector<16xi32>,
    %get3A_859 = vector.shape_cast %get3A_858 : vector<16xi32> to vector<16xi32>
    %dma_start3A_860 = arith.constant 0 : i32
    %dma_start3A_861 = arith.constant 0 : i32
    %dma_start3A_862 = tpu.memref_slice %arg4[%dma_start3A_860, %dma_start3A_861] : memref<100000x128xf32, #tpu.memory_space<hbm>> -> memref<100000x128xf32, #tpu.memory_space<hbm>>
    tpu.enqueue_indirect_dma source(%dma_start3A_862 : memref<100000x128xf32, #tpu.memory_space<hbm>>) target(%arg15 : memref<16x128xf32, #tpu.memory_space<vmem>>) offsets(%get3A_859 : vector<16xi32>) semaphore(%arg23 : memref<!tpu.dma_semaphore, #tpu.memory_space<semaphore_mem>>)
    %dma_start3A_863 = arith.constant 0 : i32
    %dma_start3A_864 = arith.constant 0 : i32
    %dma_start3A_865 = tpu.memref_slice %arg17[%dma_start3A_863, %dma_start3A_864] : memref<256x128xf32, #tpu.memory_space<vmem>> -> memref<128x128xf32, #tpu.memory_space<vmem>>
    %dma_start3A_866 = arith.constant 0 : i32
    %dma_start3A_867 = tpu.memref_slice %arg13[%dma_start3A_866] : memref<256xi32, #tpu.memory_space<vmem>> -> memref<128xi32, #tpu.memory_space<vmem>>
    %dma_start3A_868 = arith.constant 0 : i32
    %dma_start3A_869 = arith.constant 0 : i32
    %dma_start3A_870 = tpu.memref_slice %arg4[%dma_start3A_868, %dma_start3A_869] : memref<100000x128xf32, #tpu.memory_space<hbm>> -> memref<100000x128xf32, #tpu.memory_space<hbm>>
    tpu.enqueue_indirect_dma source(%dma_start3A_870 : memref<100000x128xf32, #tpu.memory_space<hbm>>) target(%dma_start3A_865 : memref<128x128xf32, #tpu.memory_space<vmem>>) offsets(%dma_start3A_867 : memref<128xi32, #tpu.memory_space<vmem>>) semaphore(%arg23 : memref<!tpu.dma_semaphore, #tpu.memory_space<semaphore_mem>>)
    %dma_start3A_871 = arith.constant 128 : i32
    %dma_start3A_872 = arith.constant 0 : i32
    %dma_start3A_873 = tpu.memref_slice %arg17[%dma_start3A_871, %dma_start3A_872] : memref<256x128xf32, #tpu.memory_space<vmem>> -> memref<128x128xf32, #tpu.memory_space<vmem>>
    %dma_start3A_874 = arith.constant 128 : i32
    %dma_start3A_875 = tpu.memref_slice %arg13[%dma_start3A_874] : memref<256xi32, #tpu.memory_space<vmem>> -> memref<128xi32, #tpu.memory_space<vmem>>
    %dma_start3A_876 = arith.constant 0 : i32
    %dma_start3A_877 = arith.constant 0 : i32
    %dma_start3A_878 = tpu.memref_slice %arg4[%dma_start3A_876, %dma_start3A_877] : memref<100000x128xf32, #tpu.memory_space<hbm>> -> memref<100000x128xf32, #tpu.memory_space<hbm>>
    tpu.enqueue_indirect_dma source(%dma_start3A_878 : memref<100000x128xf32, #tpu.memory_space<hbm>>) target(%dma_start3A_873 : memref<128x128xf32, #tpu.memory_space<vmem>>) offsets(%dma_start3A_875 : memref<128xi32, #tpu.memory_space<vmem>>) semaphore(%arg23 : memref<!tpu.dma_semaphore, #tpu.memory_space<semaphore_mem>>)
    %scan3A = arith.constant 0 : i32
    %scan3A_879 = arith.constant 0 : i32
    %scan3A_880 = arith.constant 17 : i32
    %scan3A_881 = arith.addi %scan3A_879, %scan3A_880 : i32
    %scan3A_882 = arith.constant 1 : i32
    scf.for %scan3A_908 = %scan3A_879 to %scan3A_881 step %scan3A_882  : i32 {
      %mul3A_909 = arith.constant 2 : i32
      %mul3A_910 = arith.muli %mul3A_909, %scan3A_908 : i32
      %dma_wait3A_911 = arith.constant 0 : i32
      %dma_wait3A_912 = arith.constant 0 : i32
      %dma_wait3A_913 = tpu.memref_slice %arg4[%dma_wait3A_911, %dma_wait3A_912] : memref<100000x128xf32, #tpu.memory_space<hbm>> -> memref<256x128xf32, #tpu.memory_space<hbm>>
      %dma_wait3A_914 = arith.constant 0 : i32
      %dma_wait3A_915 = arith.constant 0 : i32
      %dma_wait3A_916 = tpu.memref_slice %arg4[%dma_wait3A_914, %dma_wait3A_915] : memref<100000x128xf32, #tpu.memory_space<hbm>> -> memref<256x128xf32, #tpu.memory_space<hbm>>
      tpu.wait_dma2 semaphore(%arg22 : memref<!tpu.dma_semaphore, #tpu.memory_space<semaphore_mem>>) src(%dma_wait3A_916 : memref<256x128xf32, #tpu.memory_space<hbm>>) dst(%arg16 : memref<256x128xf32, #tpu.memory_space<vmem>>)
      %dma_wait3A_917 = arith.constant 0 : i32
      %dma_wait3A_918 = arith.constant 0 : i32
      %dma_wait3A_919 = tpu.memref_slice %arg4[%dma_wait3A_917, %dma_wait3A_918] : memref<100000x128xf32, #tpu.memory_space<hbm>> -> memref<16x128xf32, #tpu.memory_space<hbm>>
      %dma_wait3A_920 = arith.constant 0 : i32
      %dma_wait3A_921 = arith.constant 0 : i32
      %dma_wait3A_922 = tpu.memref_slice %arg4[%dma_wait3A_920, %dma_wait3A_921] : memref<100000x128xf32, #tpu.memory_space<hbm>> -> memref<16x128xf32, #tpu.memory_space<hbm>>
      tpu.wait_dma2 semaphore(%arg22 : memref<!tpu.dma_semaphore, #tpu.memory_space<semaphore_mem>>) src(%dma_wait3A_922 : memref<16x128xf32, #tpu.memory_space<hbm>>) dst(%arg14 : memref<16x128xf32, #tpu.memory_space<vmem>>)
      %scan3A_923 = arith.constant 0 : i32
      %scan3A_924 = arith.constant 0 : i32
      %scan3A_925 = arith.constant 16 : i32
      %scan3A_926 = arith.addi %scan3A_924, %scan3A_925 : i32
      %scan3A_927 = arith.constant 1 : i32
      scf.for %scan3A_1004 = %scan3A_924 to %scan3A_926 step %scan3A_927  : i32 {
        %get3A_1005 = arith.index_cast %scan3A_1004 : i32 to index
        %get3A_1006 = arith.constant 0 : index
        %get3A_1007 = tpu.vector_load %arg16[%get3A_1005, %get3A_1006] {strides = array<i32>} : memref<256x128xf32, #tpu.memory_space<vmem>>, vector<1x16xf32>,
        %get3A_1008 = vector.shape_cast %get3A_1007 : vector<1x16xf32> to vector<16xf32>
        %add3A_1009 = arith.constant 16 : i32
        %add3A_1010 = arith.addi %add3A_1009, %scan3A_1004 : i32
        %get3A_1011 = arith.index_cast %add3A_1010 : i32 to index
        %get3A_1012 = arith.constant 0 : index
        %get3A_1013 = tpu.vector_load %arg16[%get3A_1011, %get3A_1012] {strides = array<i32>} : memref<256x128xf32, #tpu.memory_space<vmem>>, vector<1x16xf32>,
        %get3A_1014 = vector.shape_cast %get3A_1013 : vector<1x16xf32> to vector<16xf32>
        %add3A_1015 = arith.addf %get3A_1008, %get3A_1014 : vector<16xf32>
        %add3A_1016 = arith.constant 32 : i32
        %add3A_1017 = arith.addi %add3A_1016, %scan3A_1004 : i32
        %get3A_1018 = arith.index_cast %add3A_1017 : i32 to index
        %get3A_1019 = arith.constant 0 : index
        %get3A_1020 = tpu.vector_load %arg16[%get3A_1018, %get3A_1019] {strides = array<i32>} : memref<256x128xf32, #tpu.memory_space<vmem>>, vector<1x16xf32>,
        %get3A_1021 = vector.shape_cast %get3A_1020 : vector<1x16xf32> to vector<16xf32>
        %add3A_1022 = arith.addf %add3A_1015, %get3A_1021 : vector<16xf32>
        %add3A_1023 = arith.constant 48 : i32
        %add3A_1024 = arith.addi %add3A_1023, %scan3A_1004 : i32
        %get3A_1025 = arith.index_cast %add3A_1024 : i32 to index
        %get3A_1026 = arith.constant 0 : index
        %get3A_1027 = tpu.vector_load %arg16[%get3A_1025, %get3A_1026] {strides = array<i32>} : memref<256x128xf32, #tpu.memory_space<vmem>>, vector<1x16xf32>,
        %get3A_1028 = vector.shape_cast %get3A_1027 : vector<1x16xf32> to vector<16xf32>
        %add3A_1029 = arith.addf %add3A_1022, %get3A_1028 : vector<16xf32>
        %add3A_1030 = arith.constant 64 : i32
        %add3A_1031 = arith.addi %add3A_1030, %scan3A_1004 : i32
        %get3A_1032 = arith.index_cast %add3A_1031 : i32 to index
        %get3A_1033 = arith.constant 0 : index
        %get3A_1034 = tpu.vector_load %arg16[%get3A_1032, %get3A_1033] {strides = array<i32>} : memref<256x128xf32, #tpu.memory_space<vmem>>, vector<1x16xf32>,
        %get3A_1035 = vector.shape_cast %get3A_1034 : vector<1x16xf32> to vector<16xf32>
        %add3A_1036 = arith.addf %add3A_1029, %get3A_1035 : vector<16xf32>
        %add3A_1037 = arith.constant 80 : i32
        %add3A_1038 = arith.addi %add3A_1037, %scan3A_1004 : i32
        %get3A_1039 = arith.index_cast %add3A_1038 : i32 to index
        %get3A_1040 = arith.constant 0 : index
        %get3A_1041 = tpu.vector_load %arg16[%get3A_1039, %get3A_1040] {strides = array<i32>} : memref<256x128xf32, #tpu.memory_space<vmem>>, vector<1x16xf32>,
        %get3A_1042 = vector.shape_cast %get3A_1041 : vector<1x16xf32> to vector<16xf32>
        %add3A_1043 = arith.addf %add3A_1036, %get3A_1042 : vector<16xf32>
        %add3A_1044 = arith.constant 96 : i32
        %add3A_1045 = arith.addi %add3A_1044, %scan3A_1004 : i32
        %get3A_1046 = arith.index_cast %add3A_1045 : i32 to index
        %get3A_1047 = arith.constant 0 : index
        %get3A_1048 = tpu.vector_load %arg16[%get3A_1046, %get3A_1047] {strides = array<i32>} : memref<256x128xf32, #tpu.memory_space<vmem>>, vector<1x16xf32>,
        %get3A_1049 = vector.shape_cast %get3A_1048 : vector<1x16xf32> to vector<16xf32>
        %add3A_1050 = arith.addf %add3A_1043, %get3A_1049 : vector<16xf32>
        %add3A_1051 = arith.constant 112 : i32
        %add3A_1052 = arith.addi %add3A_1051, %scan3A_1004 : i32
        %get3A_1053 = arith.index_cast %add3A_1052 : i32 to index
        %get3A_1054 = arith.constant 0 : index
        %get3A_1055 = tpu.vector_load %arg16[%get3A_1053, %get3A_1054] {strides = array<i32>} : memref<256x128xf32, #tpu.memory_space<vmem>>, vector<1x16xf32>,
        %get3A_1056 = vector.shape_cast %get3A_1055 : vector<1x16xf32> to vector<16xf32>
        %add3A_1057 = arith.addf %add3A_1050, %get3A_1056 : vector<16xf32>
        %add3A_1058 = arith.constant 128 : i32
        %add3A_1059 = arith.addi %add3A_1058, %scan3A_1004 : i32
        %get3A_1060 = arith.index_cast %add3A_1059 : i32 to index
        %get3A_1061 = arith.constant 0 : index
        %get3A_1062 = tpu.vector_load %arg16[%get3A_1060, %get3A_1061] {strides = array<i32>} : memref<256x128xf32, #tpu.memory_space<vmem>>, vector<1x16xf32>,
        %get3A_1063 = vector.shape_cast %get3A_1062 : vector<1x16xf32> to vector<16xf32>
        %add3A_1064 = arith.addf %add3A_1057, %get3A_1063 : vector<16xf32>
        %add3A_1065 = arith.constant 144 : i32
        %add3A_1066 = arith.addi %add3A_1065, %scan3A_1004 : i32
        %get3A_1067 = arith.index_cast %add3A_1066 : i32 to index
        %get3A_1068 = arith.constant 0 : index
        %get3A_1069 = tpu.vector_load %arg16[%get3A_1067, %get3A_1068] {strides = array<i32>} : memref<256x128xf32, #tpu.memory_space<vmem>>, vector<1x16xf32>,
        %get3A_1070 = vector.shape_cast %get3A_1069 : vector<1x16xf32> to vector<16xf32>
        %add3A_1071 = arith.addf %add3A_1064, %get3A_1070 : vector<16xf32>
        %add3A_1072 = arith.constant 160 : i32
        %add3A_1073 = arith.addi %add3A_1072, %scan3A_1004 : i32
        %get3A_1074 = arith.index_cast %add3A_1073 : i32 to index
        %get3A_1075 = arith.constant 0 : index
        %get3A_1076 = tpu.vector_load %arg16[%get3A_1074, %get3A_1075] {strides = array<i32>} : memref<256x128xf32, #tpu.memory_space<vmem>>, vector<1x16xf32>,
        %get3A_1077 = vector.shape_cast %get3A_1076 : vector<1x16xf32> to vector<16xf32>
        %add3A_1078 = arith.addf %add3A_1071, %get3A_1077 : vector<16xf32>
        %add3A_1079 = arith.constant 176 : i32
        %add3A_1080 = arith.addi %add3A_1079, %scan3A_1004 : i32
        %get3A_1081 = arith.index_cast %add3A_1080 : i32 to index
        %get3A_1082 = arith.constant 0 : index
        %get3A_1083 = tpu.vector_load %arg16[%get3A_1081, %get3A_1082] {strides = array<i32>} : memref<256x128xf32, #tpu.memory_space<vmem>>, vector<1x16xf32>,
        %get3A_1084 = vector.shape_cast %get3A_1083 : vector<1x16xf32> to vector<16xf32>
        %add3A_1085 = arith.addf %add3A_1078, %get3A_1084 : vector<16xf32>
        %add3A_1086 = arith.constant 192 : i32
        %add3A_1087 = arith.addi %add3A_1086, %scan3A_1004 : i32
        %get3A_1088 = arith.index_cast %add3A_1087 : i32 to index
        %get3A_1089 = arith.constant 0 : index
        %get3A_1090 = tpu.vector_load %arg16[%get3A_1088, %get3A_1089] {strides = array<i32>} : memref<256x128xf32, #tpu.memory_space<vmem>>, vector<1x16xf32>,
        %get3A_1091 = vector.shape_cast %get3A_1090 : vector<1x16xf32> to vector<16xf32>
        %add3A_1092 = arith.addf %add3A_1085, %get3A_1091 : vector<16xf32>
        %add3A_1093 = arith.constant 208 : i32
        %add3A_1094 = arith.addi %add3A_1093, %scan3A_1004 : i32
        %get3A_1095 = arith.index_cast %add3A_1094 : i32 to index
        %get3A_1096 = arith.constant 0 : index
        %get3A_1097 = tpu.vector_load %arg16[%get3A_1095, %get3A_1096] {strides = array<i32>} : memref<256x128xf32, #tpu.memory_space<vmem>>, vector<1x16xf32>,
        %get3A_1098 = vector.shape_cast %get3A_1097 : vector<1x16xf32> to vector<16xf32>
        %add3A_1099 = arith.addf %add3A_1092, %get3A_1098 : vector<16xf32>
        %add3A_1100 = arith.constant 224 : i32
        %add3A_1101 = arith.addi %add3A_1100, %scan3A_1004 : i32
        %get3A_1102 = arith.index_cast %add3A_1101 : i32 to index
        %get3A_1103 = arith.constant 0 : index
        %get3A_1104 = tpu.vector_load %arg16[%get3A_1102, %get3A_1103] {strides = array<i32>} : memref<256x128xf32, #tpu.memory_space<vmem>>, vector<1x16xf32>,
        %get3A_1105 = vector.shape_cast %get3A_1104 : vector<1x16xf32> to vector<16xf32>
        %add3A_1106 = arith.addf %add3A_1099, %get3A_1105 : vector<16xf32>
        %add3A_1107 = arith.constant 240 : i32
        %add3A_1108 = arith.addi %add3A_1107, %scan3A_1004 : i32
        %get3A_1109 = arith.index_cast %add3A_1108 : i32 to index
        %get3A_1110 = arith.constant 0 : index
        %get3A_1111 = tpu.vector_load %arg16[%get3A_1109, %get3A_1110] {strides = array<i32>} : memref<256x128xf32, #tpu.memory_space<vmem>>, vector<1x16xf32>,
        %get3A_1112 = vector.shape_cast %get3A_1111 : vector<1x16xf32> to vector<16xf32>
        %add3A_1113 = arith.addf %add3A_1106, %get3A_1112 : vector<16xf32>
        %mul3A_1114 = arith.constant 6.250000e-02 : f32
        %mul3A_1115 = vector.broadcast %mul3A_1114 : f32 to vector<16xf32>
        %mul3A_1116 = arith.mulf %add3A_1113, %mul3A_1115 : vector<16xf32>
        %swap3A_1117 = arith.index_cast %scan3A_1004 : i32 to index
        %swap3A_1118 = arith.constant 0 : index
        %swap3A_1119 = tpu.vector_load %arg18[%swap3A_1117, %swap3A_1118] {strides = array<i32>} : memref<16x128xf32, #tpu.memory_space<vmem>>, vector<1x16xf32>,
        %swap3A_1120 = vector.shape_cast %swap3A_1119 : vector<1x16xf32> to vector<16xf32>
        %swap3A_1121 = vector.shape_cast %mul3A_1116 : vector<16xf32> to vector<1x16xf32>
        tpu.vector_store %arg18[%swap3A_1117, %swap3A_1118], %swap3A_1121 {strides = array<i32>} : memref<16x128xf32, #tpu.memory_space<vmem>>, vector<1x16xf32>,
        %get3A_1122 = arith.index_cast %scan3A_1004 : i32 to index
        %get3A_1123 = arith.constant 16 : index
        %get3A_1124 = tpu.vector_load %arg16[%get3A_1122, %get3A_1123] {strides = array<i32>} : memref<256x128xf32, #tpu.memory_space<vmem>>, vector<1x16xf32>,
        %get3A_1125 = vector.shape_cast %get3A_1124 : vector<1x16xf32> to vector<16xf32>
        %add3A_1126 = arith.constant 16 : i32
        %add3A_1127 = arith.addi %add3A_1126, %scan3A_1004 : i32
        %get3A_1128 = arith.index_cast %add3A_1127 : i32 to index
        %get3A_1129 = arith.constant 16 : index
        %get3A_1130 = tpu.vector_load %arg16[%get3A_1128, %get3A_1129] {strides = array<i32>} : memref<256x128xf32, #tpu.memory_space<vmem>>, vector<1x16xf32>,
        %get3A_1131 = vector.shape_cast %get3A_1130 : vector<1x16xf32> to vector<16xf32>
        %add3A_1132 = arith.addf %get3A_1125, %get3A_1131 : vector<16xf32>
        %add3A_1133 = arith.constant 32 : i32
        %add3A_1134 = arith.addi %add3A_1133, %scan3A_1004 : i32
        %get3A_1135 = arith.index_cast %add3A_1134 : i32 to index
        %get3A_1136 = arith.constant 16 : index
        %get3A_1137 = tpu.vector_load %arg16[%get3A_1135, %get3A_1136] {strides = array<i32>} : memref<256x128xf32, #tpu.memory_space<vmem>>, vector<1x16xf32>,
        %get3A_1138 = vector.shape_cast %get3A_1137 : vector<1x16xf32> to vector<16xf32>
        %add3A_1139 = arith.addf %add3A_1132, %get3A_1138 : vector<16xf32>
        %add3A_1140 = arith.constant 48 : i32
        %add3A_1141 = arith.addi %add3A_1140, %scan3A_1004 : i32
        %get3A_1142 = arith.index_cast %add3A_1141 : i32 to index
        %get3A_1143 = arith.constant 16 : index
        %get3A_1144 = tpu.vector_load %arg16[%get3A_1142, %get3A_1143] {strides = array<i32>} : memref<256x128xf32, #tpu.memory_space<vmem>>, vector<1x16xf32>,
        %get3A_1145 = vector.shape_cast %get3A_1144 : vector<1x16xf32> to vector<16xf32>
        %add3A_1146 = arith.addf %add3A_1139, %get3A_1145 : vector<16xf32>
        %add3A_1147 = arith.constant 64 : i32
        %add3A_1148 = arith.addi %add3A_1147, %scan3A_1004 : i32
        %get3A_1149 = arith.index_cast %add3A_1148 : i32 to index
        %get3A_1150 = arith.constant 16 : index
        %get3A_1151 = tpu.vector_load %arg16[%get3A_1149, %get3A_1150] {strides = array<i32>} : memref<256x128xf32, #tpu.memory_space<vmem>>, vector<1x16xf32>,
        %get3A_1152 = vector.shape_cast %get3A_1151 : vector<1x16xf32> to vector<16xf32>
        %add3A_1153 = arith.addf %add3A_1146, %get3A_1152 : vector<16xf32>
        %add3A_1154 = arith.constant 80 : i32
        %add3A_1155 = arith.addi %add3A_1154, %scan3A_1004 : i32
        %get3A_1156 = arith.index_cast %add3A_1155 : i32 to index
        %get3A_1157 = arith.constant 16 : index
        %get3A_1158 = tpu.vector_load %arg16[%get3A_1156, %get3A_1157] {strides = array<i32>} : memref<256x128xf32, #tpu.memory_space<vmem>>, vector<1x16xf32>,
        %get3A_1159 = vector.shape_cast %get3A_1158 : vector<1x16xf32> to vector<16xf32>
        %add3A_1160 = arith.addf %add3A_1153, %get3A_1159 : vector<16xf32>
        %add3A_1161 = arith.constant 96 : i32
        %add3A_1162 = arith.addi %add3A_1161, %scan3A_1004 : i32
        %get3A_1163 = arith.index_cast %add3A_1162 : i32 to index
        %get3A_1164 = arith.constant 16 : index
        %get3A_1165 = tpu.vector_load %arg16[%get3A_1163, %get3A_1164] {strides = array<i32>} : memref<256x128xf32, #tpu.memory_space<vmem>>, vector<1x16xf32>,
        %get3A_1166 = vector.shape_cast %get3A_1165 : vector<1x16xf32> to vector<16xf32>
        %add3A_1167 = arith.addf %add3A_1160, %get3A_1166 : vector<16xf32>
        %add3A_1168 = arith.constant 112 : i32
        %add3A_1169 = arith.addi %add3A_1168, %scan3A_1004 : i32
        %get3A_1170 = arith.index_cast %add3A_1169 : i32 to index
        %get3A_1171 = arith.constant 16 : index
        %get3A_1172 = tpu.vector_load %arg16[%get3A_1170, %get3A_1171] {strides = array<i32>} : memref<256x128xf32, #tpu.memory_space<vmem>>, vector<1x16xf32>,
        %get3A_1173 = vector.shape_cast %get3A_1172 : vector<1x16xf32> to vector<16xf32>
        %add3A_1174 = arith.addf %add3A_1167, %get3A_1173 : vector<16xf32>
        %add3A_1175 = arith.constant 128 : i32
        %add3A_1176 = arith.addi %add3A_1175, %scan3A_1004 : i32
        %get3A_1177 = arith.index_cast %add3A_1176 : i32 to index
        %get3A_1178 = arith.constant 16 : index
        %get3A_1179 = tpu.vector_load %arg16[%get3A_1177, %get3A_1178] {strides = array<i32>} : memref<256x128xf32, #tpu.memory_space<vmem>>, vector<1x16xf32>,
        %get3A_1180 = vector.shape_cast %get3A_1179 : vector<1x16xf32> to vector<16xf32>
        %add3A_1181 = arith.addf %add3A_1174, %get3A_1180 : vector<16xf32>
        %add3A_1182 = arith.constant 144 : i32
        %add3A_1183 = arith.addi %add3A_1182, %scan3A_1004 : i32
        %get3A_1184 = arith.index_cast %add3A_1183 : i32 to index
        %get3A_1185 = arith.constant 16 : index
        %get3A_1186 = tpu.vector_load %arg16[%get3A_1184, %get3A_1185] {strides = array<i32>} : memref<256x128xf32, #tpu.memory_space<vmem>>, vector<1x16xf32>,
        %get3A_1187 = vector.shape_cast %get3A_1186 : vector<1x16xf32> to vector<16xf32>
        %add3A_1188 = arith.addf %add3A_1181, %get3A_1187 : vector<16xf32>
        %add3A_1189 = arith.constant 160 : i32
        %add3A_1190 = arith.addi %add3A_1189, %scan3A_1004 : i32
        %get3A_1191 = arith.index_cast %add3A_1190 : i32 to index
        %get3A_1192 = arith.constant 16 : index
        %get3A_1193 = tpu.vector_load %arg16[%get3A_1191, %get3A_1192] {strides = array<i32>} : memref<256x128xf32, #tpu.memory_space<vmem>>, vector<1x16xf32>,
        %get3A_1194 = vector.shape_cast %get3A_1193 : vector<1x16xf32> to vector<16xf32>
        %add3A_1195 = arith.addf %add3A_1188, %get3A_1194 : vector<16xf32>
        %add3A_1196 = arith.constant 176 : i32
        %add3A_1197 = arith.addi %add3A_1196, %scan3A_1004 : i32
        %get3A_1198 = arith.index_cast %add3A_1197 : i32 to index
        %get3A_1199 = arith.constant 16 : index
        %get3A_1200 = tpu.vector_load %arg16[%get3A_1198, %get3A_1199] {strides = array<i32>} : memref<256x128xf32, #tpu.memory_space<vmem>>, vector<1x16xf32>,
        %get3A_1201 = vector.shape_cast %get3A_1200 : vector<1x16xf32> to vector<16xf32>
        %add3A_1202 = arith.addf %add3A_1195, %get3A_1201 : vector<16xf32>
        %add3A_1203 = arith.constant 192 : i32
        %add3A_1204 = arith.addi %add3A_1203, %scan3A_1004 : i32
        %get3A_1205 = arith.index_cast %add3A_1204 : i32 to index
        %get3A_1206 = arith.constant 16 : index
        %get3A_1207 = tpu.vector_load %arg16[%get3A_1205, %get3A_1206] {strides = array<i32>} : memref<256x128xf32, #tpu.memory_space<vmem>>, vector<1x16xf32>,
        %get3A_1208 = vector.shape_cast %get3A_1207 : vector<1x16xf32> to vector<16xf32>
        %add3A_1209 = arith.addf %add3A_1202, %get3A_1208 : vector<16xf32>
        %add3A_1210 = arith.constant 208 : i32
        %add3A_1211 = arith.addi %add3A_1210, %scan3A_1004 : i32
        %get3A_1212 = arith.index_cast %add3A_1211 : i32 to index
        %get3A_1213 = arith.constant 16 : index
        %get3A_1214 = tpu.vector_load %arg16[%get3A_1212, %get3A_1213] {strides = array<i32>} : memref<256x128xf32, #tpu.memory_space<vmem>>, vector<1x16xf32>,
        %get3A_1215 = vector.shape_cast %get3A_1214 : vector<1x16xf32> to vector<16xf32>
        %add3A_1216 = arith.addf %add3A_1209, %get3A_1215 : vector<16xf32>
        %add3A_1217 = arith.constant 224 : i32
        %add3A_1218 = arith.addi %add3A_1217, %scan3A_1004 : i32
        %get3A_1219 = arith.index_cast %add3A_1218 : i32 to index
        %get3A_1220 = arith.constant 16 : index
        %get3A_1221 = tpu.vector_load %arg16[%get3A_1219, %get3A_1220] {strides = array<i32>} : memref<256x128xf32, #tpu.memory_space<vmem>>, vector<1x16xf32>,
        %get3A_1222 = vector.shape_cast %get3A_1221 : vector<1x16xf32> to vector<16xf32>
        %add3A_1223 = arith.addf %add3A_1216, %get3A_1222 : vector<16xf32>
        %add3A_1224 = arith.constant 240 : i32
        %add3A_1225 = arith.addi %add3A_1224, %scan3A_1004 : i32
        %get3A_1226 = arith.index_cast %add3A_1225 : i32 to index
        %get3A_1227 = arith.constant 16 : index
        %get3A_1228 = tpu.vector_load %arg16[%get3A_1226, %get3A_1227] {strides = array<i32>} : memref<256x128xf32, #tpu.memory_space<vmem>>, vector<1x16xf32>,
        %get3A_1229 = vector.shape_cast %get3A_1228 : vector<1x16xf32> to vector<16xf32>
        %add3A_1230 = arith.addf %add3A_1223, %get3A_1229 : vector<16xf32>
        %mul3A_1231 = arith.constant 6.250000e-02 : f32
        %mul3A_1232 = vector.broadcast %mul3A_1231 : f32 to vector<16xf32>
        %mul3A_1233 = arith.mulf %add3A_1230, %mul3A_1232 : vector<16xf32>
        %swap3A_1234 = arith.index_cast %scan3A_1004 : i32 to index
        %swap3A_1235 = arith.constant 16 : index
        %swap3A_1236 = tpu.vector_load %arg18[%swap3A_1234, %swap3A_1235] {strides = array<i32>} : memref<16x128xf32, #tpu.memory_space<vmem>>, vector<1x16xf32>,
        %swap3A_1237 = vector.shape_cast %swap3A_1236 : vector<1x16xf32> to vector<16xf32>
        %swap3A_1238 = vector.shape_cast %mul3A_1233 : vector<16xf32> to vector<1x16xf32>
        tpu.vector_store %arg18[%swap3A_1234, %swap3A_1235], %swap3A_1238 {strides = array<i32>} : memref<16x128xf32, #tpu.memory_space<vmem>>, vector<1x16xf32>,
        %get3A_1239 = arith.index_cast %scan3A_1004 : i32 to index
        %get3A_1240 = arith.constant 32 : index
        %get3A_1241 = tpu.vector_load %arg16[%get3A_1239, %get3A_1240] {strides = array<i32>} : memref<256x128xf32, #tpu.memory_space<vmem>>, vector<1x16xf32>,
        %get3A_1242 = vector.shape_cast %get3A_1241 : vector<1x16xf32> to vector<16xf32>
        %add3A_1243 = arith.constant 16 : i32
        %add3A_1244 = arith.addi %add3A_1243, %scan3A_1004 : i32
        %get3A_1245 = arith.index_cast %add3A_1244 : i32 to index
        %get3A_1246 = arith.constant 32 : index
        %get3A_1247 = tpu.vector_load %arg16[%get3A_1245, %get3A_1246] {strides = array<i32>} : memref<256x128xf32, #tpu.memory_space<vmem>>, vector<1x16xf32>,
        %get3A_1248 = vector.shape_cast %get3A_1247 : vector<1x16xf32> to vector<16xf32>
        %add3A_1249 = arith.addf %get3A_1242, %get3A_1248 : vector<16xf32>
        %add3A_1250 = arith.constant 32 : i32
        %add3A_1251 = arith.addi %add3A_1250, %scan3A_1004 : i32
        %get3A_1252 = arith.index_cast %add3A_1251 : i32 to index
        %get3A_1253 = arith.constant 32 : index
        %get3A_1254 = tpu.vector_load %arg16[%get3A_1252, %get3A_1253] {strides = array<i32>} : memref<256x128xf32, #tpu.memory_space<vmem>>, vector<1x16xf32>,
        %get3A_1255 = vector.shape_cast %get3A_1254 : vector<1x16xf32> to vector<16xf32>
        %add3A_1256 = arith.addf %add3A_1249, %get3A_1255 : vector<16xf32>
        %add3A_1257 = arith.constant 48 : i32
        %add3A_1258 = arith.addi %add3A_1257, %scan3A_1004 : i32
        %get3A_1259 = arith.index_cast %add3A_1258 : i32 to index
        %get3A_1260 = arith.constant 32 : index
        %get3A_1261 = tpu.vector_load %arg16[%get3A_1259, %get3A_1260] {strides = array<i32>} : memref<256x128xf32, #tpu.memory_space<vmem>>, vector<1x16xf32>,
        %get3A_1262 = vector.shape_cast %get3A_1261 : vector<1x16xf32> to vector<16xf32>
        %add3A_1263 = arith.addf %add3A_1256, %get3A_1262 : vector<16xf32>
        %add3A_1264 = arith.constant 64 : i32
        %add3A_1265 = arith.addi %add3A_1264, %scan3A_1004 : i32
        %get3A_1266 = arith.index_cast %add3A_1265 : i32 to index
        %get3A_1267 = arith.constant 32 : index
        %get3A_1268 = tpu.vector_load %arg16[%get3A_1266, %get3A_1267] {strides = array<i32>} : memref<256x128xf32, #tpu.memory_space<vmem>>, vector<1x16xf32>,
        %get3A_1269 = vector.shape_cast %get3A_1268 : vector<1x16xf32> to vector<16xf32>
        %add3A_1270 = arith.addf %add3A_1263, %get3A_1269 : vector<16xf32>
        %add3A_1271 = arith.constant 80 : i32
        %add3A_1272 = arith.addi %add3A_1271, %scan3A_1004 : i32
        %get3A_1273 = arith.index_cast %add3A_1272 : i32 to index
        %get3A_1274 = arith.constant 32 : index
        %get3A_1275 = tpu.vector_load %arg16[%get3A_1273, %get3A_1274] {strides = array<i32>} : memref<256x128xf32, #tpu.memory_space<vmem>>, vector<1x16xf32>,
        %get3A_1276 = vector.shape_cast %get3A_1275 : vector<1x16xf32> to vector<16xf32>
        %add3A_1277 = arith.addf %add3A_1270, %get3A_1276 : vector<16xf32>
        %add3A_1278 = arith.constant 96 : i32
        %add3A_1279 = arith.addi %add3A_1278, %scan3A_1004 : i32
        %get3A_1280 = arith.index_cast %add3A_1279 : i32 to index
        %get3A_1281 = arith.constant 32 : index
        %get3A_1282 = tpu.vector_load %arg16[%get3A_1280, %get3A_1281] {strides = array<i32>} : memref<256x128xf32, #tpu.memory_space<vmem>>, vector<1x16xf32>,
        %get3A_1283 = vector.shape_cast %get3A_1282 : vector<1x16xf32> to vector<16xf32>
        %add3A_1284 = arith.addf %add3A_1277, %get3A_1283 : vector<16xf32>
        %add3A_1285 = arith.constant 112 : i32
        %add3A_1286 = arith.addi %add3A_1285, %scan3A_1004 : i32
        %get3A_1287 = arith.index_cast %add3A_1286 : i32 to index
        %get3A_1288 = arith.constant 32 : index
        %get3A_1289 = tpu.vector_load %arg16[%get3A_1287, %get3A_1288] {strides = array<i32>} : memref<256x128xf32, #tpu.memory_space<vmem>>, vector<1x16xf32>,
        %get3A_1290 = vector.shape_cast %get3A_1289 : vector<1x16xf32> to vector<16xf32>
        %add3A_1291 = arith.addf %add3A_1284, %get3A_1290 : vector<16xf32>
        %add3A_1292 = arith.constant 128 : i32
        %add3A_1293 = arith.addi %add3A_1292, %scan3A_1004 : i32
        %get3A_1294 = arith.index_cast %add3A_1293 : i32 to index
        %get3A_1295 = arith.constant 32 : index
        %get3A_1296 = tpu.vector_load %arg16[%get3A_1294, %get3A_1295] {strides = array<i32>} : memref<256x128xf32, #tpu.memory_space<vmem>>, vector<1x16xf32>,
        %get3A_1297 = vector.shape_cast %get3A_1296 : vector<1x16xf32> to vector<16xf32>
        %add3A_1298 = arith.addf %add3A_1291, %get3A_1297 : vector<16xf32>
        %add3A_1299 = arith.constant 144 : i32
        %add3A_1300 = arith.addi %add3A_1299, %scan3A_1004 : i32
        %get3A_1301 = arith.index_cast %add3A_1300 : i32 to index
        %get3A_1302 = arith.constant 32 : index
        %get3A_1303 = tpu.vector_load %arg16[%get3A_1301, %get3A_1302] {strides = array<i32>} : memref<256x128xf32, #tpu.memory_space<vmem>>, vector<1x16xf32>,
        %get3A_1304 = vector.shape_cast %get3A_1303 : vector<1x16xf32> to vector<16xf32>
        %add3A_1305 = arith.addf %add3A_1298, %get3A_1304 : vector<16xf32>
        %add3A_1306 = arith.constant 160 : i32
        %add3A_1307 = arith.addi %add3A_1306, %scan3A_1004 : i32
        %get3A_1308 = arith.index_cast %add3A_1307 : i32 to index
        %get3A_1309 = arith.constant 32 : index
        %get3A_1310 = tpu.vector_load %arg16[%get3A_1308, %get3A_1309] {strides = array<i32>} : memref<256x128xf32, #tpu.memory_space<vmem>>, vector<1x16xf32>,
        %get3A_1311 = vector.shape_cast %get3A_1310 : vector<1x16xf32> to vector<16xf32>
        %add3A_1312 = arith.addf %add3A_1305, %get3A_1311 : vector<16xf32>
        %add3A_1313 = arith.constant 176 : i32
        %add3A_1314 = arith.addi %add3A_1313, %scan3A_1004 : i32
        %get3A_1315 = arith.index_cast %add3A_1314 : i32 to index
        %get3A_1316 = arith.constant 32 : index
        %get3A_1317 = tpu.vector_load %arg16[%get3A_1315, %get3A_1316] {strides = array<i32>} : memref<256x128xf32, #tpu.memory_space<vmem>>, vector<1x16xf32>,
        %get3A_1318 = vector.shape_cast %get3A_1317 : vector<1x16xf32> to vector<16xf32>
        %add3A_1319 = arith.addf %add3A_1312, %get3A_1318 : vector<16xf32>
        %add3A_1320 = arith.constant 192 : i32
        %add3A_1321 = arith.addi %add3A_1320, %scan3A_1004 : i32
        %get3A_1322 = arith.index_cast %add3A_1321 : i32 to index
        %get3A_1323 = arith.constant 32 : index
        %get3A_1324 = tpu.vector_load %arg16[%get3A_1322, %get3A_1323] {strides = array<i32>} : memref<256x128xf32, #tpu.memory_space<vmem>>, vector<1x16xf32>,
        %get3A_1325 = vector.shape_cast %get3A_1324 : vector<1x16xf32> to vector<16xf32>
        %add3A_1326 = arith.addf %add3A_1319, %get3A_1325 : vector<16xf32>
        %add3A_1327 = arith.constant 208 : i32
        %add3A_1328 = arith.addi %add3A_1327, %scan3A_1004 : i32
        %get3A_1329 = arith.index_cast %add3A_1328 : i32 to index
        %get3A_1330 = arith.constant 32 : index
        %get3A_1331 = tpu.vector_load %arg16[%get3A_1329, %get3A_1330] {strides = array<i32>} : memref<256x128xf32, #tpu.memory_space<vmem>>, vector<1x16xf32>,
        %get3A_1332 = vector.shape_cast %get3A_1331 : vector<1x16xf32> to vector<16xf32>
        %add3A_1333 = arith.addf %add3A_1326, %get3A_1332 : vector<16xf32>
        %add3A_1334 = arith.constant 224 : i32
        %add3A_1335 = arith.addi %add3A_1334, %scan3A_1004 : i32
        %get3A_1336 = arith.index_cast %add3A_1335 : i32 to index
        %get3A_1337 = arith.constant 32 : index
        %get3A_1338 = tpu.vector_load %arg16[%get3A_1336, %get3A_1337] {strides = array<i32>} : memref<256x128xf32, #tpu.memory_space<vmem>>, vector<1x16xf32>,
        %get3A_1339 = vector.shape_cast %get3A_1338 : vector<1x16xf32> to vector<16xf32>
        %add3A_1340 = arith.addf %add3A_1333, %get3A_1339 : vector<16xf32>
        %add3A_1341 = arith.constant 240 : i32
        %add3A_1342 = arith.addi %add3A_1341, %scan3A_1004 : i32
        %get3A_1343 = arith.index_cast %add3A_1342 : i32 to index
        %get3A_1344 = arith.constant 32 : index
        %get3A_1345 = tpu.vector_load %arg16[%get3A_1343, %get3A_1344] {strides = array<i32>} : memref<256x128xf32, #tpu.memory_space<vmem>>, vector<1x16xf32>,
        %get3A_1346 = vector.shape_cast %get3A_1345 : vector<1x16xf32> to vector<16xf32>
        %add3A_1347 = arith.addf %add3A_1340, %get3A_1346 : vector<16xf32>
        %mul3A_1348 = arith.constant 6.250000e-02 : f32
        %mul3A_1349 = vector.broadcast %mul3A_1348 : f32 to vector<16xf32>
        %mul3A_1350 = arith.mulf %add3A_1347, %mul3A_1349 : vector<16xf32>
        %swap3A_1351 = arith.index_cast %scan3A_1004 : i32 to index
        %swap3A_1352 = arith.constant 32 : index
        %swap3A_1353 = tpu.vector_load %arg18[%swap3A_1351, %swap3A_1352] {strides = array<i32>} : memref<16x128xf32, #tpu.memory_space<vmem>>, vector<1x16xf32>,
        %swap3A_1354 = vector.shape_cast %swap3A_1353 : vector<1x16xf32> to vector<16xf32>
        %swap3A_1355 = vector.shape_cast %mul3A_1350 : vector<16xf32> to vector<1x16xf32>
        tpu.vector_store %arg18[%swap3A_1351, %swap3A_1352], %swap3A_1355 {strides = array<i32>} : memref<16x128xf32, #tpu.memory_space<vmem>>, vector<1x16xf32>,
        %get3A_1356 = arith.index_cast %scan3A_1004 : i32 to index
        %get3A_1357 = arith.constant 48 : index
        %get3A_1358 = tpu.vector_load %arg16[%get3A_1356, %get3A_1357] {strides = array<i32>} : memref<256x128xf32, #tpu.memory_space<vmem>>, vector<1x16xf32>,
        %get3A_1359 = vector.shape_cast %get3A_1358 : vector<1x16xf32> to vector<16xf32>
        %add3A_1360 = arith.constant 16 : i32
        %add3A_1361 = arith.addi %add3A_1360, %scan3A_1004 : i32
        %get3A_1362 = arith.index_cast %add3A_1361 : i32 to index
        %get3A_1363 = arith.constant 48 : index
        %get3A_1364 = tpu.vector_load %arg16[%get3A_1362, %get3A_1363] {strides = array<i32>} : memref<256x128xf32, #tpu.memory_space<vmem>>, vector<1x16xf32>,
        %get3A_1365 = vector.shape_cast %get3A_1364 : vector<1x16xf32> to vector<16xf32>
        %add3A_1366 = arith.addf %get3A_1359, %get3A_1365 : vector<16xf32>
        %add3A_1367 = arith.constant 32 : i32
        %add3A_1368 = arith.addi %add3A_1367, %scan3A_1004 : i32
        %get3A_1369 = arith.index_cast %add3A_1368 : i32 to index
        %get3A_1370 = arith.constant 48 : index
        %get3A_1371 = tpu.vector_load %arg16[%get3A_1369, %get3A_1370] {strides = array<i32>} : memref<256x128xf32, #tpu.memory_space<vmem>>, vector<1x16xf32>,
        %get3A_1372 = vector.shape_cast %get3A_1371 : vector<1x16xf32> to vector<16xf32>
        %add3A_1373 = arith.addf %add3A_1366, %get3A_1372 : vector<16xf32>
        %add3A_1374 = arith.constant 48 : i32
        %add3A_1375 = arith.addi %add3A_1374, %scan3A_1004 : i32
        %get3A_1376 = arith.index_cast %add3A_1375 : i32 to index
        %get3A_1377 = arith.constant 48 : index
        %get3A_1378 = tpu.vector_load %arg16[%get3A_1376, %get3A_1377] {strides = array<i32>} : memref<256x128xf32, #tpu.memory_space<vmem>>, vector<1x16xf32>,
        %get3A_1379 = vector.shape_cast %get3A_1378 : vector<1x16xf32> to vector<16xf32>
        %add3A_1380 = arith.addf %add3A_1373, %get3A_1379 : vector<16xf32>
        %add3A_1381 = arith.constant 64 : i32
        %add3A_1382 = arith.addi %add3A_1381, %scan3A_1004 : i32
        %get3A_1383 = arith.index_cast %add3A_1382 : i32 to index
        %get3A_1384 = arith.constant 48 : index
        %get3A_1385 = tpu.vector_load %arg16[%get3A_1383, %get3A_1384] {strides = array<i32>} : memref<256x128xf32, #tpu.memory_space<vmem>>, vector<1x16xf32>,
        %get3A_1386 = vector.shape_cast %get3A_1385 : vector<1x16xf32> to vector<16xf32>
        %add3A_1387 = arith.addf %add3A_1380, %get3A_1386 : vector<16xf32>
        %add3A_1388 = arith.constant 80 : i32
        %add3A_1389 = arith.addi %add3A_1388, %scan3A_1004 : i32
        %get3A_1390 = arith.index_cast %add3A_1389 : i32 to index
        %get3A_1391 = arith.constant 48 : index
        %get3A_1392 = tpu.vector_load %arg16[%get3A_1390, %get3A_1391] {strides = array<i32>} : memref<256x128xf32, #tpu.memory_space<vmem>>, vector<1x16xf32>,
        %get3A_1393 = vector.shape_cast %get3A_1392 : vector<1x16xf32> to vector<16xf32>
        %add3A_1394 = arith.addf %add3A_1387, %get3A_1393 : vector<16xf32>
        %add3A_1395 = arith.constant 96 : i32
        %add3A_1396 = arith.addi %add3A_1395, %scan3A_1004 : i32
        %get3A_1397 = arith.index_cast %add3A_1396 : i32 to index
        %get3A_1398 = arith.constant 48 : index
        %get3A_1399 = tpu.vector_load %arg16[%get3A_1397, %get3A_1398] {strides = array<i32>} : memref<256x128xf32, #tpu.memory_space<vmem>>, vector<1x16xf32>,
        %get3A_1400 = vector.shape_cast %get3A_1399 : vector<1x16xf32> to vector<16xf32>
        %add3A_1401 = arith.addf %add3A_1394, %get3A_1400 : vector<16xf32>
        %add3A_1402 = arith.constant 112 : i32
        %add3A_1403 = arith.addi %add3A_1402, %scan3A_1004 : i32
        %get3A_1404 = arith.index_cast %add3A_1403 : i32 to index
        %get3A_1405 = arith.constant 48 : index
        %get3A_1406 = tpu.vector_load %arg16[%get3A_1404, %get3A_1405] {strides = array<i32>} : memref<256x128xf32, #tpu.memory_space<vmem>>, vector<1x16xf32>,
        %get3A_1407 = vector.shape_cast %get3A_1406 : vector<1x16xf32> to vector<16xf32>
        %add3A_1408 = arith.addf %add3A_1401, %get3A_1407 : vector<16xf32>
        %add3A_1409 = arith.constant 128 : i32
        %add3A_1410 = arith.addi %add3A_1409, %scan3A_1004 : i32
        %get3A_1411 = arith.index_cast %add3A_1410 : i32 to index
        %get3A_1412 = arith.constant 48 : index
        %get3A_1413 = tpu.vector_load %arg16[%get3A_1411, %get3A_1412] {strides = array<i32>} : memref<256x128xf32, #tpu.memory_space<vmem>>, vector<1x16xf32>,
        %get3A_1414 = vector.shape_cast %get3A_1413 : vector<1x16xf32> to vector<16xf32>
        %add3A_1415 = arith.addf %add3A_1408, %get3A_1414 : vector<16xf32>
        %add3A_1416 = arith.constant 144 : i32
        %add3A_1417 = arith.addi %add3A_1416, %scan3A_1004 : i32
        %get3A_1418 = arith.index_cast %add3A_1417 : i32 to index
        %get3A_1419 = arith.constant 48 : index
        %get3A_1420 = tpu.vector_load %arg16[%get3A_1418, %get3A_1419] {strides = array<i32>} : memref<256x128xf32, #tpu.memory_space<vmem>>, vector<1x16xf32>,
        %get3A_1421 = vector.shape_cast %get3A_1420 : vector<1x16xf32> to vector<16xf32>
        %add3A_1422 = arith.addf %add3A_1415, %get3A_1421 : vector<16xf32>
        %add3A_1423 = arith.constant 160 : i32
        %add3A_1424 = arith.addi %add3A_1423, %scan3A_1004 : i32
        %get3A_1425 = arith.index_cast %add3A_1424 : i32 to index
        %get3A_1426 = arith.constant 48 : index
        %get3A_1427 = tpu.vector_load %arg16[%get3A_1425, %get3A_1426] {strides = array<i32>} : memref<256x128xf32, #tpu.memory_space<vmem>>, vector<1x16xf32>,
        %get3A_1428 = vector.shape_cast %get3A_1427 : vector<1x16xf32> to vector<16xf32>
        %add3A_1429 = arith.addf %add3A_1422, %get3A_1428 : vector<16xf32>
        %add3A_1430 = arith.constant 176 : i32
        %add3A_1431 = arith.addi %add3A_1430, %scan3A_1004 : i32
        %get3A_1432 = arith.index_cast %add3A_1431 : i32 to index
        %get3A_1433 = arith.constant 48 : index
        %get3A_1434 = tpu.vector_load %arg16[%get3A_1432, %get3A_1433] {strides = array<i32>} : memref<256x128xf32, #tpu.memory_space<vmem>>, vector<1x16xf32>,
        %get3A_1435 = vector.shape_cast %get3A_1434 : vector<1x16xf32> to vector<16xf32>
        %add3A_1436 = arith.addf %add3A_1429, %get3A_1435 : vector<16xf32>
        %add3A_1437 = arith.constant 192 : i32
        %add3A_1438 = arith.addi %add3A_1437, %scan3A_1004 : i32
        %get3A_1439 = arith.index_cast %add3A_1438 : i32 to index
        %get3A_1440 = arith.constant 48 : index
        %get3A_1441 = tpu.vector_load %arg16[%get3A_1439, %get3A_1440] {strides = array<i32>} : memref<256x128xf32, #tpu.memory_space<vmem>>, vector<1x16xf32>,
        %get3A_1442 = vector.shape_cast %get3A_1441 : vector<1x16xf32> to vector<16xf32>
        %add3A_1443 = arith.addf %add3A_1436, %get3A_1442 : vector<16xf32>
        %add3A_1444 = arith.constant 208 : i32
        %add3A_1445 = arith.addi %add3A_1444, %scan3A_1004 : i32
        %get3A_1446 = arith.index_cast %add3A_1445 : i32 to index
        %get3A_1447 = arith.constant 48 : index
        %get3A_1448 = tpu.vector_load %arg16[%get3A_1446, %get3A_1447] {strides = array<i32>} : memref<256x128xf32, #tpu.memory_space<vmem>>, vector<1x16xf32>,
        %get3A_1449 = vector.shape_cast %get3A_1448 : vector<1x16xf32> to vector<16xf32>
        %add3A_1450 = arith.addf %add3A_1443, %get3A_1449 : vector<16xf32>
        %add3A_1451 = arith.constant 224 : i32
        %add3A_1452 = arith.addi %add3A_1451, %scan3A_1004 : i32
        %get3A_1453 = arith.index_cast %add3A_1452 : i32 to index
        %get3A_1454 = arith.constant 48 : index
        %get3A_1455 = tpu.vector_load %arg16[%get3A_1453, %get3A_1454] {strides = array<i32>} : memref<256x128xf32, #tpu.memory_space<vmem>>, vector<1x16xf32>,
        %get3A_1456 = vector.shape_cast %get3A_1455 : vector<1x16xf32> to vector<16xf32>
        %add3A_1457 = arith.addf %add3A_1450, %get3A_1456 : vector<16xf32>
        %add3A_1458 = arith.constant 240 : i32
        %add3A_1459 = arith.addi %add3A_1458, %scan3A_1004 : i32
        %get3A_1460 = arith.index_cast %add3A_1459 : i32 to index
        %get3A_1461 = arith.constant 48 : index
        %get3A_1462 = tpu.vector_load %arg16[%get3A_1460, %get3A_1461] {strides = array<i32>} : memref<256x128xf32, #tpu.memory_space<vmem>>, vector<1x16xf32>,
        %get3A_1463 = vector.shape_cast %get3A_1462 : vector<1x16xf32> to vector<16xf32>
        %add3A_1464 = arith.addf %add3A_1457, %get3A_1463 : vector<16xf32>
        %mul3A_1465 = arith.constant 6.250000e-02 : f32
        %mul3A_1466 = vector.broadcast %mul3A_1465 : f32 to vector<16xf32>
        %mul3A_1467 = arith.mulf %add3A_1464, %mul3A_1466 : vector<16xf32>
        %swap3A_1468 = arith.index_cast %scan3A_1004 : i32 to index
        %swap3A_1469 = arith.constant 48 : index
        %swap3A_1470 = tpu.vector_load %arg18[%swap3A_1468, %swap3A_1469] {strides = array<i32>} : memref<16x128xf32, #tpu.memory_space<vmem>>, vector<1x16xf32>,
        %swap3A_1471 = vector.shape_cast %swap3A_1470 : vector<1x16xf32> to vector<16xf32>
        %swap3A_1472 = vector.shape_cast %mul3A_1467 : vector<16xf32> to vector<1x16xf32>
        tpu.vector_store %arg18[%swap3A_1468, %swap3A_1469], %swap3A_1472 {strides = array<i32>} : memref<16x128xf32, #tpu.memory_space<vmem>>, vector<1x16xf32>,
        %get3A_1473 = arith.index_cast %scan3A_1004 : i32 to index
        %get3A_1474 = arith.constant 64 : index
        %get3A_1475 = tpu.vector_load %arg16[%get3A_1473, %get3A_1474] {strides = array<i32>} : memref<256x128xf32, #tpu.memory_space<vmem>>, vector<1x16xf32>,
        %get3A_1476 = vector.shape_cast %get3A_1475 : vector<1x16xf32> to vector<16xf32>
        %add3A_1477 = arith.constant 16 : i32
        %add3A_1478 = arith.addi %add3A_1477, %scan3A_1004 : i32
        %get3A_1479 = arith.index_cast %add3A_1478 : i32 to index
        %get3A_1480 = arith.constant 64 : index
        %get3A_1481 = tpu.vector_load %arg16[%get3A_1479, %get3A_1480] {strides = array<i32>} : memref<256x128xf32, #tpu.memory_space<vmem>>, vector<1x16xf32>,
        %get3A_1482 = vector.shape_cast %get3A_1481 : vector<1x16xf32> to vector<16xf32>
        %add3A_1483 = arith.addf %get3A_1476, %get3A_1482 : vector<16xf32>
        %add3A_1484 = arith.constant 32 : i32
        %add3A_1485 = arith.addi %add3A_1484, %scan3A_1004 : i32
        %get3A_1486 = arith.index_cast %add3A_1485 : i32 to index
        %get3A_1487 = arith.constant 64 : index
        %get3A_1488 = tpu.vector_load %arg16[%get3A_1486, %get3A_1487] {strides = array<i32>} : memref<256x128xf32, #tpu.memory_space<vmem>>, vector<1x16xf32>,
        %get3A_1489 = vector.shape_cast %get3A_1488 : vector<1x16xf32> to vector<16xf32>
        %add3A_1490 = arith.addf %add3A_1483, %get3A_1489 : vector<16xf32>
        %add3A_1491 = arith.constant 48 : i32
        %add3A_1492 = arith.addi %add3A_1491, %scan3A_1004 : i32
        %get3A_1493 = arith.index_cast %add3A_1492 : i32 to index
        %get3A_1494 = arith.constant 64 : index
        %get3A_1495 = tpu.vector_load %arg16[%get3A_1493, %get3A_1494] {strides = array<i32>} : memref<256x128xf32, #tpu.memory_space<vmem>>, vector<1x16xf32>,
        %get3A_1496 = vector.shape_cast %get3A_1495 : vector<1x16xf32> to vector<16xf32>
        %add3A_1497 = arith.addf %add3A_1490, %get3A_1496 : vector<16xf32>
        %add3A_1498 = arith.constant 64 : i32
        %add3A_1499 = arith.addi %add3A_1498, %scan3A_1004 : i32
        %get3A_1500 = arith.index_cast %add3A_1499 : i32 to index
        %get3A_1501 = arith.constant 64 : index
        %get3A_1502 = tpu.vector_load %arg16[%get3A_1500, %get3A_1501] {strides = array<i32>} : memref<256x128xf32, #tpu.memory_space<vmem>>, vector<1x16xf32>,
        %get3A_1503 = vector.shape_cast %get3A_1502 : vector<1x16xf32> to vector<16xf32>
        %add3A_1504 = arith.addf %add3A_1497, %get3A_1503 : vector<16xf32>
        %add3A_1505 = arith.constant 80 : i32
        %add3A_1506 = arith.addi %add3A_1505, %scan3A_1004 : i32
        %get3A_1507 = arith.index_cast %add3A_1506 : i32 to index
        %get3A_1508 = arith.constant 64 : index
        %get3A_1509 = tpu.vector_load %arg16[%get3A_1507, %get3A_1508] {strides = array<i32>} : memref<256x128xf32, #tpu.memory_space<vmem>>, vector<1x16xf32>,
        %get3A_1510 = vector.shape_cast %get3A_1509 : vector<1x16xf32> to vector<16xf32>
        %add3A_1511 = arith.addf %add3A_1504, %get3A_1510 : vector<16xf32>
        %add3A_1512 = arith.constant 96 : i32
        %add3A_1513 = arith.addi %add3A_1512, %scan3A_1004 : i32
        %get3A_1514 = arith.index_cast %add3A_1513 : i32 to index
        %get3A_1515 = arith.constant 64 : index
        %get3A_1516 = tpu.vector_load %arg16[%get3A_1514, %get3A_1515] {strides = array<i32>} : memref<256x128xf32, #tpu.memory_space<vmem>>, vector<1x16xf32>,
        %get3A_1517 = vector.shape_cast %get3A_1516 : vector<1x16xf32> to vector<16xf32>
        %add3A_1518 = arith.addf %add3A_1511, %get3A_1517 : vector<16xf32>
        %add3A_1519 = arith.constant 112 : i32
        %add3A_1520 = arith.addi %add3A_1519, %scan3A_1004 : i32
        %get3A_1521 = arith.index_cast %add3A_1520 : i32 to index
        %get3A_1522 = arith.constant 64 : index
        %get3A_1523 = tpu.vector_load %arg16[%get3A_1521, %get3A_1522] {strides = array<i32>} : memref<256x128xf32, #tpu.memory_space<vmem>>, vector<1x16xf32>,
        %get3A_1524 = vector.shape_cast %get3A_1523 : vector<1x16xf32> to vector<16xf32>
        %add3A_1525 = arith.addf %add3A_1518, %get3A_1524 : vector<16xf32>
        %add3A_1526 = arith.constant 128 : i32
        %add3A_1527 = arith.addi %add3A_1526, %scan3A_1004 : i32
        %get3A_1528 = arith.index_cast %add3A_1527 : i32 to index
        %get3A_1529 = arith.constant 64 : index
        %get3A_1530 = tpu.vector_load %arg16[%get3A_1528, %get3A_1529] {strides = array<i32>} : memref<256x128xf32, #tpu.memory_space<vmem>>, vector<1x16xf32>,
        %get3A_1531 = vector.shape_cast %get3A_1530 : vector<1x16xf32> to vector<16xf32>
        %add3A_1532 = arith.addf %add3A_1525, %get3A_1531 : vector<16xf32>
        %add3A_1533 = arith.constant 144 : i32
        %add3A_1534 = arith.addi %add3A_1533, %scan3A_1004 : i32
        %get3A_1535 = arith.index_cast %add3A_1534 : i32 to index
        %get3A_1536 = arith.constant 64 : index
        %get3A_1537 = tpu.vector_load %arg16[%get3A_1535, %get3A_1536] {strides = array<i32>} : memref<256x128xf32, #tpu.memory_space<vmem>>, vector<1x16xf32>,
        %get3A_1538 = vector.shape_cast %get3A_1537 : vector<1x16xf32> to vector<16xf32>
        %add3A_1539 = arith.addf %add3A_1532, %get3A_1538 : vector<16xf32>
        %add3A_1540 = arith.constant 160 : i32
        %add3A_1541 = arith.addi %add3A_1540, %scan3A_1004 : i32
        %get3A_1542 = arith.index_cast %add3A_1541 : i32 to index
        %get3A_1543 = arith.constant 64 : index
        %get3A_1544 = tpu.vector_load %arg16[%get3A_1542, %get3A_1543] {strides = array<i32>} : memref<256x128xf32, #tpu.memory_space<vmem>>, vector<1x16xf32>,
        %get3A_1545 = vector.shape_cast %get3A_1544 : vector<1x16xf32> to vector<16xf32>
        %add3A_1546 = arith.addf %add3A_1539, %get3A_1545 : vector<16xf32>
        %add3A_1547 = arith.constant 176 : i32
        %add3A_1548 = arith.addi %add3A_1547, %scan3A_1004 : i32
        %get3A_1549 = arith.index_cast %add3A_1548 : i32 to index
        %get3A_1550 = arith.constant 64 : index
        %get3A_1551 = tpu.vector_load %arg16[%get3A_1549, %get3A_1550] {strides = array<i32>} : memref<256x128xf32, #tpu.memory_space<vmem>>, vector<1x16xf32>,
        %get3A_1552 = vector.shape_cast %get3A_1551 : vector<1x16xf32> to vector<16xf32>
        %add3A_1553 = arith.addf %add3A_1546, %get3A_1552 : vector<16xf32>
        %add3A_1554 = arith.constant 192 : i32
        %add3A_1555 = arith.addi %add3A_1554, %scan3A_1004 : i32
        %get3A_1556 = arith.index_cast %add3A_1555 : i32 to index
        %get3A_1557 = arith.constant 64 : index
        %get3A_1558 = tpu.vector_load %arg16[%get3A_1556, %get3A_1557] {strides = array<i32>} : memref<256x128xf32, #tpu.memory_space<vmem>>, vector<1x16xf32>,
        %get3A_1559 = vector.shape_cast %get3A_1558 : vector<1x16xf32> to vector<16xf32>
        %add3A_1560 = arith.addf %add3A_1553, %get3A_1559 : vector<16xf32>
        %add3A_1561 = arith.constant 208 : i32
        %add3A_1562 = arith.addi %add3A_1561, %scan3A_1004 : i32
        %get3A_1563 = arith.index_cast %add3A_1562 : i32 to index
        %get3A_1564 = arith.constant 64 : index
        %get3A_1565 = tpu.vector_load %arg16[%get3A_1563, %get3A_1564] {strides = array<i32>} : memref<256x128xf32, #tpu.memory_space<vmem>>, vector<1x16xf32>,
        %get3A_1566 = vector.shape_cast %get3A_1565 : vector<1x16xf32> to vector<16xf32>
        %add3A_1567 = arith.addf %add3A_1560, %get3A_1566 : vector<16xf32>
        %add3A_1568 = arith.constant 224 : i32
        %add3A_1569 = arith.addi %add3A_1568, %scan3A_1004 : i32
        %get3A_1570 = arith.index_cast %add3A_1569 : i32 to index
        %get3A_1571 = arith.constant 64 : index
        %get3A_1572 = tpu.vector_load %arg16[%get3A_1570, %get3A_1571] {strides = array<i32>} : memref<256x128xf32, #tpu.memory_space<vmem>>, vector<1x16xf32>,
        %get3A_1573 = vector.shape_cast %get3A_1572 : vector<1x16xf32> to vector<16xf32>
        %add3A_1574 = arith.addf %add3A_1567, %get3A_1573 : vector<16xf32>
        %add3A_1575 = arith.constant 240 : i32
        %add3A_1576 = arith.addi %add3A_1575, %scan3A_1004 : i32
        %get3A_1577 = arith.index_cast %add3A_1576 : i32 to index
        %get3A_1578 = arith.constant 64 : index
        %get3A_1579 = tpu.vector_load %arg16[%get3A_1577, %get3A_1578] {strides = array<i32>} : memref<256x128xf32, #tpu.memory_space<vmem>>, vector<1x16xf32>,
        %get3A_1580 = vector.shape_cast %get3A_1579 : vector<1x16xf32> to vector<16xf32>
        %add3A_1581 = arith.addf %add3A_1574, %get3A_1580 : vector<16xf32>
        %mul3A_1582 = arith.constant 6.250000e-02 : f32
        %mul3A_1583 = vector.broadcast %mul3A_1582 : f32 to vector<16xf32>
        %mul3A_1584 = arith.mulf %add3A_1581, %mul3A_1583 : vector<16xf32>
        %swap3A_1585 = arith.index_cast %scan3A_1004 : i32 to index
        %swap3A_1586 = arith.constant 64 : index
        %swap3A_1587 = tpu.vector_load %arg18[%swap3A_1585, %swap3A_1586] {strides = array<i32>} : memref<16x128xf32, #tpu.memory_space<vmem>>, vector<1x16xf32>,
        %swap3A_1588 = vector.shape_cast %swap3A_1587 : vector<1x16xf32> to vector<16xf32>
        %swap3A_1589 = vector.shape_cast %mul3A_1584 : vector<16xf32> to vector<1x16xf32>
        tpu.vector_store %arg18[%swap3A_1585, %swap3A_1586], %swap3A_1589 {strides = array<i32>} : memref<16x128xf32, #tpu.memory_space<vmem>>, vector<1x16xf32>,
        %get3A_1590 = arith.index_cast %scan3A_1004 : i32 to index
        %get3A_1591 = arith.constant 80 : index
        %get3A_1592 = tpu.vector_load %arg16[%get3A_1590, %get3A_1591] {strides = array<i32>} : memref<256x128xf32, #tpu.memory_space<vmem>>, vector<1x16xf32>,
        %get3A_1593 = vector.shape_cast %get3A_1592 : vector<1x16xf32> to vector<16xf32>
        %add3A_1594 = arith.constant 16 : i32
        %add3A_1595 = arith.addi %add3A_1594, %scan3A_1004 : i32
        %get3A_1596 = arith.index_cast %add3A_1595 : i32 to index
        %get3A_1597 = arith.constant 80 : index
        %get3A_1598 = tpu.vector_load %arg16[%get3A_1596, %get3A_1597] {strides = array<i32>} : memref<256x128xf32, #tpu.memory_space<vmem>>, vector<1x16xf32>,
        %get3A_1599 = vector.shape_cast %get3A_1598 : vector<1x16xf32> to vector<16xf32>
        %add3A_1600 = arith.addf %get3A_1593, %get3A_1599 : vector<16xf32>
        %add3A_1601 = arith.constant 32 : i32
        %add3A_1602 = arith.addi %add3A_1601, %scan3A_1004 : i32
        %get3A_1603 = arith.index_cast %add3A_1602 : i32 to index
        %get3A_1604 = arith.constant 80 : index
        %get3A_1605 = tpu.vector_load %arg16[%get3A_1603, %get3A_1604] {strides = array<i32>} : memref<256x128xf32, #tpu.memory_space<vmem>>, vector<1x16xf32>,
        %get3A_1606 = vector.shape_cast %get3A_1605 : vector<1x16xf32> to vector<16xf32>
        %add3A_1607 = arith.addf %add3A_1600, %get3A_1606 : vector<16xf32>
        %add3A_1608 = arith.constant 48 : i32
        %add3A_1609 = arith.addi %add3A_1608, %scan3A_1004 : i32
        %get3A_1610 = arith.index_cast %add3A_1609 : i32 to index
        %get3A_1611 = arith.constant 80 : index
        %get3A_1612 = tpu.vector_load %arg16[%get3A_1610, %get3A_1611] {strides = array<i32>} : memref<256x128xf32, #tpu.memory_space<vmem>>, vector<1x16xf32>,
        %get3A_1613 = vector.shape_cast %get3A_1612 : vector<1x16xf32> to vector<16xf32>
        %add3A_1614 = arith.addf %add3A_1607, %get3A_1613 : vector<16xf32>
        %add3A_1615 = arith.constant 64 : i32
        %add3A_1616 = arith.addi %add3A_1615, %scan3A_1004 : i32
        %get3A_1617 = arith.index_cast %add3A_1616 : i32 to index
        %get3A_1618 = arith.constant 80 : index
        %get3A_1619 = tpu.vector_load %arg16[%get3A_1617, %get3A_1618] {strides = array<i32>} : memref<256x128xf32, #tpu.memory_space<vmem>>, vector<1x16xf32>,
        %get3A_1620 = vector.shape_cast %get3A_1619 : vector<1x16xf32> to vector<16xf32>
        %add3A_1621 = arith.addf %add3A_1614, %get3A_1620 : vector<16xf32>
        %add3A_1622 = arith.constant 80 : i32
        %add3A_1623 = arith.addi %add3A_1622, %scan3A_1004 : i32
        %get3A_1624 = arith.index_cast %add3A_1623 : i32 to index
        %get3A_1625 = arith.constant 80 : index
        %get3A_1626 = tpu.vector_load %arg16[%get3A_1624, %get3A_1625] {strides = array<i32>} : memref<256x128xf32, #tpu.memory_space<vmem>>, vector<1x16xf32>,
        %get3A_1627 = vector.shape_cast %get3A_1626 : vector<1x16xf32> to vector<16xf32>
        %add3A_1628 = arith.addf %add3A_1621, %get3A_1627 : vector<16xf32>
        %add3A_1629 = arith.constant 96 : i32
        %add3A_1630 = arith.addi %add3A_1629, %scan3A_1004 : i32
        %get3A_1631 = arith.index_cast %add3A_1630 : i32 to index
        %get3A_1632 = arith.constant 80 : index
        %get3A_1633 = tpu.vector_load %arg16[%get3A_1631, %get3A_1632] {strides = array<i32>} : memref<256x128xf32, #tpu.memory_space<vmem>>, vector<1x16xf32>,
        %get3A_1634 = vector.shape_cast %get3A_1633 : vector<1x16xf32> to vector<16xf32>
        %add3A_1635 = arith.addf %add3A_1628, %get3A_1634 : vector<16xf32>
        %add3A_1636 = arith.constant 112 : i32
        %add3A_1637 = arith.addi %add3A_1636, %scan3A_1004 : i32
        %get3A_1638 = arith.index_cast %add3A_1637 : i32 to index
        %get3A_1639 = arith.constant 80 : index
        %get3A_1640 = tpu.vector_load %arg16[%get3A_1638, %get3A_1639] {strides = array<i32>} : memref<256x128xf32, #tpu.memory_space<vmem>>, vector<1x16xf32>,
        %get3A_1641 = vector.shape_cast %get3A_1640 : vector<1x16xf32> to vector<16xf32>
        %add3A_1642 = arith.addf %add3A_1635, %get3A_1641 : vector<16xf32>
        %add3A_1643 = arith.constant 128 : i32
        %add3A_1644 = arith.addi %add3A_1643, %scan3A_1004 : i32
        %get3A_1645 = arith.index_cast %add3A_1644 : i32 to index
        %get3A_1646 = arith.constant 80 : index
        %get3A_1647 = tpu.vector_load %arg16[%get3A_1645, %get3A_1646] {strides = array<i32>} : memref<256x128xf32, #tpu.memory_space<vmem>>, vector<1x16xf32>,
        %get3A_1648 = vector.shape_cast %get3A_1647 : vector<1x16xf32> to vector<16xf32>
        %add3A_1649 = arith.addf %add3A_1642, %get3A_1648 : vector<16xf32>
        %add3A_1650 = arith.constant 144 : i32
        %add3A_1651 = arith.addi %add3A_1650, %scan3A_1004 : i32
        %get3A_1652 = arith.index_cast %add3A_1651 : i32 to index
        %get3A_1653 = arith.constant 80 : index
        %get3A_1654 = tpu.vector_load %arg16[%get3A_1652, %get3A_1653] {strides = array<i32>} : memref<256x128xf32, #tpu.memory_space<vmem>>, vector<1x16xf32>,
        %get3A_1655 = vector.shape_cast %get3A_1654 : vector<1x16xf32> to vector<16xf32>
        %add3A_1656 = arith.addf %add3A_1649, %get3A_1655 : vector<16xf32>
        %add3A_1657 = arith.constant 160 : i32
        %add3A_1658 = arith.addi %add3A_1657, %scan3A_1004 : i32
        %get3A_1659 = arith.index_cast %add3A_1658 : i32 to index
        %get3A_1660 = arith.constant 80 : index
        %get3A_1661 = tpu.vector_load %arg16[%get3A_1659, %get3A_1660] {strides = array<i32>} : memref<256x128xf32, #tpu.memory_space<vmem>>, vector<1x16xf32>,
        %get3A_1662 = vector.shape_cast %get3A_1661 : vector<1x16xf32> to vector<16xf32>
        %add3A_1663 = arith.addf %add3A_1656, %get3A_1662 : vector<16xf32>
        %add3A_1664 = arith.constant 176 : i32
        %add3A_1665 = arith.addi %add3A_1664, %scan3A_1004 : i32
        %get3A_1666 = arith.index_cast %add3A_1665 : i32 to index
        %get3A_1667 = arith.constant 80 : index
        %get3A_1668 = tpu.vector_load %arg16[%get3A_1666, %get3A_1667] {strides = array<i32>} : memref<256x128xf32, #tpu.memory_space<vmem>>, vector<1x16xf32>,
        %get3A_1669 = vector.shape_cast %get3A_1668 : vector<1x16xf32> to vector<16xf32>
        %add3A_1670 = arith.addf %add3A_1663, %get3A_1669 : vector<16xf32>
        %add3A_1671 = arith.constant 192 : i32
        %add3A_1672 = arith.addi %add3A_1671, %scan3A_1004 : i32
        %get3A_1673 = arith.index_cast %add3A_1672 : i32 to index
        %get3A_1674 = arith.constant 80 : index
        %get3A_1675 = tpu.vector_load %arg16[%get3A_1673, %get3A_1674] {strides = array<i32>} : memref<256x128xf32, #tpu.memory_space<vmem>>, vector<1x16xf32>,
        %get3A_1676 = vector.shape_cast %get3A_1675 : vector<1x16xf32> to vector<16xf32>
        %add3A_1677 = arith.addf %add3A_1670, %get3A_1676 : vector<16xf32>
        %add3A_1678 = arith.constant 208 : i32
        %add3A_1679 = arith.addi %add3A_1678, %scan3A_1004 : i32
        %get3A_1680 = arith.index_cast %add3A_1679 : i32 to index
        %get3A_1681 = arith.constant 80 : index
        %get3A_1682 = tpu.vector_load %arg16[%get3A_1680, %get3A_1681] {strides = array<i32>} : memref<256x128xf32, #tpu.memory_space<vmem>>, vector<1x16xf32>,
        %get3A_1683 = vector.shape_cast %get3A_1682 : vector<1x16xf32> to vector<16xf32>
        %add3A_1684 = arith.addf %add3A_1677, %get3A_1683 : vector<16xf32>
        %add3A_1685 = arith.constant 224 : i32
        %add3A_1686 = arith.addi %add3A_1685, %scan3A_1004 : i32
        %get3A_1687 = arith.index_cast %add3A_1686 : i32 to index
        %get3A_1688 = arith.constant 80 : index
        %get3A_1689 = tpu.vector_load %arg16[%get3A_1687, %get3A_1688] {strides = array<i32>} : memref<256x128xf32, #tpu.memory_space<vmem>>, vector<1x16xf32>,
        %get3A_1690 = vector.shape_cast %get3A_1689 : vector<1x16xf32> to vector<16xf32>
        %add3A_1691 = arith.addf %add3A_1684, %get3A_1690 : vector<16xf32>
        %add3A_1692 = arith.constant 240 : i32
        %add3A_1693 = arith.addi %add3A_1692, %scan3A_1004 : i32
        %get3A_1694 = arith.index_cast %add3A_1693 : i32 to index
        %get3A_1695 = arith.constant 80 : index
        %get3A_1696 = tpu.vector_load %arg16[%get3A_1694, %get3A_1695] {strides = array<i32>} : memref<256x128xf32, #tpu.memory_space<vmem>>, vector<1x16xf32>,
        %get3A_1697 = vector.shape_cast %get3A_1696 : vector<1x16xf32> to vector<16xf32>
        %add3A_1698 = arith.addf %add3A_1691, %get3A_1697 : vector<16xf32>
        %mul3A_1699 = arith.constant 6.250000e-02 : f32
        %mul3A_1700 = vector.broadcast %mul3A_1699 : f32 to vector<16xf32>
        %mul3A_1701 = arith.mulf %add3A_1698, %mul3A_1700 : vector<16xf32>
        %swap3A_1702 = arith.index_cast %scan3A_1004 : i32 to index
        %swap3A_1703 = arith.constant 80 : index
        %swap3A_1704 = tpu.vector_load %arg18[%swap3A_1702, %swap3A_1703] {strides = array<i32>} : memref<16x128xf32, #tpu.memory_space<vmem>>, vector<1x16xf32>,
        %swap3A_1705 = vector.shape_cast %swap3A_1704 : vector<1x16xf32> to vector<16xf32>
        %swap3A_1706 = vector.shape_cast %mul3A_1701 : vector<16xf32> to vector<1x16xf32>
        tpu.vector_store %arg18[%swap3A_1702, %swap3A_1703], %swap3A_1706 {strides = array<i32>} : memref<16x128xf32, #tpu.memory_space<vmem>>, vector<1x16xf32>,
        %get3A_1707 = arith.index_cast %scan3A_1004 : i32 to index
        %get3A_1708 = arith.constant 96 : index
        %get3A_1709 = tpu.vector_load %arg16[%get3A_1707, %get3A_1708] {strides = array<i32>} : memref<256x128xf32, #tpu.memory_space<vmem>>, vector<1x16xf32>,
        %get3A_1710 = vector.shape_cast %get3A_1709 : vector<1x16xf32> to vector<16xf32>
        %add3A_1711 = arith.constant 16 : i32
        %add3A_1712 = arith.addi %add3A_1711, %scan3A_1004 : i32
        %get3A_1713 = arith.index_cast %add3A_1712 : i32 to index
        %get3A_1714 = arith.constant 96 : index
        %get3A_1715 = tpu.vector_load %arg16[%get3A_1713, %get3A_1714] {strides = array<i32>} : memref<256x128xf32, #tpu.memory_space<vmem>>, vector<1x16xf32>,
        %get3A_1716 = vector.shape_cast %get3A_1715 : vector<1x16xf32> to vector<16xf32>
        %add3A_1717 = arith.addf %get3A_1710, %get3A_1716 : vector<16xf32>
        %add3A_1718 = arith.constant 32 : i32
        %add3A_1719 = arith.addi %add3A_1718, %scan3A_1004 : i32
        %get3A_1720 = arith.index_cast %add3A_1719 : i32 to index
        %get3A_1721 = arith.constant 96 : index
        %get3A_1722 = tpu.vector_load %arg16[%get3A_1720, %get3A_1721] {strides = array<i32>} : memref<256x128xf32, #tpu.memory_space<vmem>>, vector<1x16xf32>,
        %get3A_1723 = vector.shape_cast %get3A_1722 : vector<1x16xf32> to vector<16xf32>
        %add3A_1724 = arith.addf %add3A_1717, %get3A_1723 : vector<16xf32>
        %add3A_1725 = arith.constant 48 : i32
        %add3A_1726 = arith.addi %add3A_1725, %scan3A_1004 : i32
        %get3A_1727 = arith.index_cast %add3A_1726 : i32 to index
        %get3A_1728 = arith.constant 96 : index
        %get3A_1729 = tpu.vector_load %arg16[%get3A_1727, %get3A_1728] {strides = array<i32>} : memref<256x128xf32, #tpu.memory_space<vmem>>, vector<1x16xf32>,
        %get3A_1730 = vector.shape_cast %get3A_1729 : vector<1x16xf32> to vector<16xf32>
        %add3A_1731 = arith.addf %add3A_1724, %get3A_1730 : vector<16xf32>
        %add3A_1732 = arith.constant 64 : i32
        %add3A_1733 = arith.addi %add3A_1732, %scan3A_1004 : i32
        %get3A_1734 = arith.index_cast %add3A_1733 : i32 to index
        %get3A_1735 = arith.constant 96 : index
        %get3A_1736 = tpu.vector_load %arg16[%get3A_1734, %get3A_1735] {strides = array<i32>} : memref<256x128xf32, #tpu.memory_space<vmem>>, vector<1x16xf32>,
        %get3A_1737 = vector.shape_cast %get3A_1736 : vector<1x16xf32> to vector<16xf32>
        %add3A_1738 = arith.addf %add3A_1731, %get3A_1737 : vector<16xf32>
        %add3A_1739 = arith.constant 80 : i32
        %add3A_1740 = arith.addi %add3A_1739, %scan3A_1004 : i32
        %get3A_1741 = arith.index_cast %add3A_1740 : i32 to index
        %get3A_1742 = arith.constant 96 : index
        %get3A_1743 = tpu.vector_load %arg16[%get3A_1741, %get3A_1742] {strides = array<i32>} : memref<256x128xf32, #tpu.memory_space<vmem>>, vector<1x16xf32>,
        %get3A_1744 = vector.shape_cast %get3A_1743 : vector<1x16xf32> to vector<16xf32>
        %add3A_1745 = arith.addf %add3A_1738, %get3A_1744 : vector<16xf32>
        %add3A_1746 = arith.constant 96 : i32
        %add3A_1747 = arith.addi %add3A_1746, %scan3A_1004 : i32
        %get3A_1748 = arith.index_cast %add3A_1747 : i32 to index
        %get3A_1749 = arith.constant 96 : index
        %get3A_1750 = tpu.vector_load %arg16[%get3A_1748, %get3A_1749] {strides = array<i32>} : memref<256x128xf32, #tpu.memory_space<vmem>>, vector<1x16xf32>,
        %get3A_1751 = vector.shape_cast %get3A_1750 : vector<1x16xf32> to vector<16xf32>
        %add3A_1752 = arith.addf %add3A_1745, %get3A_1751 : vector<16xf32>
        %add3A_1753 = arith.constant 112 : i32
        %add3A_1754 = arith.addi %add3A_1753, %scan3A_1004 : i32
        %get3A_1755 = arith.index_cast %add3A_1754 : i32 to index
        %get3A_1756 = arith.constant 96 : index
        %get3A_1757 = tpu.vector_load %arg16[%get3A_1755, %get3A_1756] {strides = array<i32>} : memref<256x128xf32, #tpu.memory_space<vmem>>, vector<1x16xf32>,
        %get3A_1758 = vector.shape_cast %get3A_1757 : vector<1x16xf32> to vector<16xf32>
        %add3A_1759 = arith.addf %add3A_1752, %get3A_1758 : vector<16xf32>
        %add3A_1760 = arith.constant 128 : i32
        %add3A_1761 = arith.addi %add3A_1760, %scan3A_1004 : i32
        %get3A_1762 = arith.index_cast %add3A_1761 : i32 to index
        %get3A_1763 = arith.constant 96 : index
        %get3A_1764 = tpu.vector_load %arg16[%get3A_1762, %get3A_1763] {strides = array<i32>} : memref<256x128xf32, #tpu.memory_space<vmem>>, vector<1x16xf32>,
        %get3A_1765 = vector.shape_cast %get3A_1764 : vector<1x16xf32> to vector<16xf32>
        %add3A_1766 = arith.addf %add3A_1759, %get3A_1765 : vector<16xf32>
        %add3A_1767 = arith.constant 144 : i32
        %add3A_1768 = arith.addi %add3A_1767, %scan3A_1004 : i32
        %get3A_1769 = arith.index_cast %add3A_1768 : i32 to index
        %get3A_1770 = arith.constant 96 : index
        %get3A_1771 = tpu.vector_load %arg16[%get3A_1769, %get3A_1770] {strides = array<i32>} : memref<256x128xf32, #tpu.memory_space<vmem>>, vector<1x16xf32>,
        %get3A_1772 = vector.shape_cast %get3A_1771 : vector<1x16xf32> to vector<16xf32>
        %add3A_1773 = arith.addf %add3A_1766, %get3A_1772 : vector<16xf32>
        %add3A_1774 = arith.constant 160 : i32
        %add3A_1775 = arith.addi %add3A_1774, %scan3A_1004 : i32
        %get3A_1776 = arith.index_cast %add3A_1775 : i32 to index
        %get3A_1777 = arith.constant 96 : index
        %get3A_1778 = tpu.vector_load %arg16[%get3A_1776, %get3A_1777] {strides = array<i32>} : memref<256x128xf32, #tpu.memory_space<vmem>>, vector<1x16xf32>,
        %get3A_1779 = vector.shape_cast %get3A_1778 : vector<1x16xf32> to vector<16xf32>
        %add3A_1780 = arith.addf %add3A_1773, %get3A_1779 : vector<16xf32>
        %add3A_1781 = arith.constant 176 : i32
        %add3A_1782 = arith.addi %add3A_1781, %scan3A_1004 : i32
        %get3A_1783 = arith.index_cast %add3A_1782 : i32 to index
        %get3A_1784 = arith.constant 96 : index
        %get3A_1785 = tpu.vector_load %arg16[%get3A_1783, %get3A_1784] {strides = array<i32>} : memref<256x128xf32, #tpu.memory_space<vmem>>, vector<1x16xf32>,
        %get3A_1786 = vector.shape_cast %get3A_1785 : vector<1x16xf32> to vector<16xf32>
        %add3A_1787 = arith.addf %add3A_1780, %get3A_1786 : vector<16xf32>
        %add3A_1788 = arith.constant 192 : i32
        %add3A_1789 = arith.addi %add3A_1788, %scan3A_1004 : i32
        %get3A_1790 = arith.index_cast %add3A_1789 : i32 to index
        %get3A_1791 = arith.constant 96 : index
        %get3A_1792 = tpu.vector_load %arg16[%get3A_1790, %get3A_1791] {strides = array<i32>} : memref<256x128xf32, #tpu.memory_space<vmem>>, vector<1x16xf32>,
        %get3A_1793 = vector.shape_cast %get3A_1792 : vector<1x16xf32> to vector<16xf32>
        %add3A_1794 = arith.addf %add3A_1787, %get3A_1793 : vector<16xf32>
        %add3A_1795 = arith.constant 208 : i32
        %add3A_1796 = arith.addi %add3A_1795, %scan3A_1004 : i32
        %get3A_1797 = arith.index_cast %add3A_1796 : i32 to index
        %get3A_1798 = arith.constant 96 : index
        %get3A_1799 = tpu.vector_load %arg16[%get3A_1797, %get3A_1798] {strides = array<i32>} : memref<256x128xf32, #tpu.memory_space<vmem>>, vector<1x16xf32>,
        %get3A_1800 = vector.shape_cast %get3A_1799 : vector<1x16xf32> to vector<16xf32>
        %add3A_1801 = arith.addf %add3A_1794, %get3A_1800 : vector<16xf32>
        %add3A_1802 = arith.constant 224 : i32
        %add3A_1803 = arith.addi %add3A_1802, %scan3A_1004 : i32
        %get3A_1804 = arith.index_cast %add3A_1803 : i32 to index
        %get3A_1805 = arith.constant 96 : index
        %get3A_1806 = tpu.vector_load %arg16[%get3A_1804, %get3A_1805] {strides = array<i32>} : memref<256x128xf32, #tpu.memory_space<vmem>>, vector<1x16xf32>,
        %get3A_1807 = vector.shape_cast %get3A_1806 : vector<1x16xf32> to vector<16xf32>
        %add3A_1808 = arith.addf %add3A_1801, %get3A_1807 : vector<16xf32>
        %add3A_1809 = arith.constant 240 : i32
        %add3A_1810 = arith.addi %add3A_1809, %scan3A_1004 : i32
        %get3A_1811 = arith.index_cast %add3A_1810 : i32 to index
        %get3A_1812 = arith.constant 96 : index
        %get3A_1813 = tpu.vector_load %arg16[%get3A_1811, %get3A_1812] {strides = array<i32>} : memref<256x128xf32, #tpu.memory_space<vmem>>, vector<1x16xf32>,
        %get3A_1814 = vector.shape_cast %get3A_1813 : vector<1x16xf32> to vector<16xf32>
        %add3A_1815 = arith.addf %add3A_1808, %get3A_1814 : vector<16xf32>
        %mul3A_1816 = arith.constant 6.250000e-02 : f32
        %mul3A_1817 = vector.broadcast %mul3A_1816 : f32 to vector<16xf32>
        %mul3A_1818 = arith.mulf %add3A_1815, %mul3A_1817 : vector<16xf32>
        %swap3A_1819 = arith.index_cast %scan3A_1004 : i32 to index
        %swap3A_1820 = arith.constant 96 : index
        %swap3A_1821 = tpu.vector_load %arg18[%swap3A_1819, %swap3A_1820] {strides = array<i32>} : memref<16x128xf32, #tpu.memory_space<vmem>>, vector<1x16xf32>,
        %swap3A_1822 = vector.shape_cast %swap3A_1821 : vector<1x16xf32> to vector<16xf32>
        %swap3A_1823 = vector.shape_cast %mul3A_1818 : vector<16xf32> to vector<1x16xf32>
        tpu.vector_store %arg18[%swap3A_1819, %swap3A_1820], %swap3A_1823 {strides = array<i32>} : memref<16x128xf32, #tpu.memory_space<vmem>>, vector<1x16xf32>,
        %get3A_1824 = arith.index_cast %scan3A_1004 : i32 to index
        %get3A_1825 = arith.constant 112 : index
        %get3A_1826 = tpu.vector_load %arg16[%get3A_1824, %get3A_1825] {strides = array<i32>} : memref<256x128xf32, #tpu.memory_space<vmem>>, vector<1x16xf32>,
        %get3A_1827 = vector.shape_cast %get3A_1826 : vector<1x16xf32> to vector<16xf32>
        %add3A_1828 = arith.constant 16 : i32
        %add3A_1829 = arith.addi %add3A_1828, %scan3A_1004 : i32
        %get3A_1830 = arith.index_cast %add3A_1829 : i32 to index
        %get3A_1831 = arith.constant 112 : index
        %get3A_1832 = tpu.vector_load %arg16[%get3A_1830, %get3A_1831] {strides = array<i32>} : memref<256x128xf32, #tpu.memory_space<vmem>>, vector<1x16xf32>,
        %get3A_1833 = vector.shape_cast %get3A_1832 : vector<1x16xf32> to vector<16xf32>
        %add3A_1834 = arith.addf %get3A_1827, %get3A_1833 : vector<16xf32>
        %add3A_1835 = arith.constant 32 : i32
        %add3A_1836 = arith.addi %add3A_1835, %scan3A_1004 : i32
        %get3A_1837 = arith.index_cast %add3A_1836 : i32 to index
        %get3A_1838 = arith.constant 112 : index
        %get3A_1839 = tpu.vector_load %arg16[%get3A_1837, %get3A_1838] {strides = array<i32>} : memref<256x128xf32, #tpu.memory_space<vmem>>, vector<1x16xf32>,
        %get3A_1840 = vector.shape_cast %get3A_1839 : vector<1x16xf32> to vector<16xf32>
        %add3A_1841 = arith.addf %add3A_1834, %get3A_1840 : vector<16xf32>
        %add3A_1842 = arith.constant 48 : i32
        %add3A_1843 = arith.addi %add3A_1842, %scan3A_1004 : i32
        %get3A_1844 = arith.index_cast %add3A_1843 : i32 to index
        %get3A_1845 = arith.constant 112 : index
        %get3A_1846 = tpu.vector_load %arg16[%get3A_1844, %get3A_1845] {strides = array<i32>} : memref<256x128xf32, #tpu.memory_space<vmem>>, vector<1x16xf32>,
        %get3A_1847 = vector.shape_cast %get3A_1846 : vector<1x16xf32> to vector<16xf32>
        %add3A_1848 = arith.addf %add3A_1841, %get3A_1847 : vector<16xf32>
        %add3A_1849 = arith.constant 64 : i32
        %add3A_1850 = arith.addi %add3A_1849, %scan3A_1004 : i32
        %get3A_1851 = arith.index_cast %add3A_1850 : i32 to index
        %get3A_1852 = arith.constant 112 : index
        %get3A_1853 = tpu.vector_load %arg16[%get3A_1851, %get3A_1852] {strides = array<i32>} : memref<256x128xf32, #tpu.memory_space<vmem>>, vector<1x16xf32>,
        %get3A_1854 = vector.shape_cast %get3A_1853 : vector<1x16xf32> to vector<16xf32>
        %add3A_1855 = arith.addf %add3A_1848, %get3A_1854 : vector<16xf32>
        %add3A_1856 = arith.constant 80 : i32
        %add3A_1857 = arith.addi %add3A_1856, %scan3A_1004 : i32
        %get3A_1858 = arith.index_cast %add3A_1857 : i32 to index
        %get3A_1859 = arith.constant 112 : index
        %get3A_1860 = tpu.vector_load %arg16[%get3A_1858, %get3A_1859] {strides = array<i32>} : memref<256x128xf32, #tpu.memory_space<vmem>>, vector<1x16xf32>,
        %get3A_1861 = vector.shape_cast %get3A_1860 : vector<1x16xf32> to vector<16xf32>
        %add3A_1862 = arith.addf %add3A_1855, %get3A_1861 : vector<16xf32>
        %add3A_1863 = arith.constant 96 : i32
        %add3A_1864 = arith.addi %add3A_1863, %scan3A_1004 : i32
        %get3A_1865 = arith.index_cast %add3A_1864 : i32 to index
        %get3A_1866 = arith.constant 112 : index
        %get3A_1867 = tpu.vector_load %arg16[%get3A_1865, %get3A_1866] {strides = array<i32>} : memref<256x128xf32, #tpu.memory_space<vmem>>, vector<1x16xf32>,
        %get3A_1868 = vector.shape_cast %get3A_1867 : vector<1x16xf32> to vector<16xf32>
        %add3A_1869 = arith.addf %add3A_1862, %get3A_1868 : vector<16xf32>
        %add3A_1870 = arith.constant 112 : i32
        %add3A_1871 = arith.addi %add3A_1870, %scan3A_1004 : i32
        %get3A_1872 = arith.index_cast %add3A_1871 : i32 to index
        %get3A_1873 = arith.constant 112 : index
        %get3A_1874 = tpu.vector_load %arg16[%get3A_1872, %get3A_1873] {strides = array<i32>} : memref<256x128xf32, #tpu.memory_space<vmem>>, vector<1x16xf32>,
        %get3A_1875 = vector.shape_cast %get3A_1874 : vector<1x16xf32> to vector<16xf32>
        %add3A_1876 = arith.addf %add3A_1869, %get3A_1875 : vector<16xf32>
        %add3A_1877 = arith.constant 128 : i32
        %add3A_1878 = arith.addi %add3A_1877, %scan3A_1004 : i32
        %get3A_1879 = arith.index_cast %add3A_1878 : i32 to index
        %get3A_1880 = arith.constant 112 : index
        %get3A_1881 = tpu.vector_load %arg16[%get3A_1879, %get3A_1880] {strides = array<i32>} : memref<256x128xf32, #tpu.memory_space<vmem>>, vector<1x16xf32>,
        %get3A_1882 = vector.shape_cast %get3A_1881 : vector<1x16xf32> to vector<16xf32>
        %add3A_1883 = arith.addf %add3A_1876, %get3A_1882 : vector<16xf32>
        %add3A_1884 = arith.constant 144 : i32
        %add3A_1885 = arith.addi %add3A_1884, %scan3A_1004 : i32
        %get3A_1886 = arith.index_cast %add3A_1885 : i32 to index
        %get3A_1887 = arith.constant 112 : index
        %get3A_1888 = tpu.vector_load %arg16[%get3A_1886, %get3A_1887] {strides = array<i32>} : memref<256x128xf32, #tpu.memory_space<vmem>>, vector<1x16xf32>,
        %get3A_1889 = vector.shape_cast %get3A_1888 : vector<1x16xf32> to vector<16xf32>
        %add3A_1890 = arith.addf %add3A_1883, %get3A_1889 : vector<16xf32>
        %add3A_1891 = arith.constant 160 : i32
        %add3A_1892 = arith.addi %add3A_1891, %scan3A_1004 : i32
        %get3A_1893 = arith.index_cast %add3A_1892 : i32 to index
        %get3A_1894 = arith.constant 112 : index
        %get3A_1895 = tpu.vector_load %arg16[%get3A_1893, %get3A_1894] {strides = array<i32>} : memref<256x128xf32, #tpu.memory_space<vmem>>, vector<1x16xf32>,
        %get3A_1896 = vector.shape_cast %get3A_1895 : vector<1x16xf32> to vector<16xf32>
        %add3A_1897 = arith.addf %add3A_1890, %get3A_1896 : vector<16xf32>
        %add3A_1898 = arith.constant 176 : i32
        %add3A_1899 = arith.addi %add3A_1898, %scan3A_1004 : i32
        %get3A_1900 = arith.index_cast %add3A_1899 : i32 to index
        %get3A_1901 = arith.constant 112 : index
        %get3A_1902 = tpu.vector_load %arg16[%get3A_1900, %get3A_1901] {strides = array<i32>} : memref<256x128xf32, #tpu.memory_space<vmem>>, vector<1x16xf32>,
        %get3A_1903 = vector.shape_cast %get3A_1902 : vector<1x16xf32> to vector<16xf32>
        %add3A_1904 = arith.addf %add3A_1897, %get3A_1903 : vector<16xf32>
        %add3A_1905 = arith.constant 192 : i32
        %add3A_1906 = arith.addi %add3A_1905, %scan3A_1004 : i32
        %get3A_1907 = arith.index_cast %add3A_1906 : i32 to index
        %get3A_1908 = arith.constant 112 : index
        %get3A_1909 = tpu.vector_load %arg16[%get3A_1907, %get3A_1908] {strides = array<i32>} : memref<256x128xf32, #tpu.memory_space<vmem>>, vector<1x16xf32>,
        %get3A_1910 = vector.shape_cast %get3A_1909 : vector<1x16xf32> to vector<16xf32>
        %add3A_1911 = arith.addf %add3A_1904, %get3A_1910 : vector<16xf32>
        %add3A_1912 = arith.constant 208 : i32
        %add3A_1913 = arith.addi %add3A_1912, %scan3A_1004 : i32
        %get3A_1914 = arith.index_cast %add3A_1913 : i32 to index
        %get3A_1915 = arith.constant 112 : index
        %get3A_1916 = tpu.vector_load %arg16[%get3A_1914, %get3A_1915] {strides = array<i32>} : memref<256x128xf32, #tpu.memory_space<vmem>>, vector<1x16xf32>,
        %get3A_1917 = vector.shape_cast %get3A_1916 : vector<1x16xf32> to vector<16xf32>
        %add3A_1918 = arith.addf %add3A_1911, %get3A_1917 : vector<16xf32>
        %add3A_1919 = arith.constant 224 : i32
        %add3A_1920 = arith.addi %add3A_1919, %scan3A_1004 : i32
        %get3A_1921 = arith.index_cast %add3A_1920 : i32 to index
        %get3A_1922 = arith.constant 112 : index
        %get3A_1923 = tpu.vector_load %arg16[%get3A_1921, %get3A_1922] {strides = array<i32>} : memref<256x128xf32, #tpu.memory_space<vmem>>, vector<1x16xf32>,
        %get3A_1924 = vector.shape_cast %get3A_1923 : vector<1x16xf32> to vector<16xf32>
        %add3A_1925 = arith.addf %add3A_1918, %get3A_1924 : vector<16xf32>
        %add3A_1926 = arith.constant 240 : i32
        %add3A_1927 = arith.addi %add3A_1926, %scan3A_1004 : i32
        %get3A_1928 = arith.index_cast %add3A_1927 : i32 to index
        %get3A_1929 = arith.constant 112 : index
        %get3A_1930 = tpu.vector_load %arg16[%get3A_1928, %get3A_1929] {strides = array<i32>} : memref<256x128xf32, #tpu.memory_space<vmem>>, vector<1x16xf32>,
        %get3A_1931 = vector.shape_cast %get3A_1930 : vector<1x16xf32> to vector<16xf32>
        %add3A_1932 = arith.addf %add3A_1925, %get3A_1931 : vector<16xf32>
        %mul3A_1933 = arith.constant 6.250000e-02 : f32
        %mul3A_1934 = vector.broadcast %mul3A_1933 : f32 to vector<16xf32>
        %mul3A_1935 = arith.mulf %add3A_1932, %mul3A_1934 : vector<16xf32>
        %swap3A_1936 = arith.index_cast %scan3A_1004 : i32 to index
        %swap3A_1937 = arith.constant 112 : index
        %swap3A_1938 = tpu.vector_load %arg18[%swap3A_1936, %swap3A_1937] {strides = array<i32>} : memref<16x128xf32, #tpu.memory_space<vmem>>, vector<1x16xf32>,
        %swap3A_1939 = vector.shape_cast %swap3A_1938 : vector<1x16xf32> to vector<16xf32>
        %swap3A_1940 = vector.shape_cast %mul3A_1935 : vector<16xf32> to vector<1x16xf32>
        tpu.vector_store %arg18[%swap3A_1936, %swap3A_1937], %swap3A_1940 {strides = array<i32>} : memref<16x128xf32, #tpu.memory_space<vmem>>, vector<1x16xf32>,
      }
      %scan3A_928 = arith.constant 16 : i32
      %lt3A = arith.constant 2 : i32
      %lt3A_929 = arith.cmpi slt, %mul3A_910, %lt3A : i32
      %mul3A_930 = arith.constant 32 : i32
      %mul3A_931 = arith.muli %add3A, %mul3A_930 : i32
      %mul3A_932 = arith.constant 16 : i32
      %mul3A_933 = arith.muli %mul3A_910, %mul3A_932 : i32
      %add3A_934 = arith.addi %mul3A_931, %mul3A_933 : i32
      %mul3A_935 = arith.constant 512 : i32
      %mul3A_936 = arith.muli %add3A, %mul3A_935 : i32
      %add3A_937 = arith.constant 1024 : i32
      %add3A_938 = arith.addi %add3A_937, %mul3A_936 : i32
      %sub3A = arith.constant 2 : i32
      %sub3A_939 = arith.subi %mul3A_910, %sub3A : i32
      %mul3A_940 = arith.constant 16 : i32
      %mul3A_941 = arith.muli %sub3A_939, %mul3A_940 : i32
      %add3A_942 = arith.addi %add3A_938, %mul3A_941 : i32
      %select_n3A = arith.select %lt3A_929, %add3A_934, %add3A_942 : i32
      %dma_start3A_943 = arith.constant 0 : i32
      %dma_start3A_944 = tpu.memref_slice %arg5[%select_n3A, %dma_start3A_943] : memref<17408x128xf32, #tpu.memory_space<hbm>> -> memref<16x128xf32, #tpu.memory_space<hbm>>
      %dma_start3A_945 = arith.constant 0 : i32
      %dma_start3A_946 = tpu.memref_slice %arg5[%select_n3A, %dma_start3A_945] : memref<17408x128xf32, #tpu.memory_space<hbm>> -> memref<16x128xf32, #tpu.memory_space<hbm>>
      tpu.enqueue_dma source(%arg14 : memref<16x128xf32, #tpu.memory_space<vmem>>) target(%dma_start3A_946 : memref<16x128xf32, #tpu.memory_space<hbm>>) target_semaphore(%arg24 : memref<!tpu.dma_semaphore, #tpu.memory_space<semaphore_mem>>)
      %dma_start3A_947 = arith.constant 0 : i32
      %dma_start3A_948 = tpu.memref_slice %arg6[%select_n3A, %dma_start3A_947] : memref<17408x128xf32, #tpu.memory_space<hbm>> -> memref<16x128xf32, #tpu.memory_space<hbm>>
      %dma_start3A_949 = arith.constant 0 : i32
      %dma_start3A_950 = tpu.memref_slice %arg6[%select_n3A, %dma_start3A_949] : memref<17408x128xf32, #tpu.memory_space<hbm>> -> memref<16x128xf32, #tpu.memory_space<hbm>>
      tpu.enqueue_dma source(%arg18 : memref<16x128xf32, #tpu.memory_space<vmem>>) target(%dma_start3A_950 : memref<16x128xf32, #tpu.memory_space<hbm>>) target_semaphore(%arg24 : memref<!tpu.dma_semaphore, #tpu.memory_space<semaphore_mem>>)
      %lt3A_951 = arith.constant 16 : i32
      %lt3A_952 = arith.cmpi slt, %scan3A_908, %lt3A_951 : i32
      %convert_element_type3A = arith.extui %lt3A_952 : i1 to i32
      %cond3A = arith.constant 0 : i32
      %cond3A_953 = arith.cmpi ne, %convert_element_type3A, %cond3A : i32
      scf.if %cond3A_953 {
        %add3A_1004 = arith.constant 2 : i32
        %add3A_1005 = arith.addi %mul3A_910, %add3A_1004 : i32
        %sub3A_1006 = arith.constant 2 : i32
        %sub3A_1007 = arith.subi %add3A_1005, %sub3A_1006 : i32
        %mul3A_1008 = arith.constant 16 : i32
        %mul3A_1009 = arith.muli %sub3A_1007, %mul3A_1008 : i32
        %get3A_1010 = arith.index_cast %mul3A_1009 : i32 to index
        %get3A_1011 = tpu.vector_load %arg9[%get3A_1010] {strides = array<i32>} : memref<512xi32, #tpu.memory_space<vmem>>, vector<16xi32>,
        %get3A_1012 = vector.shape_cast %get3A_1011 : vector<16xi32> to vector<16xi32>
        %mul3A_1013 = arith.constant 16 : i32
        %mul3A_1014 = vector.broadcast %mul3A_1013 : i32 to vector<16xi32>
        %mul3A_1015 = arith.muli %get3A_1012, %mul3A_1014 : vector<16xi32>
        %add3A_1016 = arith.constant 0 : i32
        %add3A_1017 = vector.broadcast %add3A_1016 : i32 to vector<16xi32>
        %add3A_1018 = arith.addi %mul3A_1015, %add3A_1017 : vector<16xi32>
        %swap3A_1019 = arith.constant 0 : index
        %swap3A_1020 = tpu.vector_load %arg10[%swap3A_1019] {strides = array<i32>} : memref<256xi32, #tpu.memory_space<vmem>>, vector<16xi32>,
        %swap3A_1021 = vector.shape_cast %swap3A_1020 : vector<16xi32> to vector<16xi32>
        %swap3A_1022 = vector.shape_cast %add3A_1018 : vector<16xi32> to vector<16xi32>
        tpu.vector_store %arg10[%swap3A_1019], %swap3A_1022 {strides = array<i32>} : memref<256xi32, #tpu.memory_space<vmem>>, vector<16xi32>,
        %mul3A_1023 = arith.constant 16 : i32
        %mul3A_1024 = vector.broadcast %mul3A_1023 : i32 to vector<16xi32>
        %mul3A_1025 = arith.muli %get3A_1012, %mul3A_1024 : vector<16xi32>
        %add3A_1026 = arith.constant 1 : i32
        %add3A_1027 = vector.broadcast %add3A_1026 : i32 to vector<16xi32>
        %add3A_1028 = arith.addi %mul3A_1025, %add3A_1027 : vector<16xi32>
        %swap3A_1029 = arith.constant 16 : index
        %swap3A_1030 = tpu.vector_load %arg10[%swap3A_1029] {strides = array<i32>} : memref<256xi32, #tpu.memory_space<vmem>>, vector<16xi32>,
        %swap3A_1031 = vector.shape_cast %swap3A_1030 : vector<16xi32> to vector<16xi32>
        %swap3A_1032 = vector.shape_cast %add3A_1028 : vector<16xi32> to vector<16xi32>
        tpu.vector_store %arg10[%swap3A_1029], %swap3A_1032 {strides = array<i32>} : memref<256xi32, #tpu.memory_space<vmem>>, vector<16xi32>,
        %mul3A_1033 = arith.constant 16 : i32
        %mul3A_1034 = vector.broadcast %mul3A_1033 : i32 to vector<16xi32>
        %mul3A_1035 = arith.muli %get3A_1012, %mul3A_1034 : vector<16xi32>
        %add3A_1036 = arith.constant 2 : i32
        %add3A_1037 = vector.broadcast %add3A_1036 : i32 to vector<16xi32>
        %add3A_1038 = arith.addi %mul3A_1035, %add3A_1037 : vector<16xi32>
        %swap3A_1039 = arith.constant 32 : index
        %swap3A_1040 = tpu.vector_load %arg10[%swap3A_1039] {strides = array<i32>} : memref<256xi32, #tpu.memory_space<vmem>>, vector<16xi32>,
        %swap3A_1041 = vector.shape_cast %swap3A_1040 : vector<16xi32> to vector<16xi32>
        %swap3A_1042 = vector.shape_cast %add3A_1038 : vector<16xi32> to vector<16xi32>
        tpu.vector_store %arg10[%swap3A_1039], %swap3A_1042 {strides = array<i32>} : memref<256xi32, #tpu.memory_space<vmem>>, vector<16xi32>,
        %mul3A_1043 = arith.constant 16 : i32
        %mul3A_1044 = vector.broadcast %mul3A_1043 : i32 to vector<16xi32>
        %mul3A_1045 = arith.muli %get3A_1012, %mul3A_1044 : vector<16xi32>
        %add3A_1046 = arith.constant 3 : i32
        %add3A_1047 = vector.broadcast %add3A_1046 : i32 to vector<16xi32>
        %add3A_1048 = arith.addi %mul3A_1045, %add3A_1047 : vector<16xi32>
        %swap3A_1049 = arith.constant 48 : index
        %swap3A_1050 = tpu.vector_load %arg10[%swap3A_1049] {strides = array<i32>} : memref<256xi32, #tpu.memory_space<vmem>>, vector<16xi32>,
        %swap3A_1051 = vector.shape_cast %swap3A_1050 : vector<16xi32> to vector<16xi32>
        %swap3A_1052 = vector.shape_cast %add3A_1048 : vector<16xi32> to vector<16xi32>
        tpu.vector_store %arg10[%swap3A_1049], %swap3A_1052 {strides = array<i32>} : memref<256xi32, #tpu.memory_space<vmem>>, vector<16xi32>,
        %mul3A_1053 = arith.constant 16 : i32
        %mul3A_1054 = vector.broadcast %mul3A_1053 : i32 to vector<16xi32>
        %mul3A_1055 = arith.muli %get3A_1012, %mul3A_1054 : vector<16xi32>
        %add3A_1056 = arith.constant 4 : i32
        %add3A_1057 = vector.broadcast %add3A_1056 : i32 to vector<16xi32>
        %add3A_1058 = arith.addi %mul3A_1055, %add3A_1057 : vector<16xi32>
        %swap3A_1059 = arith.constant 64 : index
        %swap3A_1060 = tpu.vector_load %arg10[%swap3A_1059] {strides = array<i32>} : memref<256xi32, #tpu.memory_space<vmem>>, vector<16xi32>,
        %swap3A_1061 = vector.shape_cast %swap3A_1060 : vector<16xi32> to vector<16xi32>
        %swap3A_1062 = vector.shape_cast %add3A_1058 : vector<16xi32> to vector<16xi32>
        tpu.vector_store %arg10[%swap3A_1059], %swap3A_1062 {strides = array<i32>} : memref<256xi32, #tpu.memory_space<vmem>>, vector<16xi32>,
        %mul3A_1063 = arith.constant 16 : i32
        %mul3A_1064 = vector.broadcast %mul3A_1063 : i32 to vector<16xi32>
        %mul3A_1065 = arith.muli %get3A_1012, %mul3A_1064 : vector<16xi32>
        %add3A_1066 = arith.constant 5 : i32
        %add3A_1067 = vector.broadcast %add3A_1066 : i32 to vector<16xi32>
        %add3A_1068 = arith.addi %mul3A_1065, %add3A_1067 : vector<16xi32>
        %swap3A_1069 = arith.constant 80 : index
        %swap3A_1070 = tpu.vector_load %arg10[%swap3A_1069] {strides = array<i32>} : memref<256xi32, #tpu.memory_space<vmem>>, vector<16xi32>,
        %swap3A_1071 = vector.shape_cast %swap3A_1070 : vector<16xi32> to vector<16xi32>
        %swap3A_1072 = vector.shape_cast %add3A_1068 : vector<16xi32> to vector<16xi32>
        tpu.vector_store %arg10[%swap3A_1069], %swap3A_1072 {strides = array<i32>} : memref<256xi32, #tpu.memory_space<vmem>>, vector<16xi32>,
        %mul3A_1073 = arith.constant 16 : i32
        %mul3A_1074 = vector.broadcast %mul3A_1073 : i32 to vector<16xi32>
        %mul3A_1075 = arith.muli %get3A_1012, %mul3A_1074 : vector<16xi32>
        %add3A_1076 = arith.constant 6 : i32
        %add3A_1077 = vector.broadcast %add3A_1076 : i32 to vector<16xi32>
        %add3A_1078 = arith.addi %mul3A_1075, %add3A_1077 : vector<16xi32>
        %swap3A_1079 = arith.constant 96 : index
        %swap3A_1080 = tpu.vector_load %arg10[%swap3A_1079] {strides = array<i32>} : memref<256xi32, #tpu.memory_space<vmem>>, vector<16xi32>,
        %swap3A_1081 = vector.shape_cast %swap3A_1080 : vector<16xi32> to vector<16xi32>
        %swap3A_1082 = vector.shape_cast %add3A_1078 : vector<16xi32> to vector<16xi32>
        tpu.vector_store %arg10[%swap3A_1079], %swap3A_1082 {strides = array<i32>} : memref<256xi32, #tpu.memory_space<vmem>>, vector<16xi32>,
        %mul3A_1083 = arith.constant 16 : i32
        %mul3A_1084 = vector.broadcast %mul3A_1083 : i32 to vector<16xi32>
        %mul3A_1085 = arith.muli %get3A_1012, %mul3A_1084 : vector<16xi32>
        %add3A_1086 = arith.constant 7 : i32
        %add3A_1087 = vector.broadcast %add3A_1086 : i32 to vector<16xi32>
        %add3A_1088 = arith.addi %mul3A_1085, %add3A_1087 : vector<16xi32>
        %swap3A_1089 = arith.constant 112 : index
        %swap3A_1090 = tpu.vector_load %arg10[%swap3A_1089] {strides = array<i32>} : memref<256xi32, #tpu.memory_space<vmem>>, vector<16xi32>,
        %swap3A_1091 = vector.shape_cast %swap3A_1090 : vector<16xi32> to vector<16xi32>
        %swap3A_1092 = vector.shape_cast %add3A_1088 : vector<16xi32> to vector<16xi32>
        tpu.vector_store %arg10[%swap3A_1089], %swap3A_1092 {strides = array<i32>} : memref<256xi32, #tpu.memory_space<vmem>>, vector<16xi32>,
        %mul3A_1093 = arith.constant 16 : i32
        %mul3A_1094 = vector.broadcast %mul3A_1093 : i32 to vector<16xi32>
        %mul3A_1095 = arith.muli %get3A_1012, %mul3A_1094 : vector<16xi32>
        %add3A_1096 = arith.constant 8 : i32
        %add3A_1097 = vector.broadcast %add3A_1096 : i32 to vector<16xi32>
        %add3A_1098 = arith.addi %mul3A_1095, %add3A_1097 : vector<16xi32>
        %swap3A_1099 = arith.constant 128 : index
        %swap3A_1100 = tpu.vector_load %arg10[%swap3A_1099] {strides = array<i32>} : memref<256xi32, #tpu.memory_space<vmem>>, vector<16xi32>,
        %swap3A_1101 = vector.shape_cast %swap3A_1100 : vector<16xi32> to vector<16xi32>
        %swap3A_1102 = vector.shape_cast %add3A_1098 : vector<16xi32> to vector<16xi32>
        tpu.vector_store %arg10[%swap3A_1099], %swap3A_1102 {strides = array<i32>} : memref<256xi32, #tpu.memory_space<vmem>>, vector<16xi32>,
        %mul3A_1103 = arith.constant 16 : i32
        %mul3A_1104 = vector.broadcast %mul3A_1103 : i32 to vector<16xi32>
        %mul3A_1105 = arith.muli %get3A_1012, %mul3A_1104 : vector<16xi32>
        %add3A_1106 = arith.constant 9 : i32
        %add3A_1107 = vector.broadcast %add3A_1106 : i32 to vector<16xi32>
        %add3A_1108 = arith.addi %mul3A_1105, %add3A_1107 : vector<16xi32>
        %swap3A_1109 = arith.constant 144 : index
        %swap3A_1110 = tpu.vector_load %arg10[%swap3A_1109] {strides = array<i32>} : memref<256xi32, #tpu.memory_space<vmem>>, vector<16xi32>,
        %swap3A_1111 = vector.shape_cast %swap3A_1110 : vector<16xi32> to vector<16xi32>
        %swap3A_1112 = vector.shape_cast %add3A_1108 : vector<16xi32> to vector<16xi32>
        tpu.vector_store %arg10[%swap3A_1109], %swap3A_1112 {strides = array<i32>} : memref<256xi32, #tpu.memory_space<vmem>>, vector<16xi32>,
        %mul3A_1113 = arith.constant 16 : i32
        %mul3A_1114 = vector.broadcast %mul3A_1113 : i32 to vector<16xi32>
        %mul3A_1115 = arith.muli %get3A_1012, %mul3A_1114 : vector<16xi32>
        %add3A_1116 = arith.constant 10 : i32
        %add3A_1117 = vector.broadcast %add3A_1116 : i32 to vector<16xi32>
        %add3A_1118 = arith.addi %mul3A_1115, %add3A_1117 : vector<16xi32>
        %swap3A_1119 = arith.constant 160 : index
        %swap3A_1120 = tpu.vector_load %arg10[%swap3A_1119] {strides = array<i32>} : memref<256xi32, #tpu.memory_space<vmem>>, vector<16xi32>,
        %swap3A_1121 = vector.shape_cast %swap3A_1120 : vector<16xi32> to vector<16xi32>
        %swap3A_1122 = vector.shape_cast %add3A_1118 : vector<16xi32> to vector<16xi32>
        tpu.vector_store %arg10[%swap3A_1119], %swap3A_1122 {strides = array<i32>} : memref<256xi32, #tpu.memory_space<vmem>>, vector<16xi32>,
        %mul3A_1123 = arith.constant 16 : i32
        %mul3A_1124 = vector.broadcast %mul3A_1123 : i32 to vector<16xi32>
        %mul3A_1125 = arith.muli %get3A_1012, %mul3A_1124 : vector<16xi32>
        %add3A_1126 = arith.constant 11 : i32
        %add3A_1127 = vector.broadcast %add3A_1126 : i32 to vector<16xi32>
        %add3A_1128 = arith.addi %mul3A_1125, %add3A_1127 : vector<16xi32>
        %swap3A_1129 = arith.constant 176 : index
        %swap3A_1130 = tpu.vector_load %arg10[%swap3A_1129] {strides = array<i32>} : memref<256xi32, #tpu.memory_space<vmem>>, vector<16xi32>,
        %swap3A_1131 = vector.shape_cast %swap3A_1130 : vector<16xi32> to vector<16xi32>
        %swap3A_1132 = vector.shape_cast %add3A_1128 : vector<16xi32> to vector<16xi32>
        tpu.vector_store %arg10[%swap3A_1129], %swap3A_1132 {strides = array<i32>} : memref<256xi32, #tpu.memory_space<vmem>>, vector<16xi32>,
        %mul3A_1133 = arith.constant 16 : i32
        %mul3A_1134 = vector.broadcast %mul3A_1133 : i32 to vector<16xi32>
        %mul3A_1135 = arith.muli %get3A_1012, %mul3A_1134 : vector<16xi32>
        %add3A_1136 = arith.constant 12 : i32
        %add3A_1137 = vector.broadcast %add3A_1136 : i32 to vector<16xi32>
        %add3A_1138 = arith.addi %mul3A_1135, %add3A_1137 : vector<16xi32>
        %swap3A_1139 = arith.constant 192 : index
        %swap3A_1140 = tpu.vector_load %arg10[%swap3A_1139] {strides = array<i32>} : memref<256xi32, #tpu.memory_space<vmem>>, vector<16xi32>,
        %swap3A_1141 = vector.shape_cast %swap3A_1140 : vector<16xi32> to vector<16xi32>
        %swap3A_1142 = vector.shape_cast %add3A_1138 : vector<16xi32> to vector<16xi32>
        tpu.vector_store %arg10[%swap3A_1139], %swap3A_1142 {strides = array<i32>} : memref<256xi32, #tpu.memory_space<vmem>>, vector<16xi32>,
        %mul3A_1143 = arith.constant 16 : i32
        %mul3A_1144 = vector.broadcast %mul3A_1143 : i32 to vector<16xi32>
        %mul3A_1145 = arith.muli %get3A_1012, %mul3A_1144 : vector<16xi32>
        %add3A_1146 = arith.constant 13 : i32
        %add3A_1147 = vector.broadcast %add3A_1146 : i32 to vector<16xi32>
        %add3A_1148 = arith.addi %mul3A_1145, %add3A_1147 : vector<16xi32>
        %swap3A_1149 = arith.constant 208 : index
        %swap3A_1150 = tpu.vector_load %arg10[%swap3A_1149] {strides = array<i32>} : memref<256xi32, #tpu.memory_space<vmem>>, vector<16xi32>,
        %swap3A_1151 = vector.shape_cast %swap3A_1150 : vector<16xi32> to vector<16xi32>
        %swap3A_1152 = vector.shape_cast %add3A_1148 : vector<16xi32> to vector<16xi32>
        tpu.vector_store %arg10[%swap3A_1149], %swap3A_1152 {strides = array<i32>} : memref<256xi32, #tpu.memory_space<vmem>>, vector<16xi32>,
        %mul3A_1153 = arith.constant 16 : i32
        %mul3A_1154 = vector.broadcast %mul3A_1153 : i32 to vector<16xi32>
        %mul3A_1155 = arith.muli %get3A_1012, %mul3A_1154 : vector<16xi32>
        %add3A_1156 = arith.constant 14 : i32
        %add3A_1157 = vector.broadcast %add3A_1156 : i32 to vector<16xi32>
        %add3A_1158 = arith.addi %mul3A_1155, %add3A_1157 : vector<16xi32>
        %swap3A_1159 = arith.constant 224 : index
        %swap3A_1160 = tpu.vector_load %arg10[%swap3A_1159] {strides = array<i32>} : memref<256xi32, #tpu.memory_space<vmem>>, vector<16xi32>,
        %swap3A_1161 = vector.shape_cast %swap3A_1160 : vector<16xi32> to vector<16xi32>
        %swap3A_1162 = vector.shape_cast %add3A_1158 : vector<16xi32> to vector<16xi32>
        tpu.vector_store %arg10[%swap3A_1159], %swap3A_1162 {strides = array<i32>} : memref<256xi32, #tpu.memory_space<vmem>>, vector<16xi32>,
        %mul3A_1163 = arith.constant 16 : i32
        %mul3A_1164 = vector.broadcast %mul3A_1163 : i32 to vector<16xi32>
        %mul3A_1165 = arith.muli %get3A_1012, %mul3A_1164 : vector<16xi32>
        %add3A_1166 = arith.constant 15 : i32
        %add3A_1167 = vector.broadcast %add3A_1166 : i32 to vector<16xi32>
        %add3A_1168 = arith.addi %mul3A_1165, %add3A_1167 : vector<16xi32>
        %swap3A_1169 = arith.constant 240 : index
        %swap3A_1170 = tpu.vector_load %arg10[%swap3A_1169] {strides = array<i32>} : memref<256xi32, #tpu.memory_space<vmem>>, vector<16xi32>,
        %swap3A_1171 = vector.shape_cast %swap3A_1170 : vector<16xi32> to vector<16xi32>
        %swap3A_1172 = vector.shape_cast %add3A_1168 : vector<16xi32> to vector<16xi32>
        tpu.vector_store %arg10[%swap3A_1169], %swap3A_1172 {strides = array<i32>} : memref<256xi32, #tpu.memory_space<vmem>>, vector<16xi32>,
        %dma_start3A_1173 = arith.constant 0 : i32
        %dma_start3A_1174 = tpu.memref_slice %arg12[%dma_start3A_1173] : memref<256xi32, #tpu.memory_space<vmem>> -> memref<128xi32, #tpu.memory_space<vmem>>
        %dma_start3A_1175 = arith.constant 0 : i32
        %dma_start3A_1176 = tpu.memref_slice %arg10[%dma_start3A_1175] : memref<256xi32, #tpu.memory_space<vmem>> -> memref<128xi32, #tpu.memory_space<vmem>>
        %dma_start3A_1177 = arith.constant 0 : i32
        %dma_start3A_1178 = tpu.memref_slice %arg3[%dma_start3A_1177] : memref<1600000xi32, #tpu.memory_space<hbm>> -> memref<1600000xi32, #tpu.memory_space<hbm>>
        tpu.enqueue_indirect_dma source(%dma_start3A_1178 : memref<1600000xi32, #tpu.memory_space<hbm>>) target(%dma_start3A_1174 : memref<128xi32, #tpu.memory_space<vmem>>) offsets(%dma_start3A_1176 : memref<128xi32, #tpu.memory_space<vmem>>) semaphore(%arg20 : memref<!tpu.dma_semaphore, #tpu.memory_space<semaphore_mem>>)
        %dma_start3A_1179 = arith.constant 128 : i32
        %dma_start3A_1180 = tpu.memref_slice %arg12[%dma_start3A_1179] : memref<256xi32, #tpu.memory_space<vmem>> -> memref<128xi32, #tpu.memory_space<vmem>>
        %dma_start3A_1181 = arith.constant 128 : i32
        %dma_start3A_1182 = tpu.memref_slice %arg10[%dma_start3A_1181] : memref<256xi32, #tpu.memory_space<vmem>> -> memref<128xi32, #tpu.memory_space<vmem>>
        %dma_start3A_1183 = arith.constant 0 : i32
        %dma_start3A_1184 = tpu.memref_slice %arg3[%dma_start3A_1183] : memref<1600000xi32, #tpu.memory_space<hbm>> -> memref<1600000xi32, #tpu.memory_space<hbm>>
        tpu.enqueue_indirect_dma source(%dma_start3A_1184 : memref<1600000xi32, #tpu.memory_space<hbm>>) target(%dma_start3A_1180 : memref<128xi32, #tpu.memory_space<vmem>>) offsets(%dma_start3A_1182 : memref<128xi32, #tpu.memory_space<vmem>>) semaphore(%arg20 : memref<!tpu.dma_semaphore, #tpu.memory_space<semaphore_mem>>)
      } else {
      }
      %add3A_954 = arith.constant 1 : i32
      %add3A_955 = arith.addi %mul3A_910, %add3A_954 : i32
      %dma_wait3A_956 = arith.constant 0 : i32
      %dma_wait3A_957 = arith.constant 0 : i32
      %dma_wait3A_958 = tpu.memref_slice %arg4[%dma_wait3A_956, %dma_wait3A_957] : memref<100000x128xf32, #tpu.memory_space<hbm>> -> memref<256x128xf32, #tpu.memory_space<hbm>>
      %dma_wait3A_959 = arith.constant 0 : i32
      %dma_wait3A_960 = arith.constant 0 : i32
      %dma_wait3A_961 = tpu.memref_slice %arg4[%dma_wait3A_959, %dma_wait3A_960] : memref<100000x128xf32, #tpu.memory_space<hbm>> -> memref<256x128xf32, #tpu.memory_space<hbm>>
      tpu.wait_dma2 semaphore(%arg23 : memref<!tpu.dma_semaphore, #tpu.memory_space<semaphore_mem>>) src(%dma_wait3A_961 : memref<256x128xf32, #tpu.memory_space<hbm>>) dst(%arg17 : memref<256x128xf32, #tpu.memory_space<vmem>>)
      %dma_wait3A_962 = arith.constant 0 : i32
      %dma_wait3A_963 = arith.constant 0 : i32
      %dma_wait3A_964 = tpu.memref_slice %arg4[%dma_wait3A_962, %dma_wait3A_963] : memref<100000x128xf32, #tpu.memory_space<hbm>> -> memref<16x128xf32, #tpu.memory_space<hbm>>
      %dma_wait3A_965 = arith.constant 0 : i32
      %dma_wait3A_966 = arith.constant 0 : i32
      %dma_wait3A_967 = tpu.memref_slice %arg4[%dma_wait3A_965, %dma_wait3A_966] : memref<100000x128xf32, #tpu.memory_space<hbm>> -> memref<16x128xf32, #tpu.memory_space<hbm>>
      tpu.wait_dma2 semaphore(%arg23 : memref<!tpu.dma_semaphore, #tpu.memory_space<semaphore_mem>>) src(%dma_wait3A_967 : memref<16x128xf32, #tpu.memory_space<hbm>>) dst(%arg15 : memref<16x128xf32, #tpu.memory_space<vmem>>)
      %scan3A_968 = arith.constant 0 : i32
      %scan3A_969 = arith.constant 0 : i32
      %scan3A_970 = arith.constant 16 : i32
      %scan3A_971 = arith.addi %scan3A_969, %scan3A_970 : i32
      %scan3A_972 = arith.constant 1 : i32
      scf.for %scan3A_1004 = %scan3A_969 to %scan3A_971 step %scan3A_972  : i32 {
        %get3A_1005 = arith.index_cast %scan3A_1004 : i32 to index
        %get3A_1006 = arith.constant 0 : index
        %get3A_1007 = tpu.vector_load %arg17[%get3A_1005, %get3A_1006] {strides = array<i32>} : memref<256x128xf32, #tpu.memory_space<vmem>>, vector<1x16xf32>,
        %get3A_1008 = vector.shape_cast %get3A_1007 : vector<1x16xf32> to vector<16xf32>
        %add3A_1009 = arith.constant 16 : i32
        %add3A_1010 = arith.addi %add3A_1009, %scan3A_1004 : i32
        %get3A_1011 = arith.index_cast %add3A_1010 : i32 to index
        %get3A_1012 = arith.constant 0 : index
        %get3A_1013 = tpu.vector_load %arg17[%get3A_1011, %get3A_1012] {strides = array<i32>} : memref<256x128xf32, #tpu.memory_space<vmem>>, vector<1x16xf32>,
        %get3A_1014 = vector.shape_cast %get3A_1013 : vector<1x16xf32> to vector<16xf32>
        %add3A_1015 = arith.addf %get3A_1008, %get3A_1014 : vector<16xf32>
        %add3A_1016 = arith.constant 32 : i32
        %add3A_1017 = arith.addi %add3A_1016, %scan3A_1004 : i32
        %get3A_1018 = arith.index_cast %add3A_1017 : i32 to index
        %get3A_1019 = arith.constant 0 : index
        %get3A_1020 = tpu.vector_load %arg17[%get3A_1018, %get3A_1019] {strides = array<i32>} : memref<256x128xf32, #tpu.memory_space<vmem>>, vector<1x16xf32>,
        %get3A_1021 = vector.shape_cast %get3A_1020 : vector<1x16xf32> to vector<16xf32>
        %add3A_1022 = arith.addf %add3A_1015, %get3A_1021 : vector<16xf32>
        %add3A_1023 = arith.constant 48 : i32
        %add3A_1024 = arith.addi %add3A_1023, %scan3A_1004 : i32
        %get3A_1025 = arith.index_cast %add3A_1024 : i32 to index
        %get3A_1026 = arith.constant 0 : index
        %get3A_1027 = tpu.vector_load %arg17[%get3A_1025, %get3A_1026] {strides = array<i32>} : memref<256x128xf32, #tpu.memory_space<vmem>>, vector<1x16xf32>,
        %get3A_1028 = vector.shape_cast %get3A_1027 : vector<1x16xf32> to vector<16xf32>
        %add3A_1029 = arith.addf %add3A_1022, %get3A_1028 : vector<16xf32>
        %add3A_1030 = arith.constant 64 : i32
        %add3A_1031 = arith.addi %add3A_1030, %scan3A_1004 : i32
        %get3A_1032 = arith.index_cast %add3A_1031 : i32 to index
        %get3A_1033 = arith.constant 0 : index
        %get3A_1034 = tpu.vector_load %arg17[%get3A_1032, %get3A_1033] {strides = array<i32>} : memref<256x128xf32, #tpu.memory_space<vmem>>, vector<1x16xf32>,
        %get3A_1035 = vector.shape_cast %get3A_1034 : vector<1x16xf32> to vector<16xf32>
        %add3A_1036 = arith.addf %add3A_1029, %get3A_1035 : vector<16xf32>
        %add3A_1037 = arith.constant 80 : i32
        %add3A_1038 = arith.addi %add3A_1037, %scan3A_1004 : i32
        %get3A_1039 = arith.index_cast %add3A_1038 : i32 to index
        %get3A_1040 = arith.constant 0 : index
        %get3A_1041 = tpu.vector_load %arg17[%get3A_1039, %get3A_1040] {strides = array<i32>} : memref<256x128xf32, #tpu.memory_space<vmem>>, vector<1x16xf32>,
        %get3A_1042 = vector.shape_cast %get3A_1041 : vector<1x16xf32> to vector<16xf32>
        %add3A_1043 = arith.addf %add3A_1036, %get3A_1042 : vector<16xf32>
        %add3A_1044 = arith.constant 96 : i32
        %add3A_1045 = arith.addi %add3A_1044, %scan3A_1004 : i32
        %get3A_1046 = arith.index_cast %add3A_1045 : i32 to index
        %get3A_1047 = arith.constant 0 : index
        %get3A_1048 = tpu.vector_load %arg17[%get3A_1046, %get3A_1047] {strides = array<i32>} : memref<256x128xf32, #tpu.memory_space<vmem>>, vector<1x16xf32>,
        %get3A_1049 = vector.shape_cast %get3A_1048 : vector<1x16xf32> to vector<16xf32>
        %add3A_1050 = arith.addf %add3A_1043, %get3A_1049 : vector<16xf32>
        %add3A_1051 = arith.constant 112 : i32
        %add3A_1052 = arith.addi %add3A_1051, %scan3A_1004 : i32
        %get3A_1053 = arith.index_cast %add3A_1052 : i32 to index
        %get3A_1054 = arith.constant 0 : index
        %get3A_1055 = tpu.vector_load %arg17[%get3A_1053, %get3A_1054] {strides = array<i32>} : memref<256x128xf32, #tpu.memory_space<vmem>>, vector<1x16xf32>,
        %get3A_1056 = vector.shape_cast %get3A_1055 : vector<1x16xf32> to vector<16xf32>
        %add3A_1057 = arith.addf %add3A_1050, %get3A_1056 : vector<16xf32>
        %add3A_1058 = arith.constant 128 : i32
        %add3A_1059 = arith.addi %add3A_1058, %scan3A_1004 : i32
        %get3A_1060 = arith.index_cast %add3A_1059 : i32 to index
        %get3A_1061 = arith.constant 0 : index
        %get3A_1062 = tpu.vector_load %arg17[%get3A_1060, %get3A_1061] {strides = array<i32>} : memref<256x128xf32, #tpu.memory_space<vmem>>, vector<1x16xf32>,
        %get3A_1063 = vector.shape_cast %get3A_1062 : vector<1x16xf32> to vector<16xf32>
        %add3A_1064 = arith.addf %add3A_1057, %get3A_1063 : vector<16xf32>
        %add3A_1065 = arith.constant 144 : i32
        %add3A_1066 = arith.addi %add3A_1065, %scan3A_1004 : i32
        %get3A_1067 = arith.index_cast %add3A_1066 : i32 to index
        %get3A_1068 = arith.constant 0 : index
        %get3A_1069 = tpu.vector_load %arg17[%get3A_1067, %get3A_1068] {strides = array<i32>} : memref<256x128xf32, #tpu.memory_space<vmem>>, vector<1x16xf32>,
        %get3A_1070 = vector.shape_cast %get3A_1069 : vector<1x16xf32> to vector<16xf32>
        %add3A_1071 = arith.addf %add3A_1064, %get3A_1070 : vector<16xf32>
        %add3A_1072 = arith.constant 160 : i32
        %add3A_1073 = arith.addi %add3A_1072, %scan3A_1004 : i32
        %get3A_1074 = arith.index_cast %add3A_1073 : i32 to index
        %get3A_1075 = arith.constant 0 : index
        %get3A_1076 = tpu.vector_load %arg17[%get3A_1074, %get3A_1075] {strides = array<i32>} : memref<256x128xf32, #tpu.memory_space<vmem>>, vector<1x16xf32>,
        %get3A_1077 = vector.shape_cast %get3A_1076 : vector<1x16xf32> to vector<16xf32>
        %add3A_1078 = arith.addf %add3A_1071, %get3A_1077 : vector<16xf32>
        %add3A_1079 = arith.constant 176 : i32
        %add3A_1080 = arith.addi %add3A_1079, %scan3A_1004 : i32
        %get3A_1081 = arith.index_cast %add3A_1080 : i32 to index
        %get3A_1082 = arith.constant 0 : index
        %get3A_1083 = tpu.vector_load %arg17[%get3A_1081, %get3A_1082] {strides = array<i32>} : memref<256x128xf32, #tpu.memory_space<vmem>>, vector<1x16xf32>,
        %get3A_1084 = vector.shape_cast %get3A_1083 : vector<1x16xf32> to vector<16xf32>
        %add3A_1085 = arith.addf %add3A_1078, %get3A_1084 : vector<16xf32>
        %add3A_1086 = arith.constant 192 : i32
        %add3A_1087 = arith.addi %add3A_1086, %scan3A_1004 : i32
        %get3A_1088 = arith.index_cast %add3A_1087 : i32 to index
        %get3A_1089 = arith.constant 0 : index
        %get3A_1090 = tpu.vector_load %arg17[%get3A_1088, %get3A_1089] {strides = array<i32>} : memref<256x128xf32, #tpu.memory_space<vmem>>, vector<1x16xf32>,
        %get3A_1091 = vector.shape_cast %get3A_1090 : vector<1x16xf32> to vector<16xf32>
        %add3A_1092 = arith.addf %add3A_1085, %get3A_1091 : vector<16xf32>
        %add3A_1093 = arith.constant 208 : i32
        %add3A_1094 = arith.addi %add3A_1093, %scan3A_1004 : i32
        %get3A_1095 = arith.index_cast %add3A_1094 : i32 to index
        %get3A_1096 = arith.constant 0 : index
        %get3A_1097 = tpu.vector_load %arg17[%get3A_1095, %get3A_1096] {strides = array<i32>} : memref<256x128xf32, #tpu.memory_space<vmem>>, vector<1x16xf32>,
        %get3A_1098 = vector.shape_cast %get3A_1097 : vector<1x16xf32> to vector<16xf32>
        %add3A_1099 = arith.addf %add3A_1092, %get3A_1098 : vector<16xf32>
        %add3A_1100 = arith.constant 224 : i32
        %add3A_1101 = arith.addi %add3A_1100, %scan3A_1004 : i32
        %get3A_1102 = arith.index_cast %add3A_1101 : i32 to index
        %get3A_1103 = arith.constant 0 : index
        %get3A_1104 = tpu.vector_load %arg17[%get3A_1102, %get3A_1103] {strides = array<i32>} : memref<256x128xf32, #tpu.memory_space<vmem>>, vector<1x16xf32>,
        %get3A_1105 = vector.shape_cast %get3A_1104 : vector<1x16xf32> to vector<16xf32>
        %add3A_1106 = arith.addf %add3A_1099, %get3A_1105 : vector<16xf32>
        %add3A_1107 = arith.constant 240 : i32
        %add3A_1108 = arith.addi %add3A_1107, %scan3A_1004 : i32
        %get3A_1109 = arith.index_cast %add3A_1108 : i32 to index
        %get3A_1110 = arith.constant 0 : index
        %get3A_1111 = tpu.vector_load %arg17[%get3A_1109, %get3A_1110] {strides = array<i32>} : memref<256x128xf32, #tpu.memory_space<vmem>>, vector<1x16xf32>,
        %get3A_1112 = vector.shape_cast %get3A_1111 : vector<1x16xf32> to vector<16xf32>
        %add3A_1113 = arith.addf %add3A_1106, %get3A_1112 : vector<16xf32>
        %mul3A_1114 = arith.constant 6.250000e-02 : f32
        %mul3A_1115 = vector.broadcast %mul3A_1114 : f32 to vector<16xf32>
        %mul3A_1116 = arith.mulf %add3A_1113, %mul3A_1115 : vector<16xf32>
        %swap3A_1117 = arith.index_cast %scan3A_1004 : i32 to index
        %swap3A_1118 = arith.constant 0 : index
        %swap3A_1119 = tpu.vector_load %arg19[%swap3A_1117, %swap3A_1118] {strides = array<i32>} : memref<16x128xf32, #tpu.memory_space<vmem>>, vector<1x16xf32>,
        %swap3A_1120 = vector.shape_cast %swap3A_1119 : vector<1x16xf32> to vector<16xf32>
        %swap3A_1121 = vector.shape_cast %mul3A_1116 : vector<16xf32> to vector<1x16xf32>
        tpu.vector_store %arg19[%swap3A_1117, %swap3A_1118], %swap3A_1121 {strides = array<i32>} : memref<16x128xf32, #tpu.memory_space<vmem>>, vector<1x16xf32>,
        %get3A_1122 = arith.index_cast %scan3A_1004 : i32 to index
        %get3A_1123 = arith.constant 16 : index
        %get3A_1124 = tpu.vector_load %arg17[%get3A_1122, %get3A_1123] {strides = array<i32>} : memref<256x128xf32, #tpu.memory_space<vmem>>, vector<1x16xf32>,
        %get3A_1125 = vector.shape_cast %get3A_1124 : vector<1x16xf32> to vector<16xf32>
        %add3A_1126 = arith.constant 16 : i32
        %add3A_1127 = arith.addi %add3A_1126, %scan3A_1004 : i32
        %get3A_1128 = arith.index_cast %add3A_1127 : i32 to index
        %get3A_1129 = arith.constant 16 : index
        %get3A_1130 = tpu.vector_load %arg17[%get3A_1128, %get3A_1129] {strides = array<i32>} : memref<256x128xf32, #tpu.memory_space<vmem>>, vector<1x16xf32>,
        %get3A_1131 = vector.shape_cast %get3A_1130 : vector<1x16xf32> to vector<16xf32>
        %add3A_1132 = arith.addf %get3A_1125, %get3A_1131 : vector<16xf32>
        %add3A_1133 = arith.constant 32 : i32
        %add3A_1134 = arith.addi %add3A_1133, %scan3A_1004 : i32
        %get3A_1135 = arith.index_cast %add3A_1134 : i32 to index
        %get3A_1136 = arith.constant 16 : index
        %get3A_1137 = tpu.vector_load %arg17[%get3A_1135, %get3A_1136] {strides = array<i32>} : memref<256x128xf32, #tpu.memory_space<vmem>>, vector<1x16xf32>,
        %get3A_1138 = vector.shape_cast %get3A_1137 : vector<1x16xf32> to vector<16xf32>
        %add3A_1139 = arith.addf %add3A_1132, %get3A_1138 : vector<16xf32>
        %add3A_1140 = arith.constant 48 : i32
        %add3A_1141 = arith.addi %add3A_1140, %scan3A_1004 : i32
        %get3A_1142 = arith.index_cast %add3A_1141 : i32 to index
        %get3A_1143 = arith.constant 16 : index
        %get3A_1144 = tpu.vector_load %arg17[%get3A_1142, %get3A_1143] {strides = array<i32>} : memref<256x128xf32, #tpu.memory_space<vmem>>, vector<1x16xf32>,
        %get3A_1145 = vector.shape_cast %get3A_1144 : vector<1x16xf32> to vector<16xf32>
        %add3A_1146 = arith.addf %add3A_1139, %get3A_1145 : vector<16xf32>
        %add3A_1147 = arith.constant 64 : i32
        %add3A_1148 = arith.addi %add3A_1147, %scan3A_1004 : i32
        %get3A_1149 = arith.index_cast %add3A_1148 : i32 to index
        %get3A_1150 = arith.constant 16 : index
        %get3A_1151 = tpu.vector_load %arg17[%get3A_1149, %get3A_1150] {strides = array<i32>} : memref<256x128xf32, #tpu.memory_space<vmem>>, vector<1x16xf32>,
        %get3A_1152 = vector.shape_cast %get3A_1151 : vector<1x16xf32> to vector<16xf32>
        %add3A_1153 = arith.addf %add3A_1146, %get3A_1152 : vector<16xf32>
        %add3A_1154 = arith.constant 80 : i32
        %add3A_1155 = arith.addi %add3A_1154, %scan3A_1004 : i32
        %get3A_1156 = arith.index_cast %add3A_1155 : i32 to index
        %get3A_1157 = arith.constant 16 : index
        %get3A_1158 = tpu.vector_load %arg17[%get3A_1156, %get3A_1157] {strides = array<i32>} : memref<256x128xf32, #tpu.memory_space<vmem>>, vector<1x16xf32>,
        %get3A_1159 = vector.shape_cast %get3A_1158 : vector<1x16xf32> to vector<16xf32>
        %add3A_1160 = arith.addf %add3A_1153, %get3A_1159 : vector<16xf32>
        %add3A_1161 = arith.constant 96 : i32
        %add3A_1162 = arith.addi %add3A_1161, %scan3A_1004 : i32
        %get3A_1163 = arith.index_cast %add3A_1162 : i32 to index
        %get3A_1164 = arith.constant 16 : index
        %get3A_1165 = tpu.vector_load %arg17[%get3A_1163, %get3A_1164] {strides = array<i32>} : memref<256x128xf32, #tpu.memory_space<vmem>>, vector<1x16xf32>,
        %get3A_1166 = vector.shape_cast %get3A_1165 : vector<1x16xf32> to vector<16xf32>
        %add3A_1167 = arith.addf %add3A_1160, %get3A_1166 : vector<16xf32>
        %add3A_1168 = arith.constant 112 : i32
        %add3A_1169 = arith.addi %add3A_1168, %scan3A_1004 : i32
        %get3A_1170 = arith.index_cast %add3A_1169 : i32 to index
        %get3A_1171 = arith.constant 16 : index
        %get3A_1172 = tpu.vector_load %arg17[%get3A_1170, %get3A_1171] {strides = array<i32>} : memref<256x128xf32, #tpu.memory_space<vmem>>, vector<1x16xf32>,
        %get3A_1173 = vector.shape_cast %get3A_1172 : vector<1x16xf32> to vector<16xf32>
        %add3A_1174 = arith.addf %add3A_1167, %get3A_1173 : vector<16xf32>
        %add3A_1175 = arith.constant 128 : i32
        %add3A_1176 = arith.addi %add3A_1175, %scan3A_1004 : i32
        %get3A_1177 = arith.index_cast %add3A_1176 : i32 to index
        %get3A_1178 = arith.constant 16 : index
        %get3A_1179 = tpu.vector_load %arg17[%get3A_1177, %get3A_1178] {strides = array<i32>} : memref<256x128xf32, #tpu.memory_space<vmem>>, vector<1x16xf32>,
        %get3A_1180 = vector.shape_cast %get3A_1179 : vector<1x16xf32> to vector<16xf32>
        %add3A_1181 = arith.addf %add3A_1174, %get3A_1180 : vector<16xf32>
        %add3A_1182 = arith.constant 144 : i32
        %add3A_1183 = arith.addi %add3A_1182, %scan3A_1004 : i32
        %get3A_1184 = arith.index_cast %add3A_1183 : i32 to index
        %get3A_1185 = arith.constant 16 : index
        %get3A_1186 = tpu.vector_load %arg17[%get3A_1184, %get3A_1185] {strides = array<i32>} : memref<256x128xf32, #tpu.memory_space<vmem>>, vector<1x16xf32>,
        %get3A_1187 = vector.shape_cast %get3A_1186 : vector<1x16xf32> to vector<16xf32>
        %add3A_1188 = arith.addf %add3A_1181, %get3A_1187 : vector<16xf32>
        %add3A_1189 = arith.constant 160 : i32
        %add3A_1190 = arith.addi %add3A_1189, %scan3A_1004 : i32
        %get3A_1191 = arith.index_cast %add3A_1190 : i32 to index
        %get3A_1192 = arith.constant 16 : index
        %get3A_1193 = tpu.vector_load %arg17[%get3A_1191, %get3A_1192] {strides = array<i32>} : memref<256x128xf32, #tpu.memory_space<vmem>>, vector<1x16xf32>,
        %get3A_1194 = vector.shape_cast %get3A_1193 : vector<1x16xf32> to vector<16xf32>
        %add3A_1195 = arith.addf %add3A_1188, %get3A_1194 : vector<16xf32>
        %add3A_1196 = arith.constant 176 : i32
        %add3A_1197 = arith.addi %add3A_1196, %scan3A_1004 : i32
        %get3A_1198 = arith.index_cast %add3A_1197 : i32 to index
        %get3A_1199 = arith.constant 16 : index
        %get3A_1200 = tpu.vector_load %arg17[%get3A_1198, %get3A_1199] {strides = array<i32>} : memref<256x128xf32, #tpu.memory_space<vmem>>, vector<1x16xf32>,
        %get3A_1201 = vector.shape_cast %get3A_1200 : vector<1x16xf32> to vector<16xf32>
        %add3A_1202 = arith.addf %add3A_1195, %get3A_1201 : vector<16xf32>
        %add3A_1203 = arith.constant 192 : i32
        %add3A_1204 = arith.addi %add3A_1203, %scan3A_1004 : i32
        %get3A_1205 = arith.index_cast %add3A_1204 : i32 to index
        %get3A_1206 = arith.constant 16 : index
        %get3A_1207 = tpu.vector_load %arg17[%get3A_1205, %get3A_1206] {strides = array<i32>} : memref<256x128xf32, #tpu.memory_space<vmem>>, vector<1x16xf32>,
        %get3A_1208 = vector.shape_cast %get3A_1207 : vector<1x16xf32> to vector<16xf32>
        %add3A_1209 = arith.addf %add3A_1202, %get3A_1208 : vector<16xf32>
        %add3A_1210 = arith.constant 208 : i32
        %add3A_1211 = arith.addi %add3A_1210, %scan3A_1004 : i32
        %get3A_1212 = arith.index_cast %add3A_1211 : i32 to index
        %get3A_1213 = arith.constant 16 : index
        %get3A_1214 = tpu.vector_load %arg17[%get3A_1212, %get3A_1213] {strides = array<i32>} : memref<256x128xf32, #tpu.memory_space<vmem>>, vector<1x16xf32>,
        %get3A_1215 = vector.shape_cast %get3A_1214 : vector<1x16xf32> to vector<16xf32>
        %add3A_1216 = arith.addf %add3A_1209, %get3A_1215 : vector<16xf32>
        %add3A_1217 = arith.constant 224 : i32
        %add3A_1218 = arith.addi %add3A_1217, %scan3A_1004 : i32
        %get3A_1219 = arith.index_cast %add3A_1218 : i32 to index
        %get3A_1220 = arith.constant 16 : index
        %get3A_1221 = tpu.vector_load %arg17[%get3A_1219, %get3A_1220] {strides = array<i32>} : memref<256x128xf32, #tpu.memory_space<vmem>>, vector<1x16xf32>,
        %get3A_1222 = vector.shape_cast %get3A_1221 : vector<1x16xf32> to vector<16xf32>
        %add3A_1223 = arith.addf %add3A_1216, %get3A_1222 : vector<16xf32>
        %add3A_1224 = arith.constant 240 : i32
        %add3A_1225 = arith.addi %add3A_1224, %scan3A_1004 : i32
        %get3A_1226 = arith.index_cast %add3A_1225 : i32 to index
        %get3A_1227 = arith.constant 16 : index
        %get3A_1228 = tpu.vector_load %arg17[%get3A_1226, %get3A_1227] {strides = array<i32>} : memref<256x128xf32, #tpu.memory_space<vmem>>, vector<1x16xf32>,
        %get3A_1229 = vector.shape_cast %get3A_1228 : vector<1x16xf32> to vector<16xf32>
        %add3A_1230 = arith.addf %add3A_1223, %get3A_1229 : vector<16xf32>
        %mul3A_1231 = arith.constant 6.250000e-02 : f32
        %mul3A_1232 = vector.broadcast %mul3A_1231 : f32 to vector<16xf32>
        %mul3A_1233 = arith.mulf %add3A_1230, %mul3A_1232 : vector<16xf32>
        %swap3A_1234 = arith.index_cast %scan3A_1004 : i32 to index
        %swap3A_1235 = arith.constant 16 : index
        %swap3A_1236 = tpu.vector_load %arg19[%swap3A_1234, %swap3A_1235] {strides = array<i32>} : memref<16x128xf32, #tpu.memory_space<vmem>>, vector<1x16xf32>,
        %swap3A_1237 = vector.shape_cast %swap3A_1236 : vector<1x16xf32> to vector<16xf32>
        %swap3A_1238 = vector.shape_cast %mul3A_1233 : vector<16xf32> to vector<1x16xf32>
        tpu.vector_store %arg19[%swap3A_1234, %swap3A_1235], %swap3A_1238 {strides = array<i32>} : memref<16x128xf32, #tpu.memory_space<vmem>>, vector<1x16xf32>,
        %get3A_1239 = arith.index_cast %scan3A_1004 : i32 to index
        %get3A_1240 = arith.constant 32 : index
        %get3A_1241 = tpu.vector_load %arg17[%get3A_1239, %get3A_1240] {strides = array<i32>} : memref<256x128xf32, #tpu.memory_space<vmem>>, vector<1x16xf32>,
        %get3A_1242 = vector.shape_cast %get3A_1241 : vector<1x16xf32> to vector<16xf32>
        %add3A_1243 = arith.constant 16 : i32
        %add3A_1244 = arith.addi %add3A_1243, %scan3A_1004 : i32
        %get3A_1245 = arith.index_cast %add3A_1244 : i32 to index
        %get3A_1246 = arith.constant 32 : index
        %get3A_1247 = tpu.vector_load %arg17[%get3A_1245, %get3A_1246] {strides = array<i32>} : memref<256x128xf32, #tpu.memory_space<vmem>>, vector<1x16xf32>,
        %get3A_1248 = vector.shape_cast %get3A_1247 : vector<1x16xf32> to vector<16xf32>
        %add3A_1249 = arith.addf %get3A_1242, %get3A_1248 : vector<16xf32>
        %add3A_1250 = arith.constant 32 : i32
        %add3A_1251 = arith.addi %add3A_1250, %scan3A_1004 : i32
        %get3A_1252 = arith.index_cast %add3A_1251 : i32 to index
        %get3A_1253 = arith.constant 32 : index
        %get3A_1254 = tpu.vector_load %arg17[%get3A_1252, %get3A_1253] {strides = array<i32>} : memref<256x128xf32, #tpu.memory_space<vmem>>, vector<1x16xf32>,
        %get3A_1255 = vector.shape_cast %get3A_1254 : vector<1x16xf32> to vector<16xf32>
        %add3A_1256 = arith.addf %add3A_1249, %get3A_1255 : vector<16xf32>
        %add3A_1257 = arith.constant 48 : i32
        %add3A_1258 = arith.addi %add3A_1257, %scan3A_1004 : i32
        %get3A_1259 = arith.index_cast %add3A_1258 : i32 to index
        %get3A_1260 = arith.constant 32 : index
        %get3A_1261 = tpu.vector_load %arg17[%get3A_1259, %get3A_1260] {strides = array<i32>} : memref<256x128xf32, #tpu.memory_space<vmem>>, vector<1x16xf32>,
        %get3A_1262 = vector.shape_cast %get3A_1261 : vector<1x16xf32> to vector<16xf32>
        %add3A_1263 = arith.addf %add3A_1256, %get3A_1262 : vector<16xf32>
        %add3A_1264 = arith.constant 64 : i32
        %add3A_1265 = arith.addi %add3A_1264, %scan3A_1004 : i32
        %get3A_1266 = arith.index_cast %add3A_1265 : i32 to index
        %get3A_1267 = arith.constant 32 : index
        %get3A_1268 = tpu.vector_load %arg17[%get3A_1266, %get3A_1267] {strides = array<i32>} : memref<256x128xf32, #tpu.memory_space<vmem>>, vector<1x16xf32>,
        %get3A_1269 = vector.shape_cast %get3A_1268 : vector<1x16xf32> to vector<16xf32>
        %add3A_1270 = arith.addf %add3A_1263, %get3A_1269 : vector<16xf32>
        %add3A_1271 = arith.constant 80 : i32
        %add3A_1272 = arith.addi %add3A_1271, %scan3A_1004 : i32
        %get3A_1273 = arith.index_cast %add3A_1272 : i32 to index
        %get3A_1274 = arith.constant 32 : index
        %get3A_1275 = tpu.vector_load %arg17[%get3A_1273, %get3A_1274] {strides = array<i32>} : memref<256x128xf32, #tpu.memory_space<vmem>>, vector<1x16xf32>,
        %get3A_1276 = vector.shape_cast %get3A_1275 : vector<1x16xf32> to vector<16xf32>
        %add3A_1277 = arith.addf %add3A_1270, %get3A_1276 : vector<16xf32>
        %add3A_1278 = arith.constant 96 : i32
        %add3A_1279 = arith.addi %add3A_1278, %scan3A_1004 : i32
        %get3A_1280 = arith.index_cast %add3A_1279 : i32 to index
        %get3A_1281 = arith.constant 32 : index
        %get3A_1282 = tpu.vector_load %arg17[%get3A_1280, %get3A_1281] {strides = array<i32>} : memref<256x128xf32, #tpu.memory_space<vmem>>, vector<1x16xf32>,
        %get3A_1283 = vector.shape_cast %get3A_1282 : vector<1x16xf32> to vector<16xf32>
        %add3A_1284 = arith.addf %add3A_1277, %get3A_1283 : vector<16xf32>
        %add3A_1285 = arith.constant 112 : i32
        %add3A_1286 = arith.addi %add3A_1285, %scan3A_1004 : i32
        %get3A_1287 = arith.index_cast %add3A_1286 : i32 to index
        %get3A_1288 = arith.constant 32 : index
        %get3A_1289 = tpu.vector_load %arg17[%get3A_1287, %get3A_1288] {strides = array<i32>} : memref<256x128xf32, #tpu.memory_space<vmem>>, vector<1x16xf32>,
        %get3A_1290 = vector.shape_cast %get3A_1289 : vector<1x16xf32> to vector<16xf32>
        %add3A_1291 = arith.addf %add3A_1284, %get3A_1290 : vector<16xf32>
        %add3A_1292 = arith.constant 128 : i32
        %add3A_1293 = arith.addi %add3A_1292, %scan3A_1004 : i32
        %get3A_1294 = arith.index_cast %add3A_1293 : i32 to index
        %get3A_1295 = arith.constant 32 : index
        %get3A_1296 = tpu.vector_load %arg17[%get3A_1294, %get3A_1295] {strides = array<i32>} : memref<256x128xf32, #tpu.memory_space<vmem>>, vector<1x16xf32>,
        %get3A_1297 = vector.shape_cast %get3A_1296 : vector<1x16xf32> to vector<16xf32>
        %add3A_1298 = arith.addf %add3A_1291, %get3A_1297 : vector<16xf32>
        %add3A_1299 = arith.constant 144 : i32
        %add3A_1300 = arith.addi %add3A_1299, %scan3A_1004 : i32
        %get3A_1301 = arith.index_cast %add3A_1300 : i32 to index
        %get3A_1302 = arith.constant 32 : index
        %get3A_1303 = tpu.vector_load %arg17[%get3A_1301, %get3A_1302] {strides = array<i32>} : memref<256x128xf32, #tpu.memory_space<vmem>>, vector<1x16xf32>,
        %get3A_1304 = vector.shape_cast %get3A_1303 : vector<1x16xf32> to vector<16xf32>
        %add3A_1305 = arith.addf %add3A_1298, %get3A_1304 : vector<16xf32>
        %add3A_1306 = arith.constant 160 : i32
        %add3A_1307 = arith.addi %add3A_1306, %scan3A_1004 : i32
        %get3A_1308 = arith.index_cast %add3A_1307 : i32 to index
        %get3A_1309 = arith.constant 32 : index
        %get3A_1310 = tpu.vector_load %arg17[%get3A_1308, %get3A_1309] {strides = array<i32>} : memref<256x128xf32, #tpu.memory_space<vmem>>, vector<1x16xf32>,
        %get3A_1311 = vector.shape_cast %get3A_1310 : vector<1x16xf32> to vector<16xf32>
        %add3A_1312 = arith.addf %add3A_1305, %get3A_1311 : vector<16xf32>
        %add3A_1313 = arith.constant 176 : i32
        %add3A_1314 = arith.addi %add3A_1313, %scan3A_1004 : i32
        %get3A_1315 = arith.index_cast %add3A_1314 : i32 to index
        %get3A_1316 = arith.constant 32 : index
        %get3A_1317 = tpu.vector_load %arg17[%get3A_1315, %get3A_1316] {strides = array<i32>} : memref<256x128xf32, #tpu.memory_space<vmem>>, vector<1x16xf32>,
        %get3A_1318 = vector.shape_cast %get3A_1317 : vector<1x16xf32> to vector<16xf32>
        %add3A_1319 = arith.addf %add3A_1312, %get3A_1318 : vector<16xf32>
        %add3A_1320 = arith.constant 192 : i32
        %add3A_1321 = arith.addi %add3A_1320, %scan3A_1004 : i32
        %get3A_1322 = arith.index_cast %add3A_1321 : i32 to index
        %get3A_1323 = arith.constant 32 : index
        %get3A_1324 = tpu.vector_load %arg17[%get3A_1322, %get3A_1323] {strides = array<i32>} : memref<256x128xf32, #tpu.memory_space<vmem>>, vector<1x16xf32>,
        %get3A_1325 = vector.shape_cast %get3A_1324 : vector<1x16xf32> to vector<16xf32>
        %add3A_1326 = arith.addf %add3A_1319, %get3A_1325 : vector<16xf32>
        %add3A_1327 = arith.constant 208 : i32
        %add3A_1328 = arith.addi %add3A_1327, %scan3A_1004 : i32
        %get3A_1329 = arith.index_cast %add3A_1328 : i32 to index
        %get3A_1330 = arith.constant 32 : index
        %get3A_1331 = tpu.vector_load %arg17[%get3A_1329, %get3A_1330] {strides = array<i32>} : memref<256x128xf32, #tpu.memory_space<vmem>>, vector<1x16xf32>,
        %get3A_1332 = vector.shape_cast %get3A_1331 : vector<1x16xf32> to vector<16xf32>
        %add3A_1333 = arith.addf %add3A_1326, %get3A_1332 : vector<16xf32>
        %add3A_1334 = arith.constant 224 : i32
        %add3A_1335 = arith.addi %add3A_1334, %scan3A_1004 : i32
        %get3A_1336 = arith.index_cast %add3A_1335 : i32 to index
        %get3A_1337 = arith.constant 32 : index
        %get3A_1338 = tpu.vector_load %arg17[%get3A_1336, %get3A_1337] {strides = array<i32>} : memref<256x128xf32, #tpu.memory_space<vmem>>, vector<1x16xf32>,
        %get3A_1339 = vector.shape_cast %get3A_1338 : vector<1x16xf32> to vector<16xf32>
        %add3A_1340 = arith.addf %add3A_1333, %get3A_1339 : vector<16xf32>
        %add3A_1341 = arith.constant 240 : i32
        %add3A_1342 = arith.addi %add3A_1341, %scan3A_1004 : i32
        %get3A_1343 = arith.index_cast %add3A_1342 : i32 to index
        %get3A_1344 = arith.constant 32 : index
        %get3A_1345 = tpu.vector_load %arg17[%get3A_1343, %get3A_1344] {strides = array<i32>} : memref<256x128xf32, #tpu.memory_space<vmem>>, vector<1x16xf32>,
        %get3A_1346 = vector.shape_cast %get3A_1345 : vector<1x16xf32> to vector<16xf32>
        %add3A_1347 = arith.addf %add3A_1340, %get3A_1346 : vector<16xf32>
        %mul3A_1348 = arith.constant 6.250000e-02 : f32
        %mul3A_1349 = vector.broadcast %mul3A_1348 : f32 to vector<16xf32>
        %mul3A_1350 = arith.mulf %add3A_1347, %mul3A_1349 : vector<16xf32>
        %swap3A_1351 = arith.index_cast %scan3A_1004 : i32 to index
        %swap3A_1352 = arith.constant 32 : index
        %swap3A_1353 = tpu.vector_load %arg19[%swap3A_1351, %swap3A_1352] {strides = array<i32>} : memref<16x128xf32, #tpu.memory_space<vmem>>, vector<1x16xf32>,
        %swap3A_1354 = vector.shape_cast %swap3A_1353 : vector<1x16xf32> to vector<16xf32>
        %swap3A_1355 = vector.shape_cast %mul3A_1350 : vector<16xf32> to vector<1x16xf32>
        tpu.vector_store %arg19[%swap3A_1351, %swap3A_1352], %swap3A_1355 {strides = array<i32>} : memref<16x128xf32, #tpu.memory_space<vmem>>, vector<1x16xf32>,
        %get3A_1356 = arith.index_cast %scan3A_1004 : i32 to index
        %get3A_1357 = arith.constant 48 : index
        %get3A_1358 = tpu.vector_load %arg17[%get3A_1356, %get3A_1357] {strides = array<i32>} : memref<256x128xf32, #tpu.memory_space<vmem>>, vector<1x16xf32>,
        %get3A_1359 = vector.shape_cast %get3A_1358 : vector<1x16xf32> to vector<16xf32>
        %add3A_1360 = arith.constant 16 : i32
        %add3A_1361 = arith.addi %add3A_1360, %scan3A_1004 : i32
        %get3A_1362 = arith.index_cast %add3A_1361 : i32 to index
        %get3A_1363 = arith.constant 48 : index
        %get3A_1364 = tpu.vector_load %arg17[%get3A_1362, %get3A_1363] {strides = array<i32>} : memref<256x128xf32, #tpu.memory_space<vmem>>, vector<1x16xf32>,
        %get3A_1365 = vector.shape_cast %get3A_1364 : vector<1x16xf32> to vector<16xf32>
        %add3A_1366 = arith.addf %get3A_1359, %get3A_1365 : vector<16xf32>
        %add3A_1367 = arith.constant 32 : i32
        %add3A_1368 = arith.addi %add3A_1367, %scan3A_1004 : i32
        %get3A_1369 = arith.index_cast %add3A_1368 : i32 to index
        %get3A_1370 = arith.constant 48 : index
        %get3A_1371 = tpu.vector_load %arg17[%get3A_1369, %get3A_1370] {strides = array<i32>} : memref<256x128xf32, #tpu.memory_space<vmem>>, vector<1x16xf32>,
        %get3A_1372 = vector.shape_cast %get3A_1371 : vector<1x16xf32> to vector<16xf32>
        %add3A_1373 = arith.addf %add3A_1366, %get3A_1372 : vector<16xf32>
        %add3A_1374 = arith.constant 48 : i32
        %add3A_1375 = arith.addi %add3A_1374, %scan3A_1004 : i32
        %get3A_1376 = arith.index_cast %add3A_1375 : i32 to index
        %get3A_1377 = arith.constant 48 : index
        %get3A_1378 = tpu.vector_load %arg17[%get3A_1376, %get3A_1377] {strides = array<i32>} : memref<256x128xf32, #tpu.memory_space<vmem>>, vector<1x16xf32>,
        %get3A_1379 = vector.shape_cast %get3A_1378 : vector<1x16xf32> to vector<16xf32>
        %add3A_1380 = arith.addf %add3A_1373, %get3A_1379 : vector<16xf32>
        %add3A_1381 = arith.constant 64 : i32
        %add3A_1382 = arith.addi %add3A_1381, %scan3A_1004 : i32
        %get3A_1383 = arith.index_cast %add3A_1382 : i32 to index
        %get3A_1384 = arith.constant 48 : index
        %get3A_1385 = tpu.vector_load %arg17[%get3A_1383, %get3A_1384] {strides = array<i32>} : memref<256x128xf32, #tpu.memory_space<vmem>>, vector<1x16xf32>,
        %get3A_1386 = vector.shape_cast %get3A_1385 : vector<1x16xf32> to vector<16xf32>
        %add3A_1387 = arith.addf %add3A_1380, %get3A_1386 : vector<16xf32>
        %add3A_1388 = arith.constant 80 : i32
        %add3A_1389 = arith.addi %add3A_1388, %scan3A_1004 : i32
        %get3A_1390 = arith.index_cast %add3A_1389 : i32 to index
        %get3A_1391 = arith.constant 48 : index
        %get3A_1392 = tpu.vector_load %arg17[%get3A_1390, %get3A_1391] {strides = array<i32>} : memref<256x128xf32, #tpu.memory_space<vmem>>, vector<1x16xf32>,
        %get3A_1393 = vector.shape_cast %get3A_1392 : vector<1x16xf32> to vector<16xf32>
        %add3A_1394 = arith.addf %add3A_1387, %get3A_1393 : vector<16xf32>
        %add3A_1395 = arith.constant 96 : i32
        %add3A_1396 = arith.addi %add3A_1395, %scan3A_1004 : i32
        %get3A_1397 = arith.index_cast %add3A_1396 : i32 to index
        %get3A_1398 = arith.constant 48 : index
        %get3A_1399 = tpu.vector_load %arg17[%get3A_1397, %get3A_1398] {strides = array<i32>} : memref<256x128xf32, #tpu.memory_space<vmem>>, vector<1x16xf32>,
        %get3A_1400 = vector.shape_cast %get3A_1399 : vector<1x16xf32> to vector<16xf32>
        %add3A_1401 = arith.addf %add3A_1394, %get3A_1400 : vector<16xf32>
        %add3A_1402 = arith.constant 112 : i32
        %add3A_1403 = arith.addi %add3A_1402, %scan3A_1004 : i32
        %get3A_1404 = arith.index_cast %add3A_1403 : i32 to index
        %get3A_1405 = arith.constant 48 : index
        %get3A_1406 = tpu.vector_load %arg17[%get3A_1404, %get3A_1405] {strides = array<i32>} : memref<256x128xf32, #tpu.memory_space<vmem>>, vector<1x16xf32>,
        %get3A_1407 = vector.shape_cast %get3A_1406 : vector<1x16xf32> to vector<16xf32>
        %add3A_1408 = arith.addf %add3A_1401, %get3A_1407 : vector<16xf32>
        %add3A_1409 = arith.constant 128 : i32
        %add3A_1410 = arith.addi %add3A_1409, %scan3A_1004 : i32
        %get3A_1411 = arith.index_cast %add3A_1410 : i32 to index
        %get3A_1412 = arith.constant 48 : index
        %get3A_1413 = tpu.vector_load %arg17[%get3A_1411, %get3A_1412] {strides = array<i32>} : memref<256x128xf32, #tpu.memory_space<vmem>>, vector<1x16xf32>,
        %get3A_1414 = vector.shape_cast %get3A_1413 : vector<1x16xf32> to vector<16xf32>
        %add3A_1415 = arith.addf %add3A_1408, %get3A_1414 : vector<16xf32>
        %add3A_1416 = arith.constant 144 : i32
        %add3A_1417 = arith.addi %add3A_1416, %scan3A_1004 : i32
        %get3A_1418 = arith.index_cast %add3A_1417 : i32 to index
        %get3A_1419 = arith.constant 48 : index
        %get3A_1420 = tpu.vector_load %arg17[%get3A_1418, %get3A_1419] {strides = array<i32>} : memref<256x128xf32, #tpu.memory_space<vmem>>, vector<1x16xf32>,
        %get3A_1421 = vector.shape_cast %get3A_1420 : vector<1x16xf32> to vector<16xf32>
        %add3A_1422 = arith.addf %add3A_1415, %get3A_1421 : vector<16xf32>
        %add3A_1423 = arith.constant 160 : i32
        %add3A_1424 = arith.addi %add3A_1423, %scan3A_1004 : i32
        %get3A_1425 = arith.index_cast %add3A_1424 : i32 to index
        %get3A_1426 = arith.constant 48 : index
        %get3A_1427 = tpu.vector_load %arg17[%get3A_1425, %get3A_1426] {strides = array<i32>} : memref<256x128xf32, #tpu.memory_space<vmem>>, vector<1x16xf32>,
        %get3A_1428 = vector.shape_cast %get3A_1427 : vector<1x16xf32> to vector<16xf32>
        %add3A_1429 = arith.addf %add3A_1422, %get3A_1428 : vector<16xf32>
        %add3A_1430 = arith.constant 176 : i32
        %add3A_1431 = arith.addi %add3A_1430, %scan3A_1004 : i32
        %get3A_1432 = arith.index_cast %add3A_1431 : i32 to index
        %get3A_1433 = arith.constant 48 : index
        %get3A_1434 = tpu.vector_load %arg17[%get3A_1432, %get3A_1433] {strides = array<i32>} : memref<256x128xf32, #tpu.memory_space<vmem>>, vector<1x16xf32>,
        %get3A_1435 = vector.shape_cast %get3A_1434 : vector<1x16xf32> to vector<16xf32>
        %add3A_1436 = arith.addf %add3A_1429, %get3A_1435 : vector<16xf32>
        %add3A_1437 = arith.constant 192 : i32
        %add3A_1438 = arith.addi %add3A_1437, %scan3A_1004 : i32
        %get3A_1439 = arith.index_cast %add3A_1438 : i32 to index
        %get3A_1440 = arith.constant 48 : index
        %get3A_1441 = tpu.vector_load %arg17[%get3A_1439, %get3A_1440] {strides = array<i32>} : memref<256x128xf32, #tpu.memory_space<vmem>>, vector<1x16xf32>,
        %get3A_1442 = vector.shape_cast %get3A_1441 : vector<1x16xf32> to vector<16xf32>
        %add3A_1443 = arith.addf %add3A_1436, %get3A_1442 : vector<16xf32>
        %add3A_1444 = arith.constant 208 : i32
        %add3A_1445 = arith.addi %add3A_1444, %scan3A_1004 : i32
        %get3A_1446 = arith.index_cast %add3A_1445 : i32 to index
        %get3A_1447 = arith.constant 48 : index
        %get3A_1448 = tpu.vector_load %arg17[%get3A_1446, %get3A_1447] {strides = array<i32>} : memref<256x128xf32, #tpu.memory_space<vmem>>, vector<1x16xf32>,
        %get3A_1449 = vector.shape_cast %get3A_1448 : vector<1x16xf32> to vector<16xf32>
        %add3A_1450 = arith.addf %add3A_1443, %get3A_1449 : vector<16xf32>
        %add3A_1451 = arith.constant 224 : i32
        %add3A_1452 = arith.addi %add3A_1451, %scan3A_1004 : i32
        %get3A_1453 = arith.index_cast %add3A_1452 : i32 to index
        %get3A_1454 = arith.constant 48 : index
        %get3A_1455 = tpu.vector_load %arg17[%get3A_1453, %get3A_1454] {strides = array<i32>} : memref<256x128xf32, #tpu.memory_space<vmem>>, vector<1x16xf32>,
        %get3A_1456 = vector.shape_cast %get3A_1455 : vector<1x16xf32> to vector<16xf32>
        %add3A_1457 = arith.addf %add3A_1450, %get3A_1456 : vector<16xf32>
        %add3A_1458 = arith.constant 240 : i32
        %add3A_1459 = arith.addi %add3A_1458, %scan3A_1004 : i32
        %get3A_1460 = arith.index_cast %add3A_1459 : i32 to index
        %get3A_1461 = arith.constant 48 : index
        %get3A_1462 = tpu.vector_load %arg17[%get3A_1460, %get3A_1461] {strides = array<i32>} : memref<256x128xf32, #tpu.memory_space<vmem>>, vector<1x16xf32>,
        %get3A_1463 = vector.shape_cast %get3A_1462 : vector<1x16xf32> to vector<16xf32>
        %add3A_1464 = arith.addf %add3A_1457, %get3A_1463 : vector<16xf32>
        %mul3A_1465 = arith.constant 6.250000e-02 : f32
        %mul3A_1466 = vector.broadcast %mul3A_1465 : f32 to vector<16xf32>
        %mul3A_1467 = arith.mulf %add3A_1464, %mul3A_1466 : vector<16xf32>
        %swap3A_1468 = arith.index_cast %scan3A_1004 : i32 to index
        %swap3A_1469 = arith.constant 48 : index
        %swap3A_1470 = tpu.vector_load %arg19[%swap3A_1468, %swap3A_1469] {strides = array<i32>} : memref<16x128xf32, #tpu.memory_space<vmem>>, vector<1x16xf32>,
        %swap3A_1471 = vector.shape_cast %swap3A_1470 : vector<1x16xf32> to vector<16xf32>
        %swap3A_1472 = vector.shape_cast %mul3A_1467 : vector<16xf32> to vector<1x16xf32>
        tpu.vector_store %arg19[%swap3A_1468, %swap3A_1469], %swap3A_1472 {strides = array<i32>} : memref<16x128xf32, #tpu.memory_space<vmem>>, vector<1x16xf32>,
        %get3A_1473 = arith.index_cast %scan3A_1004 : i32 to index
        %get3A_1474 = arith.constant 64 : index
        %get3A_1475 = tpu.vector_load %arg17[%get3A_1473, %get3A_1474] {strides = array<i32>} : memref<256x128xf32, #tpu.memory_space<vmem>>, vector<1x16xf32>,
        %get3A_1476 = vector.shape_cast %get3A_1475 : vector<1x16xf32> to vector<16xf32>
        %add3A_1477 = arith.constant 16 : i32
        %add3A_1478 = arith.addi %add3A_1477, %scan3A_1004 : i32
        %get3A_1479 = arith.index_cast %add3A_1478 : i32 to index
        %get3A_1480 = arith.constant 64 : index
        %get3A_1481 = tpu.vector_load %arg17[%get3A_1479, %get3A_1480] {strides = array<i32>} : memref<256x128xf32, #tpu.memory_space<vmem>>, vector<1x16xf32>,
        %get3A_1482 = vector.shape_cast %get3A_1481 : vector<1x16xf32> to vector<16xf32>
        %add3A_1483 = arith.addf %get3A_1476, %get3A_1482 : vector<16xf32>
        %add3A_1484 = arith.constant 32 : i32
        %add3A_1485 = arith.addi %add3A_1484, %scan3A_1004 : i32
        %get3A_1486 = arith.index_cast %add3A_1485 : i32 to index
        %get3A_1487 = arith.constant 64 : index
        %get3A_1488 = tpu.vector_load %arg17[%get3A_1486, %get3A_1487] {strides = array<i32>} : memref<256x128xf32, #tpu.memory_space<vmem>>, vector<1x16xf32>,
        %get3A_1489 = vector.shape_cast %get3A_1488 : vector<1x16xf32> to vector<16xf32>
        %add3A_1490 = arith.addf %add3A_1483, %get3A_1489 : vector<16xf32>
        %add3A_1491 = arith.constant 48 : i32
        %add3A_1492 = arith.addi %add3A_1491, %scan3A_1004 : i32
        %get3A_1493 = arith.index_cast %add3A_1492 : i32 to index
        %get3A_1494 = arith.constant 64 : index
        %get3A_1495 = tpu.vector_load %arg17[%get3A_1493, %get3A_1494] {strides = array<i32>} : memref<256x128xf32, #tpu.memory_space<vmem>>, vector<1x16xf32>,
        %get3A_1496 = vector.shape_cast %get3A_1495 : vector<1x16xf32> to vector<16xf32>
        %add3A_1497 = arith.addf %add3A_1490, %get3A_1496 : vector<16xf32>
        %add3A_1498 = arith.constant 64 : i32
        %add3A_1499 = arith.addi %add3A_1498, %scan3A_1004 : i32
        %get3A_1500 = arith.index_cast %add3A_1499 : i32 to index
        %get3A_1501 = arith.constant 64 : index
        %get3A_1502 = tpu.vector_load %arg17[%get3A_1500, %get3A_1501] {strides = array<i32>} : memref<256x128xf32, #tpu.memory_space<vmem>>, vector<1x16xf32>,
        %get3A_1503 = vector.shape_cast %get3A_1502 : vector<1x16xf32> to vector<16xf32>
        %add3A_1504 = arith.addf %add3A_1497, %get3A_1503 : vector<16xf32>
        %add3A_1505 = arith.constant 80 : i32
        %add3A_1506 = arith.addi %add3A_1505, %scan3A_1004 : i32
        %get3A_1507 = arith.index_cast %add3A_1506 : i32 to index
        %get3A_1508 = arith.constant 64 : index
        %get3A_1509 = tpu.vector_load %arg17[%get3A_1507, %get3A_1508] {strides = array<i32>} : memref<256x128xf32, #tpu.memory_space<vmem>>, vector<1x16xf32>,
        %get3A_1510 = vector.shape_cast %get3A_1509 : vector<1x16xf32> to vector<16xf32>
        %add3A_1511 = arith.addf %add3A_1504, %get3A_1510 : vector<16xf32>
        %add3A_1512 = arith.constant 96 : i32
        %add3A_1513 = arith.addi %add3A_1512, %scan3A_1004 : i32
        %get3A_1514 = arith.index_cast %add3A_1513 : i32 to index
        %get3A_1515 = arith.constant 64 : index
        %get3A_1516 = tpu.vector_load %arg17[%get3A_1514, %get3A_1515] {strides = array<i32>} : memref<256x128xf32, #tpu.memory_space<vmem>>, vector<1x16xf32>,
        %get3A_1517 = vector.shape_cast %get3A_1516 : vector<1x16xf32> to vector<16xf32>
        %add3A_1518 = arith.addf %add3A_1511, %get3A_1517 : vector<16xf32>
        %add3A_1519 = arith.constant 112 : i32
        %add3A_1520 = arith.addi %add3A_1519, %scan3A_1004 : i32
        %get3A_1521 = arith.index_cast %add3A_1520 : i32 to index
        %get3A_1522 = arith.constant 64 : index
        %get3A_1523 = tpu.vector_load %arg17[%get3A_1521, %get3A_1522] {strides = array<i32>} : memref<256x128xf32, #tpu.memory_space<vmem>>, vector<1x16xf32>,
        %get3A_1524 = vector.shape_cast %get3A_1523 : vector<1x16xf32> to vector<16xf32>
        %add3A_1525 = arith.addf %add3A_1518, %get3A_1524 : vector<16xf32>
        %add3A_1526 = arith.constant 128 : i32
        %add3A_1527 = arith.addi %add3A_1526, %scan3A_1004 : i32
        %get3A_1528 = arith.index_cast %add3A_1527 : i32 to index
        %get3A_1529 = arith.constant 64 : index
        %get3A_1530 = tpu.vector_load %arg17[%get3A_1528, %get3A_1529] {strides = array<i32>} : memref<256x128xf32, #tpu.memory_space<vmem>>, vector<1x16xf32>,
        %get3A_1531 = vector.shape_cast %get3A_1530 : vector<1x16xf32> to vector<16xf32>
        %add3A_1532 = arith.addf %add3A_1525, %get3A_1531 : vector<16xf32>
        %add3A_1533 = arith.constant 144 : i32
        %add3A_1534 = arith.addi %add3A_1533, %scan3A_1004 : i32
        %get3A_1535 = arith.index_cast %add3A_1534 : i32 to index
        %get3A_1536 = arith.constant 64 : index
        %get3A_1537 = tpu.vector_load %arg17[%get3A_1535, %get3A_1536] {strides = array<i32>} : memref<256x128xf32, #tpu.memory_space<vmem>>, vector<1x16xf32>,
        %get3A_1538 = vector.shape_cast %get3A_1537 : vector<1x16xf32> to vector<16xf32>
        %add3A_1539 = arith.addf %add3A_1532, %get3A_1538 : vector<16xf32>
        %add3A_1540 = arith.constant 160 : i32
        %add3A_1541 = arith.addi %add3A_1540, %scan3A_1004 : i32
        %get3A_1542 = arith.index_cast %add3A_1541 : i32 to index
        %get3A_1543 = arith.constant 64 : index
        %get3A_1544 = tpu.vector_load %arg17[%get3A_1542, %get3A_1543] {strides = array<i32>} : memref<256x128xf32, #tpu.memory_space<vmem>>, vector<1x16xf32>,
        %get3A_1545 = vector.shape_cast %get3A_1544 : vector<1x16xf32> to vector<16xf32>
        %add3A_1546 = arith.addf %add3A_1539, %get3A_1545 : vector<16xf32>
        %add3A_1547 = arith.constant 176 : i32
        %add3A_1548 = arith.addi %add3A_1547, %scan3A_1004 : i32
        %get3A_1549 = arith.index_cast %add3A_1548 : i32 to index
        %get3A_1550 = arith.constant 64 : index
        %get3A_1551 = tpu.vector_load %arg17[%get3A_1549, %get3A_1550] {strides = array<i32>} : memref<256x128xf32, #tpu.memory_space<vmem>>, vector<1x16xf32>,
        %get3A_1552 = vector.shape_cast %get3A_1551 : vector<1x16xf32> to vector<16xf32>
        %add3A_1553 = arith.addf %add3A_1546, %get3A_1552 : vector<16xf32>
        %add3A_1554 = arith.constant 192 : i32
        %add3A_1555 = arith.addi %add3A_1554, %scan3A_1004 : i32
        %get3A_1556 = arith.index_cast %add3A_1555 : i32 to index
        %get3A_1557 = arith.constant 64 : index
        %get3A_1558 = tpu.vector_load %arg17[%get3A_1556, %get3A_1557] {strides = array<i32>} : memref<256x128xf32, #tpu.memory_space<vmem>>, vector<1x16xf32>,
        %get3A_1559 = vector.shape_cast %get3A_1558 : vector<1x16xf32> to vector<16xf32>
        %add3A_1560 = arith.addf %add3A_1553, %get3A_1559 : vector<16xf32>
        %add3A_1561 = arith.constant 208 : i32
        %add3A_1562 = arith.addi %add3A_1561, %scan3A_1004 : i32
        %get3A_1563 = arith.index_cast %add3A_1562 : i32 to index
        %get3A_1564 = arith.constant 64 : index
        %get3A_1565 = tpu.vector_load %arg17[%get3A_1563, %get3A_1564] {strides = array<i32>} : memref<256x128xf32, #tpu.memory_space<vmem>>, vector<1x16xf32>,
        %get3A_1566 = vector.shape_cast %get3A_1565 : vector<1x16xf32> to vector<16xf32>
        %add3A_1567 = arith.addf %add3A_1560, %get3A_1566 : vector<16xf32>
        %add3A_1568 = arith.constant 224 : i32
        %add3A_1569 = arith.addi %add3A_1568, %scan3A_1004 : i32
        %get3A_1570 = arith.index_cast %add3A_1569 : i32 to index
        %get3A_1571 = arith.constant 64 : index
        %get3A_1572 = tpu.vector_load %arg17[%get3A_1570, %get3A_1571] {strides = array<i32>} : memref<256x128xf32, #tpu.memory_space<vmem>>, vector<1x16xf32>,
        %get3A_1573 = vector.shape_cast %get3A_1572 : vector<1x16xf32> to vector<16xf32>
        %add3A_1574 = arith.addf %add3A_1567, %get3A_1573 : vector<16xf32>
        %add3A_1575 = arith.constant 240 : i32
        %add3A_1576 = arith.addi %add3A_1575, %scan3A_1004 : i32
        %get3A_1577 = arith.index_cast %add3A_1576 : i32 to index
        %get3A_1578 = arith.constant 64 : index
        %get3A_1579 = tpu.vector_load %arg17[%get3A_1577, %get3A_1578] {strides = array<i32>} : memref<256x128xf32, #tpu.memory_space<vmem>>, vector<1x16xf32>,
        %get3A_1580 = vector.shape_cast %get3A_1579 : vector<1x16xf32> to vector<16xf32>
        %add3A_1581 = arith.addf %add3A_1574, %get3A_1580 : vector<16xf32>
        %mul3A_1582 = arith.constant 6.250000e-02 : f32
        %mul3A_1583 = vector.broadcast %mul3A_1582 : f32 to vector<16xf32>
        %mul3A_1584 = arith.mulf %add3A_1581, %mul3A_1583 : vector<16xf32>
        %swap3A_1585 = arith.index_cast %scan3A_1004 : i32 to index
        %swap3A_1586 = arith.constant 64 : index
        %swap3A_1587 = tpu.vector_load %arg19[%swap3A_1585, %swap3A_1586] {strides = array<i32>} : memref<16x128xf32, #tpu.memory_space<vmem>>, vector<1x16xf32>,
        %swap3A_1588 = vector.shape_cast %swap3A_1587 : vector<1x16xf32> to vector<16xf32>
        %swap3A_1589 = vector.shape_cast %mul3A_1584 : vector<16xf32> to vector<1x16xf32>
        tpu.vector_store %arg19[%swap3A_1585, %swap3A_1586], %swap3A_1589 {strides = array<i32>} : memref<16x128xf32, #tpu.memory_space<vmem>>, vector<1x16xf32>,
        %get3A_1590 = arith.index_cast %scan3A_1004 : i32 to index
        %get3A_1591 = arith.constant 80 : index
        %get3A_1592 = tpu.vector_load %arg17[%get3A_1590, %get3A_1591] {strides = array<i32>} : memref<256x128xf32, #tpu.memory_space<vmem>>, vector<1x16xf32>,
        %get3A_1593 = vector.shape_cast %get3A_1592 : vector<1x16xf32> to vector<16xf32>
        %add3A_1594 = arith.constant 16 : i32
        %add3A_1595 = arith.addi %add3A_1594, %scan3A_1004 : i32
        %get3A_1596 = arith.index_cast %add3A_1595 : i32 to index
        %get3A_1597 = arith.constant 80 : index
        %get3A_1598 = tpu.vector_load %arg17[%get3A_1596, %get3A_1597] {strides = array<i32>} : memref<256x128xf32, #tpu.memory_space<vmem>>, vector<1x16xf32>,
        %get3A_1599 = vector.shape_cast %get3A_1598 : vector<1x16xf32> to vector<16xf32>
        %add3A_1600 = arith.addf %get3A_1593, %get3A_1599 : vector<16xf32>
        %add3A_1601 = arith.constant 32 : i32
        %add3A_1602 = arith.addi %add3A_1601, %scan3A_1004 : i32
        %get3A_1603 = arith.index_cast %add3A_1602 : i32 to index
        %get3A_1604 = arith.constant 80 : index
        %get3A_1605 = tpu.vector_load %arg17[%get3A_1603, %get3A_1604] {strides = array<i32>} : memref<256x128xf32, #tpu.memory_space<vmem>>, vector<1x16xf32>,
        %get3A_1606 = vector.shape_cast %get3A_1605 : vector<1x16xf32> to vector<16xf32>
        %add3A_1607 = arith.addf %add3A_1600, %get3A_1606 : vector<16xf32>
        %add3A_1608 = arith.constant 48 : i32
        %add3A_1609 = arith.addi %add3A_1608, %scan3A_1004 : i32
        %get3A_1610 = arith.index_cast %add3A_1609 : i32 to index
        %get3A_1611 = arith.constant 80 : index
        %get3A_1612 = tpu.vector_load %arg17[%get3A_1610, %get3A_1611] {strides = array<i32>} : memref<256x128xf32, #tpu.memory_space<vmem>>, vector<1x16xf32>,
        %get3A_1613 = vector.shape_cast %get3A_1612 : vector<1x16xf32> to vector<16xf32>
        %add3A_1614 = arith.addf %add3A_1607, %get3A_1613 : vector<16xf32>
        %add3A_1615 = arith.constant 64 : i32
        %add3A_1616 = arith.addi %add3A_1615, %scan3A_1004 : i32
        %get3A_1617 = arith.index_cast %add3A_1616 : i32 to index
        %get3A_1618 = arith.constant 80 : index
        %get3A_1619 = tpu.vector_load %arg17[%get3A_1617, %get3A_1618] {strides = array<i32>} : memref<256x128xf32, #tpu.memory_space<vmem>>, vector<1x16xf32>,
        %get3A_1620 = vector.shape_cast %get3A_1619 : vector<1x16xf32> to vector<16xf32>
        %add3A_1621 = arith.addf %add3A_1614, %get3A_1620 : vector<16xf32>
        %add3A_1622 = arith.constant 80 : i32
        %add3A_1623 = arith.addi %add3A_1622, %scan3A_1004 : i32
        %get3A_1624 = arith.index_cast %add3A_1623 : i32 to index
        %get3A_1625 = arith.constant 80 : index
        %get3A_1626 = tpu.vector_load %arg17[%get3A_1624, %get3A_1625] {strides = array<i32>} : memref<256x128xf32, #tpu.memory_space<vmem>>, vector<1x16xf32>,
        %get3A_1627 = vector.shape_cast %get3A_1626 : vector<1x16xf32> to vector<16xf32>
        %add3A_1628 = arith.addf %add3A_1621, %get3A_1627 : vector<16xf32>
        %add3A_1629 = arith.constant 96 : i32
        %add3A_1630 = arith.addi %add3A_1629, %scan3A_1004 : i32
        %get3A_1631 = arith.index_cast %add3A_1630 : i32 to index
        %get3A_1632 = arith.constant 80 : index
        %get3A_1633 = tpu.vector_load %arg17[%get3A_1631, %get3A_1632] {strides = array<i32>} : memref<256x128xf32, #tpu.memory_space<vmem>>, vector<1x16xf32>,
        %get3A_1634 = vector.shape_cast %get3A_1633 : vector<1x16xf32> to vector<16xf32>
        %add3A_1635 = arith.addf %add3A_1628, %get3A_1634 : vector<16xf32>
        %add3A_1636 = arith.constant 112 : i32
        %add3A_1637 = arith.addi %add3A_1636, %scan3A_1004 : i32
        %get3A_1638 = arith.index_cast %add3A_1637 : i32 to index
        %get3A_1639 = arith.constant 80 : index
        %get3A_1640 = tpu.vector_load %arg17[%get3A_1638, %get3A_1639] {strides = array<i32>} : memref<256x128xf32, #tpu.memory_space<vmem>>, vector<1x16xf32>,
        %get3A_1641 = vector.shape_cast %get3A_1640 : vector<1x16xf32> to vector<16xf32>
        %add3A_1642 = arith.addf %add3A_1635, %get3A_1641 : vector<16xf32>
        %add3A_1643 = arith.constant 128 : i32
        %add3A_1644 = arith.addi %add3A_1643, %scan3A_1004 : i32
        %get3A_1645 = arith.index_cast %add3A_1644 : i32 to index
        %get3A_1646 = arith.constant 80 : index
        %get3A_1647 = tpu.vector_load %arg17[%get3A_1645, %get3A_1646] {strides = array<i32>} : memref<256x128xf32, #tpu.memory_space<vmem>>, vector<1x16xf32>,
        %get3A_1648 = vector.shape_cast %get3A_1647 : vector<1x16xf32> to vector<16xf32>
        %add3A_1649 = arith.addf %add3A_1642, %get3A_1648 : vector<16xf32>
        %add3A_1650 = arith.constant 144 : i32
        %add3A_1651 = arith.addi %add3A_1650, %scan3A_1004 : i32
        %get3A_1652 = arith.index_cast %add3A_1651 : i32 to index
        %get3A_1653 = arith.constant 80 : index
        %get3A_1654 = tpu.vector_load %arg17[%get3A_1652, %get3A_1653] {strides = array<i32>} : memref<256x128xf32, #tpu.memory_space<vmem>>, vector<1x16xf32>,
        %get3A_1655 = vector.shape_cast %get3A_1654 : vector<1x16xf32> to vector<16xf32>
        %add3A_1656 = arith.addf %add3A_1649, %get3A_1655 : vector<16xf32>
        %add3A_1657 = arith.constant 160 : i32
        %add3A_1658 = arith.addi %add3A_1657, %scan3A_1004 : i32
        %get3A_1659 = arith.index_cast %add3A_1658 : i32 to index
        %get3A_1660 = arith.constant 80 : index
        %get3A_1661 = tpu.vector_load %arg17[%get3A_1659, %get3A_1660] {strides = array<i32>} : memref<256x128xf32, #tpu.memory_space<vmem>>, vector<1x16xf32>,
        %get3A_1662 = vector.shape_cast %get3A_1661 : vector<1x16xf32> to vector<16xf32>
        %add3A_1663 = arith.addf %add3A_1656, %get3A_1662 : vector<16xf32>
        %add3A_1664 = arith.constant 176 : i32
        %add3A_1665 = arith.addi %add3A_1664, %scan3A_1004 : i32
        %get3A_1666 = arith.index_cast %add3A_1665 : i32 to index
        %get3A_1667 = arith.constant 80 : index
        %get3A_1668 = tpu.vector_load %arg17[%get3A_1666, %get3A_1667] {strides = array<i32>} : memref<256x128xf32, #tpu.memory_space<vmem>>, vector<1x16xf32>,
        %get3A_1669 = vector.shape_cast %get3A_1668 : vector<1x16xf32> to vector<16xf32>
        %add3A_1670 = arith.addf %add3A_1663, %get3A_1669 : vector<16xf32>
        %add3A_1671 = arith.constant 192 : i32
        %add3A_1672 = arith.addi %add3A_1671, %scan3A_1004 : i32
        %get3A_1673 = arith.index_cast %add3A_1672 : i32 to index
        %get3A_1674 = arith.constant 80 : index
        %get3A_1675 = tpu.vector_load %arg17[%get3A_1673, %get3A_1674] {strides = array<i32>} : memref<256x128xf32, #tpu.memory_space<vmem>>, vector<1x16xf32>,
        %get3A_1676 = vector.shape_cast %get3A_1675 : vector<1x16xf32> to vector<16xf32>
        %add3A_1677 = arith.addf %add3A_1670, %get3A_1676 : vector<16xf32>
        %add3A_1678 = arith.constant 208 : i32
        %add3A_1679 = arith.addi %add3A_1678, %scan3A_1004 : i32
        %get3A_1680 = arith.index_cast %add3A_1679 : i32 to index
        %get3A_1681 = arith.constant 80 : index
        %get3A_1682 = tpu.vector_load %arg17[%get3A_1680, %get3A_1681] {strides = array<i32>} : memref<256x128xf32, #tpu.memory_space<vmem>>, vector<1x16xf32>,
        %get3A_1683 = vector.shape_cast %get3A_1682 : vector<1x16xf32> to vector<16xf32>
        %add3A_1684 = arith.addf %add3A_1677, %get3A_1683 : vector<16xf32>
        %add3A_1685 = arith.constant 224 : i32
        %add3A_1686 = arith.addi %add3A_1685, %scan3A_1004 : i32
        %get3A_1687 = arith.index_cast %add3A_1686 : i32 to index
        %get3A_1688 = arith.constant 80 : index
        %get3A_1689 = tpu.vector_load %arg17[%get3A_1687, %get3A_1688] {strides = array<i32>} : memref<256x128xf32, #tpu.memory_space<vmem>>, vector<1x16xf32>,
        %get3A_1690 = vector.shape_cast %get3A_1689 : vector<1x16xf32> to vector<16xf32>
        %add3A_1691 = arith.addf %add3A_1684, %get3A_1690 : vector<16xf32>
        %add3A_1692 = arith.constant 240 : i32
        %add3A_1693 = arith.addi %add3A_1692, %scan3A_1004 : i32
        %get3A_1694 = arith.index_cast %add3A_1693 : i32 to index
        %get3A_1695 = arith.constant 80 : index
        %get3A_1696 = tpu.vector_load %arg17[%get3A_1694, %get3A_1695] {strides = array<i32>} : memref<256x128xf32, #tpu.memory_space<vmem>>, vector<1x16xf32>,
        %get3A_1697 = vector.shape_cast %get3A_1696 : vector<1x16xf32> to vector<16xf32>
        %add3A_1698 = arith.addf %add3A_1691, %get3A_1697 : vector<16xf32>
        %mul3A_1699 = arith.constant 6.250000e-02 : f32
        %mul3A_1700 = vector.broadcast %mul3A_1699 : f32 to vector<16xf32>
        %mul3A_1701 = arith.mulf %add3A_1698, %mul3A_1700 : vector<16xf32>
        %swap3A_1702 = arith.index_cast %scan3A_1004 : i32 to index
        %swap3A_1703 = arith.constant 80 : index
        %swap3A_1704 = tpu.vector_load %arg19[%swap3A_1702, %swap3A_1703] {strides = array<i32>} : memref<16x128xf32, #tpu.memory_space<vmem>>, vector<1x16xf32>,
        %swap3A_1705 = vector.shape_cast %swap3A_1704 : vector<1x16xf32> to vector<16xf32>
        %swap3A_1706 = vector.shape_cast %mul3A_1701 : vector<16xf32> to vector<1x16xf32>
        tpu.vector_store %arg19[%swap3A_1702, %swap3A_1703], %swap3A_1706 {strides = array<i32>} : memref<16x128xf32, #tpu.memory_space<vmem>>, vector<1x16xf32>,
        %get3A_1707 = arith.index_cast %scan3A_1004 : i32 to index
        %get3A_1708 = arith.constant 96 : index
        %get3A_1709 = tpu.vector_load %arg17[%get3A_1707, %get3A_1708] {strides = array<i32>} : memref<256x128xf32, #tpu.memory_space<vmem>>, vector<1x16xf32>,
        %get3A_1710 = vector.shape_cast %get3A_1709 : vector<1x16xf32> to vector<16xf32>
        %add3A_1711 = arith.constant 16 : i32
        %add3A_1712 = arith.addi %add3A_1711, %scan3A_1004 : i32
        %get3A_1713 = arith.index_cast %add3A_1712 : i32 to index
        %get3A_1714 = arith.constant 96 : index
        %get3A_1715 = tpu.vector_load %arg17[%get3A_1713, %get3A_1714] {strides = array<i32>} : memref<256x128xf32, #tpu.memory_space<vmem>>, vector<1x16xf32>,
        %get3A_1716 = vector.shape_cast %get3A_1715 : vector<1x16xf32> to vector<16xf32>
        %add3A_1717 = arith.addf %get3A_1710, %get3A_1716 : vector<16xf32>
        %add3A_1718 = arith.constant 32 : i32
        %add3A_1719 = arith.addi %add3A_1718, %scan3A_1004 : i32
        %get3A_1720 = arith.index_cast %add3A_1719 : i32 to index
        %get3A_1721 = arith.constant 96 : index
        %get3A_1722 = tpu.vector_load %arg17[%get3A_1720, %get3A_1721] {strides = array<i32>} : memref<256x128xf32, #tpu.memory_space<vmem>>, vector<1x16xf32>,
        %get3A_1723 = vector.shape_cast %get3A_1722 : vector<1x16xf32> to vector<16xf32>
        %add3A_1724 = arith.addf %add3A_1717, %get3A_1723 : vector<16xf32>
        %add3A_1725 = arith.constant 48 : i32
        %add3A_1726 = arith.addi %add3A_1725, %scan3A_1004 : i32
        %get3A_1727 = arith.index_cast %add3A_1726 : i32 to index
        %get3A_1728 = arith.constant 96 : index
        %get3A_1729 = tpu.vector_load %arg17[%get3A_1727, %get3A_1728] {strides = array<i32>} : memref<256x128xf32, #tpu.memory_space<vmem>>, vector<1x16xf32>,
        %get3A_1730 = vector.shape_cast %get3A_1729 : vector<1x16xf32> to vector<16xf32>
        %add3A_1731 = arith.addf %add3A_1724, %get3A_1730 : vector<16xf32>
        %add3A_1732 = arith.constant 64 : i32
        %add3A_1733 = arith.addi %add3A_1732, %scan3A_1004 : i32
        %get3A_1734 = arith.index_cast %add3A_1733 : i32 to index
        %get3A_1735 = arith.constant 96 : index
        %get3A_1736 = tpu.vector_load %arg17[%get3A_1734, %get3A_1735] {strides = array<i32>} : memref<256x128xf32, #tpu.memory_space<vmem>>, vector<1x16xf32>,
        %get3A_1737 = vector.shape_cast %get3A_1736 : vector<1x16xf32> to vector<16xf32>
        %add3A_1738 = arith.addf %add3A_1731, %get3A_1737 : vector<16xf32>
        %add3A_1739 = arith.constant 80 : i32
        %add3A_1740 = arith.addi %add3A_1739, %scan3A_1004 : i32
        %get3A_1741 = arith.index_cast %add3A_1740 : i32 to index
        %get3A_1742 = arith.constant 96 : index
        %get3A_1743 = tpu.vector_load %arg17[%get3A_1741, %get3A_1742] {strides = array<i32>} : memref<256x128xf32, #tpu.memory_space<vmem>>, vector<1x16xf32>,
        %get3A_1744 = vector.shape_cast %get3A_1743 : vector<1x16xf32> to vector<16xf32>
        %add3A_1745 = arith.addf %add3A_1738, %get3A_1744 : vector<16xf32>
        %add3A_1746 = arith.constant 96 : i32
        %add3A_1747 = arith.addi %add3A_1746, %scan3A_1004 : i32
        %get3A_1748 = arith.index_cast %add3A_1747 : i32 to index
        %get3A_1749 = arith.constant 96 : index
        %get3A_1750 = tpu.vector_load %arg17[%get3A_1748, %get3A_1749] {strides = array<i32>} : memref<256x128xf32, #tpu.memory_space<vmem>>, vector<1x16xf32>,
        %get3A_1751 = vector.shape_cast %get3A_1750 : vector<1x16xf32> to vector<16xf32>
        %add3A_1752 = arith.addf %add3A_1745, %get3A_1751 : vector<16xf32>
        %add3A_1753 = arith.constant 112 : i32
        %add3A_1754 = arith.addi %add3A_1753, %scan3A_1004 : i32
        %get3A_1755 = arith.index_cast %add3A_1754 : i32 to index
        %get3A_1756 = arith.constant 96 : index
        %get3A_1757 = tpu.vector_load %arg17[%get3A_1755, %get3A_1756] {strides = array<i32>} : memref<256x128xf32, #tpu.memory_space<vmem>>, vector<1x16xf32>,
        %get3A_1758 = vector.shape_cast %get3A_1757 : vector<1x16xf32> to vector<16xf32>
        %add3A_1759 = arith.addf %add3A_1752, %get3A_1758 : vector<16xf32>
        %add3A_1760 = arith.constant 128 : i32
        %add3A_1761 = arith.addi %add3A_1760, %scan3A_1004 : i32
        %get3A_1762 = arith.index_cast %add3A_1761 : i32 to index
        %get3A_1763 = arith.constant 96 : index
        %get3A_1764 = tpu.vector_load %arg17[%get3A_1762, %get3A_1763] {strides = array<i32>} : memref<256x128xf32, #tpu.memory_space<vmem>>, vector<1x16xf32>,
        %get3A_1765 = vector.shape_cast %get3A_1764 : vector<1x16xf32> to vector<16xf32>
        %add3A_1766 = arith.addf %add3A_1759, %get3A_1765 : vector<16xf32>
        %add3A_1767 = arith.constant 144 : i32
        %add3A_1768 = arith.addi %add3A_1767, %scan3A_1004 : i32
        %get3A_1769 = arith.index_cast %add3A_1768 : i32 to index
        %get3A_1770 = arith.constant 96 : index
        %get3A_1771 = tpu.vector_load %arg17[%get3A_1769, %get3A_1770] {strides = array<i32>} : memref<256x128xf32, #tpu.memory_space<vmem>>, vector<1x16xf32>,
        %get3A_1772 = vector.shape_cast %get3A_1771 : vector<1x16xf32> to vector<16xf32>
        %add3A_1773 = arith.addf %add3A_1766, %get3A_1772 : vector<16xf32>
        %add3A_1774 = arith.constant 160 : i32
        %add3A_1775 = arith.addi %add3A_1774, %scan3A_1004 : i32
        %get3A_1776 = arith.index_cast %add3A_1775 : i32 to index
        %get3A_1777 = arith.constant 96 : index
        %get3A_1778 = tpu.vector_load %arg17[%get3A_1776, %get3A_1777] {strides = array<i32>} : memref<256x128xf32, #tpu.memory_space<vmem>>, vector<1x16xf32>,
        %get3A_1779 = vector.shape_cast %get3A_1778 : vector<1x16xf32> to vector<16xf32>
        %add3A_1780 = arith.addf %add3A_1773, %get3A_1779 : vector<16xf32>
        %add3A_1781 = arith.constant 176 : i32
        %add3A_1782 = arith.addi %add3A_1781, %scan3A_1004 : i32
        %get3A_1783 = arith.index_cast %add3A_1782 : i32 to index
        %get3A_1784 = arith.constant 96 : index
        %get3A_1785 = tpu.vector_load %arg17[%get3A_1783, %get3A_1784] {strides = array<i32>} : memref<256x128xf32, #tpu.memory_space<vmem>>, vector<1x16xf32>,
        %get3A_1786 = vector.shape_cast %get3A_1785 : vector<1x16xf32> to vector<16xf32>
        %add3A_1787 = arith.addf %add3A_1780, %get3A_1786 : vector<16xf32>
        %add3A_1788 = arith.constant 192 : i32
        %add3A_1789 = arith.addi %add3A_1788, %scan3A_1004 : i32
        %get3A_1790 = arith.index_cast %add3A_1789 : i32 to index
        %get3A_1791 = arith.constant 96 : index
        %get3A_1792 = tpu.vector_load %arg17[%get3A_1790, %get3A_1791] {strides = array<i32>} : memref<256x128xf32, #tpu.memory_space<vmem>>, vector<1x16xf32>,
        %get3A_1793 = vector.shape_cast %get3A_1792 : vector<1x16xf32> to vector<16xf32>
        %add3A_1794 = arith.addf %add3A_1787, %get3A_1793 : vector<16xf32>
        %add3A_1795 = arith.constant 208 : i32
        %add3A_1796 = arith.addi %add3A_1795, %scan3A_1004 : i32
        %get3A_1797 = arith.index_cast %add3A_1796 : i32 to index
        %get3A_1798 = arith.constant 96 : index
        %get3A_1799 = tpu.vector_load %arg17[%get3A_1797, %get3A_1798] {strides = array<i32>} : memref<256x128xf32, #tpu.memory_space<vmem>>, vector<1x16xf32>,
        %get3A_1800 = vector.shape_cast %get3A_1799 : vector<1x16xf32> to vector<16xf32>
        %add3A_1801 = arith.addf %add3A_1794, %get3A_1800 : vector<16xf32>
        %add3A_1802 = arith.constant 224 : i32
        %add3A_1803 = arith.addi %add3A_1802, %scan3A_1004 : i32
        %get3A_1804 = arith.index_cast %add3A_1803 : i32 to index
        %get3A_1805 = arith.constant 96 : index
        %get3A_1806 = tpu.vector_load %arg17[%get3A_1804, %get3A_1805] {strides = array<i32>} : memref<256x128xf32, #tpu.memory_space<vmem>>, vector<1x16xf32>,
        %get3A_1807 = vector.shape_cast %get3A_1806 : vector<1x16xf32> to vector<16xf32>
        %add3A_1808 = arith.addf %add3A_1801, %get3A_1807 : vector<16xf32>
        %add3A_1809 = arith.constant 240 : i32
        %add3A_1810 = arith.addi %add3A_1809, %scan3A_1004 : i32
        %get3A_1811 = arith.index_cast %add3A_1810 : i32 to index
        %get3A_1812 = arith.constant 96 : index
        %get3A_1813 = tpu.vector_load %arg17[%get3A_1811, %get3A_1812] {strides = array<i32>} : memref<256x128xf32, #tpu.memory_space<vmem>>, vector<1x16xf32>,
        %get3A_1814 = vector.shape_cast %get3A_1813 : vector<1x16xf32> to vector<16xf32>
        %add3A_1815 = arith.addf %add3A_1808, %get3A_1814 : vector<16xf32>
        %mul3A_1816 = arith.constant 6.250000e-02 : f32
        %mul3A_1817 = vector.broadcast %mul3A_1816 : f32 to vector<16xf32>
        %mul3A_1818 = arith.mulf %add3A_1815, %mul3A_1817 : vector<16xf32>
        %swap3A_1819 = arith.index_cast %scan3A_1004 : i32 to index
        %swap3A_1820 = arith.constant 96 : index
        %swap3A_1821 = tpu.vector_load %arg19[%swap3A_1819, %swap3A_1820] {strides = array<i32>} : memref<16x128xf32, #tpu.memory_space<vmem>>, vector<1x16xf32>,
        %swap3A_1822 = vector.shape_cast %swap3A_1821 : vector<1x16xf32> to vector<16xf32>
        %swap3A_1823 = vector.shape_cast %mul3A_1818 : vector<16xf32> to vector<1x16xf32>
        tpu.vector_store %arg19[%swap3A_1819, %swap3A_1820], %swap3A_1823 {strides = array<i32>} : memref<16x128xf32, #tpu.memory_space<vmem>>, vector<1x16xf32>,
        %get3A_1824 = arith.index_cast %scan3A_1004 : i32 to index
        %get3A_1825 = arith.constant 112 : index
        %get3A_1826 = tpu.vector_load %arg17[%get3A_1824, %get3A_1825] {strides = array<i32>} : memref<256x128xf32, #tpu.memory_space<vmem>>, vector<1x16xf32>,
        %get3A_1827 = vector.shape_cast %get3A_1826 : vector<1x16xf32> to vector<16xf32>
        %add3A_1828 = arith.constant 16 : i32
        %add3A_1829 = arith.addi %add3A_1828, %scan3A_1004 : i32
        %get3A_1830 = arith.index_cast %add3A_1829 : i32 to index
        %get3A_1831 = arith.constant 112 : index
        %get3A_1832 = tpu.vector_load %arg17[%get3A_1830, %get3A_1831] {strides = array<i32>} : memref<256x128xf32, #tpu.memory_space<vmem>>, vector<1x16xf32>,
        %get3A_1833 = vector.shape_cast %get3A_1832 : vector<1x16xf32> to vector<16xf32>
        %add3A_1834 = arith.addf %get3A_1827, %get3A_1833 : vector<16xf32>
        %add3A_1835 = arith.constant 32 : i32
        %add3A_1836 = arith.addi %add3A_1835, %scan3A_1004 : i32
        %get3A_1837 = arith.index_cast %add3A_1836 : i32 to index
        %get3A_1838 = arith.constant 112 : index
        %get3A_1839 = tpu.vector_load %arg17[%get3A_1837, %get3A_1838] {strides = array<i32>} : memref<256x128xf32, #tpu.memory_space<vmem>>, vector<1x16xf32>,
        %get3A_1840 = vector.shape_cast %get3A_1839 : vector<1x16xf32> to vector<16xf32>
        %add3A_1841 = arith.addf %add3A_1834, %get3A_1840 : vector<16xf32>
        %add3A_1842 = arith.constant 48 : i32
        %add3A_1843 = arith.addi %add3A_1842, %scan3A_1004 : i32
        %get3A_1844 = arith.index_cast %add3A_1843 : i32 to index
        %get3A_1845 = arith.constant 112 : index
        %get3A_1846 = tpu.vector_load %arg17[%get3A_1844, %get3A_1845] {strides = array<i32>} : memref<256x128xf32, #tpu.memory_space<vmem>>, vector<1x16xf32>,
        %get3A_1847 = vector.shape_cast %get3A_1846 : vector<1x16xf32> to vector<16xf32>
        %add3A_1848 = arith.addf %add3A_1841, %get3A_1847 : vector<16xf32>
        %add3A_1849 = arith.constant 64 : i32
        %add3A_1850 = arith.addi %add3A_1849, %scan3A_1004 : i32
        %get3A_1851 = arith.index_cast %add3A_1850 : i32 to index
        %get3A_1852 = arith.constant 112 : index
        %get3A_1853 = tpu.vector_load %arg17[%get3A_1851, %get3A_1852] {strides = array<i32>} : memref<256x128xf32, #tpu.memory_space<vmem>>, vector<1x16xf32>,
        %get3A_1854 = vector.shape_cast %get3A_1853 : vector<1x16xf32> to vector<16xf32>
        %add3A_1855 = arith.addf %add3A_1848, %get3A_1854 : vector<16xf32>
        %add3A_1856 = arith.constant 80 : i32
        %add3A_1857 = arith.addi %add3A_1856, %scan3A_1004 : i32
        %get3A_1858 = arith.index_cast %add3A_1857 : i32 to index
        %get3A_1859 = arith.constant 112 : index
        %get3A_1860 = tpu.vector_load %arg17[%get3A_1858, %get3A_1859] {strides = array<i32>} : memref<256x128xf32, #tpu.memory_space<vmem>>, vector<1x16xf32>,
        %get3A_1861 = vector.shape_cast %get3A_1860 : vector<1x16xf32> to vector<16xf32>
        %add3A_1862 = arith.addf %add3A_1855, %get3A_1861 : vector<16xf32>
        %add3A_1863 = arith.constant 96 : i32
        %add3A_1864 = arith.addi %add3A_1863, %scan3A_1004 : i32
        %get3A_1865 = arith.index_cast %add3A_1864 : i32 to index
        %get3A_1866 = arith.constant 112 : index
        %get3A_1867 = tpu.vector_load %arg17[%get3A_1865, %get3A_1866] {strides = array<i32>} : memref<256x128xf32, #tpu.memory_space<vmem>>, vector<1x16xf32>,
        %get3A_1868 = vector.shape_cast %get3A_1867 : vector<1x16xf32> to vector<16xf32>
        %add3A_1869 = arith.addf %add3A_1862, %get3A_1868 : vector<16xf32>
        %add3A_1870 = arith.constant 112 : i32
        %add3A_1871 = arith.addi %add3A_1870, %scan3A_1004 : i32
        %get3A_1872 = arith.index_cast %add3A_1871 : i32 to index
        %get3A_1873 = arith.constant 112 : index
        %get3A_1874 = tpu.vector_load %arg17[%get3A_1872, %get3A_1873] {strides = array<i32>} : memref<256x128xf32, #tpu.memory_space<vmem>>, vector<1x16xf32>,
        %get3A_1875 = vector.shape_cast %get3A_1874 : vector<1x16xf32> to vector<16xf32>
        %add3A_1876 = arith.addf %add3A_1869, %get3A_1875 : vector<16xf32>
        %add3A_1877 = arith.constant 128 : i32
        %add3A_1878 = arith.addi %add3A_1877, %scan3A_1004 : i32
        %get3A_1879 = arith.index_cast %add3A_1878 : i32 to index
        %get3A_1880 = arith.constant 112 : index
        %get3A_1881 = tpu.vector_load %arg17[%get3A_1879, %get3A_1880] {strides = array<i32>} : memref<256x128xf32, #tpu.memory_space<vmem>>, vector<1x16xf32>,
        %get3A_1882 = vector.shape_cast %get3A_1881 : vector<1x16xf32> to vector<16xf32>
        %add3A_1883 = arith.addf %add3A_1876, %get3A_1882 : vector<16xf32>
        %add3A_1884 = arith.constant 144 : i32
        %add3A_1885 = arith.addi %add3A_1884, %scan3A_1004 : i32
        %get3A_1886 = arith.index_cast %add3A_1885 : i32 to index
        %get3A_1887 = arith.constant 112 : index
        %get3A_1888 = tpu.vector_load %arg17[%get3A_1886, %get3A_1887] {strides = array<i32>} : memref<256x128xf32, #tpu.memory_space<vmem>>, vector<1x16xf32>,
        %get3A_1889 = vector.shape_cast %get3A_1888 : vector<1x16xf32> to vector<16xf32>
        %add3A_1890 = arith.addf %add3A_1883, %get3A_1889 : vector<16xf32>
        %add3A_1891 = arith.constant 160 : i32
        %add3A_1892 = arith.addi %add3A_1891, %scan3A_1004 : i32
        %get3A_1893 = arith.index_cast %add3A_1892 : i32 to index
        %get3A_1894 = arith.constant 112 : index
        %get3A_1895 = tpu.vector_load %arg17[%get3A_1893, %get3A_1894] {strides = array<i32>} : memref<256x128xf32, #tpu.memory_space<vmem>>, vector<1x16xf32>,
        %get3A_1896 = vector.shape_cast %get3A_1895 : vector<1x16xf32> to vector<16xf32>
        %add3A_1897 = arith.addf %add3A_1890, %get3A_1896 : vector<16xf32>
        %add3A_1898 = arith.constant 176 : i32
        %add3A_1899 = arith.addi %add3A_1898, %scan3A_1004 : i32
        %get3A_1900 = arith.index_cast %add3A_1899 : i32 to index
        %get3A_1901 = arith.constant 112 : index
        %get3A_1902 = tpu.vector_load %arg17[%get3A_1900, %get3A_1901] {strides = array<i32>} : memref<256x128xf32, #tpu.memory_space<vmem>>, vector<1x16xf32>,
        %get3A_1903 = vector.shape_cast %get3A_1902 : vector<1x16xf32> to vector<16xf32>
        %add3A_1904 = arith.addf %add3A_1897, %get3A_1903 : vector<16xf32>
        %add3A_1905 = arith.constant 192 : i32
        %add3A_1906 = arith.addi %add3A_1905, %scan3A_1004 : i32
        %get3A_1907 = arith.index_cast %add3A_1906 : i32 to index
        %get3A_1908 = arith.constant 112 : index
        %get3A_1909 = tpu.vector_load %arg17[%get3A_1907, %get3A_1908] {strides = array<i32>} : memref<256x128xf32, #tpu.memory_space<vmem>>, vector<1x16xf32>,
        %get3A_1910 = vector.shape_cast %get3A_1909 : vector<1x16xf32> to vector<16xf32>
        %add3A_1911 = arith.addf %add3A_1904, %get3A_1910 : vector<16xf32>
        %add3A_1912 = arith.constant 208 : i32
        %add3A_1913 = arith.addi %add3A_1912, %scan3A_1004 : i32
        %get3A_1914 = arith.index_cast %add3A_1913 : i32 to index
        %get3A_1915 = arith.constant 112 : index
        %get3A_1916 = tpu.vector_load %arg17[%get3A_1914, %get3A_1915] {strides = array<i32>} : memref<256x128xf32, #tpu.memory_space<vmem>>, vector<1x16xf32>,
        %get3A_1917 = vector.shape_cast %get3A_1916 : vector<1x16xf32> to vector<16xf32>
        %add3A_1918 = arith.addf %add3A_1911, %get3A_1917 : vector<16xf32>
        %add3A_1919 = arith.constant 224 : i32
        %add3A_1920 = arith.addi %add3A_1919, %scan3A_1004 : i32
        %get3A_1921 = arith.index_cast %add3A_1920 : i32 to index
        %get3A_1922 = arith.constant 112 : index
        %get3A_1923 = tpu.vector_load %arg17[%get3A_1921, %get3A_1922] {strides = array<i32>} : memref<256x128xf32, #tpu.memory_space<vmem>>, vector<1x16xf32>,
        %get3A_1924 = vector.shape_cast %get3A_1923 : vector<1x16xf32> to vector<16xf32>
        %add3A_1925 = arith.addf %add3A_1918, %get3A_1924 : vector<16xf32>
        %add3A_1926 = arith.constant 240 : i32
        %add3A_1927 = arith.addi %add3A_1926, %scan3A_1004 : i32
        %get3A_1928 = arith.index_cast %add3A_1927 : i32 to index
        %get3A_1929 = arith.constant 112 : index
        %get3A_1930 = tpu.vector_load %arg17[%get3A_1928, %get3A_1929] {strides = array<i32>} : memref<256x128xf32, #tpu.memory_space<vmem>>, vector<1x16xf32>,
        %get3A_1931 = vector.shape_cast %get3A_1930 : vector<1x16xf32> to vector<16xf32>
        %add3A_1932 = arith.addf %add3A_1925, %get3A_1931 : vector<16xf32>
        %mul3A_1933 = arith.constant 6.250000e-02 : f32
        %mul3A_1934 = vector.broadcast %mul3A_1933 : f32 to vector<16xf32>
        %mul3A_1935 = arith.mulf %add3A_1932, %mul3A_1934 : vector<16xf32>
        %swap3A_1936 = arith.index_cast %scan3A_1004 : i32 to index
        %swap3A_1937 = arith.constant 112 : index
        %swap3A_1938 = tpu.vector_load %arg19[%swap3A_1936, %swap3A_1937] {strides = array<i32>} : memref<16x128xf32, #tpu.memory_space<vmem>>, vector<1x16xf32>,
        %swap3A_1939 = vector.shape_cast %swap3A_1938 : vector<1x16xf32> to vector<16xf32>
        %swap3A_1940 = vector.shape_cast %mul3A_1935 : vector<16xf32> to vector<1x16xf32>
        tpu.vector_store %arg19[%swap3A_1936, %swap3A_1937], %swap3A_1940 {strides = array<i32>} : memref<16x128xf32, #tpu.memory_space<vmem>>, vector<1x16xf32>,
      }
      %scan3A_973 = arith.constant 16 : i32
      %lt3A_974 = arith.constant 2 : i32
      %lt3A_975 = arith.cmpi slt, %add3A_955, %lt3A_974 : i32
      %mul3A_976 = arith.constant 32 : i32
      %mul3A_977 = arith.muli %add3A, %mul3A_976 : i32
      %mul3A_978 = arith.constant 16 : i32
      %mul3A_979 = arith.muli %add3A_955, %mul3A_978 : i32
      %add3A_980 = arith.addi %mul3A_977, %mul3A_979 : i32
      %mul3A_981 = arith.constant 512 : i32
      %mul3A_982 = arith.muli %add3A, %mul3A_981 : i32
      %add3A_983 = arith.constant 1024 : i32
      %add3A_984 = arith.addi %add3A_983, %mul3A_982 : i32
      %sub3A_985 = arith.constant 2 : i32
      %sub3A_986 = arith.subi %add3A_955, %sub3A_985 : i32
      %mul3A_987 = arith.constant 16 : i32
      %mul3A_988 = arith.muli %sub3A_986, %mul3A_987 : i32
      %add3A_989 = arith.addi %add3A_984, %mul3A_988 : i32
      %select_n3A_990 = arith.select %lt3A_975, %add3A_980, %add3A_989 : i32
      %dma_start3A_991 = arith.constant 0 : i32
      %dma_start3A_992 = tpu.memref_slice %arg5[%select_n3A_990, %dma_start3A_991] : memref<17408x128xf32, #tpu.memory_space<hbm>> -> memref<16x128xf32, #tpu.memory_space<hbm>>
      %dma_start3A_993 = arith.constant 0 : i32
      %dma_start3A_994 = tpu.memref_slice %arg5[%select_n3A_990, %dma_start3A_993] : memref<17408x128xf32, #tpu.memory_space<hbm>> -> memref<16x128xf32, #tpu.memory_space<hbm>>
      tpu.enqueue_dma source(%arg15 : memref<16x128xf32, #tpu.memory_space<vmem>>) target(%dma_start3A_994 : memref<16x128xf32, #tpu.memory_space<hbm>>) target_semaphore(%arg25 : memref<!tpu.dma_semaphore, #tpu.memory_space<semaphore_mem>>)
      %dma_start3A_995 = arith.constant 0 : i32
      %dma_start3A_996 = tpu.memref_slice %arg6[%select_n3A_990, %dma_start3A_995] : memref<17408x128xf32, #tpu.memory_space<hbm>> -> memref<16x128xf32, #tpu.memory_space<hbm>>
      %dma_start3A_997 = arith.constant 0 : i32
      %dma_start3A_998 = tpu.memref_slice %arg6[%select_n3A_990, %dma_start3A_997] : memref<17408x128xf32, #tpu.memory_space<hbm>> -> memref<16x128xf32, #tpu.memory_space<hbm>>
      tpu.enqueue_dma source(%arg19 : memref<16x128xf32, #tpu.memory_space<vmem>>) target(%dma_start3A_998 : memref<16x128xf32, #tpu.memory_space<hbm>>) target_semaphore(%arg25 : memref<!tpu.dma_semaphore, #tpu.memory_space<semaphore_mem>>)
      %lt3A_999 = arith.constant 16 : i32
      %lt3A_1000 = arith.cmpi slt, %scan3A_908, %lt3A_999 : i32
      %convert_element_type3A_1001 = arith.extui %lt3A_1000 : i1 to i32
      %cond3A_1002 = arith.constant 0 : i32
      %cond3A_1003 = arith.cmpi ne, %convert_element_type3A_1001, %cond3A_1002 : i32
      scf.if %cond3A_1003 {
        %add3A_1004 = arith.constant 3 : i32
        %add3A_1005 = arith.addi %mul3A_910, %add3A_1004 : i32
        %sub3A_1006 = arith.constant 2 : i32
        %sub3A_1007 = arith.subi %add3A_1005, %sub3A_1006 : i32
        %mul3A_1008 = arith.constant 16 : i32
        %mul3A_1009 = arith.muli %sub3A_1007, %mul3A_1008 : i32
        %get3A_1010 = arith.index_cast %mul3A_1009 : i32 to index
        %get3A_1011 = tpu.vector_load %arg9[%get3A_1010] {strides = array<i32>} : memref<512xi32, #tpu.memory_space<vmem>>, vector<16xi32>,
        %get3A_1012 = vector.shape_cast %get3A_1011 : vector<16xi32> to vector<16xi32>
        %mul3A_1013 = arith.constant 16 : i32
        %mul3A_1014 = vector.broadcast %mul3A_1013 : i32 to vector<16xi32>
        %mul3A_1015 = arith.muli %get3A_1012, %mul3A_1014 : vector<16xi32>
        %add3A_1016 = arith.constant 0 : i32
        %add3A_1017 = vector.broadcast %add3A_1016 : i32 to vector<16xi32>
        %add3A_1018 = arith.addi %mul3A_1015, %add3A_1017 : vector<16xi32>
        %swap3A_1019 = arith.constant 0 : index
        %swap3A_1020 = tpu.vector_load %arg11[%swap3A_1019] {strides = array<i32>} : memref<256xi32, #tpu.memory_space<vmem>>, vector<16xi32>,
        %swap3A_1021 = vector.shape_cast %swap3A_1020 : vector<16xi32> to vector<16xi32>
        %swap3A_1022 = vector.shape_cast %add3A_1018 : vector<16xi32> to vector<16xi32>
        tpu.vector_store %arg11[%swap3A_1019], %swap3A_1022 {strides = array<i32>} : memref<256xi32, #tpu.memory_space<vmem>>, vector<16xi32>,
        %mul3A_1023 = arith.constant 16 : i32
        %mul3A_1024 = vector.broadcast %mul3A_1023 : i32 to vector<16xi32>
        %mul3A_1025 = arith.muli %get3A_1012, %mul3A_1024 : vector<16xi32>
        %add3A_1026 = arith.constant 1 : i32
        %add3A_1027 = vector.broadcast %add3A_1026 : i32 to vector<16xi32>
        %add3A_1028 = arith.addi %mul3A_1025, %add3A_1027 : vector<16xi32>
        %swap3A_1029 = arith.constant 16 : index
        %swap3A_1030 = tpu.vector_load %arg11[%swap3A_1029] {strides = array<i32>} : memref<256xi32, #tpu.memory_space<vmem>>, vector<16xi32>,
        %swap3A_1031 = vector.shape_cast %swap3A_1030 : vector<16xi32> to vector<16xi32>
        %swap3A_1032 = vector.shape_cast %add3A_1028 : vector<16xi32> to vector<16xi32>
        tpu.vector_store %arg11[%swap3A_1029], %swap3A_1032 {strides = array<i32>} : memref<256xi32, #tpu.memory_space<vmem>>, vector<16xi32>,
        %mul3A_1033 = arith.constant 16 : i32
        %mul3A_1034 = vector.broadcast %mul3A_1033 : i32 to vector<16xi32>
        %mul3A_1035 = arith.muli %get3A_1012, %mul3A_1034 : vector<16xi32>
        %add3A_1036 = arith.constant 2 : i32
        %add3A_1037 = vector.broadcast %add3A_1036 : i32 to vector<16xi32>
        %add3A_1038 = arith.addi %mul3A_1035, %add3A_1037 : vector<16xi32>
        %swap3A_1039 = arith.constant 32 : index
        %swap3A_1040 = tpu.vector_load %arg11[%swap3A_1039] {strides = array<i32>} : memref<256xi32, #tpu.memory_space<vmem>>, vector<16xi32>,
        %swap3A_1041 = vector.shape_cast %swap3A_1040 : vector<16xi32> to vector<16xi32>
        %swap3A_1042 = vector.shape_cast %add3A_1038 : vector<16xi32> to vector<16xi32>
        tpu.vector_store %arg11[%swap3A_1039], %swap3A_1042 {strides = array<i32>} : memref<256xi32, #tpu.memory_space<vmem>>, vector<16xi32>,
        %mul3A_1043 = arith.constant 16 : i32
        %mul3A_1044 = vector.broadcast %mul3A_1043 : i32 to vector<16xi32>
        %mul3A_1045 = arith.muli %get3A_1012, %mul3A_1044 : vector<16xi32>
        %add3A_1046 = arith.constant 3 : i32
        %add3A_1047 = vector.broadcast %add3A_1046 : i32 to vector<16xi32>
        %add3A_1048 = arith.addi %mul3A_1045, %add3A_1047 : vector<16xi32>
        %swap3A_1049 = arith.constant 48 : index
        %swap3A_1050 = tpu.vector_load %arg11[%swap3A_1049] {strides = array<i32>} : memref<256xi32, #tpu.memory_space<vmem>>, vector<16xi32>,
        %swap3A_1051 = vector.shape_cast %swap3A_1050 : vector<16xi32> to vector<16xi32>
        %swap3A_1052 = vector.shape_cast %add3A_1048 : vector<16xi32> to vector<16xi32>
        tpu.vector_store %arg11[%swap3A_1049], %swap3A_1052 {strides = array<i32>} : memref<256xi32, #tpu.memory_space<vmem>>, vector<16xi32>,
        %mul3A_1053 = arith.constant 16 : i32
        %mul3A_1054 = vector.broadcast %mul3A_1053 : i32 to vector<16xi32>
        %mul3A_1055 = arith.muli %get3A_1012, %mul3A_1054 : vector<16xi32>
        %add3A_1056 = arith.constant 4 : i32
        %add3A_1057 = vector.broadcast %add3A_1056 : i32 to vector<16xi32>
        %add3A_1058 = arith.addi %mul3A_1055, %add3A_1057 : vector<16xi32>
        %swap3A_1059 = arith.constant 64 : index
        %swap3A_1060 = tpu.vector_load %arg11[%swap3A_1059] {strides = array<i32>} : memref<256xi32, #tpu.memory_space<vmem>>, vector<16xi32>,
        %swap3A_1061 = vector.shape_cast %swap3A_1060 : vector<16xi32> to vector<16xi32>
        %swap3A_1062 = vector.shape_cast %add3A_1058 : vector<16xi32> to vector<16xi32>
        tpu.vector_store %arg11[%swap3A_1059], %swap3A_1062 {strides = array<i32>} : memref<256xi32, #tpu.memory_space<vmem>>, vector<16xi32>,
        %mul3A_1063 = arith.constant 16 : i32
        %mul3A_1064 = vector.broadcast %mul3A_1063 : i32 to vector<16xi32>
        %mul3A_1065 = arith.muli %get3A_1012, %mul3A_1064 : vector<16xi32>
        %add3A_1066 = arith.constant 5 : i32
        %add3A_1067 = vector.broadcast %add3A_1066 : i32 to vector<16xi32>
        %add3A_1068 = arith.addi %mul3A_1065, %add3A_1067 : vector<16xi32>
        %swap3A_1069 = arith.constant 80 : index
        %swap3A_1070 = tpu.vector_load %arg11[%swap3A_1069] {strides = array<i32>} : memref<256xi32, #tpu.memory_space<vmem>>, vector<16xi32>,
        %swap3A_1071 = vector.shape_cast %swap3A_1070 : vector<16xi32> to vector<16xi32>
        %swap3A_1072 = vector.shape_cast %add3A_1068 : vector<16xi32> to vector<16xi32>
        tpu.vector_store %arg11[%swap3A_1069], %swap3A_1072 {strides = array<i32>} : memref<256xi32, #tpu.memory_space<vmem>>, vector<16xi32>,
        %mul3A_1073 = arith.constant 16 : i32
        %mul3A_1074 = vector.broadcast %mul3A_1073 : i32 to vector<16xi32>
        %mul3A_1075 = arith.muli %get3A_1012, %mul3A_1074 : vector<16xi32>
        %add3A_1076 = arith.constant 6 : i32
        %add3A_1077 = vector.broadcast %add3A_1076 : i32 to vector<16xi32>
        %add3A_1078 = arith.addi %mul3A_1075, %add3A_1077 : vector<16xi32>
        %swap3A_1079 = arith.constant 96 : index
        %swap3A_1080 = tpu.vector_load %arg11[%swap3A_1079] {strides = array<i32>} : memref<256xi32, #tpu.memory_space<vmem>>, vector<16xi32>,
        %swap3A_1081 = vector.shape_cast %swap3A_1080 : vector<16xi32> to vector<16xi32>
        %swap3A_1082 = vector.shape_cast %add3A_1078 : vector<16xi32> to vector<16xi32>
        tpu.vector_store %arg11[%swap3A_1079], %swap3A_1082 {strides = array<i32>} : memref<256xi32, #tpu.memory_space<vmem>>, vector<16xi32>,
        %mul3A_1083 = arith.constant 16 : i32
        %mul3A_1084 = vector.broadcast %mul3A_1083 : i32 to vector<16xi32>
        %mul3A_1085 = arith.muli %get3A_1012, %mul3A_1084 : vector<16xi32>
        %add3A_1086 = arith.constant 7 : i32
        %add3A_1087 = vector.broadcast %add3A_1086 : i32 to vector<16xi32>
        %add3A_1088 = arith.addi %mul3A_1085, %add3A_1087 : vector<16xi32>
        %swap3A_1089 = arith.constant 112 : index
        %swap3A_1090 = tpu.vector_load %arg11[%swap3A_1089] {strides = array<i32>} : memref<256xi32, #tpu.memory_space<vmem>>, vector<16xi32>,
        %swap3A_1091 = vector.shape_cast %swap3A_1090 : vector<16xi32> to vector<16xi32>
        %swap3A_1092 = vector.shape_cast %add3A_1088 : vector<16xi32> to vector<16xi32>
        tpu.vector_store %arg11[%swap3A_1089], %swap3A_1092 {strides = array<i32>} : memref<256xi32, #tpu.memory_space<vmem>>, vector<16xi32>,
        %mul3A_1093 = arith.constant 16 : i32
        %mul3A_1094 = vector.broadcast %mul3A_1093 : i32 to vector<16xi32>
        %mul3A_1095 = arith.muli %get3A_1012, %mul3A_1094 : vector<16xi32>
        %add3A_1096 = arith.constant 8 : i32
        %add3A_1097 = vector.broadcast %add3A_1096 : i32 to vector<16xi32>
        %add3A_1098 = arith.addi %mul3A_1095, %add3A_1097 : vector<16xi32>
        %swap3A_1099 = arith.constant 128 : index
        %swap3A_1100 = tpu.vector_load %arg11[%swap3A_1099] {strides = array<i32>} : memref<256xi32, #tpu.memory_space<vmem>>, vector<16xi32>,
        %swap3A_1101 = vector.shape_cast %swap3A_1100 : vector<16xi32> to vector<16xi32>
        %swap3A_1102 = vector.shape_cast %add3A_1098 : vector<16xi32> to vector<16xi32>
        tpu.vector_store %arg11[%swap3A_1099], %swap3A_1102 {strides = array<i32>} : memref<256xi32, #tpu.memory_space<vmem>>, vector<16xi32>,
        %mul3A_1103 = arith.constant 16 : i32
        %mul3A_1104 = vector.broadcast %mul3A_1103 : i32 to vector<16xi32>
        %mul3A_1105 = arith.muli %get3A_1012, %mul3A_1104 : vector<16xi32>
        %add3A_1106 = arith.constant 9 : i32
        %add3A_1107 = vector.broadcast %add3A_1106 : i32 to vector<16xi32>
        %add3A_1108 = arith.addi %mul3A_1105, %add3A_1107 : vector<16xi32>
        %swap3A_1109 = arith.constant 144 : index
        %swap3A_1110 = tpu.vector_load %arg11[%swap3A_1109] {strides = array<i32>} : memref<256xi32, #tpu.memory_space<vmem>>, vector<16xi32>,
        %swap3A_1111 = vector.shape_cast %swap3A_1110 : vector<16xi32> to vector<16xi32>
        %swap3A_1112 = vector.shape_cast %add3A_1108 : vector<16xi32> to vector<16xi32>
        tpu.vector_store %arg11[%swap3A_1109], %swap3A_1112 {strides = array<i32>} : memref<256xi32, #tpu.memory_space<vmem>>, vector<16xi32>,
        %mul3A_1113 = arith.constant 16 : i32
        %mul3A_1114 = vector.broadcast %mul3A_1113 : i32 to vector<16xi32>
        %mul3A_1115 = arith.muli %get3A_1012, %mul3A_1114 : vector<16xi32>
        %add3A_1116 = arith.constant 10 : i32
        %add3A_1117 = vector.broadcast %add3A_1116 : i32 to vector<16xi32>
        %add3A_1118 = arith.addi %mul3A_1115, %add3A_1117 : vector<16xi32>
        %swap3A_1119 = arith.constant 160 : index
        %swap3A_1120 = tpu.vector_load %arg11[%swap3A_1119] {strides = array<i32>} : memref<256xi32, #tpu.memory_space<vmem>>, vector<16xi32>,
        %swap3A_1121 = vector.shape_cast %swap3A_1120 : vector<16xi32> to vector<16xi32>
        %swap3A_1122 = vector.shape_cast %add3A_1118 : vector<16xi32> to vector<16xi32>
        tpu.vector_store %arg11[%swap3A_1119], %swap3A_1122 {strides = array<i32>} : memref<256xi32, #tpu.memory_space<vmem>>, vector<16xi32>,
        %mul3A_1123 = arith.constant 16 : i32
        %mul3A_1124 = vector.broadcast %mul3A_1123 : i32 to vector<16xi32>
        %mul3A_1125 = arith.muli %get3A_1012, %mul3A_1124 : vector<16xi32>
        %add3A_1126 = arith.constant 11 : i32
        %add3A_1127 = vector.broadcast %add3A_1126 : i32 to vector<16xi32>
        %add3A_1128 = arith.addi %mul3A_1125, %add3A_1127 : vector<16xi32>
        %swap3A_1129 = arith.constant 176 : index
        %swap3A_1130 = tpu.vector_load %arg11[%swap3A_1129] {strides = array<i32>} : memref<256xi32, #tpu.memory_space<vmem>>, vector<16xi32>,
        %swap3A_1131 = vector.shape_cast %swap3A_1130 : vector<16xi32> to vector<16xi32>
        %swap3A_1132 = vector.shape_cast %add3A_1128 : vector<16xi32> to vector<16xi32>
        tpu.vector_store %arg11[%swap3A_1129], %swap3A_1132 {strides = array<i32>} : memref<256xi32, #tpu.memory_space<vmem>>, vector<16xi32>,
        %mul3A_1133 = arith.constant 16 : i32
        %mul3A_1134 = vector.broadcast %mul3A_1133 : i32 to vector<16xi32>
        %mul3A_1135 = arith.muli %get3A_1012, %mul3A_1134 : vector<16xi32>
        %add3A_1136 = arith.constant 12 : i32
        %add3A_1137 = vector.broadcast %add3A_1136 : i32 to vector<16xi32>
        %add3A_1138 = arith.addi %mul3A_1135, %add3A_1137 : vector<16xi32>
        %swap3A_1139 = arith.constant 192 : index
        %swap3A_1140 = tpu.vector_load %arg11[%swap3A_1139] {strides = array<i32>} : memref<256xi32, #tpu.memory_space<vmem>>, vector<16xi32>,
        %swap3A_1141 = vector.shape_cast %swap3A_1140 : vector<16xi32> to vector<16xi32>
        %swap3A_1142 = vector.shape_cast %add3A_1138 : vector<16xi32> to vector<16xi32>
        tpu.vector_store %arg11[%swap3A_1139], %swap3A_1142 {strides = array<i32>} : memref<256xi32, #tpu.memory_space<vmem>>, vector<16xi32>,
        %mul3A_1143 = arith.constant 16 : i32
        %mul3A_1144 = vector.broadcast %mul3A_1143 : i32 to vector<16xi32>
        %mul3A_1145 = arith.muli %get3A_1012, %mul3A_1144 : vector<16xi32>
        %add3A_1146 = arith.constant 13 : i32
        %add3A_1147 = vector.broadcast %add3A_1146 : i32 to vector<16xi32>
        %add3A_1148 = arith.addi %mul3A_1145, %add3A_1147 : vector<16xi32>
        %swap3A_1149 = arith.constant 208 : index
        %swap3A_1150 = tpu.vector_load %arg11[%swap3A_1149] {strides = array<i32>} : memref<256xi32, #tpu.memory_space<vmem>>, vector<16xi32>,
        %swap3A_1151 = vector.shape_cast %swap3A_1150 : vector<16xi32> to vector<16xi32>
        %swap3A_1152 = vector.shape_cast %add3A_1148 : vector<16xi32> to vector<16xi32>
        tpu.vector_store %arg11[%swap3A_1149], %swap3A_1152 {strides = array<i32>} : memref<256xi32, #tpu.memory_space<vmem>>, vector<16xi32>,
        %mul3A_1153 = arith.constant 16 : i32
        %mul3A_1154 = vector.broadcast %mul3A_1153 : i32 to vector<16xi32>
        %mul3A_1155 = arith.muli %get3A_1012, %mul3A_1154 : vector<16xi32>
        %add3A_1156 = arith.constant 14 : i32
        %add3A_1157 = vector.broadcast %add3A_1156 : i32 to vector<16xi32>
        %add3A_1158 = arith.addi %mul3A_1155, %add3A_1157 : vector<16xi32>
        %swap3A_1159 = arith.constant 224 : index
        %swap3A_1160 = tpu.vector_load %arg11[%swap3A_1159] {strides = array<i32>} : memref<256xi32, #tpu.memory_space<vmem>>, vector<16xi32>,
        %swap3A_1161 = vector.shape_cast %swap3A_1160 : vector<16xi32> to vector<16xi32>
        %swap3A_1162 = vector.shape_cast %add3A_1158 : vector<16xi32> to vector<16xi32>
        tpu.vector_store %arg11[%swap3A_1159], %swap3A_1162 {strides = array<i32>} : memref<256xi32, #tpu.memory_space<vmem>>, vector<16xi32>,
        %mul3A_1163 = arith.constant 16 : i32
        %mul3A_1164 = vector.broadcast %mul3A_1163 : i32 to vector<16xi32>
        %mul3A_1165 = arith.muli %get3A_1012, %mul3A_1164 : vector<16xi32>
        %add3A_1166 = arith.constant 15 : i32
        %add3A_1167 = vector.broadcast %add3A_1166 : i32 to vector<16xi32>
        %add3A_1168 = arith.addi %mul3A_1165, %add3A_1167 : vector<16xi32>
        %swap3A_1169 = arith.constant 240 : index
        %swap3A_1170 = tpu.vector_load %arg11[%swap3A_1169] {strides = array<i32>} : memref<256xi32, #tpu.memory_space<vmem>>, vector<16xi32>,
        %swap3A_1171 = vector.shape_cast %swap3A_1170 : vector<16xi32> to vector<16xi32>
        %swap3A_1172 = vector.shape_cast %add3A_1168 : vector<16xi32> to vector<16xi32>
        tpu.vector_store %arg11[%swap3A_1169], %swap3A_1172 {strides = array<i32>} : memref<256xi32, #tpu.memory_space<vmem>>, vector<16xi32>,
        %dma_start3A_1173 = arith.constant 0 : i32
        %dma_start3A_1174 = tpu.memref_slice %arg13[%dma_start3A_1173] : memref<256xi32, #tpu.memory_space<vmem>> -> memref<128xi32, #tpu.memory_space<vmem>>
        %dma_start3A_1175 = arith.constant 0 : i32
        %dma_start3A_1176 = tpu.memref_slice %arg11[%dma_start3A_1175] : memref<256xi32, #tpu.memory_space<vmem>> -> memref<128xi32, #tpu.memory_space<vmem>>
        %dma_start3A_1177 = arith.constant 0 : i32
        %dma_start3A_1178 = tpu.memref_slice %arg3[%dma_start3A_1177] : memref<1600000xi32, #tpu.memory_space<hbm>> -> memref<1600000xi32, #tpu.memory_space<hbm>>
        tpu.enqueue_indirect_dma source(%dma_start3A_1178 : memref<1600000xi32, #tpu.memory_space<hbm>>) target(%dma_start3A_1174 : memref<128xi32, #tpu.memory_space<vmem>>) offsets(%dma_start3A_1176 : memref<128xi32, #tpu.memory_space<vmem>>) semaphore(%arg21 : memref<!tpu.dma_semaphore, #tpu.memory_space<semaphore_mem>>)
        %dma_start3A_1179 = arith.constant 128 : i32
        %dma_start3A_1180 = tpu.memref_slice %arg13[%dma_start3A_1179] : memref<256xi32, #tpu.memory_space<vmem>> -> memref<128xi32, #tpu.memory_space<vmem>>
        %dma_start3A_1181 = arith.constant 128 : i32
        %dma_start3A_1182 = tpu.memref_slice %arg11[%dma_start3A_1181] : memref<256xi32, #tpu.memory_space<vmem>> -> memref<128xi32, #tpu.memory_space<vmem>>
        %dma_start3A_1183 = arith.constant 0 : i32
        %dma_start3A_1184 = tpu.memref_slice %arg3[%dma_start3A_1183] : memref<1600000xi32, #tpu.memory_space<hbm>> -> memref<1600000xi32, #tpu.memory_space<hbm>>
        tpu.enqueue_indirect_dma source(%dma_start3A_1184 : memref<1600000xi32, #tpu.memory_space<hbm>>) target(%dma_start3A_1180 : memref<128xi32, #tpu.memory_space<vmem>>) offsets(%dma_start3A_1182 : memref<128xi32, #tpu.memory_space<vmem>>) semaphore(%arg21 : memref<!tpu.dma_semaphore, #tpu.memory_space<semaphore_mem>>)
        %add3A_1185 = arith.constant 2 : i32
        %add3A_1186 = arith.addi %mul3A_910, %add3A_1185 : i32
        %dma_wait3A_1187 = arith.constant 0 : i32
        %dma_wait3A_1188 = arith.constant 0 : i32
        %dma_wait3A_1189 = tpu.memref_slice %arg16[%dma_wait3A_1187, %dma_wait3A_1188] : memref<256x128xf32, #tpu.memory_space<vmem>> -> memref<32x128xf32, #tpu.memory_space<vmem>>
        %dma_wait3A_1190 = arith.constant 0 : i32
        %dma_wait3A_1191 = arith.constant 0 : i32
        %dma_wait3A_1192 = tpu.memref_slice %arg5[%dma_wait3A_1190, %dma_wait3A_1191] : memref<17408x128xf32, #tpu.memory_space<hbm>> -> memref<32x128xf32, #tpu.memory_space<hbm>>
        %dma_wait3A_1193 = arith.constant 0 : i32
        %dma_wait3A_1194 = arith.constant 0 : i32
        %dma_wait3A_1195 = tpu.memref_slice %arg5[%dma_wait3A_1193, %dma_wait3A_1194] : memref<17408x128xf32, #tpu.memory_space<hbm>> -> memref<32x128xf32, #tpu.memory_space<hbm>>
        %dma_wait3A_1196 = arith.constant 0 : i32
        %dma_wait3A_1197 = arith.constant 0 : i32
        %dma_wait3A_1198 = tpu.memref_slice %arg16[%dma_wait3A_1196, %dma_wait3A_1197] : memref<256x128xf32, #tpu.memory_space<vmem>> -> memref<32x128xf32, #tpu.memory_space<vmem>>
        tpu.wait_dma2 semaphore(%arg24 : memref<!tpu.dma_semaphore, #tpu.memory_space<semaphore_mem>>) src(%dma_wait3A_1198 : memref<32x128xf32, #tpu.memory_space<vmem>>) dst(%dma_wait3A_1195 : memref<32x128xf32, #tpu.memory_space<hbm>>)
        %dma_wait3A_1199 = arith.constant 0 : i32
        %dma_wait3A_1200 = tpu.memref_slice %arg3[%dma_wait3A_1199] : memref<1600000xi32, #tpu.memory_space<hbm>> -> memref<256xi32, #tpu.memory_space<hbm>>
        %dma_wait3A_1201 = arith.constant 0 : i32
        %dma_wait3A_1202 = tpu.memref_slice %arg3[%dma_wait3A_1201] : memref<1600000xi32, #tpu.memory_space<hbm>> -> memref<256xi32, #tpu.memory_space<hbm>>
        tpu.wait_dma2 semaphore(%arg20 : memref<!tpu.dma_semaphore, #tpu.memory_space<semaphore_mem>>) src(%dma_wait3A_1202 : memref<256xi32, #tpu.memory_space<hbm>>) dst(%arg12 : memref<256xi32, #tpu.memory_space<vmem>>)
        %sub3A_1203 = arith.constant 2 : i32
        %sub3A_1204 = arith.subi %add3A_1186, %sub3A_1203 : i32
        %mul3A_1205 = arith.constant 16 : i32
        %mul3A_1206 = arith.muli %sub3A_1204, %mul3A_1205 : i32
        %get3A_1207 = arith.index_cast %mul3A_1206 : i32 to index
        %get3A_1208 = tpu.vector_load %arg9[%get3A_1207] {strides = array<i32>} : memref<512xi32, #tpu.memory_space<vmem>>, vector<16xi32>,
        %get3A_1209 = vector.shape_cast %get3A_1208 : vector<16xi32> to vector<16xi32>
        %dma_start3A_1210 = arith.constant 0 : i32
        %dma_start3A_1211 = arith.constant 0 : i32
        %dma_start3A_1212 = tpu.memref_slice %arg4[%dma_start3A_1210, %dma_start3A_1211] : memref<100000x128xf32, #tpu.memory_space<hbm>> -> memref<100000x128xf32, #tpu.memory_space<hbm>>
        tpu.enqueue_indirect_dma source(%dma_start3A_1212 : memref<100000x128xf32, #tpu.memory_space<hbm>>) target(%arg14 : memref<16x128xf32, #tpu.memory_space<vmem>>) offsets(%get3A_1209 : vector<16xi32>) semaphore(%arg22 : memref<!tpu.dma_semaphore, #tpu.memory_space<semaphore_mem>>)
        %dma_start3A_1213 = arith.constant 0 : i32
        %dma_start3A_1214 = arith.constant 0 : i32
        %dma_start3A_1215 = tpu.memref_slice %arg16[%dma_start3A_1213, %dma_start3A_1214] : memref<256x128xf32, #tpu.memory_space<vmem>> -> memref<128x128xf32, #tpu.memory_space<vmem>>
        %dma_start3A_1216 = arith.constant 0 : i32
        %dma_start3A_1217 = tpu.memref_slice %arg12[%dma_start3A_1216] : memref<256xi32, #tpu.memory_space<vmem>> -> memref<128xi32, #tpu.memory_space<vmem>>
        %dma_start3A_1218 = arith.constant 0 : i32
        %dma_start3A_1219 = arith.constant 0 : i32
        %dma_start3A_1220 = tpu.memref_slice %arg4[%dma_start3A_1218, %dma_start3A_1219] : memref<100000x128xf32, #tpu.memory_space<hbm>> -> memref<100000x128xf32, #tpu.memory_space<hbm>>
        tpu.enqueue_indirect_dma source(%dma_start3A_1220 : memref<100000x128xf32, #tpu.memory_space<hbm>>) target(%dma_start3A_1215 : memref<128x128xf32, #tpu.memory_space<vmem>>) offsets(%dma_start3A_1217 : memref<128xi32, #tpu.memory_space<vmem>>) semaphore(%arg22 : memref<!tpu.dma_semaphore, #tpu.memory_space<semaphore_mem>>)
        %dma_start3A_1221 = arith.constant 128 : i32
        %dma_start3A_1222 = arith.constant 0 : i32
        %dma_start3A_1223 = tpu.memref_slice %arg16[%dma_start3A_1221, %dma_start3A_1222] : memref<256x128xf32, #tpu.memory_space<vmem>> -> memref<128x128xf32, #tpu.memory_space<vmem>>
        %dma_start3A_1224 = arith.constant 128 : i32
        %dma_start3A_1225 = tpu.memref_slice %arg12[%dma_start3A_1224] : memref<256xi32, #tpu.memory_space<vmem>> -> memref<128xi32, #tpu.memory_space<vmem>>
        %dma_start3A_1226 = arith.constant 0 : i32
        %dma_start3A_1227 = arith.constant 0 : i32
        %dma_start3A_1228 = tpu.memref_slice %arg4[%dma_start3A_1226, %dma_start3A_1227] : memref<100000x128xf32, #tpu.memory_space<hbm>> -> memref<100000x128xf32, #tpu.memory_space<hbm>>
        tpu.enqueue_indirect_dma source(%dma_start3A_1228 : memref<100000x128xf32, #tpu.memory_space<hbm>>) target(%dma_start3A_1223 : memref<128x128xf32, #tpu.memory_space<vmem>>) offsets(%dma_start3A_1225 : memref<128xi32, #tpu.memory_space<vmem>>) semaphore(%arg22 : memref<!tpu.dma_semaphore, #tpu.memory_space<semaphore_mem>>)
        %add3A_1229 = arith.constant 3 : i32
        %add3A_1230 = arith.addi %mul3A_910, %add3A_1229 : i32
        %dma_wait3A_1231 = arith.constant 0 : i32
        %dma_wait3A_1232 = arith.constant 0 : i32
        %dma_wait3A_1233 = tpu.memref_slice %arg17[%dma_wait3A_1231, %dma_wait3A_1232] : memref<256x128xf32, #tpu.memory_space<vmem>> -> memref<32x128xf32, #tpu.memory_space<vmem>>
        %dma_wait3A_1234 = arith.constant 0 : i32
        %dma_wait3A_1235 = arith.constant 0 : i32
        %dma_wait3A_1236 = tpu.memref_slice %arg5[%dma_wait3A_1234, %dma_wait3A_1235] : memref<17408x128xf32, #tpu.memory_space<hbm>> -> memref<32x128xf32, #tpu.memory_space<hbm>>
        %dma_wait3A_1237 = arith.constant 0 : i32
        %dma_wait3A_1238 = arith.constant 0 : i32
        %dma_wait3A_1239 = tpu.memref_slice %arg5[%dma_wait3A_1237, %dma_wait3A_1238] : memref<17408x128xf32, #tpu.memory_space<hbm>> -> memref<32x128xf32, #tpu.memory_space<hbm>>
        %dma_wait3A_1240 = arith.constant 0 : i32
        %dma_wait3A_1241 = arith.constant 0 : i32
        %dma_wait3A_1242 = tpu.memref_slice %arg17[%dma_wait3A_1240, %dma_wait3A_1241] : memref<256x128xf32, #tpu.memory_space<vmem>> -> memref<32x128xf32, #tpu.memory_space<vmem>>
        tpu.wait_dma2 semaphore(%arg25 : memref<!tpu.dma_semaphore, #tpu.memory_space<semaphore_mem>>) src(%dma_wait3A_1242 : memref<32x128xf32, #tpu.memory_space<vmem>>) dst(%dma_wait3A_1239 : memref<32x128xf32, #tpu.memory_space<hbm>>)
        %dma_wait3A_1243 = arith.constant 0 : i32
        %dma_wait3A_1244 = tpu.memref_slice %arg3[%dma_wait3A_1243] : memref<1600000xi32, #tpu.memory_space<hbm>> -> memref<256xi32, #tpu.memory_space<hbm>>
        %dma_wait3A_1245 = arith.constant 0 : i32
        %dma_wait3A_1246 = tpu.memref_slice %arg3[%dma_wait3A_1245] : memref<1600000xi32, #tpu.memory_space<hbm>> -> memref<256xi32, #tpu.memory_space<hbm>>
        tpu.wait_dma2 semaphore(%arg21 : memref<!tpu.dma_semaphore, #tpu.memory_space<semaphore_mem>>) src(%dma_wait3A_1246 : memref<256xi32, #tpu.memory_space<hbm>>) dst(%arg13 : memref<256xi32, #tpu.memory_space<vmem>>)
        %sub3A_1247 = arith.constant 2 : i32
        %sub3A_1248 = arith.subi %add3A_1230, %sub3A_1247 : i32
        %mul3A_1249 = arith.constant 16 : i32
        %mul3A_1250 = arith.muli %sub3A_1248, %mul3A_1249 : i32
        %get3A_1251 = arith.index_cast %mul3A_1250 : i32 to index
        %get3A_1252 = tpu.vector_load %arg9[%get3A_1251] {strides = array<i32>} : memref<512xi32, #tpu.memory_space<vmem>>, vector<16xi32>,
        %get3A_1253 = vector.shape_cast %get3A_1252 : vector<16xi32> to vector<16xi32>
        %dma_start3A_1254 = arith.constant 0 : i32
        %dma_start3A_1255 = arith.constant 0 : i32
        %dma_start3A_1256 = tpu.memref_slice %arg4[%dma_start3A_1254, %dma_start3A_1255] : memref<100000x128xf32, #tpu.memory_space<hbm>> -> memref<100000x128xf32, #tpu.memory_space<hbm>>
        tpu.enqueue_indirect_dma source(%dma_start3A_1256 : memref<100000x128xf32, #tpu.memory_space<hbm>>) target(%arg15 : memref<16x128xf32, #tpu.memory_space<vmem>>) offsets(%get3A_1253 : vector<16xi32>) semaphore(%arg23 : memref<!tpu.dma_semaphore, #tpu.memory_space<semaphore_mem>>)
        %dma_start3A_1257 = arith.constant 0 : i32
        %dma_start3A_1258 = arith.constant 0 : i32
        %dma_start3A_1259 = tpu.memref_slice %arg17[%dma_start3A_1257, %dma_start3A_1258] : memref<256x128xf32, #tpu.memory_space<vmem>> -> memref<128x128xf32, #tpu.memory_space<vmem>>
        %dma_start3A_1260 = arith.constant 0 : i32
        %dma_start3A_1261 = tpu.memref_slice %arg13[%dma_start3A_1260] : memref<256xi32, #tpu.memory_space<vmem>> -> memref<128xi32, #tpu.memory_space<vmem>>
        %dma_start3A_1262 = arith.constant 0 : i32
        %dma_start3A_1263 = arith.constant 0 : i32
        %dma_start3A_1264 = tpu.memref_slice %arg4[%dma_start3A_1262, %dma_start3A_1263] : memref<100000x128xf32, #tpu.memory_space<hbm>> -> memref<100000x128xf32, #tpu.memory_space<hbm>>
        tpu.enqueue_indirect_dma source(%dma_start3A_1264 : memref<100000x128xf32, #tpu.memory_space<hbm>>) target(%dma_start3A_1259 : memref<128x128xf32, #tpu.memory_space<vmem>>) offsets(%dma_start3A_1261 : memref<128xi32, #tpu.memory_space<vmem>>) semaphore(%arg23 : memref<!tpu.dma_semaphore, #tpu.memory_space<semaphore_mem>>)
        %dma_start3A_1265 = arith.constant 128 : i32
        %dma_start3A_1266 = arith.constant 0 : i32
        %dma_start3A_1267 = tpu.memref_slice %arg17[%dma_start3A_1265, %dma_start3A_1266] : memref<256x128xf32, #tpu.memory_space<vmem>> -> memref<128x128xf32, #tpu.memory_space<vmem>>
        %dma_start3A_1268 = arith.constant 128 : i32
        %dma_start3A_1269 = tpu.memref_slice %arg13[%dma_start3A_1268] : memref<256xi32, #tpu.memory_space<vmem>> -> memref<128xi32, #tpu.memory_space<vmem>>
        %dma_start3A_1270 = arith.constant 0 : i32
        %dma_start3A_1271 = arith.constant 0 : i32
        %dma_start3A_1272 = tpu.memref_slice %arg4[%dma_start3A_1270, %dma_start3A_1271] : memref<100000x128xf32, #tpu.memory_space<hbm>> -> memref<100000x128xf32, #tpu.memory_space<hbm>>
        tpu.enqueue_indirect_dma source(%dma_start3A_1272 : memref<100000x128xf32, #tpu.memory_space<hbm>>) target(%dma_start3A_1267 : memref<128x128xf32, #tpu.memory_space<vmem>>) offsets(%dma_start3A_1269 : memref<128xi32, #tpu.memory_space<vmem>>) semaphore(%arg23 : memref<!tpu.dma_semaphore, #tpu.memory_space<semaphore_mem>>)
      } else {
      }
    }
    %scan3A_883 = arith.constant 17 : i32
    %dma_wait3A_884 = arith.constant 0 : i32
    %dma_wait3A_885 = arith.constant 0 : i32
    %dma_wait3A_886 = tpu.memref_slice %arg16[%dma_wait3A_884, %dma_wait3A_885] : memref<256x128xf32, #tpu.memory_space<vmem>> -> memref<32x128xf32, #tpu.memory_space<vmem>>
    %dma_wait3A_887 = arith.constant 0 : i32
    %dma_wait3A_888 = arith.constant 0 : i32
    %dma_wait3A_889 = tpu.memref_slice %arg5[%dma_wait3A_887, %dma_wait3A_888] : memref<17408x128xf32, #tpu.memory_space<hbm>> -> memref<32x128xf32, #tpu.memory_space<hbm>>
    %dma_wait3A_890 = arith.constant 0 : i32
    %dma_wait3A_891 = arith.constant 0 : i32
    %dma_wait3A_892 = tpu.memref_slice %arg5[%dma_wait3A_890, %dma_wait3A_891] : memref<17408x128xf32, #tpu.memory_space<hbm>> -> memref<32x128xf32, #tpu.memory_space<hbm>>
    %dma_wait3A_893 = arith.constant 0 : i32
    %dma_wait3A_894 = arith.constant 0 : i32
    %dma_wait3A_895 = tpu.memref_slice %arg16[%dma_wait3A_893, %dma_wait3A_894] : memref<256x128xf32, #tpu.memory_space<vmem>> -> memref<32x128xf32, #tpu.memory_space<vmem>>
    tpu.wait_dma2 semaphore(%arg24 : memref<!tpu.dma_semaphore, #tpu.memory_space<semaphore_mem>>) src(%dma_wait3A_895 : memref<32x128xf32, #tpu.memory_space<vmem>>) dst(%dma_wait3A_892 : memref<32x128xf32, #tpu.memory_space<hbm>>)
    %dma_wait3A_896 = arith.constant 0 : i32
    %dma_wait3A_897 = arith.constant 0 : i32
    %dma_wait3A_898 = tpu.memref_slice %arg17[%dma_wait3A_896, %dma_wait3A_897] : memref<256x128xf32, #tpu.memory_space<vmem>> -> memref<32x128xf32, #tpu.memory_space<vmem>>
    %dma_wait3A_899 = arith.constant 0 : i32
    %dma_wait3A_900 = arith.constant 0 : i32
    %dma_wait3A_901 = tpu.memref_slice %arg5[%dma_wait3A_899, %dma_wait3A_900] : memref<17408x128xf32, #tpu.memory_space<hbm>> -> memref<32x128xf32, #tpu.memory_space<hbm>>
    %dma_wait3A_902 = arith.constant 0 : i32
    %dma_wait3A_903 = arith.constant 0 : i32
    %dma_wait3A_904 = tpu.memref_slice %arg5[%dma_wait3A_902, %dma_wait3A_903] : memref<17408x128xf32, #tpu.memory_space<hbm>> -> memref<32x128xf32, #tpu.memory_space<hbm>>
    %dma_wait3A_905 = arith.constant 0 : i32
    %dma_wait3A_906 = arith.constant 0 : i32
    %dma_wait3A_907 = tpu.memref_slice %arg17[%dma_wait3A_905, %dma_wait3A_906] : memref<256x128xf32, #tpu.memory_space<vmem>> -> memref<32x128xf32, #tpu.memory_space<vmem>>
    tpu.wait_dma2 semaphore(%arg25 : memref<!tpu.dma_semaphore, #tpu.memory_space<semaphore_mem>>) src(%dma_wait3A_907 : memref<32x128xf32, #tpu.memory_space<vmem>>) dst(%dma_wait3A_904 : memref<32x128xf32, #tpu.memory_space<hbm>>)
    return
  }
}

module attributes {stable_mosaic.version = 14 : i64} {
  func.func @_tc_body(%arg0: i32, %arg1: memref<1024x128xf32, #tpu.memory_space<vmem>>, %arg2: memref<1024x128xf32, #tpu.memory_space<vmem>>, %arg3: memref<128x256xf32, #tpu.memory_space<vmem>>, %arg4: memref<128x256xf32, #tpu.memory_space<vmem>>, %arg5: memref<1x256xf32, #tpu.memory_space<vmem>>, %arg6: memref<256x128xf32, #tpu.memory_space<vmem>>, %arg7: memref<256x128xf32, #tpu.memory_space<vmem>>, %arg8: memref<1x128xf32, #tpu.memory_space<vmem>>, %arg9: memref<128x47xf32, #tpu.memory_space<vmem>>, %arg10: memref<1x47xf32, #tpu.memory_space<vmem>>, %arg11: memref<1024x47xf32, #tpu.memory_space<vmem>>, %arg12: memref<1024x256xf32, #tpu.memory_space<vmem>>, %arg13: memref<1024x256xf32, #tpu.memory_space<vmem>>) attributes {dimension_semantics = [#tpu.dimension_semantics<arbitrary>], iteration_bounds = array<i64: 18>, scalar_prefetch = 0 : i64, scratch_operands = 2 : i64, tpu.core_type = #tpu.core_type<tc>, window_params = [{transform_indices = @transform_0, window_bounds = array<i64: 1024, 128>}, {transform_indices = @transform_1, window_bounds = array<i64: 1024, 128>}, {pipeline_mode = #tpu.pipeline_mode<synchronous>, transform_indices = @transform_2, window_bounds = array<i64: 128, 256>}, {pipeline_mode = #tpu.pipeline_mode<synchronous>, transform_indices = @transform_3, window_bounds = array<i64: 128, 256>}, {pipeline_mode = #tpu.pipeline_mode<synchronous>, transform_indices = @transform_4, window_bounds = array<i64: 1, 256>}, {pipeline_mode = #tpu.pipeline_mode<synchronous>, transform_indices = @transform_5, window_bounds = array<i64: 256, 128>}, {pipeline_mode = #tpu.pipeline_mode<synchronous>, transform_indices = @transform_6, window_bounds = array<i64: 256, 128>}, {pipeline_mode = #tpu.pipeline_mode<synchronous>, transform_indices = @transform_7, window_bounds = array<i64: 1, 128>}, {pipeline_mode = #tpu.pipeline_mode<synchronous>, transform_indices = @transform_8, window_bounds = array<i64: 128, 47>}, {pipeline_mode = #tpu.pipeline_mode<synchronous>, transform_indices = @transform_9, window_bounds = array<i64: 1, 47>}, {pipeline_mode = #tpu.pipeline_mode<synchronous>, transform_indices = @transform_10, window_bounds = array<i64: 1024, 47>}]} {
    %lt3A = arith.constant 17 : i32
    %lt3A_0 = arith.cmpi slt, %arg0, %lt3A : i32
    %convert_element_type3A = arith.extui %lt3A_0 : i1 to i32
    %cond3A = arith.constant 0 : i32
    %cond3A_1 = arith.cmpi ne, %convert_element_type3A, %cond3A : i32
    scf.if %cond3A_1 {
      %get3A = arith.constant 0 : index
      %get3A_6 = arith.constant 0 : index
      %get3A_7 = vector.load %arg1[%get3A, %get3A_6] : memref<1024x128xf32, #tpu.memory_space<vmem>>, vector<1024x128xf32>
      %convert_element_type3A_8 = arith.truncf %get3A_7 : vector<1024x128xf32> to vector<1024x128xbf16>
      %get3A_9 = arith.constant 0 : index
      %get3A_10 = arith.constant 0 : index
      %get3A_11 = vector.load %arg3[%get3A_9, %get3A_10] : memref<128x256xf32, #tpu.memory_space<vmem>>, vector<128x256xf32>
      %convert_element_type3A_12 = arith.truncf %get3A_11 : vector<128x256xf32> to vector<128x256xbf16>
      %dot_general3A = arith.constant dense<0.000000e+00> : vector<1024x256xf32>
      %dot_general3A_13 = tpu.matmul %convert_element_type3A_8, %convert_element_type3A_12, %dot_general3A {dimension_numbers = #tpu.dot_dimension_numbers<[1], [0], [0], [1], [0, 0, 1, 1], [], []>, transpose_lhs_hint = false} : vector<1024x128xbf16>, vector<128x256xbf16>, vector<1024x256xf32> -> vector<1024x256xf32>
      %get3A_14 = arith.constant 0 : index
      %get3A_15 = arith.constant 0 : index
      %get3A_16 = vector.load %arg2[%get3A_14, %get3A_15] : memref<1024x128xf32, #tpu.memory_space<vmem>>, vector<1024x128xf32>
      %convert_element_type3A_17 = arith.truncf %get3A_16 : vector<1024x128xf32> to vector<1024x128xbf16>
      %get3A_18 = arith.constant 0 : index
      %get3A_19 = arith.constant 0 : index
      %get3A_20 = vector.load %arg4[%get3A_18, %get3A_19] : memref<128x256xf32, #tpu.memory_space<vmem>>, vector<128x256xf32>
      %convert_element_type3A_21 = arith.truncf %get3A_20 : vector<128x256xf32> to vector<128x256xbf16>
      %dot_general3A_22 = arith.constant dense<0.000000e+00> : vector<1024x256xf32>
      %dot_general3A_23 = tpu.matmul %convert_element_type3A_17, %convert_element_type3A_21, %dot_general3A_22 {dimension_numbers = #tpu.dot_dimension_numbers<[1], [0], [0], [1], [0, 0, 1, 1], [], []>, transpose_lhs_hint = false} : vector<1024x128xbf16>, vector<128x256xbf16>, vector<1024x256xf32> -> vector<1024x256xf32>
      %add3A = arith.addf %dot_general3A_13, %dot_general3A_23 : vector<1024x256xf32>
      %get3A_24 = arith.constant 0 : index
      %get3A_25 = arith.constant 0 : index
      %get3A_26 = vector.load %arg5[%get3A_24, %get3A_25] : memref<1x256xf32, #tpu.memory_space<vmem>>, vector<1x256xf32>
      %add3A_27 = vector.broadcast %get3A_26 : vector<1x256xf32> to vector<1024x256xf32>
      %add3A_28 = arith.addf %add3A, %add3A_27 : vector<1024x256xf32>
      %max3A = arith.constant 0.000000e+00 : f32
      %max3A_29 = vector.broadcast %max3A : f32 to vector<1024x256xf32>
      %max3A_30 = arith.maximumf %add3A_28, %max3A_29 : vector<1024x256xf32>
      %eq3A_31 = arith.constant 0 : i32
      %eq3A_32 = arith.cmpi eq, %arg0, %eq3A_31 : i32
      %convert_element_type3A_33 = arith.extui %eq3A_32 : i1 to i32
      %cond3A_34 = arith.constant 0 : i32
      %cond3A_35 = arith.cmpi ne, %convert_element_type3A_33, %cond3A_34 : i32
      scf.if %cond3A_35 {
        %swap3A = arith.constant 0 : index
        %swap3A_40 = arith.constant 0 : index
        %swap3A_41 = vector.load %arg12[%swap3A, %swap3A_40] : memref<1024x256xf32, #tpu.memory_space<vmem>>, vector<1024x256xf32>
        tpu.vector_store %arg12[%swap3A, %swap3A_40], %max3A_30 {strides = array<i32>} : memref<1024x256xf32, #tpu.memory_space<vmem>>, vector<1024x256xf32>,
      } else {
      }
      %gt3A = arith.constant 0 : i32
      %gt3A_36 = arith.cmpi sgt, %arg0, %gt3A : i32
      %convert_element_type3A_37 = arith.extui %gt3A_36 : i1 to i32
      %cond3A_38 = arith.constant 0 : i32
      %cond3A_39 = arith.cmpi ne, %convert_element_type3A_37, %cond3A_38 : i32
      scf.if %cond3A_39 {
        %reshape3A = vector.shape_cast %max3A_30 : vector<1024x256xf32> to vector<64x16x256xf32>
        %reduce_sum3A = arith.constant dense<0.000000e+00> : vector<64x256xf32>
        %reduce_sum3A_40 = vector.multi_reduction <add>, %reshape3A, %reduce_sum3A [1] : vector<64x16x256xf32> to vector<64x256xf32>
        %div3A = arith.constant 1.600000e+01 : f32
        %div3A_41 = vector.broadcast %div3A : f32 to vector<64x256xf32>
        %div3A_42 = arith.divf %reduce_sum3A_40, %div3A_41 : vector<64x256xf32>
        %sub3A = arith.constant 1 : i32
        %sub3A_43 = arith.subi %arg0, %sub3A : i32
        %mul3A = arith.constant 64 : i32
        %mul3A_44 = arith.muli %sub3A_43, %mul3A : i32
        %swap3A = arith.index_cast %mul3A_44 : i32 to index
        %swap3A_45 = arith.constant 0 : index
        %swap3A_46 = vector.load %arg13[%swap3A, %swap3A_45] : memref<1024x256xf32, #tpu.memory_space<vmem>>, vector<64x256xf32>
        tpu.vector_store %arg13[%swap3A, %swap3A_45], %div3A_42 {strides = array<i32>} : memref<1024x256xf32, #tpu.memory_space<vmem>>, vector<64x256xf32>,
      } else {
      }
    } else {
    }
    %eq3A = arith.constant 17 : i32
    %eq3A_2 = arith.cmpi eq, %arg0, %eq3A : i32
    %convert_element_type3A_3 = arith.extui %eq3A_2 : i1 to i32
    %cond3A_4 = arith.constant 0 : i32
    %cond3A_5 = arith.cmpi ne, %convert_element_type3A_3, %cond3A_4 : i32
    scf.if %cond3A_5 {
      %get3A = arith.constant 0 : index
      %get3A_6 = arith.constant 0 : index
      %get3A_7 = vector.load %arg12[%get3A, %get3A_6] : memref<1024x256xf32, #tpu.memory_space<vmem>>, vector<1024x256xf32>
      %convert_element_type3A_8 = arith.truncf %get3A_7 : vector<1024x256xf32> to vector<1024x256xbf16>
      %get3A_9 = arith.constant 0 : index
      %get3A_10 = arith.constant 0 : index
      %get3A_11 = vector.load %arg6[%get3A_9, %get3A_10] : memref<256x128xf32, #tpu.memory_space<vmem>>, vector<256x128xf32>
      %convert_element_type3A_12 = arith.truncf %get3A_11 : vector<256x128xf32> to vector<256x128xbf16>
      %dot_general3A = arith.constant dense<0.000000e+00> : vector<1024x128xf32>
      %dot_general3A_13 = tpu.matmul %convert_element_type3A_8, %convert_element_type3A_12, %dot_general3A {dimension_numbers = #tpu.dot_dimension_numbers<[1], [0], [0], [1], [0, 0, 1, 1], [], []>, transpose_lhs_hint = false} : vector<1024x256xbf16>, vector<256x128xbf16>, vector<1024x128xf32> -> vector<1024x128xf32>
      %get3A_14 = arith.constant 0 : index
      %get3A_15 = arith.constant 0 : index
      %get3A_16 = vector.load %arg13[%get3A_14, %get3A_15] : memref<1024x256xf32, #tpu.memory_space<vmem>>, vector<1024x256xf32>
      %convert_element_type3A_17 = arith.truncf %get3A_16 : vector<1024x256xf32> to vector<1024x256xbf16>
      %get3A_18 = arith.constant 0 : index
      %get3A_19 = arith.constant 0 : index
      %get3A_20 = vector.load %arg7[%get3A_18, %get3A_19] : memref<256x128xf32, #tpu.memory_space<vmem>>, vector<256x128xf32>
      %convert_element_type3A_21 = arith.truncf %get3A_20 : vector<256x128xf32> to vector<256x128xbf16>
      %dot_general3A_22 = arith.constant dense<0.000000e+00> : vector<1024x128xf32>
      %dot_general3A_23 = tpu.matmul %convert_element_type3A_17, %convert_element_type3A_21, %dot_general3A_22 {dimension_numbers = #tpu.dot_dimension_numbers<[1], [0], [0], [1], [0, 0, 1, 1], [], []>, transpose_lhs_hint = false} : vector<1024x256xbf16>, vector<256x128xbf16>, vector<1024x128xf32> -> vector<1024x128xf32>
      %add3A = arith.addf %dot_general3A_13, %dot_general3A_23 : vector<1024x128xf32>
      %get3A_24 = arith.constant 0 : index
      %get3A_25 = arith.constant 0 : index
      %get3A_26 = vector.load %arg8[%get3A_24, %get3A_25] : memref<1x128xf32, #tpu.memory_space<vmem>>, vector<1x128xf32>
      %add3A_27 = vector.broadcast %get3A_26 : vector<1x128xf32> to vector<1024x128xf32>
      %add3A_28 = arith.addf %add3A, %add3A_27 : vector<1024x128xf32>
      %max3A = arith.constant 0.000000e+00 : f32
      %max3A_29 = vector.broadcast %max3A : f32 to vector<1024x128xf32>
      %max3A_30 = arith.maximumf %add3A_28, %max3A_29 : vector<1024x128xf32>
      %convert_element_type3A_31 = arith.truncf %max3A_30 : vector<1024x128xf32> to vector<1024x128xbf16>
      %get3A_32 = arith.constant 0 : index
      %get3A_33 = arith.constant 0 : index
      %get3A_34 = vector.load %arg9[%get3A_32, %get3A_33] : memref<128x47xf32, #tpu.memory_space<vmem>>, vector<128x47xf32>
      %convert_element_type3A_35 = arith.truncf %get3A_34 : vector<128x47xf32> to vector<128x47xbf16>
      %dot_general3A_36 = arith.constant dense<0.000000e+00> : vector<1024x47xf32>
      %dot_general3A_37 = tpu.matmul %convert_element_type3A_31, %convert_element_type3A_35, %dot_general3A_36 {dimension_numbers = #tpu.dot_dimension_numbers<[1], [0], [0], [1], [0, 0, 1, 1], [], []>, transpose_lhs_hint = false} : vector<1024x128xbf16>, vector<128x47xbf16>, vector<1024x47xf32> -> vector<1024x47xf32>
      %get3A_38 = arith.constant 0 : index
      %get3A_39 = arith.constant 0 : index
      %get3A_40 = vector.load %arg10[%get3A_38, %get3A_39] : memref<1x47xf32, #tpu.memory_space<vmem>>, vector<1x47xf32>
      %add3A_41 = vector.broadcast %get3A_40 : vector<1x47xf32> to vector<1024x47xf32>
      %add3A_42 = arith.addf %dot_general3A_37, %add3A_41 : vector<1024x47xf32>
      %reduce_max3A = arith.constant dense<0xFF800000> : vector<1024xf32>
      %reduce_max3A_43 = vector.multi_reduction <maximumf>, %add3A_42, %reduce_max3A [1] : vector<1024x47xf32> to vector<1024xf32>
      %broadcast_in_dim3A = vector.shape_cast %reduce_max3A_43 : vector<1024xf32> to vector<1024x1xf32>
      %sub3A = vector.broadcast %broadcast_in_dim3A : vector<1024x1xf32> to vector<1024x47xf32>
      %sub3A_44 = arith.subf %add3A_42, %sub3A : vector<1024x47xf32>
      %exp3A = math.exp %sub3A_44 : vector<1024x47xf32>
      %sub3A_45 = vector.broadcast %broadcast_in_dim3A : vector<1024x1xf32> to vector<1024x47xf32>
      %sub3A_46 = arith.subf %add3A_42, %sub3A_45 : vector<1024x47xf32>
      %reduce_sum3A = arith.constant dense<0.000000e+00> : vector<1024xf32>
      %reduce_sum3A_47 = vector.multi_reduction <add>, %exp3A, %reduce_sum3A [1] : vector<1024x47xf32> to vector<1024xf32>
      %broadcast_in_dim3A_48 = vector.shape_cast %reduce_sum3A_47 : vector<1024xf32> to vector<1024x1xf32>
      %log3A = math.log %broadcast_in_dim3A_48 : vector<1024x1xf32>
      %sub3A_49 = vector.broadcast %log3A : vector<1024x1xf32> to vector<1024x47xf32>
      %sub3A_50 = arith.subf %sub3A_46, %sub3A_49 : vector<1024x47xf32>
      %swap3A = arith.constant 0 : index
      %swap3A_51 = arith.constant 0 : index
      %swap3A_52 = vector.load %arg11[%swap3A, %swap3A_51] : memref<1024x47xf32, #tpu.memory_space<vmem>>, vector<1024x47xf32>
      tpu.vector_store %arg11[%swap3A, %swap3A_51], %sub3A_50 {strides = array<i32>} : memref<1024x47xf32, #tpu.memory_space<vmem>>, vector<1024x47xf32>,
    } else {
    }
    return
  }
  func.func @transform_0(%arg0: i32) -> (i32, i32) {
    %min3A = arith.constant 16 : i32
    %min3A_0 = arith.minsi %arg0, %min3A : i32
    %c0_i32 = arith.constant 0 : i32
    %c0_i32_1 = arith.constant 0 : i32
    return %min3A_0, %c0_i32 : i32, i32
  }
  func.func @transform_1(%arg0: i32) -> (i32, i32) {
    %min3A = arith.constant 16 : i32
    %min3A_0 = arith.minsi %arg0, %min3A : i32
    %c0_i32 = arith.constant 0 : i32
    %c0_i32_1 = arith.constant 0 : i32
    return %min3A_0, %c0_i32 : i32, i32
  }
  func.func @transform_2(%arg0: i32) -> (i32, i32) {
    %c0_i32 = arith.constant 0 : i32
    %c0_i32_0 = arith.constant 0 : i32
    %c0_i32_1 = arith.constant 0 : i32
    return %c0_i32, %c0_i32_0 : i32, i32
  }
  func.func @transform_3(%arg0: i32) -> (i32, i32) {
    %c0_i32 = arith.constant 0 : i32
    %c0_i32_0 = arith.constant 0 : i32
    %c0_i32_1 = arith.constant 0 : i32
    return %c0_i32, %c0_i32_0 : i32, i32
  }
  func.func @transform_4(%arg0: i32) -> (i32, i32) {
    %c0_i32 = arith.constant 0 : i32
    %c0_i32_0 = arith.constant 0 : i32
    %c0_i32_1 = arith.constant 0 : i32
    return %c0_i32, %c0_i32_0 : i32, i32
  }
  func.func @transform_5(%arg0: i32) -> (i32, i32) {
    %c0_i32 = arith.constant 0 : i32
    %c0_i32_0 = arith.constant 0 : i32
    %c0_i32_1 = arith.constant 0 : i32
    return %c0_i32, %c0_i32_0 : i32, i32
  }
  func.func @transform_6(%arg0: i32) -> (i32, i32) {
    %c0_i32 = arith.constant 0 : i32
    %c0_i32_0 = arith.constant 0 : i32
    %c0_i32_1 = arith.constant 0 : i32
    return %c0_i32, %c0_i32_0 : i32, i32
  }
  func.func @transform_7(%arg0: i32) -> (i32, i32) {
    %c0_i32 = arith.constant 0 : i32
    %c0_i32_0 = arith.constant 0 : i32
    %c0_i32_1 = arith.constant 0 : i32
    return %c0_i32, %c0_i32_0 : i32, i32
  }
  func.func @transform_8(%arg0: i32) -> (i32, i32) {
    %c0_i32 = arith.constant 0 : i32
    %c0_i32_0 = arith.constant 0 : i32
    %c0_i32_1 = arith.constant 0 : i32
    return %c0_i32, %c0_i32_0 : i32, i32
  }
  func.func @transform_9(%arg0: i32) -> (i32, i32) {
    %c0_i32 = arith.constant 0 : i32
    %c0_i32_0 = arith.constant 0 : i32
    %c0_i32_1 = arith.constant 0 : i32
    return %c0_i32, %c0_i32_0 : i32, i32
  }
  func.func @transform_10(%arg0: i32) -> (i32, i32) {
    %c0_i32 = arith.constant 0 : i32
    %c0_i32_0 = arith.constant 0 : i32
    %c0_i32_1 = arith.constant 0 : i32
    return %c0_i32, %c0_i32_0 : i32, i32
  }
}

</mosaic_0001>

<sc_bundles>
// kernel: kernel.4.cloned.1.call-start
scs
__scs_entry_jumppad:
0x0: {  	(pc) =	sbr.rel $0x88, $3  }
0x1: {  	(tag) =	ssettag $0x0;
	lr =	simm.s32 $0x1  }
0x2: {  	[smem:$0x3F98] =	sst lr;
	_ =	strace $0xD0000000  }
0x3: {  	_ = 	snop  }
0x4: {  	_ = 	snop  }
0x5: {  	_ = 	snop  }
0x6: {  	_ = 	snop  }
0x7: {  	_ = 	snop  }
__scs_overlays_trampoline_lowered:
0x8: {  	[smem:$0x3FA7] =	sst s0  }
0x9: {  	[smem:$0x3FA8] =	sst s1  }
0xa: {  	[smem:$0x3FA9] =	sst s2  }
0xb: {  	[smem:$0x3FAA] =	sst s3  }
0xc: {  	[smem:$0x3FAB] =	sst s4  }
0xd: {  	[smem:$0x3FAC] =	sst s5  }
0xe: {  	[smem:$0x3FAD] =	sst s6  }
0xf: {  	[smem:$0x3FAE] =	sst s7  }
0x10: {  	[smem:$0x3FAF] =	sst s8  }
0x11: {  	[smem:$0x3FB0] =	sst s9;
	s0 =	simm.s32 @!p0 $0x0  }
0x12: {  	s1 =	sld [smem:$0x3F96];
	s0 =	simm.s32 @p0 $0x1  }
0x13: {  	[smem:$0x3FB1] =	sst s0;
	s0 =	simm.s32 @!p1 $0x0  }
0x14: {  	s2 =	sld [smem:$0x3F95];
	s0 =	simm.s32 @p1 $0x1  }
0x15: {  	[smem:$0x3FB2] =	sst s0;
	s0 =	simm.s32 @!p2 $0x0  }
0x16: {  	s3 =	sld [smem:$0x3FDB];
	s0 =	simm.s32 @p2 $0x1  }
0x17: {  	s4 =	simm.s32 $0x1BF5;
	[smem:$0x3FB4] =	sst s0  }
0x18: {  	s0 =	sld [smem:$0x3F97];
	_ =	swait.ge [sflag:s4], $0x0  }
0x19: {  	s7 =	sld [smem:$0x3F98]  }
0x1a: {  	s8 =	sadd.s32 $0xFFFFE003, lr  }
0x1b: {  	s9 =	sadd.s32 $0xFFFFFEF7, lr;
	s5 =	simm.s32 $0xFFFFFFFF;
	p2 =	slt.u32 s8, $0xFFFFF086  }
0x1c: {  	p1 =	slt.u32 s9, $0xF7A;
	s5 =	simm.s32 @!p2 $0x0  }
0x1d: {  	s5 =	simm.s32 @p1 $0x1;
	p0 =	seq.s32 s7, s2  }
0x1e: {  	s7 =	smul.u32 @!p0 $0xF7A, s2;
	p2 =	seq.s32 @!p0 s5, $0x0  }
0x1f: {  	s9 =	smul.u32 $0xF7A, s1;
	s8 =	simm.s32 @!p0 $0x1BF5;
	p2 =	por !p2, p0  }
0x20: {  	[sflag:s8] =	ssyncset.s32 @!p0 $0xFFFFF086;
	s6 =	sadd.s32 @!p0 s3, s7;
	s7 =	simm.s32 @!p0 $0x108  }
0x21: {  	s3 =	sadd.s32 s3, s9;
	s6 =	sadd.s32 @!p0 $0x88, s6;
	s7 =	simm.s32 @p2 $0x1082  }
0x22: {  	[simem:s7], [sflag:s8] =	dma.local @!p0 [hbm:s6], $0xF7A  }
0x23: {  	s9 =	sor.u32 $0xD0000000, s2;
	s6 =	simm.s32 $0x108;
	_ =	swait.ge @!p0 [sflag:s8], $0x0  }
0x24: {  	s3 =	sadd.s32 $0x88, s3;
	s6 =	simm.s32 @!p1 $0x1082;
	[sflag:s4] =	ssyncset.s32 $0xFFFFF086  }
0x25: {  	[simem:s6], [sflag:s4] =	dma.local [hbm:s3], $0xF7A  }
0x26: {  	[smem:$0x3F98] =	sst s1;
	(tag) =	ssettag s2;
	_ =	strace s9  }
0x27: {  	s1 =	sld [smem:$0x3FA8]  }
0x28: {  	s2 =	sld [smem:$0x3FA9]  }
0x29: {  	s4 =	sld [smem:$0x3FAB]  }
0x2a: {  	p0 =	seq.s32 s5, $0x0;
	s5 =	sld [smem:$0x3FAC]  }
0x2b: {  	s6 =	sld [smem:$0x3FAD]  }
0x2c: {  	s7 =	sld [smem:$0x3FAE]  }
0x2d: {  	s3 =	simm.s32 $0x108;
	s8 =	sld [smem:$0x3FAF]  }
0x2e: {  	s3 =	simm.s32 @!p0 $0x1082;
	s9 =	sld [smem:$0x3FB0]  }
0x2f: {  	lr =	sadd.s32 s0, s3;
	s0 =	sld [smem:$0x3FA7]  }
0x30: {  	s3 =	sld [smem:$0x3FAA]  }
0x31: {  	[smem:$0x3FB3] =	sst s10  }
0x32: {  	s10 =	sld [smem:$0x3FB1];
	_ =	sdelay $0x3  }
0x33: {  	p0 =	seq.s32 s10, $0x1;
	s10 =	sld [smem:$0x3FB3];
	_ =	sdelay $0x3  }
0x34: {  	[smem:$0x3FB3] =	sst s10  }
0x35: {  	s10 =	sld [smem:$0x3FB2];
	_ =	sdelay $0x3  }
0x36: {  	p1 =	seq.s32 s10, $0x1;
	s10 =	sld [smem:$0x3FB3];
	_ =	sdelay $0x3  }
0x37: {  	[smem:$0x3FB3] =	sst s10  }
0x38: {  	s10 =	sld [smem:$0x3FB4]  }
0x39: {  	_ = 	snop;
	(pc) =	sbr.ind lr, $3  }
0x3a: {  	_ = 	snop  }
0x3b: {  	_ = 	snop  }
0x3c: {  	p2 =	seq.s32 s10, $0x1;
	s10 =	sld [smem:$0x3FB3]  }
0x3d: {  	_ =	shalt  }
0x3e: {  	_ =	shalt  }
0x3f: {  	_ =	shalt  }
0x40: {  	_ =	shalt  }
0x41: {  	_ =	shalt  }
0x42: {  	_ =	shalt  }
0x43: {  	_ =	shalt  }
0x44: {  	_ =	shalt  }
0x45: {  	_ =	shalt  }
0x46: {  	_ =	shalt  }
0x47: {  	_ =	shalt  }
0x48: {  	_ =	shalt  }
0x49: {  	_ =	shalt  }
0x4a: {  	_ =	shalt  }
0x4b: {  	_ =	shalt  }
0x4c: {  	_ =	shalt  }
0x4d: {  	_ =	shalt  }
0x4e: {  	_ =	shalt  }
0x4f: {  	_ =	shalt  }
0x50: {  	_ =	shalt  }
0x51: {  	_ =	shalt  }
0x52: {  	_ =	shalt  }
0x53: {  	_ =	shalt  }
0x54: {  	_ =	shalt  }
0x55: {  	_ =	shalt  }
0x56: {  	_ =	shalt  }
0x57: {  	_ =	shalt  }
0x58: {  	_ =	shalt  }
0x59: {  	_ =	shalt  }
0x5a: {  	_ =	shalt  }
0x5b: {  	_ =	shalt  }
0x5c: {  	_ =	shalt  }
0x5d: {  	_ =	shalt  }
0x5e: {  	_ =	shalt  }
0x5f: {  	_ =	shalt  }
0x60: {  	_ =	shalt  }
0x61: {  	_ =	shalt  }
0x62: {  	_ =	shalt  }
0x63: {  	_ =	shalt  }
0x64: {  	_ =	shalt  }
0x65: {  	_ =	shalt  }
0x66: {  	_ =	shalt  }
0x67: {  	_ =	shalt  }
0x68: {  	_ =	shalt  }
0x69: {  	_ =	shalt  }
0x6a: {  	_ =	shalt  }
0x6b: {  	_ =	shalt  }
0x6c: {  	_ =	shalt  }
0x6d: {  	_ =	shalt  }
0x6e: {  	_ =	shalt  }
0x6f: {  	_ =	shalt  }
0x70: {  	_ =	shalt  }
0x71: {  	_ =	shalt  }
0x72: {  	_ =	shalt  }
0x73: {  	_ =	shalt  }
0x74: {  	_ =	shalt  }
0x75: {  	_ =	shalt  }
0x76: {  	_ =	shalt  }
0x77: {  	_ =	shalt  }
0x78: {  	_ =	shalt  }
0x79: {  	_ =	shalt  }
0x7a: {  	_ =	shalt  }
0x7b: {  	_ =	shalt  }
0x7c: {  	_ =	shalt  }
0x7d: {  	_ =	shalt  }
0x7e: {  	_ =	shalt  }
0x7f: {  	_ =	shalt  }
0x80: {  	_ =	shalt  }
0x81: {  	_ =	shalt  }
0x82: {  	_ =	shalt  }
0x83: {  	_ =	shalt  }
0x84: {  	_ =	shalt  }
0x85: {  	_ =	shalt  }
0x86: {  	_ =	shalt  }
0x87: {  	_ =	shalt  }
.Lfunc_end0:
.L_simem_size_0:
called_computation_lowered:
.L_overlay_start_0:
0x88: {  	s2 =	sld [smem:$0x3FD9]  }
0x89: {  	s3 =	sld [smem:$0x3FFE];
	_ =	sdelay $0x1  }
0x8a: {  	s1 =	srdreg.scid  }
0x8b: {  	s0 =	sand.u32 $0x1, s1  }
0x8c: {  	s17 =	sshll.u32 s0, $0xA;
	s2 =	sadd.s32 s3, s2  }
0x8d: {  	s2 =	sadd.s32 s2, s17  }
0x8e: {  	[smem:$0x3FBF] =	sst s2  }
0x8f: {  	_ = 	snop  }
0x90: {  	s2 =	sld [smem:$0x3FC9]  }
0x91: {  	s18 =	sld [smem:$0x3FC8];
	(tm) =	ssettm $0x1  }
0x92: {  	s4 =	sld [smem:$0x3FFB];
	_ =	sdelay $0x3  }
0x93: {  	_ =	strace s4  }
0x94: {  	s4 =	sld [smem:$0x3FFC];
	_ =	sdelay $0x3  }
0x95: {  	_ =	strace s4  }
0x96: {  	s4 =	sld [smem:$0x3FFD];
	_ =	sdelay $0x3  }
0x97: {  	_ =	strace s4  }
0x98: {  	_ =	strace $0x8FFFFFFF  }
0x99: {  	s19 =	sld [smem:$0x3FDB];
	_ =	sdelay $0x1  }
0x9a: {  	s5 =	simm.s32 $_scs_section_size  }
0x9b: {  	s6 =	simm.s32 $_size__tile_overlayer_lowered;
	s7 =	simm.s32 $_tile_overlayer_lowered  }
0x9c: {  	s22 =	simm.s32 $0x1BFF;
	s21 =	sshll.u32 s7, $0x1;
	s4 =	sadd.s32 s5, s19  }
0x9d: {  	s8 =	simm.s32 $0x0;
	s20 =	sshll.u32 s6, $0x1;
	s6 =	sadd.s32 s21, s4  }
0x9e: {  	[timem:s8], [sflag:s22] =	dma.local [hbm:s6], s20  }
0x9f: {  	_ =	swait.ge [sflag:s22], s20  }
0xa0: {  	s5 =	ssub.s32 $0x0, s20;
	[sflag:s22] =	ssyncset.done $0x0  }
0xa1: {  	[sflag:s22] =	ssyncadd.s32 s5;
	_ =	sdelay $0x1  }
0xa2: {  	s23 =	simm.s32 $0x1B8B  }
0xa3: {  	_ =	swait.ge [sflag:s23], $0x1  }
0xa4: {  	[sflag:s23] =	ssyncset.done $0x0  }
0xa5: {  	s25 =	simm.s32 $0x1B8E;
	s24 =	sld [smem:$0x3FFE];
	[sflag:s23] =	ssyncadd.s32 $0xFFFFFFFF  }
0xa6: {  	s26 =	simm.s32 $execute0_lowered;
	[smem:$0x3FD2] =	sst s25  }
0xa7: {  	s6 =	sshll.u32 s26, $0x1;
	_ =	strace $0x80000046;
	[dreg:$0x1] =	wrdreg $0xFFFFFFFF  }
0xa8: {  	s28 =	simm.s32 $_size_execute0_lowered;
	s4 =	sadd.s32 s4, s6;
	[dreg:$0x0] =	wrdreg $0x0  }
0xa9: {  	s6 =	sshll.u32 s28, $0x1;
	[dreg:$0x2] =	wrdreg s4  }
0xaa: {  	[dreg:$0x3] =	wrdreg s6  }
0xab: {  	[dreg:$0x4] =	wrdreg $0xC0  }
0xac: {  	_ =	task [dreg:s8], $0x5FFFF  }
0xad: {  	[dreg:$0x1] =	wrdreg $0xFFFFFFFF  }
0xae: {  	[dreg:$0x0] =	wrdreg $0x60  }
0xaf: {  	[dreg:$0x2] =	wrdreg s2  }
0xb0: {  	[dreg:$0x3] =	wrdreg s24  }
0xb1: {  	[dreg:$0x4] =	wrdreg s18  }
0xb2: {  	[dreg:$0x5] =	wrdreg $0x9  }
0xb3: {  	_ =	task.clear_ibuf [dreg:s8], $0x6FFFF;
	_ =	strace $0x90000046  }
0xb4: {  	s29 =	simm.s32 $0x9;
	_ =	strace $0x80000048  }
0xb5: {  	_ =	swait.ge [sflag:s29], $0x1  }
0xb6: {  	[sflag:s29] =	ssyncadd.s32 $0xFFFFFFFF  }
0xb7: {  	_ =	strace $0x90000048  }
0xb8: {  	_ =	sfence  }
0xb9: {  	s30 =	sld [smem:$0x0];
	_ =	sdelay $0x2  }
0xba: {  	s31 =	sshll.u32 s1, $0xD;
	s1 =	sshrl.u32 s1, $0x2  }
0xbb: {  	s3 =	sand.u32 $0x4000, s31;
	s1 =	sadd.s32 s1, s30  }
0xbc: {  	s0 =	sor.u32 s3, s0;
	s1 =	sshll.u32 s1, $0x11  }
0xbd: {  	s0 =	sor.u32 s1, s0  }
0xbe: {  	s0 =	sadd.s32 $0x8F2B, s0  }
0xbf: {  	[sflag:s0] =	ssyncadd.remote.s32 $0x1  }
0xc0: {  	_ =	sfence.sel $0xFFFF  }
0xc1: {  	[dreg:$0x0] =	wrdreg $0xFFFFFFFF;
	(pc) =	sbr.abs _section_cstart, $3  }
0xc2: {  	[dreg:$0x1] =	wrdreg $0xFFFFFFFF  }
0xc3: {  	_ =	task.clear_ibuf [dreg:s8], $0x2FFFF;
	_ =	strace $0x9FFFFFFF  }
0xc4: {  	(tm) =	ssettm $0x7FFFFFFF  }
0xc5: {  	_ =	shalt  }
tec
execute0_lowered:
.L_overlay_start_1:
0x0: {  	(tag) =	ssettag $0x1  }
0x1: {  	s0 =	rddreg [dreg:$0x0]  }
0x2: {  	s3 =	rddreg [dreg:$0x1]  }
0x3: {  	s1 =	rddreg [dreg:$0x2]  }
0x4: {  	s2 =	simm.s32 $0x0;
	s4 =	srdreg.scid;
	s6 =	stileid.u32  }
0x5: {  	s13 =	simm.s32 $0x80;
	s22 =	simm.s32 $0x680;
	s24 =	simm.s32 $0x700  }
0x6: {  	s25 =	simm.s32 $0x1;
	s31 =	simm.s32 $0x780;
	s14 =	simm.s32 $0x2  }
0x7: {  	s15 =	simm.s32 $0x1080;
	s16 =	simm.s32 $0x9880;
	s17 =	simm.s32 $0xD880  }
0x8: {  	s18 =	simm.s32 $0x3;
	s19 =	simm.s32 $0x11880;
	s20 =	simm.s32 $0x4  }
0x9: {  	s21 =	simm.s32 $0x12080;
	s23 =	simm.s32 $0x5;
	s11 =	simm.s32 $0x0  }
0xa: {  	[smem:$0x7FF] =	sst s2;
	s7 =	sand.u32 $0x1, s4;
	s4 =	sadd.s32 $0x188600, s3  }
0xb: {  	s5 =	sadd.s32 $0x1C00, s3;
	s10 =	sshll.u32 s6, $0x1;
	s6 =	sadd.s32 $0x45C00, s3  }
0xc: {  	s3 =	simm.s32 $0x800;
	_ =	strace $0x80000047;
	s28 =	sor.u32 s7, s10  }
.Ltmp0:
0xd: {  	s8 =	ssub.s32 $0x2, s7;
	s29 =	sshll.u32 s28, $0x2;
	(pc) =	sbr.rel .LBB2_1-.Ltmp0, $4  }
0xe: {  	s9 =	sshrl.u32 s8, $0x1;
	s7 =	sshll.u32 s28, $0x5;
	s0 =	sadd.s32 s0, s29  }
0xf: {  	s26 =	ssub.s32 s8, s9;
	s8 =	sshll.u32 s28, $0x9;
	[dreg:$0x4] =	wrdreg s0  }
0x10: {  	s9 =	sadd.s32 $0x3E0, s8;
	s10 =	sadd.s32 $0x3F0, s8;
	s30 =	smax.u32 s26, $0x1  }
0x11: {  	v2 =	vlaneseq.u32;
	vm0 =	vmmov $0xffff;
	s26 =	simm.s32 $0x880;
	s8 =	simm.s32 $0x6;
	[dreg:$0x5] =	wrdreg s30  }
.LBB2_8:
0x12: {  	_ =	swait.ge [sflag:s23], $0x1000  }
0x13: {  	[sflag:s23] =	ssyncset.done $0x0  }
0x14: {  	[sflag:s23] =	ssyncadd.s32 $0xFFFFF000  }
0x15: {  	_ =	swait.ge [sflag:s8], $0x1000  }
0x16: {  	s11 =	rddreg [dreg:$0x6]  }
0x17: {  	s0 =	rddreg [dreg:$0x5];
	s11 =	sadd.s32 $0x1, s11  }
0x18: {  	p0 =	sne.s32 s11, s0  }
.Ltmp1:
0x19: {  	_ = 	snop;
	(pc) =	sbr.rel @!p0 .LBB2_9-.Ltmp1, $3  }
0x1a: {  	_ =	sdelay $0x1  }
0x1b: {  	[sflag:s8] =	ssyncset.done $0x0  }
0x1c: {  	[sflag:s8] =	ssyncadd.s32 $0xFFFFF000  }
.LBB2_1:
0x1d: {  	s0 =	rddreg [dreg:$0x4]  }
0x1e: {  	[tilespmem:s2], [sflag:$0x7] =	stream.linear.gather [hbm4b:s0+s2], $0x20, $0x38;
	[tilespmem:$0x12880] =	vst v63  }
0x1f: {  	[dreg:$0x6] =	wrdreg s11;
	s0 =	simm.s32 $0x7  }
0x20: {  	_ =	swait.ge [sflag:s0], $0x20  }
0x21: {  	[sflag:s0] =	ssyncset.done $0x0  }
0x22: {  	[sflag:s0] =	ssyncadd.s32 $0xFFFFFFE0  }
0x23: {  	v17 =	vld [tilespmem:$0x0]  }
0x24: {  	v18 =	vld [tilespmem:$0x0]  }
0x25: {  	v19 =	vld [tilespmem:$0x0]  }
0x26: {  	v20 =	vld [tilespmem:$0x0]  }
0x27: {  	v0 =	vimm.s32 $0x0;
	v3 =	vimm.s32 $0x1;
	v21 =	vld [tilespmem:$0x0]  }
0x28: {  	v4 =	vimm.s32 $0x2;
	v5 =	vimm.s32 $0x3;
	v1 =	vimm.s32 $0x4;
	v22 =	vld [tilespmem:$0x0]  }
0x29: {  	v6 =	vimm.s32 $0x5;
	v7 =	vimm.s32 $0x6;
	v8 =	vimm.s32 $0x7;
	v23 =	vld [tilespmem:$0x0]  }
0x2a: {  	v9 =	vimm.s32 $0x8;
	v10 =	vimm.s32 $0x9;
	v11 =	vimm.s32 $0xA;
	v24 =	vld [tilespmem:$0x0]  }
0x2b: {  	v15 =	vimm.s32 $0xE;
	v25 =	vld [tilespmem:$0x0];
	v17 =	vperm.xlane v17, v0;
	v18 =	vperm.xlane v18, v3  }
0x2c: {  	v16 =	vimm.s32 $0xF;
	v51 =	vld [tilespmem:$0x0];
	v19 =	vperm.xlane v19, v4;
	v20 =	vperm.xlane v20, v5  }
0x2d: {  	v55 =	vld [tilespmem:$0x0];
	v50 =	vperm.xlane v21, v1;
	v54 =	vperm.xlane v22, v6;
	v17 =	vshll.u32 v17, $0x4  }
0x2e: {  	v32 =	vld [tilespmem:$0x0];
	v58 =	vperm.xlane v23, v7;
	v18 =	vshll.u32 v18, $0x4;
	v17 =	vor.u32 v2, v17  }
0x2f: {  	v36 =	vld [tilespmem:$0x0];
	v62 =	vperm.xlane v24, v8;
	v49 =	vshll.u32 v19, $0x4;
	v48 =	vor.u32 v2, v18;
	[tilespmem:$0x80] =	vst v17  }
0x30: {  	v14 =	vperm.xlane v25, v9;
	v53 =	vshll.u32 v20, $0x4;
	v52 =	vor.u32 v2, v49;
	[tilespmem:$0x90] =	vst v48  }
0x31: {  	v31 =	vperm.xlane v51, v10;
	v57 =	vshll.u32 v50, $0x4;
	v56 =	vor.u32 v2, v53;
	[tilespmem:$0xA0] =	vst v52  }
0x32: {  	v35 =	vperm.xlane v55, v11;
	v61 =	vshll.u32 v54, $0x4;
	v60 =	vor.u32 v2, v57;
	[tilespmem:$0xB0] =	vst v56  }
0x33: {  	v28 =	vld [tilespmem:$0x0];
	v51 =	vperm.xlane v32, v15;
	v13 =	vshll.u32 v58, $0x4;
	v12 =	vor.u32 v2, v61;
	[tilespmem:$0xC0] =	vst v60  }
0x34: {  	v63 =	vld [tilespmem:$0x0];
	v55 =	vperm.xlane v36, v16;
	v30 =	vshll.u32 v62, $0x4;
	v29 =	vor.u32 v2, v13;
	[tilespmem:$0xD0] =	vst v12  }
0x35: {  	v44 =	vld [tilespmem:$0x10];
	v34 =	vshll.u32 v14, $0x4;
	v38 =	vshll.u32 v31, $0x4;
	v33 =	vor.u32 v2, v30;
	[tilespmem:$0xE0] =	vst v29  }
0x36: {  	v59 =	vld [tilespmem:$0x0];
	v42 =	vshll.u32 v35, $0x4;
	v14 =	vimm.s32 $0xD;
	v37 =	vor.u32 v2, v34;
	[tilespmem:$0xF0] =	vst v33  }
0x37: {  	v40 =	vld [tilespmem:$0x10];
	v58 =	vshll.u32 v51, $0x4;
	v62 =	vshll.u32 v55, $0x4;
	v41 =	vor.u32 v2, v38;
	[tilespmem:$0x100] =	vst v37  }
0x38: {  	v32 =	vld [tilespmem:$0x10];
	v13 =	vimm.s32 $0xC;
	v45 =	vor.u32 v2, v42;
	v47 =	vperm.xlane v28, v14;
	[tilespmem:$0x110] =	vst v41  }
0x39: {  	v36 =	vld [tilespmem:$0x10];
	v61 =	vor.u32 v2, v58;
	v12 =	vimm.s32 $0xB;
	v43 =	vperm.xlane v63, v13;
	[tilespmem:$0x120] =	vst v45  }
0x3a: {  	v28 =	vld [tilespmem:$0x10];
	v63 =	vperm.xlane v44, v3;
	[tilespmem:$0x160] =	vst v61;
	v29 =	vor.u32 v2, v62;
	v54 =	vshll.u32 v47, $0x4  }
0x3b: {  	v48 =	vld [tilespmem:$0x10];
	v39 =	vperm.xlane v59, v12;
	[tilespmem:$0x170] =	vst v29;
	v50 =	vshll.u32 v43, $0x4;
	v57 =	vor.u32 v2, v54  }
0x3c: {  	v52 =	vld [tilespmem:$0x10];
	v59 =	vperm.xlane v40, v0;
	v34 =	vshll.u32 v63, $0x4;
	v53 =	vor.u32 v2, v50;
	[tilespmem:$0x150] =	vst v57  }
0x3d: {  	v56 =	vld [tilespmem:$0x10];
	v51 =	vperm.xlane v32, v8;
	v46 =	vshll.u32 v39, $0x4;
	v37 =	vor.u32 v2, v34;
	[tilespmem:$0x140] =	vst v53  }
0x3e: {  	v60 =	vld [tilespmem:$0x10];
	v55 =	vperm.xlane v36, v9;
	v30 =	vshll.u32 v59, $0x4;
	v49 =	vor.u32 v2, v46;
	[tilespmem:$0x190] =	vst v37  }
0x3f: {  	v44 =	vld [tilespmem:$0x10];
	v58 =	vshll.u32 v51, $0x4;
	v33 =	vor.u32 v2, v30;
	v47 =	vperm.xlane v28, v7;
	[tilespmem:$0x130] =	vst v49  }
0x40: {  	v40 =	vld [tilespmem:$0x10];
	v62 =	vshll.u32 v55, $0x4;
	v61 =	vor.u32 v2, v58;
	v31 =	vperm.xlane v48, v4;
	[tilespmem:$0x180] =	vst v33  }
0x41: {  	v35 =	vperm.xlane v52, v5;
	v48 =	vld [tilespmem:$0x10];
	[tilespmem:$0x1F0] =	vst v61;
	v5 =	vor.u32 v2, v62;
	v54 =	vshll.u32 v47, $0x4  }
0x42: {  	v39 =	vperm.xlane v56, v1;
	v52 =	vld [tilespmem:$0x10];
	[tilespmem:$0x200] =	vst v5;
	v38 =	vshll.u32 v31, $0x4;
	v57 =	vor.u32 v2, v54  }
0x43: {  	v43 =	vperm.xlane v60, v6;
	v56 =	vld [tilespmem:$0x10];
	v42 =	vshll.u32 v35, $0x4;
	v41 =	vor.u32 v2, v38;
	[tilespmem:$0x1E0] =	vst v57  }
0x44: {  	v60 =	vld [tilespmem:$0x10];
	v63 =	vperm.xlane v44, v11;
	v46 =	vshll.u32 v39, $0x4;
	v45 =	vor.u32 v2, v42;
	[tilespmem:$0x1A0] =	vst v41  }
0x45: {  	v4 =	vld [tilespmem:$0x10];
	v59 =	vperm.xlane v40, v10;
	v50 =	vshll.u32 v43, $0x4;
	v49 =	vor.u32 v2, v46;
	[tilespmem:$0x1B0] =	vst v45  }
0x46: {  	v9 =	vshll.u32 v63, $0x4;
	v53 =	vor.u32 v2, v50;
	[tilespmem:$0x1C0] =	vst v49;
	v7 =	vperm.xlane v48, v12  }
0x47: {  	v6 =	vshll.u32 v59, $0x4;
	v11 =	vor.u32 v2, v9;
	[tilespmem:$0x1D0] =	vst v53;
	v10 =	vperm.xlane v52, v13  }
0x48: {  	v8 =	vor.u32 v2, v6;
	[tilespmem:$0x220] =	vst v11;
	v13 =	vperm.xlane v56, v14;
	v12 =	vshll.u32 v7, $0x4  }
0x49: {  	[tilespmem:$0x210] =	vst v8;
	v24 =	vperm.xlane v60, v15;
	v21 =	vshll.u32 v10, $0x4;
	v14 =	vor.u32 v2, v12  }
0x4a: {  	v27 =	vperm.xlane v4, v16;
	v26 =	vshll.u32 v13, $0x4;
	v25 =	vor.u32 v2, v21;
	[tilespmem:$0x230] =	vst v14  }
0x4b: {  	v29 =	vshll.u32 v24, $0x4;
	v28 =	vor.u32 v2, v26;
	[tilespmem:$0x240] =	vst v25  }
0x4c: {  	v31 =	vshll.u32 v27, $0x4;
	v30 =	vor.u32 v2, v29;
	[tilespmem:$0x250] =	vst v28  }
0x4d: {  	v32 =	vor.u32 v2, v31;
	[tilespmem:$0x260] =	vst v30  }
0x4e: {  	s12 =	simm.s32 $0x280;
	[tilespmem:$0x270] =	vst v32  }
0x4f: {  	[tilespmem:s12], [sflag:$0x7] =	stream.indirect.gather [hbm4b:s4+s13], $0x1, s13, s13, $0xb8;
	[tilespmem:$0x12880] =	vst v63  }
0x50: {  	_ =	swait.ge [sflag:s0], $0x80  }
0x51: {  	[sflag:s0] =	ssyncset.done $0x0  }
0x52: {  	s28 =	simm.s32 $0x100;
	s12 =	simm.s32 $0x300;
	[sflag:s0] =	ssyncadd.s32 $0xFFFFFF80  }
0x53: {  	[tilespmem:s12], [sflag:$0x7] =	stream.indirect.gather [hbm4b:s4+s13], $0x1, s28, s13, $0xb8;
	[tilespmem:$0x12880] =	vst v63  }
0x54: {  	_ =	swait.ge [sflag:s0], $0x80  }
0x55: {  	[sflag:s0] =	ssyncset.done $0x0  }
0x56: {  	s29 =	simm.s32 $0x180;
	s30 =	simm.s32 $0x380;
	[sflag:s0] =	ssyncadd.s32 $0xFFFFFF80  }
0x57: {  	[tilespmem:s30], [sflag:$0x7] =	stream.indirect.gather [hbm4b:s4+s13], $0x1, s29, s13, $0xb8;
	[tilespmem:$0x12880] =	vst v63  }
0x58: {  	_ =	swait.ge [sflag:s0], $0x80  }
0x59: {  	[sflag:s0] =	ssyncset.done $0x0  }
0x5a: {  	s28 =	simm.s32 $0x200;
	s29 =	simm.s32 $0x400;
	[sflag:s0] =	ssyncadd.s32 $0xFFFFFF80  }
0x5b: {  	[tilespmem:s29], [sflag:$0x7] =	stream.indirect.gather [hbm4b:s4+s13], $0x1, s28, s13, $0xb8;
	[tilespmem:$0x12880] =	vst v63  }
0x5c: {  	_ =	swait.ge [sflag:s0], $0x80  }
0x5d: {  	[sflag:s0] =	ssyncset.done $0x0  }
0x5e: {  	[sflag:s0] =	ssyncadd.s32 $0xFFFFFF80  }
0x5f: {  	v33 =	vld [tilespmem:$0x0];
	_ =	sdelay $0x4  }
0x60: {  	v17 =	vshll.u32 v33, $0x4  }
0x61: {  	[tilespmem:$0x480] =	vst v17;
	v34 =	vor.u32 $0x1, v17  }
0x62: {  	v35 =	vor.u32 $0x2, v17;
	[tilespmem:$0x490] =	vst v34  }
0x63: {  	v36 =	vor.u32 $0x3, v17;
	[tilespmem:$0x4A0] =	vst v35  }
0x64: {  	v37 =	vor.u32 $0x4, v17;
	[tilespmem:$0x4B0] =	vst v36  }
0x65: {  	v38 =	vor.u32 $0x5, v17;
	[tilespmem:$0x4C0] =	vst v37  }
0x66: {  	v39 =	vor.u32 $0x6, v17;
	[tilespmem:$0x4D0] =	vst v38  }
0x67: {  	v40 =	vor.u32 $0x7, v17;
	[tilespmem:$0x4E0] =	vst v39  }
0x68: {  	v41 =	vor.u32 $0x8, v17;
	[tilespmem:$0x4F0] =	vst v40  }
0x69: {  	v42 =	vor.u32 $0x9, v17;
	[tilespmem:$0x500] =	vst v41  }
0x6a: {  	v43 =	vor.u32 $0xA, v17;
	[tilespmem:$0x510] =	vst v42  }
0x6b: {  	v44 =	vor.u32 $0xB, v17;
	[tilespmem:$0x520] =	vst v43  }
0x6c: {  	v45 =	vor.u32 $0xC, v17;
	[tilespmem:$0x530] =	vst v44  }
0x6d: {  	v46 =	vor.u32 $0xD, v17;
	[tilespmem:$0x540] =	vst v45  }
0x6e: {  	v47 =	vor.u32 $0xE, v17;
	[tilespmem:$0x550] =	vst v46  }
0x6f: {  	v17 =	vor.u32 $0xF, v17;
	[tilespmem:$0x560] =	vst v47  }
0x70: {  	s30 =	simm.s32 $0x480;
	[tilespmem:$0x570] =	vst v17  }
0x71: {  	[tilespmem:s22], [sflag:$0x1] =	stream.indirect.gather [hbm4b:s4+s13], $0x1, s30, s13, $0xb8;
	[tilespmem:$0x12880] =	vst v63  }
0x72: {  	s11 =	simm.s32 $0x500  }
0x73: {  	[tilespmem:s24], [sflag:$0x1] =	stream.indirect.gather [hbm4b:s4+s13], $0x1, s11, s13, $0xb8;
	[tilespmem:$0x12880] =	vst v63  }
0x74: {  	_ =	swait.ge [sflag:s25], $0x100  }
0x75: {  	[sflag:s25] =	ssyncset.done $0x0  }
0x76: {  	[sflag:s25] =	ssyncadd.s32 $0xFFFFFF00  }
0x77: {  	v48 =	vld [tilespmem:$0x0];
	_ =	sdelay $0x7  }
0x78: {  	[tilespmem:s26], [sflag:$0x3] =	stream.indirect_vreg.gather [hbm4b:s1+s2], $0x80, v48, vm0, $0xb8;
	[tilespmem:$0x12880] =	vst v63  }
0x79: {  	s12 =	simm.s32 $0x1880  }
0x7a: {  	[tilespmem:s12], [sflag:$0x3] =	stream.indirect.gather [hbm4b:s1+s13], $0x80, s22, s13, $0xb8;
	[tilespmem:$0x12880] =	vst v63  }
0x7b: {  	s28 =	simm.s32 $0x5880  }
0x7c: {  	[tilespmem:s28], [sflag:$0x3] =	stream.indirect.gather [hbm4b:s1+s13], $0x80, s24, s13, $0xb8;
	[tilespmem:$0x12880] =	vst v63  }
0x7d: {  	v17 =	vld [tilespmem:$0x10];
	_ =	sdelay $0x4  }
0x7e: {  	v17 =	vshll.u32 v17, $0x4  }
0x7f: {  	[tilespmem:$0x580] =	vst v17;
	v49 =	vor.u32 $0x1, v17  }
0x80: {  	v50 =	vor.u32 $0x2, v17;
	[tilespmem:$0x590] =	vst v49  }
0x81: {  	v51 =	vor.u32 $0x3, v17;
	[tilespmem:$0x5A0] =	vst v50  }
0x82: {  	v52 =	vor.u32 $0x4, v17;
	[tilespmem:$0x5B0] =	vst v51  }
0x83: {  	v53 =	vor.u32 $0x5, v17;
	[tilespmem:$0x5C0] =	vst v52  }
0x84: {  	v54 =	vor.u32 $0x6, v17;
	[tilespmem:$0x5D0] =	vst v53  }
0x85: {  	v55 =	vor.u32 $0x7, v17;
	[tilespmem:$0x5E0] =	vst v54  }
0x86: {  	v56 =	vor.u32 $0x8, v17;
	[tilespmem:$0x5F0] =	vst v55  }
0x87: {  	v57 =	vor.u32 $0x9, v17;
	[tilespmem:$0x600] =	vst v56  }
0x88: {  	v58 =	vor.u32 $0xA, v17;
	[tilespmem:$0x610] =	vst v57  }
0x89: {  	v59 =	vor.u32 $0xB, v17;
	[tilespmem:$0x620] =	vst v58  }
0x8a: {  	v60 =	vor.u32 $0xC, v17;
	[tilespmem:$0x630] =	vst v59  }
0x8b: {  	v61 =	vor.u32 $0xD, v17;
	[tilespmem:$0x640] =	vst v60  }
0x8c: {  	v62 =	vor.u32 $0xE, v17;
	[tilespmem:$0x650] =	vst v61  }
0x8d: {  	v17 =	vor.u32 $0xF, v17;
	[tilespmem:$0x660] =	vst v62  }
0x8e: {  	s29 =	simm.s32 $0x580;
	[tilespmem:$0x670] =	vst v17  }
0x8f: {  	[tilespmem:s31], [sflag:$0x2] =	stream.indirect.gather [hbm4b:s4+s13], $0x1, s29, s13, $0xb8;
	[tilespmem:$0x12880] =	vst v63  }
0x90: {  	s30 =	simm.s32 $0x600  }
0x91: {  	[tilespmem:s3], [sflag:$0x2] =	stream.indirect.gather [hbm4b:s4+s13], $0x1, s30, s13, $0xb8;
	[tilespmem:$0x12880] =	vst v63  }
0x92: {  	_ =	swait.ge [sflag:s14], $0x100  }
0x93: {  	[sflag:s14] =	ssyncset.done $0x0  }
0x94: {  	[sflag:s14] =	ssyncadd.s32 $0xFFFFFF00  }
0x95: {  	v63 =	vld [tilespmem:$0x10];
	_ =	sdelay $0x7  }
0x96: {  	[tilespmem:s15], [sflag:$0x4] =	stream.indirect_vreg.gather [hbm4b:s1+s2], $0x80, v63, vm0, $0xb8;
	[tilespmem:$0x12880] =	vst v63  }
0x97: {  	_ = 	snop  }
0x98: {  	[tilespmem:s16], [sflag:$0x4] =	stream.indirect.gather [hbm4b:s1+s13], $0x80, s31, s13, $0xb8;
	[tilespmem:$0x12880] =	vst v63  }
0x99: {  	s11 =	simm.s32 $0x0  }
0x9a: {  	[tilespmem:s17], [sflag:$0x4] =	stream.indirect.gather [hbm4b:s1+s13], $0x80, s3, s13, $0xb8;
	[tilespmem:$0x12880] =	vst v63  }
.LBB2_2:
0x9b: {  	_ =	swait.ge [sflag:s18], $0x8000  }
0x9c: {  	[sflag:s18] =	ssyncset.done $0x0  }
0x9d: {  	[sflag:s18] =	ssyncadd.s32 $0xFFFF8000  }
0x9e: {  	_ =	swait.ge [sflag:s18], $0x800  }
0x9f: {  	[sflag:s18] =	ssyncset.done $0x0  }
0xa0: {  	s12 =	simm.s32 $0x0;
	[sflag:s18] =	ssyncadd.s32 $0xFFFFF800  }
0xa1: {  	v17 =	vld [tilespmem:s12+$0x18F0]  }
0xa2: {  	v18 =	vld [tilespmem:s12+$0x20F0]  }
0xa3: {  	v19 =	vld [tilespmem:s12+$0x1880]  }
0xa4: {  	v20 =	vld [tilespmem:s12+$0x28F0]  }
0xa5: {  	v21 =	vld [tilespmem:s12+$0x2080]  }
0xa6: {  	v22 =	vld [tilespmem:s12+$0x30F0]  }
0xa7: {  	v23 =	vld [tilespmem:s12+$0x1890]  }
0xa8: {  	v24 =	vld [tilespmem:s12+$0x2090]  }
0xa9: {  	v25 =	vld [tilespmem:s12+$0x18A0]  }
0xaa: {  	v26 =	vld [tilespmem:s12+$0x20A0]  }
0xab: {  	v27 =	vld [tilespmem:s12+$0x18B0]  }
0xac: {  	v28 =	vld [tilespmem:s12+$0x20B0]  }
0xad: {  	v29 =	vld [tilespmem:s12+$0x18C0]  }
0xae: {  	v30 =	vld [tilespmem:s12+$0x20C0]  }
0xaf: {  	v31 =	vld [tilespmem:s12+$0x18D0]  }
0xb0: {  	v32 =	vld [tilespmem:s12+$0x20D0]  }
0xb1: {  	v33 =	vld [tilespmem:s12+$0x18E0]  }
0xb2: {  	v34 =	vld [tilespmem:s12+$0x20E0]  }
0xb3: {  	v35 =	vld [tilespmem:s12+$0x2880]  }
0xb4: {  	v36 =	vld [tilespmem:s12+$0x28A0]  }
0xb5: {  	v37 =	vld [tilespmem:s12+$0x28C0]  }
0xb6: {  	v38 =	vld [tilespmem:s12+$0x28E0]  }
0xb7: {  	v39 =	vld [tilespmem:s12+$0x3080]  }
0xb8: {  	v40 =	vld [tilespmem:s12+$0x3090]  }
0xb9: {  	v41 =	vld [tilespmem:s12+$0x30B0]  }
0xba: {  	v42 =	vld [tilespmem:s12+$0x30C0]  }
0xbb: {  	v43 =	vld [tilespmem:s12+$0x30D0]  }
0xbc: {  	v44 =	vld [tilespmem:s12+$0x30E0]  }
0xbd: {  	v45 =	vld [tilespmem:s12+$0x3880]  }
0xbe: {  	v46 =	vld [tilespmem:s12+$0x3890]  }
0xbf: {  	v47 =	vld [tilespmem:s12+$0x38A0]  }
0xc0: {  	v48 =	vld [tilespmem:s12+$0x38B0]  }
0xc1: {  	v49 =	vld [tilespmem:s12+$0x38C0]  }
0xc2: {  	v50 =	vld [tilespmem:s12+$0x38D0]  }
0xc3: {  	v51 =	vld [tilespmem:s12+$0x38E0]  }
0xc4: {  	v52 =	vld [tilespmem:s12+$0x4080]  }
0xc5: {  	v53 =	vld [tilespmem:s12+$0x4090]  }
0xc6: {  	v54 =	vld [tilespmem:s12+$0x40A0]  }
0xc7: {  	v55 =	vld [tilespmem:s12+$0x40B0]  }
0xc8: {  	v56 =	vld [tilespmem:s12+$0x40C0]  }
0xc9: {  	v57 =	vld [tilespmem:s12+$0x40D0]  }
0xca: {  	v58 =	vld [tilespmem:s12+$0x40E0]  }
0xcb: {  	v59 =	vld [tilespmem:s12+$0x4880]  }
0xcc: {  	v60 =	vld [tilespmem:s12+$0x4890]  }
0xcd: {  	v61 =	vld [tilespmem:s12+$0x48A0]  }
0xce: {  	v62 =	vld [tilespmem:s12+$0x48B0]  }
0xcf: {  	v63 =	vld [tilespmem:s12+$0x48C0]  }
0xd0: {  	v0 =	vld [tilespmem:s12+$0x48D0]  }
0xd1: {  	v1 =	vld [tilespmem:s12+$0x48E0]  }
0xd2: {  	v3 =	vld [tilespmem:s12+$0x5080]  }
0xd3: {  	v4 =	vld [tilespmem:s12+$0x5090]  }
0xd4: {  	v5 =	vld [tilespmem:s12+$0x50A0]  }
0xd5: {  	v6 =	vld [tilespmem:s12+$0x50B0]  }
0xd6: {  	v7 =	vld [tilespmem:s12+$0x50C0]  }
0xd7: {  	v8 =	vld [tilespmem:s12+$0x50D0]  }
0xd8: {  	v9 =	vld [tilespmem:s12+$0x50E0]  }
0xd9: {  	v10 =	vld [tilespmem:s12+$0x5880]  }
0xda: {  	v11 =	vld [tilespmem:s12+$0x5890]  }
0xdb: {  	v12 =	vld [tilespmem:s12+$0x58A0]  }
0xdc: {  	v13 =	vld [tilespmem:s12+$0x58B0]  }
0xdd: {  	v14 =	vld [tilespmem:s12+$0x58C0]  }
0xde: {  	v15 =	vld [tilespmem:s12+$0x58D0]  }
0xdf: {  	v17 =	vadd.f32 v18, v17;
	v18 =	vld [tilespmem:s12+$0x38F0]  }
0xe0: {  	v19 =	vadd.f32 v21, v19;
	v21 =	vld [tilespmem:s12+$0x58E0]  }
0xe1: {  	v23 =	vadd.f32 v24, v23;
	v24 =	vadd.f32 v26, v25;
	v25 =	vld [tilespmem:s12+$0x6080]  }
0xe2: {  	v26 =	vadd.f32 v28, v27;
	v28 =	vld [tilespmem:s12+$0x6090];
	v17 =	vadd.f32 v20, v17  }
0xe3: {  	v27 =	vadd.f32 v30, v29;
	v20 =	vld [tilespmem:s12+$0x40F0]  }
0xe4: {  	v29 =	vadd.f32 v32, v31;
	v31 =	vld [tilespmem:s12+$0x60A0];
	v17 =	vadd.f32 v22, v17  }
0xe5: {  	v22 =	vld [tilespmem:s12+$0x48F0]  }
0xe6: {  	v32 =	vld [tilespmem:s12+$0x60E0];
	v17 =	vadd.f32 v18, v17  }
0xe7: {  	v18 =	vld [tilespmem:s12+$0x50F0]  }
0xe8: {  	v30 =	vadd.f32 v34, v33;
	v33 =	vld [tilespmem:s12+$0x6890];
	v17 =	vadd.f32 v20, v17  }
0xe9: {  	v20 =	vld [tilespmem:s12+$0x58F0]  }
0xea: {  	v34 =	vld [tilespmem:s12+$0x68A0];
	v17 =	vadd.f32 v22, v17  }
0xeb: {  	v22 =	vld [tilespmem:s12+$0x60F0]  }
0xec: {  	v19 =	vadd.f32 v35, v19;
	v35 =	vld [tilespmem:s12+$0x68B0];
	v17 =	vadd.f32 v18, v17  }
0xed: {  	v18 =	vld [tilespmem:s12+$0x68F0]  }
0xee: {  	v24 =	vadd.f32 v36, v24;
	v36 =	vld [tilespmem:s12+$0x68C0];
	v17 =	vadd.f32 v20, v17  }
0xef: {  	v27 =	vadd.f32 v37, v27;
	v30 =	vadd.f32 v38, v30;
	v20 =	vld [tilespmem:s12+$0x70F0]  }
0xf0: {  	v37 =	vld [tilespmem:s12+$0x68D0];
	v19 =	vadd.f32 v39, v19;
	v17 =	vadd.f32 v22, v17  }
0xf1: {  	v27 =	vadd.f32 v42, v27;
	v30 =	vadd.f32 v44, v30;
	v22 =	vld [tilespmem:s12+$0x78F0]  }
0xf2: {  	v19 =	vadd.f32 v45, v19;
	v45 =	vld [tilespmem:s12+$0x68E0];
	v17 =	vadd.f32 v18, v17  }
0xf3: {  	v27 =	vadd.f32 v49, v27;
	v18 =	vld [tilespmem:s12+$0x80F0]  }
0xf4: {  	v30 =	vadd.f32 v51, v30;
	v49 =	vld [tilespmem:s12+$0x70B0];
	v17 =	vadd.f32 v20, v17  }
0xf5: {  	v20 =	vld [tilespmem:s12+$0x88F0]  }
0xf6: {  	v51 =	vld [tilespmem:s12+$0x78A0];
	v30 =	vadd.f32 v58, v30;
	v17 =	vadd.f32 v22, v17  }
0xf7: {  	v19 =	vadd.f32 v52, v19;
	v27 =	vadd.f32 v56, v27;
	v22 =	vld [tilespmem:s12+$0x90F0]  }
0xf8: {  	v52 =	vld [tilespmem:s12+$0x78B0];
	v1 =	vadd.f32 v1, v30;
	v17 =	vadd.f32 v18, v17  }
0xf9: {  	v19 =	vadd.f32 v59, v19;
	v27 =	vadd.f32 v63, v27;
	v18 =	vld [tilespmem:s12+$0x2890]  }
0xfa: {  	v1 =	vadd.f32 v9, v1;
	v17 =	vadd.f32 v20, v17;
	v20 =	vld [tilespmem:s12+$0x28B0]  }
0xfb: {  	v56 =	vld [tilespmem:s12+$0x8080];
	v3 =	vadd.f32 v3, v19;
	v7 =	vadd.f32 v7, v27  }
0xfc: {  	v1 =	vadd.f32 v21, v1;
	v17 =	vadd.f32 v22, v17;
	v22 =	vld [tilespmem:s12+$0x28D0]  }
0xfd: {  	v19 =	vld [tilespmem:s12+$0x70E0];
	v3 =	vadd.f32 v10, v3;
	v7 =	vadd.f32 v14, v7  }
0xfe: {  	v58 =	vld [tilespmem:s12+$0x88C0];
	v1 =	vadd.f32 v32, v1;
	v18 =	vadd.f32 v18, v23;
	v17 =	vmul.f32 $6.250000000e-02, v17  }
0xff: {  	v3 =	vadd.f32 v25, v3;
	v20 =	vadd.f32 v20, v26;
	v26 =	vld [tilespmem:s12+$0x60C0]  }
0x100: {  	v1 =	vadd.f32 v45, v1;
	v18 =	vadd.f32 v40, v18;
	[tilespmem:s12+$0x118F0] =	vst v17;
	v17 =	vld [tilespmem:s12+$0x30A0]  }
0x101: {  	v59 =	vld [tilespmem:s12+$0x88D0];
	v22 =	vadd.f32 v22, v29;
	v20 =	vadd.f32 v41, v20  }
0x102: {  	v21 =	vld [tilespmem:s12+$0x80C0];
	v1 =	vadd.f32 v19, v1;
	v18 =	vadd.f32 v46, v18  }
0x103: {  	v25 =	vld [tilespmem:s12+$0x8880];
	v22 =	vadd.f32 v43, v22;
	v20 =	vadd.f32 v48, v20  }
0x104: {  	v19 =	vld [tilespmem:s12+$0x88A0];
	v18 =	vadd.f32 v53, v18;
	v7 =	vadd.f32 v26, v7  }
0x105: {  	v17 =	vadd.f32 v17, v24;
	v24 =	vld [tilespmem:s12+$0x6880];
	v22 =	vadd.f32 v50, v22  }
0x106: {  	v20 =	vadd.f32 v55, v20;
	v18 =	vadd.f32 v60, v18;
	v50 =	vld [tilespmem:s12+$0x70C0]  }
0x107: {  	v55 =	vld [tilespmem:s12+$0x78E0];
	v7 =	vadd.f32 v36, v7;
	v17 =	vadd.f32 v47, v17  }
0x108: {  	v23 =	vld [tilespmem:s12+$0x60B0];
	v22 =	vadd.f32 v57, v22;
	v20 =	vadd.f32 v62, v20  }
0x109: {  	v46 =	vld [tilespmem:s12+$0x7080];
	v4 =	vadd.f32 v4, v18;
	v17 =	vadd.f32 v54, v17  }
0x10a: {  	v53 =	vld [tilespmem:s12+$0x78C0];
	v0 =	vadd.f32 v0, v22;
	v6 =	vadd.f32 v6, v20  }
0x10b: {  	v29 =	vld [tilespmem:s12+$0x60D0];
	v4 =	vadd.f32 v11, v4;
	v3 =	vadd.f32 v24, v3  }
0x10c: {  	v48 =	vld [tilespmem:s12+$0x70A0];
	v7 =	vadd.f32 v50, v7;
	v1 =	vadd.f32 v55, v1  }
0x10d: {  	v26 =	vld [tilespmem:s12+$0x8890];
	v17 =	vadd.f32 v61, v17;
	v0 =	vadd.f32 v8, v0  }
0x10e: {  	v47 =	vld [tilespmem:s12+$0x7090];
	v6 =	vadd.f32 v13, v6;
	v4 =	vadd.f32 v28, v4  }
0x10f: {  	v24 =	vld [tilespmem:s12+$0x80E0];
	v3 =	vadd.f32 v46, v3;
	v7 =	vadd.f32 v53, v7  }
0x110: {  	v60 =	vld [tilespmem:s12+$0x88E0];
	v5 =	vadd.f32 v5, v17;
	v0 =	vadd.f32 v15, v0  }
0x111: {  	v18 =	vld [tilespmem:s12+$0x7890];
	v6 =	vadd.f32 v23, v6;
	v4 =	vadd.f32 v33, v4  }
0x112: {  	v17 =	vld [tilespmem:s12+$0x7880];
	v7 =	vadd.f32 v21, v7;
	v5 =	vadd.f32 v12, v5  }
0x113: {  	v22 =	vld [tilespmem:s12+$0x70D0];
	v0 =	vadd.f32 v29, v0;
	v6 =	vadd.f32 v35, v6  }
0x114: {  	v57 =	vld [tilespmem:s12+$0x8090];
	v4 =	vadd.f32 v47, v4;
	v1 =	vadd.f32 v24, v1  }
0x115: {  	v54 =	vld [tilespmem:s12+$0x78D0];
	v5 =	vadd.f32 v31, v5;
	v0 =	vadd.f32 v37, v0  }
0x116: {  	v20 =	vld [tilespmem:s12+$0x80B0];
	v6 =	vadd.f32 v49, v6;
	v4 =	vadd.f32 v18, v4  }
0x117: {  	v15 =	vld [tilespmem:s12+$0x80A0];
	v3 =	vadd.f32 v17, v3;
	v5 =	vadd.f32 v34, v5  }
0x118: {  	v23 =	vld [tilespmem:s12+$0x80D0];
	v0 =	vadd.f32 v22, v0;
	v6 =	vadd.f32 v52, v6  }
0x119: {  	v17 =	vld [tilespmem:s12+$0x88B0];
	v4 =	vadd.f32 v57, v4;
	v5 =	vadd.f32 v48, v5  }
0x11a: {  	v61 =	vld [tilespmem:s12+$0x9080];
	v3 =	vadd.f32 v56, v3;
	v0 =	vadd.f32 v54, v0  }
0x11b: {  	v62 =	vld [tilespmem:s12+$0x9090];
	v6 =	vadd.f32 v20, v6;
	v5 =	vadd.f32 v51, v5  }
0x11c: {  	v63 =	vld [tilespmem:s12+$0x90A0];
	v4 =	vadd.f32 v26, v4;
	v20 =	vadd.f32 v58, v7  }
0x11d: {  	v3 =	vadd.f32 v25, v3;
	v25 =	vld [tilespmem:s12+$0x90B0];
	v5 =	vadd.f32 v15, v5  }
0x11e: {  	v24 =	vld [tilespmem:s12+$0x90C0];
	v0 =	vadd.f32 v23, v0;
	v23 =	vadd.f32 v17, v6  }
0x11f: {  	v22 =	vld [tilespmem:s12+$0x90D0];
	v3 =	vadd.f32 v61, v3;
	v5 =	vadd.f32 v19, v5  }
0x120: {  	s29 =	simm.s32 $0x80;
	v21 =	vld [tilespmem:s12+$0x90E0];
	v17 =	vadd.f32 v60, v1;
	v26 =	vadd.f32 v62, v4  }
0x121: {  	s28 =	simm.s32 $0x400;
	v18 =	vld [tilespmem:s29+$0x18F0];
	v28 =	vmul.f32 $6.250000000e-02, v3;
	v19 =	vadd.f32 v59, v0;
	v27 =	vadd.f32 v63, v5  }
.LBB2_3:
0x122: {  	p0 =	sne.s32 s28, $0x1E00;
	v0 =	vld [tilespmem:s29+$0x20F0];
	v1 =	vmul.f32 $6.250000000e-02, v26;
	v3 =	vadd.f32 v25, v23  }
0x123: {  	v4 =	vld [tilespmem:s29+$0x1880];
	[tilespmem:s12+$0x11880] =	vst v28;
	v5 =	vmul.f32 $6.250000000e-02, v27;
	v6 =	vadd.f32 v24, v20  }
0x124: {  	v7 =	vld [tilespmem:s29+$0x28F0];
	[tilespmem:s12+$0x11890] =	vst v1;
	v1 =	vmul.f32 $6.250000000e-02, v3;
	v3 =	vadd.f32 v22, v19  }
0x125: {  	v8 =	vld [tilespmem:s29+$0x2080];
	[tilespmem:s12+$0x118A0] =	vst v5;
	v5 =	vmul.f32 $6.250000000e-02, v6;
	v6 =	vadd.f32 v21, v17  }
0x126: {  	v9 =	vld [tilespmem:s29+$0x30F0];
	[tilespmem:s12+$0x118B0] =	vst v1;
	v1 =	vmul.f32 $6.250000000e-02, v3  }
0x127: {  	v3 =	vld [tilespmem:s29+$0x1890];
	v0 =	vadd.f32 v0, v18;
	[tilespmem:s12+$0x118C0] =	vst v5;
	v5 =	vmul.f32 $6.250000000e-02, v6  }
0x128: {  	v6 =	vld [tilespmem:s29+$0x38F0];
	[tilespmem:s12+$0x118D0] =	vst v1  }
0x129: {  	v1 =	vld [tilespmem:s29+$0x2090];
	v0 =	vadd.f32 v7, v0;
	[tilespmem:s12+$0x118E0] =	vst v5;
	s12 =	smov.u32 s29  }
0x12a: {  	v4 =	vadd.f32 v8, v4;
	v5 =	vld [tilespmem:s12+$0x40F0]  }
0x12b: {  	v7 =	vld [tilespmem:s12+$0x18A0];
	v0 =	vadd.f32 v9, v0  }
0x12c: {  	v8 =	vld [tilespmem:s12+$0x48F0]  }
0x12d: {  	v9 =	vld [tilespmem:s12+$0x20A0];
	v0 =	vadd.f32 v6, v0  }
0x12e: {  	v1 =	vadd.f32 v1, v3;
	v3 =	vld [tilespmem:s12+$0x50F0]  }
0x12f: {  	v6 =	vld [tilespmem:s12+$0x18B0];
	v0 =	vadd.f32 v5, v0  }
0x130: {  	v5 =	vld [tilespmem:s12+$0x58F0]  }
0x131: {  	v10 =	vld [tilespmem:s12+$0x20B0];
	v0 =	vadd.f32 v8, v0  }
0x132: {  	v7 =	vadd.f32 v9, v7;
	v8 =	vld [tilespmem:s12+$0x60F0]  }
0x133: {  	v9 =	vld [tilespmem:s12+$0x18C0];
	v0 =	vadd.f32 v3, v0  }
0x134: {  	v3 =	vld [tilespmem:s12+$0x68F0]  }
0x135: {  	v11 =	vld [tilespmem:s12+$0x20C0];
	v0 =	vadd.f32 v5, v0  }
0x136: {  	v5 =	vadd.f32 v10, v6;
	v6 =	vld [tilespmem:s12+$0x70F0]  }
0x137: {  	v10 =	vld [tilespmem:s12+$0x18D0];
	v0 =	vadd.f32 v8, v0  }
0x138: {  	v8 =	vld [tilespmem:s12+$0x78F0]  }
0x139: {  	v12 =	vld [tilespmem:s12+$0x20D0];
	v0 =	vadd.f32 v3, v0  }
0x13a: {  	v3 =	vadd.f32 v11, v9;
	v9 =	vld [tilespmem:s12+$0x80F0]  }
0x13b: {  	v11 =	vld [tilespmem:s12+$0x18E0];
	v0 =	vadd.f32 v6, v0  }
0x13c: {  	v6 =	vld [tilespmem:s12+$0x88F0]  }
0x13d: {  	v13 =	vld [tilespmem:s12+$0x20E0];
	v0 =	vadd.f32 v8, v0  }
0x13e: {  	v8 =	vadd.f32 v12, v10;
	v10 =	vld [tilespmem:s12+$0x90F0]  }
0x13f: {  	v12 =	vld [tilespmem:s12+$0x2880];
	v0 =	vadd.f32 v9, v0  }
0x140: {  	v9 =	vld [tilespmem:s12+$0x2890]  }
0x141: {  	v14 =	vld [tilespmem:s12+$0x28A0];
	v0 =	vadd.f32 v6, v0  }
0x142: {  	v6 =	vld [tilespmem:s12+$0x28B0];
	v11 =	vadd.f32 v13, v11  }
0x143: {  	v13 =	vld [tilespmem:s12+$0x28C0];
	v0 =	vadd.f32 v10, v0  }
0x144: {  	v4 =	vadd.f32 v12, v4;
	v10 =	vld [tilespmem:s12+$0x28D0]  }
0x145: {  	v1 =	vadd.f32 v9, v1;
	v9 =	vld [tilespmem:s12+$0x28E0];
	v0 =	vmul.f32 $6.250000000e-02, v0  }
0x146: {  	v12 =	vld [tilespmem:s12+$0x3080];
	v7 =	vadd.f32 v14, v7  }
0x147: {  	v14 =	vld [tilespmem:s12+$0x3090];
	v5 =	vadd.f32 v6, v5;
	[tilespmem:s12+$0x118F0] =	vst v0  }
0x148: {  	v0 =	vld [tilespmem:s12+$0x30A0];
	v3 =	vadd.f32 v13, v3  }
0x149: {  	v6 =	vld [tilespmem:s12+$0x30B0];
	v8 =	vadd.f32 v10, v8  }
0x14a: {  	v10 =	vld [tilespmem:s12+$0x30C0];
	v9 =	vadd.f32 v9, v11  }
0x14b: {  	v4 =	vadd.f32 v12, v4;
	v11 =	vld [tilespmem:s12+$0x30D0]  }
0x14c: {  	v1 =	vadd.f32 v14, v1;
	v12 =	vld [tilespmem:s12+$0x30E0]  }
0x14d: {  	v13 =	vld [tilespmem:s12+$0x3880];
	v0 =	vadd.f32 v0, v7  }
0x14e: {  	v7 =	vld [tilespmem:s12+$0x3890];
	v5 =	vadd.f32 v6, v5  }
0x14f: {  	v6 =	vld [tilespmem:s12+$0x38A0];
	v3 =	vadd.f32 v10, v3  }
0x150: {  	v10 =	vld [tilespmem:s12+$0x38B0];
	v8 =	vadd.f32 v11, v8  }
0x151: {  	v11 =	vld [tilespmem:s12+$0x38C0];
	v9 =	vadd.f32 v12, v9  }
0x152: {  	v4 =	vadd.f32 v13, v4;
	v12 =	vld [tilespmem:s12+$0x38D0]  }
0x153: {  	v1 =	vadd.f32 v7, v1;
	v7 =	vld [tilespmem:s12+$0x38E0]  }
0x154: {  	v13 =	vld [tilespmem:s12+$0x4080];
	v0 =	vadd.f32 v6, v0  }
0x155: {  	v6 =	vld [tilespmem:s12+$0x4090];
	v5 =	vadd.f32 v10, v5  }
0x156: {  	v10 =	vld [tilespmem:s12+$0x40A0];
	v3 =	vadd.f32 v11, v3  }
0x157: {  	v11 =	vld [tilespmem:s12+$0x40B0];
	v8 =	vadd.f32 v12, v8  }
0x158: {  	v12 =	vld [tilespmem:s12+$0x40C0];
	v7 =	vadd.f32 v7, v9  }
0x159: {  	v4 =	vadd.f32 v13, v4;
	v9 =	vld [tilespmem:s12+$0x40D0]  }
0x15a: {  	v1 =	vadd.f32 v6, v1;
	v6 =	vld [tilespmem:s12+$0x40E0]  }
0x15b: {  	v13 =	vld [tilespmem:s12+$0x4880];
	v0 =	vadd.f32 v10, v0  }
0x15c: {  	v10 =	vld [tilespmem:s12+$0x4890];
	v5 =	vadd.f32 v11, v5  }
0x15d: {  	v11 =	vld [tilespmem:s12+$0x48A0];
	v3 =	vadd.f32 v12, v3  }
0x15e: {  	v12 =	vld [tilespmem:s12+$0x48B0];
	v8 =	vadd.f32 v9, v8  }
0x15f: {  	v9 =	vld [tilespmem:s12+$0x48C0];
	v6 =	vadd.f32 v6, v7  }
0x160: {  	v4 =	vadd.f32 v13, v4;
	v7 =	vld [tilespmem:s12+$0x48D0]  }
0x161: {  	v1 =	vadd.f32 v10, v1;
	v10 =	vld [tilespmem:s12+$0x48E0]  }
0x162: {  	v13 =	vld [tilespmem:s12+$0x5080];
	v0 =	vadd.f32 v11, v0  }
0x163: {  	v11 =	vld [tilespmem:s12+$0x5090];
	v5 =	vadd.f32 v12, v5  }
0x164: {  	v12 =	vld [tilespmem:s12+$0x50A0];
	v3 =	vadd.f32 v9, v3  }
0x165: {  	v9 =	vld [tilespmem:s12+$0x50B0];
	v7 =	vadd.f32 v7, v8  }
0x166: {  	v8 =	vld [tilespmem:s12+$0x50C0];
	v6 =	vadd.f32 v10, v6  }
0x167: {  	v4 =	vadd.f32 v13, v4;
	v10 =	vld [tilespmem:s12+$0x50D0]  }
0x168: {  	v1 =	vadd.f32 v11, v1;
	v11 =	vld [tilespmem:s12+$0x50E0]  }
0x169: {  	v13 =	vld [tilespmem:s12+$0x5880];
	v0 =	vadd.f32 v12, v0  }
0x16a: {  	v12 =	vld [tilespmem:s12+$0x5890];
	v5 =	vadd.f32 v9, v5  }
0x16b: {  	v9 =	vld [tilespmem:s12+$0x58A0];
	v3 =	vadd.f32 v8, v3  }
0x16c: {  	v8 =	vld [tilespmem:s12+$0x58B0];
	v7 =	vadd.f32 v10, v7  }
0x16d: {  	v10 =	vld [tilespmem:s12+$0x58C0];
	v6 =	vadd.f32 v11, v6  }
0x16e: {  	v4 =	vadd.f32 v13, v4;
	v11 =	vld [tilespmem:s12+$0x58D0]  }
0x16f: {  	v1 =	vadd.f32 v12, v1;
	v12 =	vld [tilespmem:s12+$0x58E0]  }
0x170: {  	v13 =	vld [tilespmem:s12+$0x6080];
	v0 =	vadd.f32 v9, v0  }
0x171: {  	v9 =	vld [tilespmem:s12+$0x6090];
	v5 =	vadd.f32 v8, v5  }
0x172: {  	v8 =	vld [tilespmem:s12+$0x60A0];
	v3 =	vadd.f32 v10, v3  }
0x173: {  	v10 =	vld [tilespmem:s12+$0x60B0];
	v7 =	vadd.f32 v11, v7  }
0x174: {  	v11 =	vld [tilespmem:s12+$0x60C0];
	v6 =	vadd.f32 v12, v6  }
0x175: {  	v4 =	vadd.f32 v13, v4;
	v12 =	vld [tilespmem:s12+$0x60D0]  }
0x176: {  	v1 =	vadd.f32 v9, v1;
	v9 =	vld [tilespmem:s12+$0x60E0]  }
0x177: {  	v13 =	vld [tilespmem:s12+$0x6880];
	v0 =	vadd.f32 v8, v0  }
0x178: {  	v8 =	vld [tilespmem:s12+$0x6890];
	v5 =	vadd.f32 v10, v5  }
0x179: {  	v10 =	vld [tilespmem:s12+$0x68A0];
	v3 =	vadd.f32 v11, v3  }
0x17a: {  	v11 =	vld [tilespmem:s12+$0x68B0];
	v7 =	vadd.f32 v12, v7  }
0x17b: {  	v12 =	vld [tilespmem:s12+$0x68C0];
	v6 =	vadd.f32 v9, v6  }
0x17c: {  	v4 =	vadd.f32 v13, v4;
	v9 =	vld [tilespmem:s12+$0x68D0]  }
0x17d: {  	v1 =	vadd.f32 v8, v1;
	v8 =	vld [tilespmem:s12+$0x68E0]  }
0x17e: {  	v13 =	vld [tilespmem:s12+$0x7080];
	v0 =	vadd.f32 v10, v0  }
0x17f: {  	v10 =	vld [tilespmem:s12+$0x7090];
	v5 =	vadd.f32 v11, v5  }
0x180: {  	v11 =	vld [tilespmem:s12+$0x70A0];
	v3 =	vadd.f32 v12, v3  }
0x181: {  	v12 =	vld [tilespmem:s12+$0x70B0];
	v7 =	vadd.f32 v9, v7  }
0x182: {  	v9 =	vld [tilespmem:s12+$0x70C0];
	v6 =	vadd.f32 v8, v6  }
0x183: {  	v4 =	vadd.f32 v13, v4;
	v8 =	vld [tilespmem:s12+$0x70D0]  }
0x184: {  	v1 =	vadd.f32 v10, v1;
	v10 =	vld [tilespmem:s12+$0x70E0]  }
0x185: {  	v13 =	vld [tilespmem:s12+$0x7880];
	v0 =	vadd.f32 v11, v0  }
0x186: {  	v11 =	vld [tilespmem:s12+$0x7890];
	v5 =	vadd.f32 v12, v5  }
0x187: {  	v12 =	vld [tilespmem:s12+$0x78A0];
	v3 =	vadd.f32 v9, v3  }
0x188: {  	v9 =	vld [tilespmem:s12+$0x78B0];
	v7 =	vadd.f32 v8, v7  }
0x189: {  	v8 =	vld [tilespmem:s12+$0x78C0];
	v6 =	vadd.f32 v10, v6  }
0x18a: {  	v4 =	vadd.f32 v13, v4;
	v10 =	vld [tilespmem:s12+$0x78D0]  }
0x18b: {  	v1 =	vadd.f32 v11, v1;
	v11 =	vld [tilespmem:s12+$0x78E0]  }
0x18c: {  	v13 =	vld [tilespmem:s12+$0x8080];
	v0 =	vadd.f32 v12, v0  }
0x18d: {  	v12 =	vld [tilespmem:s12+$0x8090];
	v5 =	vadd.f32 v9, v5  }
0x18e: {  	v9 =	vld [tilespmem:s12+$0x80A0];
	v3 =	vadd.f32 v8, v3  }
0x18f: {  	v8 =	vld [tilespmem:s12+$0x80B0];
	v7 =	vadd.f32 v10, v7  }
0x190: {  	v10 =	vld [tilespmem:s12+$0x80C0];
	v6 =	vadd.f32 v11, v6  }
0x191: {  	v4 =	vadd.f32 v13, v4;
	v11 =	vld [tilespmem:s12+$0x80D0]  }
0x192: {  	v1 =	vadd.f32 v12, v1;
	v12 =	vld [tilespmem:s12+$0x80E0]  }
0x193: {  	v13 =	vld [tilespmem:s12+$0x8880];
	v0 =	vadd.f32 v9, v0  }
0x194: {  	v9 =	vld [tilespmem:s12+$0x8890];
	v5 =	vadd.f32 v8, v5  }
0x195: {  	v8 =	vld [tilespmem:s12+$0x88A0];
	v3 =	vadd.f32 v10, v3  }
0x196: {  	v10 =	vld [tilespmem:s12+$0x88B0];
	v7 =	vadd.f32 v11, v7  }
0x197: {  	v11 =	vld [tilespmem:s12+$0x88C0];
	v6 =	vadd.f32 v12, v6  }
0x198: {  	v4 =	vadd.f32 v13, v4;
	v12 =	vld [tilespmem:s12+$0x88D0]  }
0x199: {  	v1 =	vadd.f32 v9, v1;
	v9 =	vld [tilespmem:s12+$0x88E0]  }
0x19a: {  	v13 =	vld [tilespmem:s12+$0x9080];
	v0 =	vadd.f32 v8, v0  }
0x19b: {  	v8 =	vld [tilespmem:s12+$0x9090];
	v23 =	vadd.f32 v10, v5  }
0x19c: {  	v5 =	vld [tilespmem:s12+$0x90A0];
	v20 =	vadd.f32 v11, v3  }
.Ltmp2:
0x19d: {  	v25 =	vld [tilespmem:s12+$0x90B0];
	v19 =	vadd.f32 v12, v7;
	(pc) =	sbr.rel @p0 .LBB2_3-.Ltmp2, $4  }
0x19e: {  	v24 =	vld [tilespmem:s12+$0x90C0];
	v17 =	vadd.f32 v9, v6  }
0x19f: {  	v3 =	vadd.f32 v13, v4;
	v22 =	vld [tilespmem:s12+$0x90D0]  }
0x1a0: {  	s29 =	sshra.s32 s28, $0x2;
	v26 =	vadd.f32 v8, v1;
	v21 =	vld [tilespmem:s12+$0x90E0]  }
0x1a1: {  	s28 =	sadd.s32 $0x200, s28;
	v18 =	vld [tilespmem:s29+$0x18F0];
	v28 =	vmul.f32 $6.250000000e-02, v3;
	v27 =	vadd.f32 v5, v0  }
0x1a2: {  	v0 =	vld [tilespmem:s29+$0x20F0];
	v3 =	vmul.f32 $6.250000000e-02, v26;
	v5 =	vadd.f32 v25, v23  }
0x1a3: {  	v1 =	vld [tilespmem:s29+$0x1880];
	[tilespmem:s12+$0x11880] =	vst v28;
	v6 =	vmul.f32 $6.250000000e-02, v27;
	v7 =	vadd.f32 v24, v20  }
0x1a4: {  	v4 =	vld [tilespmem:s29+$0x28F0];
	[tilespmem:s12+$0x11890] =	vst v3;
	v5 =	vmul.f32 $6.250000000e-02, v5;
	v8 =	vadd.f32 v22, v19  }
0x1a5: {  	v3 =	vld [tilespmem:s29+$0x2080];
	[tilespmem:s12+$0x118A0] =	vst v6;
	v7 =	vmul.f32 $6.250000000e-02, v7;
	v9 =	vadd.f32 v21, v17  }
0x1a6: {  	v6 =	vld [tilespmem:s29+$0x30F0];
	[tilespmem:s12+$0x118B0] =	vst v5;
	v8 =	vmul.f32 $6.250000000e-02, v8  }
0x1a7: {  	v5 =	vld [tilespmem:s29+$0x1890];
	[tilespmem:s12+$0x118C0] =	vst v7;
	v9 =	vmul.f32 $6.250000000e-02, v9  }
0x1a8: {  	v7 =	vld [tilespmem:s29+$0x38F0];
	[tilespmem:s12+$0x118D0] =	vst v8  }
0x1a9: {  	v8 =	vld [tilespmem:s29+$0x2090];
	[tilespmem:s12+$0x118E0] =	vst v9  }
0x1aa: {  	v44 =	vld [tilespmem:s29+$0x40F0]  }
0x1ab: {  	v9 =	vld [tilespmem:s29+$0x18A0]  }
0x1ac: {  	v45 =	vld [tilespmem:s29+$0x48F0]  }
0x1ad: {  	v10 =	vld [tilespmem:s29+$0x20A0]  }
0x1ae: {  	v46 =	vld [tilespmem:s29+$0x50F0]  }
0x1af: {  	v11 =	vld [tilespmem:s29+$0x18B0]  }
0x1b0: {  	v47 =	vld [tilespmem:s29+$0x58F0]  }
0x1b1: {  	v12 =	vld [tilespmem:s29+$0x20B0]  }
0x1b2: {  	v48 =	vld [tilespmem:s29+$0x60F0]  }
0x1b3: {  	v13 =	vld [tilespmem:s29+$0x18C0]  }
0x1b4: {  	v49 =	vld [tilespmem:s29+$0x68F0]  }
0x1b5: {  	v14 =	vld [tilespmem:s29+$0x20C0]  }
0x1b6: {  	v50 =	vld [tilespmem:s29+$0x70F0]  }
0x1b7: {  	v15 =	vld [tilespmem:s29+$0x18D0]  }
0x1b8: {  	v51 =	vld [tilespmem:s29+$0x78F0]  }
0x1b9: {  	v17 =	vld [tilespmem:s29+$0x20D0]  }
0x1ba: {  	v52 =	vld [tilespmem:s29+$0x80F0]  }
0x1bb: {  	v0 =	vadd.f32 v0, v18;
	v18 =	vld [tilespmem:s29+$0x18E0]  }
0x1bc: {  	v53 =	vld [tilespmem:s29+$0x88F0]  }
0x1bd: {  	v19 =	vld [tilespmem:s29+$0x20E0]  }
0x1be: {  	v54 =	vld [tilespmem:s29+$0x90F0]  }
0x1bf: {  	v20 =	vld [tilespmem:s29+$0x2880]  }
0x1c0: {  	v21 =	vld [tilespmem:s29+$0x28A0]  }
0x1c1: {  	v0 =	vadd.f32 v4, v0;
	v4 =	vld [tilespmem:s29+$0x28B0]  }
0x1c2: {  	v22 =	vld [tilespmem:s29+$0x28C0]  }
0x1c3: {  	v23 =	vld [tilespmem:s29+$0x28E0]  }
0x1c4: {  	v24 =	vld [tilespmem:s29+$0x3080]  }
0x1c5: {  	v25 =	vld [tilespmem:s29+$0x3090]  }
0x1c6: {  	v26 =	vld [tilespmem:s29+$0x30B0]  }
0x1c7: {  	v27 =	vld [tilespmem:s29+$0x30C0]  }
0x1c8: {  	v28 =	vld [tilespmem:s29+$0x30D0]  }
0x1c9: {  	v29 =	vld [tilespmem:s29+$0x30E0]  }
0x1ca: {  	v30 =	vld [tilespmem:s29+$0x3880]  }
0x1cb: {  	v31 =	vld [tilespmem:s29+$0x3890]  }
0x1cc: {  	v32 =	vld [tilespmem:s29+$0x38A0]  }
0x1cd: {  	v33 =	vld [tilespmem:s29+$0x38B0]  }
0x1ce: {  	v34 =	vld [tilespmem:s29+$0x38C0]  }
0x1cf: {  	v35 =	vld [tilespmem:s29+$0x38D0]  }
0x1d0: {  	v36 =	vld [tilespmem:s29+$0x38E0]  }
0x1d1: {  	v37 =	vld [tilespmem:s29+$0x4080]  }
0x1d2: {  	v38 =	vld [tilespmem:s29+$0x4090]  }
0x1d3: {  	v39 =	vld [tilespmem:s29+$0x40A0]  }
0x1d4: {  	v40 =	vld [tilespmem:s29+$0x40B0]  }
0x1d5: {  	v41 =	vld [tilespmem:s29+$0x40C0]  }
0x1d6: {  	v42 =	vld [tilespmem:s29+$0x40D0]  }
0x1d7: {  	v43 =	vld [tilespmem:s29+$0x40E0]  }
0x1d8: {  	v55 =	vld [tilespmem:s29+$0x50C0]  }
0x1d9: {  	v56 =	vld [tilespmem:s29+$0x50D0]  }
0x1da: {  	v57 =	vld [tilespmem:s29+$0x50E0]  }
0x1db: {  	v58 =	vld [tilespmem:s29+$0x5880]  }
0x1dc: {  	v59 =	vld [tilespmem:s29+$0x5890]  }
0x1dd: {  	v60 =	vld [tilespmem:s29+$0x58A0]  }
0x1de: {  	v61 =	vld [tilespmem:s29+$0x58B0]  }
0x1df: {  	v62 =	vld [tilespmem:s29+$0x58C0]  }
0x1e0: {  	v63 =	vld [tilespmem:s29+$0x58D0]  }
0x1e1: {  	v16 =	vld [tilespmem:s29+$0x58E0];
	v0 =	vadd.f32 v6, v0  }
0x1e2: {  	v1 =	vadd.f32 v3, v1;
	v3 =	vld [tilespmem:s29+$0x6080]  }
0x1e3: {  	v6 =	vld [tilespmem:s29+$0x28D0];
	v0 =	vadd.f32 v7, v0  }
0x1e4: {  	v7 =	vld [tilespmem:s29+$0x2890]  }
0x1e5: {  	v0 =	vadd.f32 v44, v0;
	v44 =	vld [tilespmem:s29+$0x4880]  }
0x1e6: {  	v5 =	vadd.f32 v8, v5;
	v8 =	vadd.f32 v10, v9;
	v9 =	vld [tilespmem:s29+$0x6090]  }
0x1e7: {  	v10 =	vadd.f32 v12, v11;
	v12 =	vld [tilespmem:s29+$0x60A0]  }
0x1e8: {  	v11 =	vadd.f32 v14, v13;
	v13 =	vadd.f32 v17, v15;
	v15 =	vld [tilespmem:s29+$0x60B0]  }
0x1e9: {  	v17 =	vld [tilespmem:s29+$0x6880]  }
0x1ea: {  	v14 =	vadd.f32 v19, v18;
	v18 =	vld [tilespmem:s29+$0x68A0]  }
0x1eb: {  	v19 =	vld [tilespmem:s29+$0x68B0]  }
0x1ec: {  	v1 =	vadd.f32 v20, v1;
	v20 =	vld [tilespmem:s29+$0x68C0]  }
0x1ed: {  	v0 =	vadd.f32 v45, v0;
	v45 =	vld [tilespmem:s29+$0x4890]  }
0x1ee: {  	v4 =	vadd.f32 v4, v10;
	v10 =	vld [tilespmem:s29+$0x60D0]  }
0x1ef: {  	v6 =	vadd.f32 v6, v13;
	v13 =	vld [tilespmem:s29+$0x60E0]  }
0x1f0: {  	v8 =	vadd.f32 v21, v8;
	v21 =	vld [tilespmem:s29+$0x68D0];
	v0 =	vadd.f32 v46, v0  }
0x1f1: {  	v11 =	vadd.f32 v22, v11;
	v22 =	vld [tilespmem:s29+$0x68E0]  }
0x1f2: {  	v14 =	vadd.f32 v23, v14;
	v23 =	vld [tilespmem:s29+$0x7080];
	v0 =	vadd.f32 v47, v0  }
0x1f3: {  	v1 =	vadd.f32 v24, v1;
	v24 =	vld [tilespmem:s29+$0x7090]  }
0x1f4: {  	v5 =	vadd.f32 v7, v5;
	v7 =	vld [tilespmem:s29+$0x60C0];
	v0 =	vadd.f32 v48, v0  }
0x1f5: {  	v46 =	vld [tilespmem:s29+$0x48A0];
	v4 =	vadd.f32 v26, v4;
	v11 =	vadd.f32 v27, v11  }
0x1f6: {  	v6 =	vadd.f32 v28, v6;
	v26 =	vld [tilespmem:s29+$0x70B0];
	v0 =	vadd.f32 v49, v0  }
0x1f7: {  	v14 =	vadd.f32 v29, v14;
	v1 =	vadd.f32 v30, v1;
	v27 =	vld [tilespmem:s29+$0x70C0]  }
0x1f8: {  	v28 =	vld [tilespmem:s29+$0x70D0];
	v5 =	vadd.f32 v25, v5;
	v0 =	vadd.f32 v50, v0  }
0x1f9: {  	v29 =	vld [tilespmem:s29+$0x70E0];
	v4 =	vadd.f32 v33, v4;
	v11 =	vadd.f32 v34, v11  }
0x1fa: {  	v30 =	vld [tilespmem:s29+$0x7880];
	v6 =	vadd.f32 v35, v6;
	v0 =	vadd.f32 v51, v0  }
0x1fb: {  	v14 =	vadd.f32 v36, v14;
	v1 =	vadd.f32 v37, v1;
	v48 =	vld [tilespmem:s29+$0x48C0]  }
0x1fc: {  	v47 =	vld [tilespmem:s29+$0x48B0];
	v5 =	vadd.f32 v31, v5;
	v0 =	vadd.f32 v52, v0  }
0x1fd: {  	v4 =	vadd.f32 v40, v4;
	v11 =	vadd.f32 v41, v11;
	v49 =	vld [tilespmem:s29+$0x48D0]  }
0x1fe: {  	v6 =	vadd.f32 v42, v6;
	v50 =	vld [tilespmem:s29+$0x48E0];
	v0 =	vadd.f32 v53, v0  }
0x1ff: {  	v25 =	vld [tilespmem:s29+$0x70A0];
	v14 =	vadd.f32 v43, v14;
	v5 =	vadd.f32 v38, v5  }
0x200: {  	v11 =	vadd.f32 v48, v11;
	v51 =	vld [tilespmem:s29+$0x5080];
	v0 =	vadd.f32 v54, v0  }
0x201: {  	v31 =	vld [tilespmem:s29+$0x7890];
	v1 =	vadd.f32 v44, v1;
	v5 =	vadd.f32 v45, v5  }
0x202: {  	v6 =	vadd.f32 v49, v6;
	v11 =	vadd.f32 v55, v11;
	v52 =	vld [tilespmem:s29+$0x5090];
	v0 =	vmul.f32 $6.250000000e-02, v0  }
0x203: {  	v40 =	vld [tilespmem:s29+$0x8090];
	v4 =	vadd.f32 v47, v4;
	v14 =	vadd.f32 v50, v14  }
0x204: {  	v6 =	vadd.f32 v56, v6;
	v11 =	vadd.f32 v62, v11;
	[tilespmem:s29+$0x118F0] =	vst v0;
	v0 =	vld [tilespmem:s29+$0x30A0]  }
0x205: {  	v41 =	vld [tilespmem:s29+$0x80A0];
	v1 =	vadd.f32 v51, v1;
	v14 =	vadd.f32 v57, v14  }
0x206: {  	v43 =	vld [tilespmem:s29+$0x80B0];
	v6 =	vadd.f32 v63, v6;
	v7 =	vadd.f32 v7, v11  }
0x207: {  	v44 =	vld [tilespmem:s29+$0x80C0];
	v5 =	vadd.f32 v52, v5;
	v1 =	vadd.f32 v58, v1  }
0x208: {  	v54 =	vld [tilespmem:s29+$0x50B0];
	v14 =	vadd.f32 v16, v14;
	v6 =	vadd.f32 v10, v6  }
0x209: {  	v45 =	vld [tilespmem:s29+$0x80D0];
	v7 =	vadd.f32 v20, v7;
	v0 =	vadd.f32 v0, v8  }
0x20a: {  	v47 =	vld [tilespmem:s29+$0x9090];
	v5 =	vadd.f32 v59, v5;
	v1 =	vadd.f32 v3, v1  }
0x20b: {  	v48 =	vld [tilespmem:s29+$0x90A0];
	v42 =	vadd.f32 v13, v14;
	v0 =	vadd.f32 v32, v0  }
0x20c: {  	v53 =	vld [tilespmem:s29+$0x50A0];
	v6 =	vadd.f32 v21, v6;
	v7 =	vadd.f32 v27, v7  }
0x20d: {  	v59 =	vld [tilespmem:s29+$0x78C0];
	v4 =	vadd.f32 v54, v4;
	v0 =	vadd.f32 v39, v0  }
0x20e: {  	v55 =	vld [tilespmem:s29+$0x78A0];
	v5 =	vadd.f32 v9, v5;
	v1 =	vadd.f32 v17, v1  }
0x20f: {  	v63 =	vld [tilespmem:s29+$0x78E0];
	v10 =	vadd.f32 v22, v42;
	v0 =	vadd.f32 v46, v0  }
0x210: {  	v50 =	vld [tilespmem:s29+$0x90C0];
	v6 =	vadd.f32 v28, v6;
	v4 =	vadd.f32 v61, v4  }
0x211: {  	v3 =	vld [tilespmem:s29+$0x8080];
	v1 =	vadd.f32 v23, v1;
	v0 =	vadd.f32 v53, v0  }
0x212: {  	v61 =	vld [tilespmem:s29+$0x78D0];
	v10 =	vadd.f32 v29, v10;
	v7 =	vadd.f32 v59, v7  }
0x213: {  	v8 =	vld [tilespmem:s29+$0x6890];
	v4 =	vadd.f32 v15, v4;
	v0 =	vadd.f32 v60, v0  }
0x214: {  	v15 =	vld [tilespmem:s29+$0x8880];
	v1 =	vadd.f32 v30, v1;
	v10 =	vadd.f32 v63, v10  }
0x215: {  	v57 =	vld [tilespmem:s29+$0x78B0];
	v7 =	vadd.f32 v44, v7;
	v0 =	vadd.f32 v12, v0  }
0x216: {  	v4 =	vadd.f32 v19, v4;
	v1 =	vadd.f32 v3, v1;
	v3 =	vld [tilespmem:s29+$0x9080]  }
0x217: {  	v16 =	vld [tilespmem:s29+$0x8890];
	v6 =	vadd.f32 v61, v6;
	v0 =	vadd.f32 v18, v0  }
0x218: {  	v19 =	vld [tilespmem:s29+$0x88C0];
	v4 =	vadd.f32 v26, v4;
	v5 =	vadd.f32 v8, v5  }
0x219: {  	v20 =	vld [tilespmem:s29+$0x88D0];
	v1 =	vadd.f32 v15, v1;
	v0 =	vadd.f32 v25, v0  }
0x21a: {  	v17 =	vld [tilespmem:s29+$0x88A0];
	v6 =	vadd.f32 v45, v6;
	v5 =	vadd.f32 v24, v5  }
0x21b: {  	v1 =	vadd.f32 v3, v1;
	v3 =	vld [tilespmem:s29+$0x90D0];
	v0 =	vadd.f32 v55, v0  }
0x21c: {  	v46 =	vld [tilespmem:s29+$0x80E0];
	v4 =	vadd.f32 v57, v4;
	v5 =	vadd.f32 v31, v5  }
0x21d: {  	v7 =	vadd.f32 v19, v7;
	v18 =	vld [tilespmem:s29+$0x88B0];
	v0 =	vadd.f32 v41, v0  }
0x21e: {  	v21 =	vld [tilespmem:s29+$0x88E0];
	v6 =	vadd.f32 v20, v6;
	v5 =	vadd.f32 v40, v5  }
0x21f: {  	v49 =	vld [tilespmem:s29+$0x90B0];
	v4 =	vadd.f32 v43, v4;
	v0 =	vadd.f32 v17, v0  }
0x220: {  	v51 =	vld [tilespmem:s29+$0x90E0];
	v3 =	vadd.f32 v3, v6;
	v5 =	vadd.f32 v16, v5  }
0x221: {  	v1 =	vmul.f32 $6.250000000e-02, v1;
	v10 =	vadd.f32 v46, v10;
	v0 =	vadd.f32 v48, v0  }
0x222: {  	v3 =	vmul.f32 $6.250000000e-02, v3;
	v5 =	vadd.f32 v47, v5;
	v4 =	vadd.f32 v18, v4  }
0x223: {  	[tilespmem:s29+$0x11880] =	vst v1;
	v1 =	vadd.f32 v50, v7;
	v52 =	vadd.f32 v21, v10;
	v0 =	vmul.f32 $6.250000000e-02, v0  }
0x224: {  	[tilespmem:s29+$0x118D0] =	vst v3;
	v5 =	vmul.f32 $6.250000000e-02, v5;
	v4 =	vadd.f32 v49, v4  }
0x225: {  	s12 =	sshll.u32 s11, $0x5;
	[tilespmem:s29+$0x118A0] =	vst v0;
	v0 =	vmul.f32 $6.250000000e-02, v1;
	v1 =	vadd.f32 v51, v52  }
0x226: {  	p0 =	seq.s32 s11, $0x0;
	s28 =	sadd.s32 s12, s9;
	[tilespmem:s29+$0x11890] =	vst v5;
	v4 =	vmul.f32 $6.250000000e-02, v4  }
0x227: {  	s28 =	smov.u32 @p0 s7;
	[tilespmem:s29+$0x118C0] =	vst v0;
	v0 =	vmul.f32 $6.250000000e-02, v1  }
0x228: {  	s28 =	sshll.u32 s28, $0x4;
	[tilespmem:s29+$0x118B0] =	vst v4  }
0x229: {  	[tilespmem:s29+$0x118E0] =	vst v0;
	s29 =	sadd.s32 s5, s28  }
0x22a: {  	[hbm4b:s29+s2] =	stream.linear.scatter [tilespmem:s26], [sflag:$0x5], $0x800, $0x38;
	[tilespmem:$0x12880] =	vst v63  }
0x22b: {  	p1 =	seq.s32 s11, $0x10;
	s28 =	sadd.s32 s6, s28  }
0x22c: {  	[hbm4b:s28+s2] =	stream.linear.scatter [tilespmem:s19], [sflag:$0x5], $0x800, $0x38;
	[tilespmem:$0x12880] =	vst v63  }
0x22d: {  	v0 =	vld @!p1 [tilespmem:s12+$0x280];
	_ =	sdelay $0x4  }
0x22e: {  	v0 =	vshll.u32 @!p1 v0, $0x4  }
0x22f: {  	[tilespmem:$0x480] =	vst @!p1 v0;
	v1 =	vor.u32 @!p1 $0x1, v0  }
0x230: {  	[tilespmem:$0x490] =	vst @!p1 v1;
	v1 =	vor.u32 @!p1 $0x2, v0  }
0x231: {  	[tilespmem:$0x4A0] =	vst @!p1 v1;
	v1 =	vor.u32 @!p1 $0x3, v0  }
0x232: {  	[tilespmem:$0x4B0] =	vst @!p1 v1;
	v1 =	vor.u32 @!p1 $0x4, v0  }
0x233: {  	[tilespmem:$0x4C0] =	vst @!p1 v1;
	v1 =	vor.u32 @!p1 $0x5, v0  }
0x234: {  	[tilespmem:$0x4D0] =	vst @!p1 v1;
	v1 =	vor.u32 @!p1 $0x6, v0  }
0x235: {  	[tilespmem:$0x4E0] =	vst @!p1 v1;
	v1 =	vor.u32 @!p1 $0x7, v0  }
0x236: {  	[tilespmem:$0x4F0] =	vst @!p1 v1;
	v1 =	vor.u32 @!p1 $0x8, v0  }
0x237: {  	[tilespmem:$0x500] =	vst @!p1 v1;
	v1 =	vor.u32 @!p1 $0x9, v0  }
0x238: {  	[tilespmem:$0x510] =	vst @!p1 v1;
	v1 =	vor.u32 @!p1 $0xA, v0  }
0x239: {  	[tilespmem:$0x520] =	vst @!p1 v1;
	v1 =	vor.u32 @!p1 $0xB, v0  }
0x23a: {  	[tilespmem:$0x530] =	vst @!p1 v1;
	v1 =	vor.u32 @!p1 $0xC, v0  }
0x23b: {  	[tilespmem:$0x540] =	vst @!p1 v1;
	v1 =	vor.u32 @!p1 $0xD, v0  }
0x23c: {  	[tilespmem:$0x550] =	vst @!p1 v1;
	v1 =	vor.u32 @!p1 $0xE, v0  }
0x23d: {  	v0 =	vor.u32 @!p1 $0xF, v0;
	[tilespmem:$0x560] =	vst @!p1 v1  }
0x23e: {  	s30 =	simm.s32 @!p1 $0x680;
	s29 =	simm.s32 @!p1 $0x480;
	s28 =	simm.s32 @!p1 $0x80;
	[tilespmem:$0x570] =	vst @!p1 v0  }
0x23f: {  	[tilespmem:s30], [sflag:$0x1] =	stream.indirect.gather @!p1 [hbm4b:s4+s28], $0x1, s29, s28, $0xb8;
	[tilespmem:$0x12880] =	vst v63  }
0x240: {  	s29 =	simm.s32 @!p1 $0x500;
	s30 =	simm.s32 @!p1 $0x700  }
0x241: {  	[tilespmem:s30], [sflag:$0x1] =	stream.indirect.gather @!p1 [hbm4b:s4+s28], $0x1, s29, s28, $0xb8;
	[tilespmem:$0x12880] =	vst v63  }
0x242: {  	_ =	swait.ge [sflag:s20], $0x8000  }
0x243: {  	[sflag:s20] =	ssyncset.done $0x0  }
0x244: {  	[sflag:s20] =	ssyncadd.s32 $0xFFFF8000  }
0x245: {  	_ =	swait.ge [sflag:s20], $0x800  }
0x246: {  	[sflag:s20] =	ssyncset.done $0x0  }
0x247: {  	s28 =	simm.s32 $0x0;
	[sflag:s20] =	ssyncadd.s32 $0xFFFFF800  }
0x248: {  	v0 =	vld [tilespmem:s28+$0x98F0]  }
0x249: {  	v1 =	vld [tilespmem:s28+$0xA0F0]  }
0x24a: {  	v3 =	vld [tilespmem:s28+$0x9880]  }
0x24b: {  	v53 =	vld [tilespmem:s28+$0xA8F0]  }
0x24c: {  	v5 =	vld [tilespmem:s28+$0xA080]  }
0x24d: {  	v54 =	vld [tilespmem:s28+$0xB0F0]  }
0x24e: {  	v7 =	vld [tilespmem:s28+$0x9890]  }
0x24f: {  	v8 =	vld [tilespmem:s28+$0xA090]  }
0x250: {  	v55 =	vld [tilespmem:s28+$0xC0F0]  }
0x251: {  	v9 =	vld [tilespmem:s28+$0x98A0]  }
0x252: {  	v56 =	vld [tilespmem:s28+$0xC8F0]  }
0x253: {  	v10 =	vld [tilespmem:s28+$0xA0A0]  }
0x254: {  	v11 =	vld [tilespmem:s28+$0x98B0]  }
0x255: {  	v57 =	vld [tilespmem:s28+$0xD8F0]  }
0x256: {  	v12 =	vld [tilespmem:s28+$0xA0B0]  }
0x257: {  	v58 =	vld [tilespmem:s28+$0xE0F0]  }
0x258: {  	v13 =	vld [tilespmem:s28+$0x98C0]  }
0x259: {  	v14 =	vld [tilespmem:s28+$0xA0C0]  }
0x25a: {  	v59 =	vld [tilespmem:s28+$0xF0F0]  }
0x25b: {  	v15 =	vld [tilespmem:s28+$0x98D0]  }
0x25c: {  	v60 =	vld [tilespmem:s28+$0xF8F0]  }
0x25d: {  	v16 =	vld [tilespmem:s28+$0xA0D0]  }
0x25e: {  	v17 =	vld [tilespmem:s28+$0x98E0]  }
0x25f: {  	v61 =	vld [tilespmem:s28+$0x108F0]  }
0x260: {  	v18 =	vld [tilespmem:s28+$0xA0E0]  }
0x261: {  	v62 =	vld [tilespmem:s28+$0x110F0]  }
0x262: {  	v19 =	vld [tilespmem:s28+$0xA880]  }
0x263: {  	v20 =	vld [tilespmem:s28+$0xA8A0]  }
0x264: {  	v4 =	vld [tilespmem:s28+$0xA8B0]  }
0x265: {  	v21 =	vld [tilespmem:s28+$0xA8C0]  }
0x266: {  	v6 =	vld [tilespmem:s28+$0xA8D0]  }
0x267: {  	v22 =	vld [tilespmem:s28+$0xA8E0]  }
0x268: {  	v23 =	vld [tilespmem:s28+$0xB080]  }
0x269: {  	v24 =	vld [tilespmem:s28+$0xB090]  }
0x26a: {  	v25 =	vld [tilespmem:s28+$0xB0B0]  }
0x26b: {  	v26 =	vld [tilespmem:s28+$0xB0C0]  }
0x26c: {  	v27 =	vld [tilespmem:s28+$0xB0D0]  }
0x26d: {  	v28 =	vld [tilespmem:s28+$0xB0E0]  }
0x26e: {  	v29 =	vld [tilespmem:s28+$0xB880]  }
0x26f: {  	v30 =	vld [tilespmem:s28+$0xB890]  }
0x270: {  	v31 =	vld [tilespmem:s28+$0xB8A0]  }
0x271: {  	v32 =	vld [tilespmem:s28+$0xB8B0]  }
0x272: {  	v33 =	vld [tilespmem:s28+$0xB8C0]  }
0x273: {  	v34 =	vld [tilespmem:s28+$0xB8D0]  }
0x274: {  	v35 =	vld [tilespmem:s28+$0xB8E0]  }
0x275: {  	v36 =	vld [tilespmem:s28+$0xC080]  }
0x276: {  	v37 =	vld [tilespmem:s28+$0xC090]  }
0x277: {  	v38 =	vld [tilespmem:s28+$0xC0A0]  }
0x278: {  	v39 =	vld [tilespmem:s28+$0xC0B0]  }
0x279: {  	v40 =	vld [tilespmem:s28+$0xC0C0]  }
0x27a: {  	v41 =	vld [tilespmem:s28+$0xC0D0]  }
0x27b: {  	v42 =	vld [tilespmem:s28+$0xC0E0]  }
0x27c: {  	v43 =	vld [tilespmem:s28+$0xC880]  }
0x27d: {  	v44 =	vld [tilespmem:s28+$0xC890]  }
0x27e: {  	v45 =	vld [tilespmem:s28+$0xC8A0]  }
0x27f: {  	v46 =	vld [tilespmem:s28+$0xC8B0]  }
0x280: {  	v47 =	vld [tilespmem:s28+$0xC8C0]  }
0x281: {  	v48 =	vld [tilespmem:s28+$0xC8D0]  }
0x282: {  	v49 =	vld [tilespmem:s28+$0xC8E0]  }
0x283: {  	v50 =	vld [tilespmem:s28+$0xD080]  }
0x284: {  	v51 =	vld [tilespmem:s28+$0xD090]  }
0x285: {  	v52 =	vld [tilespmem:s28+$0xD0A0]  }
0x286: {  	v0 =	vadd.f32 v1, v0;
	v1 =	vld [tilespmem:s28+$0xB8F0]  }
0x287: {  	v3 =	vadd.f32 v5, v3;
	v5 =	vld [tilespmem:s28+$0xD8E0]  }
0x288: {  	v7 =	vadd.f32 v8, v7;
	v8 =	vadd.f32 v10, v9;
	v9 =	vld [tilespmem:s28+$0xE080]  }
0x289: {  	v10 =	vadd.f32 v12, v11;
	v12 =	vld [tilespmem:s28+$0xE090]  }
0x28a: {  	v11 =	vadd.f32 v14, v13;
	v13 =	vadd.f32 v16, v15;
	v15 =	vld [tilespmem:s28+$0xE0A0]  }
0x28b: {  	v16 =	vld [tilespmem:s28+$0xE0E0]  }
0x28c: {  	v63 =	vadd.f32 v18, v17;
	v17 =	vld [tilespmem:s28+$0xE890]  }
0x28d: {  	v18 =	vld [tilespmem:s28+$0xE8A0];
	v0 =	vadd.f32 v53, v0  }
0x28e: {  	v53 =	vld [tilespmem:s28+$0xD0B0]  }
0x28f: {  	v4 =	vadd.f32 v4, v10;
	v10 =	vld [tilespmem:s28+$0xE0C0];
	v0 =	vadd.f32 v54, v0  }
0x290: {  	v6 =	vadd.f32 v6, v13;
	v13 =	vld [tilespmem:s28+$0xE0D0]  }
0x291: {  	v14 =	vadd.f32 v22, v63;
	v63 =	vld [tilespmem:s28+$0xE880];
	v0 =	vadd.f32 v1, v0  }
0x292: {  	v1 =	vld [tilespmem:s28+$0xD0F0]  }
0x293: {  	v3 =	vadd.f32 v19, v3;
	v19 =	vld [tilespmem:s28+$0xE8B0];
	v0 =	vadd.f32 v55, v0  }
0x294: {  	v8 =	vadd.f32 v20, v8;
	v20 =	vld [tilespmem:s28+$0xE8C0]  }
0x295: {  	v11 =	vadd.f32 v21, v11;
	v21 =	vld [tilespmem:s28+$0xE8D0];
	v0 =	vadd.f32 v56, v0  }
0x296: {  	v22 =	vld [tilespmem:s28+$0xE8E0]  }
0x297: {  	v54 =	vld [tilespmem:s28+$0xD0C0];
	v0 =	vadd.f32 v1, v0  }
0x298: {  	v3 =	vadd.f32 v23, v3;
	v1 =	vld [tilespmem:s28+$0xE8F0]  }
0x299: {  	v4 =	vadd.f32 v25, v4;
	v23 =	vld [tilespmem:s28+$0xF080];
	v0 =	vadd.f32 v57, v0  }
0x29a: {  	v11 =	vadd.f32 v26, v11;
	v6 =	vadd.f32 v27, v6;
	v25 =	vld [tilespmem:s28+$0xF0A0]  }
0x29b: {  	v14 =	vadd.f32 v28, v14;
	v26 =	vld [tilespmem:s28+$0xF0B0];
	v0 =	vadd.f32 v58, v0  }
0x29c: {  	v27 =	vld [tilespmem:s28+$0xF0C0];
	v3 =	vadd.f32 v29, v3;
	v4 =	vadd.f32 v32, v4  }
0x29d: {  	v28 =	vld [tilespmem:s28+$0xF0D0];
	v11 =	vadd.f32 v33, v11;
	v0 =	vadd.f32 v1, v0  }
0x29e: {  	v6 =	vadd.f32 v34, v6;
	v14 =	vadd.f32 v35, v14;
	v1 =	vld [tilespmem:s28+$0x100F0]  }
0x29f: {  	v29 =	vld [tilespmem:s28+$0xF0E0];
	v3 =	vadd.f32 v36, v3;
	v0 =	vadd.f32 v59, v0  }
0x2a0: {  	v4 =	vadd.f32 v39, v4;
	v6 =	vadd.f32 v41, v6;
	v56 =	vld [tilespmem:s28+$0xD0E0]  }
0x2a1: {  	v55 =	vld [tilespmem:s28+$0xD0D0];
	v14 =	vadd.f32 v42, v14;
	v0 =	vadd.f32 v60, v0  }
0x2a2: {  	v3 =	vadd.f32 v43, v3;
	v6 =	vadd.f32 v48, v6;
	v48 =	vld [tilespmem:s28+$0xF8A0]  }
0x2a3: {  	v14 =	vadd.f32 v49, v14;
	v57 =	vld [tilespmem:s28+$0xD880];
	v0 =	vadd.f32 v1, v0  }
0x2a4: {  	v4 =	vadd.f32 v46, v4;
	v49 =	vld [tilespmem:s28+$0xF8B0];
	v3 =	vadd.f32 v50, v3  }
0x2a5: {  	v50 =	vld [tilespmem:s28+$0xF8C0];
	v14 =	vadd.f32 v56, v14;
	v0 =	vadd.f32 v61, v0  }
0x2a6: {  	v11 =	vadd.f32 v40, v11;
	v4 =	vadd.f32 v53, v4;
	v1 =	vld [tilespmem:s28+$0xA890]  }
0x2a7: {  	v53 =	vld [tilespmem:s28+$0x10080];
	v5 =	vadd.f32 v5, v14;
	v0 =	vadd.f32 v62, v0  }
0x2a8: {  	v11 =	vadd.f32 v47, v11;
	v3 =	vadd.f32 v57, v3;
	v60 =	vld [tilespmem:s28+$0xD8B0]  }
0x2a9: {  	v5 =	vadd.f32 v16, v5;
	v61 =	vld [tilespmem:s28+$0xD8C0];
	v0 =	vmul.f32 $6.250000000e-02, v0  }
0x2aa: {  	v11 =	vadd.f32 v54, v11;
	v3 =	vadd.f32 v9, v3;
	v62 =	vld [tilespmem:s28+$0xD8D0]  }
0x2ab: {  	v5 =	vadd.f32 v22, v5;
	v1 =	vadd.f32 v1, v7;
	[tilespmem:s28+$0x120F0] =	vst v0;
	v0 =	vld [tilespmem:s28+$0xB0A0]  }
0x2ac: {  	v6 =	vadd.f32 v55, v6;
	v3 =	vadd.f32 v63, v3;
	v7 =	vld [tilespmem:s28+$0xE0B0]  }
0x2ad: {  	v55 =	vld [tilespmem:s28+$0x10090];
	v5 =	vadd.f32 v29, v5;
	v1 =	vadd.f32 v24, v1  }
0x2ae: {  	v56 =	vld [tilespmem:s28+$0x100A0];
	v3 =	vadd.f32 v23, v3;
	v4 =	vadd.f32 v60, v4  }
0x2af: {  	v58 =	vld [tilespmem:s28+$0xD890];
	v11 =	vadd.f32 v61, v11;
	v1 =	vadd.f32 v30, v1  }
0x2b0: {  	v57 =	vld [tilespmem:s28+$0x100B0];
	v6 =	vadd.f32 v62, v6;
	v0 =	vadd.f32 v0, v8  }
0x2b1: {  	v16 =	vld [tilespmem:s28+$0x10880];
	v54 =	vadd.f32 v10, v11;
	v4 =	vadd.f32 v7, v4  }
0x2b2: {  	v59 =	vld [tilespmem:s28+$0xD8A0];
	v1 =	vadd.f32 v37, v1;
	v0 =	vadd.f32 v31, v0  }
0x2b3: {  	v30 =	vld [tilespmem:s28+$0xF880];
	v6 =	vadd.f32 v13, v6;
	v7 =	vadd.f32 v20, v54  }
0x2b4: {  	v63 =	vld [tilespmem:s28+$0x110A0];
	v4 =	vadd.f32 v19, v4;
	v0 =	vadd.f32 v38, v0  }
0x2b5: {  	v24 =	vld [tilespmem:s28+$0xF090];
	v1 =	vadd.f32 v44, v1;
	v6 =	vadd.f32 v21, v6  }
0x2b6: {  	v61 =	vld [tilespmem:s28+$0x11080];
	v7 =	vadd.f32 v27, v7;
	v0 =	vadd.f32 v45, v0  }
0x2b7: {  	v62 =	vld [tilespmem:s28+$0x11090];
	v4 =	vadd.f32 v26, v4;
	v1 =	vadd.f32 v51, v1  }
0x2b8: {  	v20 =	vld [tilespmem:s28+$0x108C0];
	v3 =	vadd.f32 v30, v3;
	v0 =	vadd.f32 v52, v0  }
0x2b9: {  	v19 =	vld [tilespmem:s28+$0x108B0];
	v6 =	vadd.f32 v28, v6;
	v1 =	vadd.f32 v58, v1  }
0x2ba: {  	v51 =	vld [tilespmem:s28+$0xF8D0];
	v7 =	vadd.f32 v50, v7;
	v0 =	vadd.f32 v59, v0  }
0x2bb: {  	v31 =	vld [tilespmem:s28+$0xF890];
	v4 =	vadd.f32 v49, v4;
	v1 =	vadd.f32 v12, v1  }
0x2bc: {  	v3 =	vadd.f32 v53, v3;
	v58 =	vld [tilespmem:s28+$0x100C0];
	v0 =	vadd.f32 v15, v0  }
0x2bd: {  	v4 =	vadd.f32 v57, v4;
	v52 =	vld [tilespmem:s28+$0xF8E0];
	v1 =	vadd.f32 v17, v1  }
0x2be: {  	v3 =	vadd.f32 v16, v3;
	v17 =	vld [tilespmem:s28+$0x10890];
	v0 =	vadd.f32 v18, v0  }
0x2bf: {  	v6 =	vadd.f32 v51, v6;
	v59 =	vld [tilespmem:s28+$0x100D0];
	v1 =	vadd.f32 v24, v1  }
0x2c0: {  	v23 =	vadd.f32 v19, v4;
	v15 =	vld [tilespmem:s28+$0x100E0];
	v0 =	vadd.f32 v25, v0  }
0x2c1: {  	v7 =	vadd.f32 v58, v7;
	v1 =	vadd.f32 v31, v1;
	v18 =	vld [tilespmem:s28+$0x108A0]  }
0x2c2: {  	v21 =	vld [tilespmem:s28+$0x108D0];
	v3 =	vadd.f32 v61, v3;
	v0 =	vadd.f32 v48, v0  }
0x2c3: {  	v60 =	vld [tilespmem:s28+$0x108E0];
	v20 =	vadd.f32 v20, v7;
	v1 =	vadd.f32 v55, v1  }
0x2c4: {  	v5 =	vadd.f32 v52, v5;
	v25 =	vld [tilespmem:s28+$0x110B0];
	v0 =	vadd.f32 v56, v0  }
0x2c5: {  	v24 =	vld [tilespmem:s28+$0x110C0];
	v6 =	vadd.f32 v59, v6;
	v1 =	vadd.f32 v17, v1  }
0x2c6: {  	v22 =	vld [tilespmem:s28+$0x110D0];
	v5 =	vadd.f32 v15, v5;
	v0 =	vadd.f32 v18, v0  }
0x2c7: {  	s30 =	simm.s32 $0x80;
	v19 =	vadd.f32 v21, v6;
	v21 =	vld [tilespmem:s28+$0x110E0];
	v26 =	vadd.f32 v62, v1  }
0x2c8: {  	s29 =	simm.s32 $0x400;
	v28 =	vmul.f32 $6.250000000e-02, v3;
	v17 =	vadd.f32 v60, v5;
	v18 =	vld [tilespmem:s30+$0x98F0];
	v27 =	vadd.f32 v63, v0  }
.LBB2_5:
0x2c9: {  	p2 =	sne.s32 s29, $0x1E00;
	v0 =	vld [tilespmem:s30+$0xA0F0];
	v1 =	vmul.f32 $6.250000000e-02, v26;
	v3 =	vadd.f32 v25, v23  }
0x2ca: {  	v4 =	vld [tilespmem:s30+$0x9880];
	[tilespmem:s28+$0x12080] =	vst v28;
	v5 =	vmul.f32 $6.250000000e-02, v27;
	v6 =	vadd.f32 v24, v20  }
0x2cb: {  	v7 =	vld [tilespmem:s30+$0xA8F0];
	[tilespmem:s28+$0x12090] =	vst v1;
	v1 =	vmul.f32 $6.250000000e-02, v3;
	v3 =	vadd.f32 v22, v19  }
0x2cc: {  	v8 =	vld [tilespmem:s30+$0xA080];
	[tilespmem:s28+$0x120A0] =	vst v5;
	v5 =	vmul.f32 $6.250000000e-02, v6;
	v6 =	vadd.f32 v21, v17  }
0x2cd: {  	v9 =	vld [tilespmem:s30+$0xB0F0];
	[tilespmem:s28+$0x120B0] =	vst v1;
	v1 =	vmul.f32 $6.250000000e-02, v3  }
0x2ce: {  	v3 =	vld [tilespmem:s30+$0x9890];
	v0 =	vadd.f32 v0, v18;
	[tilespmem:s28+$0x120C0] =	vst v5;
	v5 =	vmul.f32 $6.250000000e-02, v6  }
0x2cf: {  	v6 =	vld [tilespmem:s30+$0xB8F0];
	[tilespmem:s28+$0x120D0] =	vst v1  }
0x2d0: {  	v1 =	vld [tilespmem:s30+$0xA090];
	v0 =	vadd.f32 v7, v0;
	[tilespmem:s28+$0x120E0] =	vst v5;
	s28 =	smov.u32 s30  }
0x2d1: {  	v4 =	vadd.f32 v8, v4;
	v5 =	vld [tilespmem:s28+$0xC0F0]  }
0x2d2: {  	v7 =	vld [tilespmem:s28+$0x98A0];
	v0 =	vadd.f32 v9, v0  }
0x2d3: {  	v8 =	vld [tilespmem:s28+$0xC8F0]  }
0x2d4: {  	v9 =	vld [tilespmem:s28+$0xA0A0];
	v0 =	vadd.f32 v6, v0  }
0x2d5: {  	v1 =	vadd.f32 v1, v3;
	v3 =	vld [tilespmem:s28+$0xD0F0]  }
0x2d6: {  	v6 =	vld [tilespmem:s28+$0x98B0];
	v0 =	vadd.f32 v5, v0  }
0x2d7: {  	v5 =	vld [tilespmem:s28+$0xD8F0]  }
0x2d8: {  	v10 =	vld [tilespmem:s28+$0xA0B0];
	v0 =	vadd.f32 v8, v0  }
0x2d9: {  	v7 =	vadd.f32 v9, v7;
	v8 =	vld [tilespmem:s28+$0xE0F0]  }
0x2da: {  	v9 =	vld [tilespmem:s28+$0x98C0];
	v0 =	vadd.f32 v3, v0  }
0x2db: {  	v3 =	vld [tilespmem:s28+$0xE8F0]  }
0x2dc: {  	v11 =	vld [tilespmem:s28+$0xA0C0];
	v0 =	vadd.f32 v5, v0  }
0x2dd: {  	v5 =	vadd.f32 v10, v6;
	v6 =	vld [tilespmem:s28+$0xF0F0]  }
0x2de: {  	v10 =	vld [tilespmem:s28+$0x98D0];
	v0 =	vadd.f32 v8, v0  }
0x2df: {  	v8 =	vld [tilespmem:s28+$0xF8F0]  }
0x2e0: {  	v12 =	vld [tilespmem:s28+$0xA0D0];
	v0 =	vadd.f32 v3, v0  }
0x2e1: {  	v3 =	vadd.f32 v11, v9;
	v9 =	vld [tilespmem:s28+$0x100F0]  }
0x2e2: {  	v11 =	vld [tilespmem:s28+$0x98E0];
	v0 =	vadd.f32 v6, v0  }
0x2e3: {  	v6 =	vld [tilespmem:s28+$0x108F0]  }
0x2e4: {  	v13 =	vld [tilespmem:s28+$0xA0E0];
	v0 =	vadd.f32 v8, v0  }
0x2e5: {  	v8 =	vadd.f32 v12, v10;
	v10 =	vld [tilespmem:s28+$0x110F0]  }
0x2e6: {  	v12 =	vld [tilespmem:s28+$0xA880];
	v0 =	vadd.f32 v9, v0  }
0x2e7: {  	v9 =	vld [tilespmem:s28+$0xA890]  }
0x2e8: {  	v14 =	vld [tilespmem:s28+$0xA8A0];
	v0 =	vadd.f32 v6, v0  }
0x2e9: {  	v6 =	vld [tilespmem:s28+$0xA8B0];
	v11 =	vadd.f32 v13, v11  }
0x2ea: {  	v13 =	vld [tilespmem:s28+$0xA8C0];
	v0 =	vadd.f32 v10, v0  }
0x2eb: {  	v4 =	vadd.f32 v12, v4;
	v10 =	vld [tilespmem:s28+$0xA8D0]  }
0x2ec: {  	v1 =	vadd.f32 v9, v1;
	v9 =	vld [tilespmem:s28+$0xA8E0];
	v0 =	vmul.f32 $6.250000000e-02, v0  }
0x2ed: {  	v12 =	vld [tilespmem:s28+$0xB080];
	v7 =	vadd.f32 v14, v7  }
0x2ee: {  	v14 =	vld [tilespmem:s28+$0xB090];
	v5 =	vadd.f32 v6, v5;
	[tilespmem:s28+$0x120F0] =	vst v0  }
0x2ef: {  	v0 =	vld [tilespmem:s28+$0xB0A0];
	v3 =	vadd.f32 v13, v3  }
0x2f0: {  	v6 =	vld [tilespmem:s28+$0xB0B0];
	v8 =	vadd.f32 v10, v8  }
0x2f1: {  	v10 =	vld [tilespmem:s28+$0xB0C0];
	v9 =	vadd.f32 v9, v11  }
0x2f2: {  	v4 =	vadd.f32 v12, v4;
	v11 =	vld [tilespmem:s28+$0xB0D0]  }
0x2f3: {  	v1 =	vadd.f32 v14, v1;
	v12 =	vld [tilespmem:s28+$0xB0E0]  }
0x2f4: {  	v13 =	vld [tilespmem:s28+$0xB880];
	v0 =	vadd.f32 v0, v7  }
0x2f5: {  	v7 =	vld [tilespmem:s28+$0xB890];
	v5 =	vadd.f32 v6, v5  }
0x2f6: {  	v6 =	vld [tilespmem:s28+$0xB8A0];
	v3 =	vadd.f32 v10, v3  }
0x2f7: {  	v10 =	vld [tilespmem:s28+$0xB8B0];
	v8 =	vadd.f32 v11, v8  }
0x2f8: {  	v11 =	vld [tilespmem:s28+$0xB8C0];
	v9 =	vadd.f32 v12, v9  }
0x2f9: {  	v4 =	vadd.f32 v13, v4;
	v12 =	vld [tilespmem:s28+$0xB8D0]  }
0x2fa: {  	v1 =	vadd.f32 v7, v1;
	v7 =	vld [tilespmem:s28+$0xB8E0]  }
0x2fb: {  	v13 =	vld [tilespmem:s28+$0xC080];
	v0 =	vadd.f32 v6, v0  }
0x2fc: {  	v6 =	vld [tilespmem:s28+$0xC090];
	v5 =	vadd.f32 v10, v5  }
0x2fd: {  	v10 =	vld [tilespmem:s28+$0xC0A0];
	v3 =	vadd.f32 v11, v3  }
0x2fe: {  	v11 =	vld [tilespmem:s28+$0xC0B0];
	v8 =	vadd.f32 v12, v8  }
0x2ff: {  	v12 =	vld [tilespmem:s28+$0xC0C0];
	v7 =	vadd.f32 v7, v9  }
0x300: {  	v4 =	vadd.f32 v13, v4;
	v9 =	vld [tilespmem:s28+$0xC0D0]  }
0x301: {  	v1 =	vadd.f32 v6, v1;
	v6 =	vld [tilespmem:s28+$0xC0E0]  }
0x302: {  	v13 =	vld [tilespmem:s28+$0xC880];
	v0 =	vadd.f32 v10, v0  }
0x303: {  	v10 =	vld [tilespmem:s28+$0xC890];
	v5 =	vadd.f32 v11, v5  }
0x304: {  	v11 =	vld [tilespmem:s28+$0xC8A0];
	v3 =	vadd.f32 v12, v3  }
0x305: {  	v12 =	vld [tilespmem:s28+$0xC8B0];
	v8 =	vadd.f32 v9, v8  }
0x306: {  	v9 =	vld [tilespmem:s28+$0xC8C0];
	v6 =	vadd.f32 v6, v7  }
0x307: {  	v4 =	vadd.f32 v13, v4;
	v7 =	vld [tilespmem:s28+$0xC8D0]  }
0x308: {  	v1 =	vadd.f32 v10, v1;
	v10 =	vld [tilespmem:s28+$0xC8E0]  }
0x309: {  	v13 =	vld [tilespmem:s28+$0xD080];
	v0 =	vadd.f32 v11, v0  }
0x30a: {  	v11 =	vld [tilespmem:s28+$0xD090];
	v5 =	vadd.f32 v12, v5  }
0x30b: {  	v12 =	vld [tilespmem:s28+$0xD0A0];
	v3 =	vadd.f32 v9, v3  }
0x30c: {  	v9 =	vld [tilespmem:s28+$0xD0B0];
	v7 =	vadd.f32 v7, v8  }
0x30d: {  	v8 =	vld [tilespmem:s28+$0xD0C0];
	v6 =	vadd.f32 v10, v6  }
0x30e: {  	v4 =	vadd.f32 v13, v4;
	v10 =	vld [tilespmem:s28+$0xD0D0]  }
0x30f: {  	v1 =	vadd.f32 v11, v1;
	v11 =	vld [tilespmem:s28+$0xD0E0]  }
0x310: {  	v13 =	vld [tilespmem:s28+$0xD880];
	v0 =	vadd.f32 v12, v0  }
0x311: {  	v12 =	vld [tilespmem:s28+$0xD890];
	v5 =	vadd.f32 v9, v5  }
0x312: {  	v9 =	vld [tilespmem:s28+$0xD8A0];
	v3 =	vadd.f32 v8, v3  }
0x313: {  	v8 =	vld [tilespmem:s28+$0xD8B0];
	v7 =	vadd.f32 v10, v7  }
0x314: {  	v10 =	vld [tilespmem:s28+$0xD8C0];
	v6 =	vadd.f32 v11, v6  }
0x315: {  	v4 =	vadd.f32 v13, v4;
	v11 =	vld [tilespmem:s28+$0xD8D0]  }
0x316: {  	v1 =	vadd.f32 v12, v1;
	v12 =	vld [tilespmem:s28+$0xD8E0]  }
0x317: {  	v13 =	vld [tilespmem:s28+$0xE080];
	v0 =	vadd.f32 v9, v0  }
0x318: {  	v9 =	vld [tilespmem:s28+$0xE090];
	v5 =	vadd.f32 v8, v5  }
0x319: {  	v8 =	vld [tilespmem:s28+$0xE0A0];
	v3 =	vadd.f32 v10, v3  }
0x31a: {  	v10 =	vld [tilespmem:s28+$0xE0B0];
	v7 =	vadd.f32 v11, v7  }
0x31b: {  	v11 =	vld [tilespmem:s28+$0xE0C0];
	v6 =	vadd.f32 v12, v6  }
0x31c: {  	v4 =	vadd.f32 v13, v4;
	v12 =	vld [tilespmem:s28+$0xE0D0]  }
0x31d: {  	v1 =	vadd.f32 v9, v1;
	v9 =	vld [tilespmem:s28+$0xE0E0]  }
0x31e: {  	v13 =	vld [tilespmem:s28+$0xE880];
	v0 =	vadd.f32 v8, v0  }
0x31f: {  	v8 =	vld [tilespmem:s28+$0xE890];
	v5 =	vadd.f32 v10, v5  }
0x320: {  	v10 =	vld [tilespmem:s28+$0xE8A0];
	v3 =	vadd.f32 v11, v3  }
0x321: {  	v11 =	vld [tilespmem:s28+$0xE8B0];
	v7 =	vadd.f32 v12, v7  }
0x322: {  	v12 =	vld [tilespmem:s28+$0xE8C0];
	v6 =	vadd.f32 v9, v6  }
0x323: {  	v4 =	vadd.f32 v13, v4;
	v9 =	vld [tilespmem:s28+$0xE8D0]  }
0x324: {  	v1 =	vadd.f32 v8, v1;
	v8 =	vld [tilespmem:s28+$0xE8E0]  }
0x325: {  	v13 =	vld [tilespmem:s28+$0xF080];
	v0 =	vadd.f32 v10, v0  }
0x326: {  	v10 =	vld [tilespmem:s28+$0xF090];
	v5 =	vadd.f32 v11, v5  }
0x327: {  	v11 =	vld [tilespmem:s28+$0xF0A0];
	v3 =	vadd.f32 v12, v3  }
0x328: {  	v12 =	vld [tilespmem:s28+$0xF0B0];
	v7 =	vadd.f32 v9, v7  }
0x329: {  	v9 =	vld [tilespmem:s28+$0xF0C0];
	v6 =	vadd.f32 v8, v6  }
0x32a: {  	v4 =	vadd.f32 v13, v4;
	v8 =	vld [tilespmem:s28+$0xF0D0]  }
0x32b: {  	v1 =	vadd.f32 v10, v1;
	v10 =	vld [tilespmem:s28+$0xF0E0]  }
0x32c: {  	v13 =	vld [tilespmem:s28+$0xF880];
	v0 =	vadd.f32 v11, v0  }
0x32d: {  	v11 =	vld [tilespmem:s28+$0xF890];
	v5 =	vadd.f32 v12, v5  }
0x32e: {  	v12 =	vld [tilespmem:s28+$0xF8A0];
	v3 =	vadd.f32 v9, v3  }
0x32f: {  	v9 =	vld [tilespmem:s28+$0xF8B0];
	v7 =	vadd.f32 v8, v7  }
0x330: {  	v8 =	vld [tilespmem:s28+$0xF8C0];
	v6 =	vadd.f32 v10, v6  }
0x331: {  	v4 =	vadd.f32 v13, v4;
	v10 =	vld [tilespmem:s28+$0xF8D0]  }
0x332: {  	v1 =	vadd.f32 v11, v1;
	v11 =	vld [tilespmem:s28+$0xF8E0]  }
0x333: {  	v13 =	vld [tilespmem:s28+$0x10080];
	v0 =	vadd.f32 v12, v0  }
0x334: {  	v12 =	vld [tilespmem:s28+$0x10090];
	v5 =	vadd.f32 v9, v5  }
0x335: {  	v9 =	vld [tilespmem:s28+$0x100A0];
	v3 =	vadd.f32 v8, v3  }
0x336: {  	v8 =	vld [tilespmem:s28+$0x100B0];
	v7 =	vadd.f32 v10, v7  }
0x337: {  	v10 =	vld [tilespmem:s28+$0x100C0];
	v6 =	vadd.f32 v11, v6  }
0x338: {  	v4 =	vadd.f32 v13, v4;
	v11 =	vld [tilespmem:s28+$0x100D0]  }
0x339: {  	v1 =	vadd.f32 v12, v1;
	v12 =	vld [tilespmem:s28+$0x100E0]  }
0x33a: {  	v13 =	vld [tilespmem:s28+$0x10880];
	v0 =	vadd.f32 v9, v0  }
0x33b: {  	v9 =	vld [tilespmem:s28+$0x10890];
	v5 =	vadd.f32 v8, v5  }
0x33c: {  	v8 =	vld [tilespmem:s28+$0x108A0];
	v3 =	vadd.f32 v10, v3  }
0x33d: {  	v10 =	vld [tilespmem:s28+$0x108B0];
	v7 =	vadd.f32 v11, v7  }
0x33e: {  	v11 =	vld [tilespmem:s28+$0x108C0];
	v6 =	vadd.f32 v12, v6  }
0x33f: {  	v4 =	vadd.f32 v13, v4;
	v12 =	vld [tilespmem:s28+$0x108D0]  }
0x340: {  	v1 =	vadd.f32 v9, v1;
	v9 =	vld [tilespmem:s28+$0x108E0]  }
0x341: {  	v13 =	vld [tilespmem:s28+$0x11080];
	v0 =	vadd.f32 v8, v0  }
0x342: {  	v8 =	vld [tilespmem:s28+$0x11090];
	v23 =	vadd.f32 v10, v5  }
0x343: {  	v5 =	vld [tilespmem:s28+$0x110A0];
	v20 =	vadd.f32 v11, v3  }
.Ltmp3:
0x344: {  	v25 =	vld [tilespmem:s28+$0x110B0];
	v19 =	vadd.f32 v12, v7;
	(pc) =	sbr.rel @p2 .LBB2_5-.Ltmp3, $4  }
0x345: {  	v24 =	vld [tilespmem:s28+$0x110C0];
	v17 =	vadd.f32 v9, v6  }
0x346: {  	v3 =	vadd.f32 v13, v4;
	v22 =	vld [tilespmem:s28+$0x110D0]  }
0x347: {  	s30 =	sshra.s32 s29, $0x2;
	v26 =	vadd.f32 v8, v1;
	v21 =	vld [tilespmem:s28+$0x110E0]  }
0x348: {  	s29 =	sadd.s32 $0x200, s29;
	v18 =	vld [tilespmem:s30+$0x98F0];
	v28 =	vmul.f32 $6.250000000e-02, v3;
	v27 =	vadd.f32 v5, v0  }
0x349: {  	v0 =	vld [tilespmem:s30+$0xA0F0];
	v3 =	vmul.f32 $6.250000000e-02, v26;
	v5 =	vadd.f32 v25, v23  }
0x34a: {  	v1 =	vld [tilespmem:s30+$0x9880];
	[tilespmem:s28+$0x12080] =	vst v28;
	v6 =	vmul.f32 $6.250000000e-02, v27;
	v7 =	vadd.f32 v24, v20  }
0x34b: {  	v4 =	vld [tilespmem:s30+$0xA8F0];
	[tilespmem:s28+$0x12090] =	vst v3;
	v5 =	vmul.f32 $6.250000000e-02, v5;
	v8 =	vadd.f32 v22, v19  }
0x34c: {  	v3 =	vld [tilespmem:s30+$0xA080];
	[tilespmem:s28+$0x120A0] =	vst v6;
	v7 =	vmul.f32 $6.250000000e-02, v7;
	v9 =	vadd.f32 v21, v17  }
0x34d: {  	v6 =	vld [tilespmem:s30+$0xB0F0];
	[tilespmem:s28+$0x120B0] =	vst v5;
	v8 =	vmul.f32 $6.250000000e-02, v8  }
0x34e: {  	v5 =	vld [tilespmem:s30+$0x9890];
	[tilespmem:s28+$0x120C0] =	vst v7;
	v9 =	vmul.f32 $6.250000000e-02, v9  }
0x34f: {  	v7 =	vld [tilespmem:s30+$0xB8F0];
	[tilespmem:s28+$0x120D0] =	vst v8  }
0x350: {  	v8 =	vld [tilespmem:s30+$0xA090];
	[tilespmem:s28+$0x120E0] =	vst v9  }
0x351: {  	v53 =	vld [tilespmem:s30+$0xC0F0]  }
0x352: {  	v9 =	vld [tilespmem:s30+$0x98A0]  }
0x353: {  	v54 =	vld [tilespmem:s30+$0xC8F0]  }
0x354: {  	v10 =	vld [tilespmem:s30+$0xA0A0]  }
0x355: {  	v55 =	vld [tilespmem:s30+$0xD0F0]  }
0x356: {  	v11 =	vld [tilespmem:s30+$0x98B0]  }
0x357: {  	v56 =	vld [tilespmem:s30+$0xD8F0]  }
0x358: {  	v12 =	vld [tilespmem:s30+$0xA0B0]  }
0x359: {  	v57 =	vld [tilespmem:s30+$0xE0F0]  }
0x35a: {  	v13 =	vld [tilespmem:s30+$0x98C0]  }
0x35b: {  	v58 =	vld [tilespmem:s30+$0xE8F0]  }
0x35c: {  	v14 =	vld [tilespmem:s30+$0xA0C0]  }
0x35d: {  	v59 =	vld [tilespmem:s30+$0xF0F0]  }
0x35e: {  	v15 =	vld [tilespmem:s30+$0x98D0]  }
0x35f: {  	v60 =	vld [tilespmem:s30+$0xF8F0]  }
0x360: {  	v16 =	vld [tilespmem:s30+$0xA0D0]  }
0x361: {  	v61 =	vld [tilespmem:s30+$0x100F0]  }
0x362: {  	v17 =	vld [tilespmem:s30+$0x98E0]  }
0x363: {  	v62 =	vld [tilespmem:s30+$0x108F0]  }
0x364: {  	v0 =	vadd.f32 v0, v18;
	v18 =	vld [tilespmem:s30+$0xA0E0]  }
0x365: {  	v63 =	vld [tilespmem:s30+$0x110F0]  }
0x366: {  	v19 =	vld [tilespmem:s30+$0xA880]  }
0x367: {  	v20 =	vld [tilespmem:s30+$0xA8A0]  }
0x368: {  	v0 =	vadd.f32 v4, v0;
	v4 =	vld [tilespmem:s30+$0xA8B0]  }
0x369: {  	v21 =	vld [tilespmem:s30+$0xA8C0]  }
0x36a: {  	v22 =	vld [tilespmem:s30+$0xA8E0]  }
0x36b: {  	v23 =	vld [tilespmem:s30+$0xB080]  }
0x36c: {  	v24 =	vld [tilespmem:s30+$0xB090]  }
0x36d: {  	v25 =	vld [tilespmem:s30+$0xB0B0]  }
0x36e: {  	v26 =	vld [tilespmem:s30+$0xB0C0]  }
0x36f: {  	v27 =	vld [tilespmem:s30+$0xB0D0]  }
0x370: {  	v28 =	vld [tilespmem:s30+$0xB0E0]  }
0x371: {  	v29 =	vld [tilespmem:s30+$0xB880]  }
0x372: {  	v30 =	vld [tilespmem:s30+$0xB890]  }
0x373: {  	v31 =	vld [tilespmem:s30+$0xB8A0]  }
0x374: {  	v32 =	vld [tilespmem:s30+$0xB8B0]  }
0x375: {  	v33 =	vld [tilespmem:s30+$0xB8C0]  }
0x376: {  	v34 =	vld [tilespmem:s30+$0xB8D0]  }
0x377: {  	v35 =	vld [tilespmem:s30+$0xB8E0]  }
0x378: {  	v36 =	vld [tilespmem:s30+$0xC080]  }
0x379: {  	v37 =	vld [tilespmem:s30+$0xC090]  }
0x37a: {  	v38 =	vld [tilespmem:s30+$0xC0A0]  }
0x37b: {  	v39 =	vld [tilespmem:s30+$0xC0B0]  }
0x37c: {  	v40 =	vld [tilespmem:s30+$0xC0C0]  }
0x37d: {  	v41 =	vld [tilespmem:s30+$0xC0D0]  }
0x37e: {  	v42 =	vld [tilespmem:s30+$0xC0E0]  }
0x37f: {  	v43 =	vld [tilespmem:s30+$0xC880]  }
0x380: {  	v44 =	vld [tilespmem:s30+$0xC890]  }
0x381: {  	v45 =	vld [tilespmem:s30+$0xC8A0]  }
0x382: {  	v46 =	vld [tilespmem:s30+$0xC8B0]  }
0x383: {  	v47 =	vld [tilespmem:s30+$0xC8C0]  }
0x384: {  	v48 =	vld [tilespmem:s30+$0xC8D0]  }
0x385: {  	v49 =	vld [tilespmem:s30+$0xC8E0]  }
0x386: {  	v50 =	vld [tilespmem:s30+$0xD080]  }
0x387: {  	v51 =	vld [tilespmem:s30+$0xD090]  }
0x388: {  	v52 =	vld [tilespmem:s30+$0xD0A0];
	v0 =	vadd.f32 v6, v0  }
0x389: {  	v1 =	vadd.f32 v3, v1;
	v3 =	vld [tilespmem:s30+$0xE080]  }
0x38a: {  	v6 =	vld [tilespmem:s30+$0xA8D0];
	v0 =	vadd.f32 v7, v0  }
0x38b: {  	v7 =	vld [tilespmem:s30+$0xA890]  }
0x38c: {  	v0 =	vadd.f32 v53, v0;
	v53 =	vld [tilespmem:s30+$0xD0B0]  }
0x38d: {  	v5 =	vadd.f32 v8, v5;
	v8 =	vadd.f32 v10, v9;
	v9 =	vld [tilespmem:s30+$0xE090]  }
0x38e: {  	v10 =	vadd.f32 v12, v11;
	v12 =	vld [tilespmem:s30+$0xE0A0]  }
0x38f: {  	v11 =	vadd.f32 v14, v13;
	v13 =	vadd.f32 v16, v15;
	v15 =	vld [tilespmem:s30+$0xE0B0]  }
0x390: {  	v16 =	vld [tilespmem:s30+$0xE880]  }
0x391: {  	v18 =	vadd.f32 v18, v17;
	v17 =	vld [tilespmem:s30+$0xE8A0]  }
0x392: {  	v1 =	vadd.f32 v19, v1;
	v19 =	vld [tilespmem:s30+$0xE8C0]  }
0x393: {  	v0 =	vadd.f32 v54, v0;
	v54 =	vld [tilespmem:s30+$0xD0C0]  }
0x394: {  	v4 =	vadd.f32 v4, v10;
	v10 =	vld [tilespmem:s30+$0xE0D0]  }
0x395: {  	v6 =	vadd.f32 v6, v13;
	v13 =	vld [tilespmem:s30+$0xE0E0]  }
0x396: {  	v14 =	vadd.f32 v22, v18;
	v18 =	vld [tilespmem:s30+$0xE8B0]  }
0x397: {  	v8 =	vadd.f32 v20, v8;
	v20 =	vld [tilespmem:s30+$0xE8D0];
	v0 =	vadd.f32 v55, v0  }
0x398: {  	v11 =	vadd.f32 v21, v11;
	v21 =	vld [tilespmem:s30+$0xE8E0]  }
0x399: {  	v22 =	vld [tilespmem:s30+$0xF080];
	v0 =	vadd.f32 v56, v0  }
0x39a: {  	v1 =	vadd.f32 v23, v1;
	v23 =	vld [tilespmem:s30+$0xF090]  }
0x39b: {  	v5 =	vadd.f32 v7, v5;
	v7 =	vld [tilespmem:s30+$0xE0C0];
	v0 =	vadd.f32 v57, v0  }
0x39c: {  	v55 =	vld [tilespmem:s30+$0xD0D0];
	v4 =	vadd.f32 v25, v4;
	v11 =	vadd.f32 v26, v11  }
0x39d: {  	v6 =	vadd.f32 v27, v6;
	v25 =	vld [tilespmem:s30+$0xF0B0];
	v0 =	vadd.f32 v58, v0  }
0x39e: {  	v14 =	vadd.f32 v28, v14;
	v1 =	vadd.f32 v29, v1;
	v26 =	vld [tilespmem:s30+$0xF0C0]  }
0x39f: {  	v27 =	vld [tilespmem:s30+$0xF0D0];
	v5 =	vadd.f32 v24, v5;
	v0 =	vadd.f32 v59, v0  }
0x3a0: {  	v24 =	vld [tilespmem:s30+$0xF0A0];
	v4 =	vadd.f32 v32, v4;
	v11 =	vadd.f32 v33, v11  }
0x3a1: {  	v56 =	vld [tilespmem:s30+$0xD0E0];
	v6 =	vadd.f32 v34, v6;
	v0 =	vadd.f32 v60, v0  }
0x3a2: {  	v14 =	vadd.f32 v35, v14;
	v1 =	vadd.f32 v36, v1;
	v36 =	vld [tilespmem:s30+$0xF0E0]  }
0x3a3: {  	v5 =	vadd.f32 v30, v5;
	v57 =	vld [tilespmem:s30+$0xD880];
	v0 =	vadd.f32 v61, v0  }
0x3a4: {  	v4 =	vadd.f32 v39, v4;
	v11 =	vadd.f32 v40, v11;
	v39 =	vld [tilespmem:s30+$0xF8A0]  }
0x3a5: {  	v6 =	vadd.f32 v41, v6;
	v40 =	vld [tilespmem:s30+$0xF8B0];
	v0 =	vadd.f32 v62, v0  }
0x3a6: {  	v14 =	vadd.f32 v42, v14;
	v1 =	vadd.f32 v43, v1;
	v41 =	vld [tilespmem:s30+$0xF8C0]  }
0x3a7: {  	v42 =	vld [tilespmem:s30+$0xF8D0];
	v5 =	vadd.f32 v37, v5;
	v0 =	vadd.f32 v63, v0  }
0x3a8: {  	v58 =	vld [tilespmem:s30+$0xD890];
	v4 =	vadd.f32 v46, v4;
	v11 =	vadd.f32 v47, v11  }
0x3a9: {  	v43 =	vld [tilespmem:s30+$0xF8E0];
	v1 =	vadd.f32 v50, v1;
	v5 =	vadd.f32 v44, v5;
	v0 =	vmul.f32 $6.250000000e-02, v0  }
0x3aa: {  	v6 =	vadd.f32 v48, v6;
	v14 =	vadd.f32 v49, v14;
	v60 =	vld [tilespmem:s30+$0xD8B0]  }
0x3ab: {  	v5 =	vadd.f32 v51, v5;
	v1 =	vadd.f32 v57, v1;
	[tilespmem:s30+$0x120F0] =	vst v0;
	v0 =	vld [tilespmem:s30+$0xB0A0]  }
0x3ac: {  	v4 =	vadd.f32 v53, v4;
	v11 =	vadd.f32 v54, v11;
	v61 =	vld [tilespmem:s30+$0xD8C0]  }
0x3ad: {  	v37 =	vld [tilespmem:s30+$0xF880];
	v5 =	vadd.f32 v58, v5;
	v1 =	vadd.f32 v3, v1  }
0x3ae: {  	v6 =	vadd.f32 v55, v6;
	v14 =	vadd.f32 v56, v14;
	v62 =	vld [tilespmem:s30+$0xD8D0]  }
0x3af: {  	v47 =	vld [tilespmem:s30+$0x100B0];
	v5 =	vadd.f32 v9, v5;
	v1 =	vadd.f32 v16, v1  }
0x3b0: {  	v3 =	vld [tilespmem:s30+$0x10080];
	v4 =	vadd.f32 v60, v4;
	v0 =	vadd.f32 v0, v8  }
0x3b1: {  	v1 =	vadd.f32 v22, v1;
	v63 =	vld [tilespmem:s30+$0xD8E0];
	v11 =	vadd.f32 v61, v11  }
0x3b2: {  	v48 =	vld [tilespmem:s30+$0x100C0];
	v4 =	vadd.f32 v15, v4;
	v0 =	vadd.f32 v31, v0  }
0x3b3: {  	v49 =	vld [tilespmem:s30+$0x100D0];
	v1 =	vadd.f32 v37, v1;
	v6 =	vadd.f32 v62, v6  }
0x3b4: {  	v51 =	vld [tilespmem:s30+$0x10880];
	v7 =	vadd.f32 v7, v11;
	v0 =	vadd.f32 v38, v0  }
0x3b5: {  	v59 =	vld [tilespmem:s30+$0xD8A0];
	v4 =	vadd.f32 v18, v4;
	v1 =	vadd.f32 v3, v1  }
0x3b6: {  	v50 =	vld [tilespmem:s30+$0x100E0];
	v14 =	vadd.f32 v63, v14;
	v0 =	vadd.f32 v45, v0  }
0x3b7: {  	v3 =	vld [tilespmem:s30+$0x11080];
	v6 =	vadd.f32 v10, v6;
	v7 =	vadd.f32 v19, v7  }
0x3b8: {  	v44 =	vld [tilespmem:s30+$0x10090];
	v4 =	vadd.f32 v25, v4;
	v0 =	vadd.f32 v52, v0  }
0x3b9: {  	v53 =	vld [tilespmem:s30+$0x108A0];
	v1 =	vadd.f32 v51, v1;
	v46 =	vadd.f32 v13, v14  }
0x3ba: {  	v54 =	vld [tilespmem:s30+$0x108B0];
	v6 =	vadd.f32 v20, v6;
	v0 =	vadd.f32 v59, v0  }
0x3bb: {  	v55 =	vld [tilespmem:s30+$0x108C0];
	v7 =	vadd.f32 v26, v7;
	v4 =	vadd.f32 v40, v4  }
0x3bc: {  	v1 =	vadd.f32 v3, v1;
	v8 =	vld [tilespmem:s30+$0xE890];
	v0 =	vadd.f32 v12, v0  }
0x3bd: {  	v56 =	vld [tilespmem:s30+$0x108D0];
	v10 =	vadd.f32 v21, v46;
	v6 =	vadd.f32 v27, v6  }
0x3be: {  	v57 =	vld [tilespmem:s30+$0x108E0];
	v7 =	vadd.f32 v41, v7;
	v0 =	vadd.f32 v17, v0  }
0x3bf: {  	v4 =	vadd.f32 v47, v4;
	v10 =	vadd.f32 v36, v10;
	v45 =	vld [tilespmem:s30+$0x100A0]  }
0x3c0: {  	v6 =	vadd.f32 v42, v6;
	v38 =	vld [tilespmem:s30+$0xF890];
	v0 =	vadd.f32 v24, v0  }
0x3c1: {  	v60 =	vld [tilespmem:s30+$0x110B0];
	v7 =	vadd.f32 v48, v7;
	v5 =	vadd.f32 v8, v5  }
0x3c2: {  	v3 =	vld [tilespmem:s30+$0x110D0];
	v4 =	vadd.f32 v54, v4;
	v0 =	vadd.f32 v39, v0  }
0x3c3: {  	v10 =	vadd.f32 v43, v10;
	v5 =	vadd.f32 v23, v5;
	v59 =	vld [tilespmem:s30+$0x110A0]  }
0x3c4: {  	v6 =	vadd.f32 v49, v6;
	v52 =	vld [tilespmem:s30+$0x10890];
	v0 =	vadd.f32 v45, v0  }
0x3c5: {  	v61 =	vld [tilespmem:s30+$0x110C0];
	v7 =	vadd.f32 v55, v7;
	v5 =	vadd.f32 v38, v5  }
0x3c6: {  	v58 =	vld [tilespmem:s30+$0x11090];
	v4 =	vadd.f32 v60, v4;
	v0 =	vadd.f32 v53, v0  }
0x3c7: {  	v62 =	vld [tilespmem:s30+$0x110E0];
	v6 =	vadd.f32 v56, v6;
	v5 =	vadd.f32 v44, v5  }
0x3c8: {  	v1 =	vmul.f32 $6.250000000e-02, v1;
	v10 =	vadd.f32 v50, v10;
	v0 =	vadd.f32 v59, v0  }
0x3c9: {  	v4 =	vmul.f32 $6.250000000e-02, v4;
	v3 =	vadd.f32 v3, v6;
	v5 =	vadd.f32 v52, v5  }
0x3ca: {  	[tilespmem:s30+$0x12080] =	vst v1;
	v1 =	vadd.f32 v61, v7;
	v63 =	vadd.f32 v57, v10;
	v0 =	vmul.f32 $6.250000000e-02, v0  }
0x3cb: {  	[tilespmem:s30+$0x120B0] =	vst v4;
	v3 =	vmul.f32 $6.250000000e-02, v3;
	v5 =	vadd.f32 v58, v5  }
0x3cc: {  	s28 =	sor.u32 $0x10, s12;
	[tilespmem:s30+$0x120A0] =	vst v0;
	v0 =	vmul.f32 $6.250000000e-02, v1;
	v1 =	vadd.f32 v62, v63  }
0x3cd: {  	s0 =	sadd.s32 s12, s10;
	s29 =	sadd.s32 s7, s28;
	[tilespmem:s30+$0x120D0] =	vst v3;
	v5 =	vmul.f32 $6.250000000e-02, v5  }
0x3ce: {  	s0 =	smov.u32 @p0 s29;
	[tilespmem:s30+$0x120C0] =	vst v0;
	v0 =	vmul.f32 $6.250000000e-02, v1  }
.Ltmp4:
0x3cf: {  	s0 =	sshll.u32 s0, $0x4;
	[tilespmem:s30+$0x12090] =	vst v5;
	(pc) =	sbr.rel @p1 .LBB2_8-.Ltmp4, $4  }
0x3d0: {  	[tilespmem:s30+$0x120E0] =	vst v0;
	s30 =	sadd.s32 s5, s0  }
0x3d1: {  	[hbm4b:s30+s2] =	stream.linear.scatter [tilespmem:s15], [sflag:$0x6], $0x800, $0x38;
	[tilespmem:$0x12880] =	vst v63  }
0x3d2: {  	s0 =	sadd.s32 s6, s0  }
0x3d3: {  	[hbm4b:s0+s2] =	stream.linear.scatter [tilespmem:s21], [sflag:$0x6], $0x800, $0x38;
	[tilespmem:$0x12880] =	vst v63  }
0x3d4: {  	v0 =	vld [tilespmem:s28+$0x280];
	_ =	sdelay $0x4  }
0x3d5: {  	v0 =	vshll.u32 v0, $0x4  }
0x3d6: {  	[tilespmem:$0x580] =	vst v0;
	v1 =	vor.u32 $0x1, v0  }
0x3d7: {  	[tilespmem:$0x590] =	vst v1;
	v1 =	vor.u32 $0x2, v0  }
0x3d8: {  	[tilespmem:$0x5A0] =	vst v1;
	v1 =	vor.u32 $0x3, v0  }
0x3d9: {  	[tilespmem:$0x5B0] =	vst v1;
	v1 =	vor.u32 $0x4, v0  }
0x3da: {  	[tilespmem:$0x5C0] =	vst v1;
	v1 =	vor.u32 $0x5, v0  }
0x3db: {  	[tilespmem:$0x5D0] =	vst v1;
	v1 =	vor.u32 $0x6, v0  }
0x3dc: {  	[tilespmem:$0x5E0] =	vst v1;
	v1 =	vor.u32 $0x7, v0  }
0x3dd: {  	[tilespmem:$0x5F0] =	vst v1;
	v1 =	vor.u32 $0x8, v0  }
0x3de: {  	[tilespmem:$0x600] =	vst v1;
	v1 =	vor.u32 $0x9, v0  }
0x3df: {  	[tilespmem:$0x610] =	vst v1;
	v1 =	vor.u32 $0xA, v0  }
0x3e0: {  	[tilespmem:$0x620] =	vst v1;
	v1 =	vor.u32 $0xB, v0  }
0x3e1: {  	[tilespmem:$0x630] =	vst v1;
	v1 =	vor.u32 $0xC, v0  }
0x3e2: {  	[tilespmem:$0x640] =	vst v1;
	v1 =	vor.u32 $0xD, v0  }
0x3e3: {  	[tilespmem:$0x650] =	vst v1;
	v1 =	vor.u32 $0xE, v0  }
0x3e4: {  	v0 =	vor.u32 $0xF, v0;
	[tilespmem:$0x660] =	vst v1  }
0x3e5: {  	s0 =	simm.s32 $0x580;
	[tilespmem:$0x670] =	vst v0  }
0x3e6: {  	[tilespmem:s31], [sflag:$0x2] =	stream.indirect.gather [hbm4b:s4+s13], $0x1, s0, s13, $0xb8;
	[tilespmem:$0x12880] =	vst v63  }
0x3e7: {  	s30 =	simm.s32 $0x600  }
0x3e8: {  	[tilespmem:s3], [sflag:$0x2] =	stream.indirect.gather [hbm4b:s4+s13], $0x1, s30, s13, $0xb8;
	[tilespmem:$0x12880] =	vst v63  }
0x3e9: {  	_ =	swait.ge [sflag:s23], $0x1000  }
0x3ea: {  	[sflag:s23] =	ssyncset.done $0x0  }
0x3eb: {  	[sflag:s23] =	ssyncadd.s32 $0xFFFFF000  }
0x3ec: {  	_ =	swait.ge [sflag:s25], $0x100  }
0x3ed: {  	[sflag:s25] =	ssyncset.done $0x0  }
0x3ee: {  	[sflag:s25] =	ssyncadd.s32 $0xFFFFFF00  }
0x3ef: {  	v0 =	vld [tilespmem:s12+$0x280];
	_ =	sdelay $0x7  }
0x3f0: {  	[tilespmem:s26], [sflag:$0x3] =	stream.indirect_vreg.gather [hbm4b:s1+s2], $0x80, v0, vm0, $0xb8;
	[tilespmem:$0x12880] =	vst v63  }
0x3f1: {  	s29 =	simm.s32 $0x1880  }
0x3f2: {  	[tilespmem:s29], [sflag:$0x3] =	stream.indirect.gather [hbm4b:s1+s13], $0x80, s22, s13, $0xb8;
	[tilespmem:$0x12880] =	vst v63  }
0x3f3: {  	s30 =	simm.s32 $0x5880  }
0x3f4: {  	[tilespmem:s30], [sflag:$0x3] =	stream.indirect.gather [hbm4b:s1+s13], $0x80, s24, s13, $0xb8;
	[tilespmem:$0x12880] =	vst v63  }
0x3f5: {  	_ =	swait.ge [sflag:s8], $0x1000  }
0x3f6: {  	[sflag:s8] =	ssyncset.done $0x0  }
0x3f7: {  	[sflag:s8] =	ssyncadd.s32 $0xFFFFF000  }
0x3f8: {  	_ =	swait.ge [sflag:s14], $0x100  }
0x3f9: {  	[sflag:s14] =	ssyncset.done $0x0  }
0x3fa: {  	[sflag:s14] =	ssyncadd.s32 $0xFFFFFF00  }
0x3fb: {  	v0 =	vld [tilespmem:s28+$0x280];
	_ =	sdelay $0x7  }
0x3fc: {  	[tilespmem:s15], [sflag:$0x4] =	stream.indirect_vreg.gather [hbm4b:s1+s2], $0x80, v0, vm0, $0xb8;
	[tilespmem:$0x12880] =	vst v63  }
.Ltmp5:
0x3fd: {  	_ = 	snop;
	(pc) =	sbr.rel .LBB2_2-.Ltmp5, $4  }
0x3fe: {  	_ = 	snop  }
0x3ff: {  	[tilespmem:s16], [sflag:$0x4] =	stream.indirect.gather [hbm4b:s1+s13], $0x80, s31, s13, $0xb8;
	[tilespmem:$0x12880] =	vst v63  }
0x400: {  	s11 =	sadd.s32 $0x1, s11  }
0x401: {  	[tilespmem:s17], [sflag:$0x4] =	stream.indirect.gather [hbm4b:s1+s13], $0x80, s3, s13, $0xb8;
	[tilespmem:$0x12880] =	vst v63  }
.LBB2_9:
0x402: {  	_ =	sfence.sel $0x180000  }
0x403: {  	[bflag:$0x0] =	sbarrier.arrive $0xFFFF  }
0x404: {  	_ =	strace $0x90000047  }
0x405: {  	s0 =	stileid.u32;
	[bflag:$0x2] =	sbarrier.arrive $0xFFFF  }
0x406: {  	p0 =	sne.s32 s0, $0x0;
	s0 =	rddreg [dreg:$0x3]  }
0x407: {  	s0 =	sadd.s32 @!p0 $0x100000, s0  }
0x408: {  	[sflag:s0] =	ssyncadd.tile.s32 @!p0 $0x1;
	_ =	shalt  }
.Lfunc_end2:
_tile_overlayer_lowered:
.L_overlay_start_2:
0x409: {  	(tag) =	ssettag $0x2  }
0x40a: {  	s0 =	rddreg [dreg:$0x0];
	s2 =	stileid.u32  }
0x40b: {  	s1 =	rddreg [dreg:$0x1];
	p0 =	sne.s32 s2, $0x0  }
0x40c: {  	s3 =	rddreg [dreg:$0x2];
	[bflag:$0x3] =	sbarrier.arrive $0xFFFF;
	s2 =	simm.s32 @!p0 $0x1C07  }
0x40d: {  	[timem:s3], [sflag:s2] =	dma.local @!p0 [hbm:s0], s1  }
0x40e: {  	s0 =	simm.s32 @!p0 $0x7  }
0x40f: {  	_ =	swait.ge @!p0 [sflag:s0], s1  }
0x410: {  	s1 =	ssub.s32 @!p0 $0x0, s1;
	[sflag:s0] =	ssyncset.done @!p0 $0x0  }
0x411: {  	[sflag:s0] =	ssyncadd.s32 @!p0 s1  }
0x412: {  	[bflag:$0x3] =	sbarrier.arrive $0xFFFF  }
0x413: {  	_ =	shalt  }

</sc_bundles>
